<compile_context>
chip_gen: v7x
topology: tpu7x:2x2x1
jax: 0.10.2.dev20260603
libtpu: 0.0.44.dev20260713+nightly
codegen_flags: <defaults>
</compile_context>

<pallas_src>
import functools

import jax
import jax.numpy as jnp
from jax import lax
from jax.experimental import pallas as pl
from jax.experimental.pallas import tpu as pltpu
from jax.experimental.pallas import tpu_sc as plsc

BATCH = 4096
T = 200
D = 64
VOCAB = 1000000

NC = 2
NS = 16
NW = NC * NS

BATCH_PER_W = BATCH // NW
CHUNK_B = 2
CHUNK_ROWS = CHUNK_B * T
NCHUNK = BATCH_PER_W // CHUNK_B
SUB = 100
NSUB = CHUNK_ROWS // SUB
IDX_ROWS = BATCH_PER_W * T // SUB
OUT_W = 1024
OUT_ROWS_C = CHUNK_ROWS * D // OUT_W

_mesh = plsc.VectorSubcoreMesh(core_axis_name="c", subcore_axis_name="s")


@functools.partial(
    pl.kernel,
    mesh=_mesh,
    out_type=jax.ShapeDtypeStruct((BATCH * T * D // OUT_W, OUT_W), jnp.float32),
    compiler_params=pltpu.CompilerParams(use_tc_tiling_on_sc=False),
    scratch_types=[
        pltpu.VMEM((NSUB, SUB), jnp.int32),
        pltpu.VMEM((NSUB, SUB), jnp.int32),
        pltpu.VMEM((NSUB, SUB), jnp.int32),
        pltpu.VMEM((NSUB, SUB), jnp.int32),
        pltpu.VMEM((CHUNK_ROWS, D), jnp.float32),
        pltpu.VMEM((CHUNK_ROWS, D), jnp.float32),
        pltpu.VMEM((OUT_ROWS_C, OUT_W), jnp.float32),
        pltpu.VMEM((OUT_ROWS_C, OUT_W), jnp.float32),
        pltpu.VMEM((T, D), jnp.float32),
        pltpu.SemaphoreType.DMA,
        pltpu.SemaphoreType.DMA,
        pltpu.SemaphoreType.DMA,
        pltpu.SemaphoreType.DMA,
        pltpu.SemaphoreType.DMA,
        pltpu.SemaphoreType.DMA,
    ],
)
def _emb_kernel(idx_hbm, tok_hbm, pos_hbm, out_hbm,
                ix0, ix1, ix2, ix3, rows0, rows1, st0, st1, pos_v,
                isem0, isem1, gsem0, gsem1, osem0, osem1):
    wid = lax.axis_index("s") * NC + lax.axis_index("c")
    ix = (ix0, ix1, ix2, ix3)
    rows = (rows0, rows1)
    stage = (st0, st1)
    isems = (isem0, isem1)
    gsems = (gsem0, gsem1)
    osems = (osem0, osem1)

    def start_idx(c, r):
        pltpu.async_copy(idx_hbm.at[wid, pl.ds(c * NSUB, NSUB)], ix[r],
                         isems[r % 2])

    def wait_idx(r):
        pltpu.make_async_copy(idx_hbm.at[wid, pl.ds(0, NSUB)], ix[r],
                              isems[r % 2]).wait()

    def start_gather(c, ring, par):
        r = ix[ring]
        for k in range(NSUB):
            pltpu.async_copy(
                tok_hbm.at[r.at[k]],
                rows[par].at[pl.ds(k * SUB, SUB)],
                gsems[par],
            )

    def wait_gather(par):
        pltpu.make_async_copy(
            tok_hbm.at[pl.ds(0, CHUNK_ROWS)], rows[par], gsems[par]
        ).wait()

    def add_pos(par):
        r = rows[par]
        s = stage[par]

        @plsc.parallel_loop(0, T, unroll=2)
        def _(t):
            for cc in range(D // 16):
                p = pos_v[t, pl.ds(cc * 16, 16)]
                for b in range(CHUNK_B):
                    flat = (b * T + t) * D + cc * 16
                    s[flat // OUT_W, pl.ds(flat % OUT_W, 16)] = (
                        r[b * T + t, pl.ds(cc * 16, 16)] + p
                    )

    def start_out(c, par):
        g = (wid * NCHUNK + c) * OUT_ROWS_C
        pltpu.async_copy(stage[par], out_hbm.at[pl.ds(g, OUT_ROWS_C)],
                         osems[par])

    def wait_out(par):
        pltpu.make_async_copy(
            stage[par], out_hbm.at[pl.ds(0, OUT_ROWS_C)], osems[par]
        ).wait()

    start_idx(0, 0)
    start_idx(1, 1)
    wait_idx(0)
    pltpu.sync_copy(pos_hbm, pos_v)
    start_gather(0, 0, 0)

    def loop_body(i, carry):
        for par4 in range(4):
            c = 4 * i + par4
            par = par4 % 2
            nxt = 1 - par

            @pl.when(c + 2 < NCHUNK)
            def _():
                start_idx(c + 2, (par4 + 2) % 4)

            @pl.when(c + 1 < NCHUNK)
            def _():
                wait_idx((par4 + 1) % 4)
                start_gather(c + 1, (par4 + 1) % 4, nxt)

            wait_gather(par)

            @pl.when(c >= 2)
            def _():
                wait_out(par)

            add_pos(par)
            start_out(c, par)
        return carry

    lax.fori_loop(0, NCHUNK // 4, loop_body, 0)
    wait_out(0)
    wait_out(1)


def kernel(idx, tok_table, pos_table):
    idx3 = idx.reshape(NW, IDX_ROWS, SUB).astype(jnp.int32)
    out = _emb_kernel(idx3, tok_table, pos_table)
    return out.reshape(BATCH, T, D)

# --- scband reference (transcript-rebuilt; emitter-appended) ---
"""Pipeline reference for scband-embedding-layer-79972291051810 (READ-ONLY COPY).

The authoritative reference and input builder live on the scoring server;
editing this copy changes nothing except your own understanding.
"""

import jax, jax.numpy as jnp
import numpy as np

VOCAB_SIZE = 1000000
EMBED_DIM = 64
BLOCK_SIZE = 200
BATCH = 4096

def setup_inputs(seed: int = 0) -> dict:
    key = jax.random.key(seed)
    k_idx, k_tok, k_pos = jax.random.split(key, 3)
    idx = jax.random.randint(k_idx, (BATCH, BLOCK_SIZE), 0, VOCAB_SIZE, dtype=jnp.int64 if jax.config.jax_enable_x64 else jnp.int32)
    tok_table = jax.random.normal(k_tok, (VOCAB_SIZE, EMBED_DIM), dtype=jnp.float32)
    pos_table = jax.random.normal(k_pos, (BLOCK_SIZE, EMBED_DIM), dtype=jnp.float32)
    return {"idx": idx, "tok_table": tok_table, "pos_table": pos_table}

def reference(idx, tok_table, pos_table):
    # token embedding lookup: gather rows of tok_table
    tok_emb = jnp.take(tok_table, idx, axis=0)  # (B, T, D)
    # position embedding: gather first T rows of pos_table
    positions = jnp.arange(idx.shape[1])
    pos_emb = jnp.take(pos_table, positions, axis=0)  # (T, D)
    return tok_emb + pos_emb[None, :, :]

if __name__ == "__main__":
    import jax
    _d = setup_inputs()
    print(jax.jit(kernel)(*tuple(_d.values())))

</pallas_src>

<mosaic_0001>
#map = affine_map<(d0, d1) -> (0, 0, 0)>
#map1 = affine_map<(d0, d1) -> (0, 0)>
module attributes {stable_mosaic.version = 14 : i64} {
  func.func @_emb_kernel(%arg0: i32, %arg1: i32, %arg2: memref<32x256x100xi32, #tpu.memory_space<hbm>>, %arg3: memref<1000000x64xf32, #tpu.memory_space<hbm>>, %arg4: memref<200x64xf32, #tpu.memory_space<hbm>>, %arg5: memref<51200x1024xf32, #tpu.memory_space<hbm>>, %arg6: memref<4x100xi32, #tpu.memory_space<vmem>>, %arg7: memref<4x100xi32, #tpu.memory_space<vmem>>, %arg8: memref<4x100xi32, #tpu.memory_space<vmem>>, %arg9: memref<4x100xi32, #tpu.memory_space<vmem>>, %arg10: memref<400x64xf32, #tpu.memory_space<vmem>>, %arg11: memref<400x64xf32, #tpu.memory_space<vmem>>, %arg12: memref<25x1024xf32, #tpu.memory_space<vmem>>, %arg13: memref<25x1024xf32, #tpu.memory_space<vmem>>, %arg14: memref<200x64xf32, #tpu.memory_space<vmem>>, %arg15: memref<!tpu.dma_semaphore, #tpu.memory_space<semaphore_mem>>, %arg16: memref<!tpu.dma_semaphore, #tpu.memory_space<semaphore_mem>>, %arg17: memref<!tpu.dma_semaphore, #tpu.memory_space<semaphore_mem>>, %arg18: memref<!tpu.dma_semaphore, #tpu.memory_space<semaphore_mem>>, %arg19: memref<!tpu.dma_semaphore, #tpu.memory_space<semaphore_mem>>, %arg20: memref<!tpu.dma_semaphore, #tpu.memory_space<semaphore_mem>>) attributes {dimension_semantics = [#tpu.dimension_semantics<core_parallel>, #tpu.dimension_semantics<subcore_parallel>], iteration_bounds = array<i64: 2, 16>, scalar_prefetch = 0 : i64, scratch_operands = 15 : i64, tpu.core_type = #tpu.core_type<sc_vector_subcore>, window_params = [{transform_indices = #map}, {transform_indices = #map1}, {transform_indices = #map1}, {transform_indices = #map1}]} {
    %mul3A = arith.constant 2 : i32
    %mul3A_0 = arith.muli %arg1, %mul3A : i32
    %add3A = arith.addi %mul3A_0, %arg0 : i32
    %dma_start3A = arith.constant 0 : i32
    %dma_start3A_1 = arith.constant 0 : i32
    %dma_start3A_2 = tpu.memref_slice %arg2[%add3A, %dma_start3A, %dma_start3A_1] : memref<32x256x100xi32, #tpu.memory_space<hbm>> -> memref<1x4x100xi32, #tpu.memory_space<hbm>>
    %dma_start3A_3 = tpu.memref_squeeze %dma_start3A_2 : memref<1x4x100xi32, #tpu.memory_space<hbm>> -> memref<4x100xi32, #tpu.memory_space<hbm>>
    %dma_start3A_4 = arith.constant 0 : i32
    %dma_start3A_5 = arith.constant 0 : i32
    %dma_start3A_6 = tpu.memref_slice %arg2[%add3A, %dma_start3A_4, %dma_start3A_5] : memref<32x256x100xi32, #tpu.memory_space<hbm>> -> memref<1x4x100xi32, #tpu.memory_space<hbm>>
    %dma_start3A_7 = tpu.memref_squeeze %dma_start3A_6 : memref<1x4x100xi32, #tpu.memory_space<hbm>> -> memref<4x100xi32, #tpu.memory_space<hbm>>
    tpu.enqueue_dma source(%dma_start3A_7 : memref<4x100xi32, #tpu.memory_space<hbm>>) target(%arg6 : memref<4x100xi32, #tpu.memory_space<vmem>>) target_semaphore(%arg15 : memref<!tpu.dma_semaphore, #tpu.memory_space<semaphore_mem>>)
    %dma_start3A_8 = arith.constant 4 : i32
    %dma_start3A_9 = arith.constant 0 : i32
    %dma_start3A_10 = tpu.memref_slice %arg2[%add3A, %dma_start3A_8, %dma_start3A_9] : memref<32x256x100xi32, #tpu.memory_space<hbm>> -> memref<1x4x100xi32, #tpu.memory_space<hbm>>
    %dma_start3A_11 = tpu.memref_squeeze %dma_start3A_10 : memref<1x4x100xi32, #tpu.memory_space<hbm>> -> memref<4x100xi32, #tpu.memory_space<hbm>>
    %dma_start3A_12 = arith.constant 4 : i32
    %dma_start3A_13 = arith.constant 0 : i32
    %dma_start3A_14 = tpu.memref_slice %arg2[%add3A, %dma_start3A_12, %dma_start3A_13] : memref<32x256x100xi32, #tpu.memory_space<hbm>> -> memref<1x4x100xi32, #tpu.memory_space<hbm>>
    %dma_start3A_15 = tpu.memref_squeeze %dma_start3A_14 : memref<1x4x100xi32, #tpu.memory_space<hbm>> -> memref<4x100xi32, #tpu.memory_space<hbm>>
    tpu.enqueue_dma source(%dma_start3A_15 : memref<4x100xi32, #tpu.memory_space<hbm>>) target(%arg7 : memref<4x100xi32, #tpu.memory_space<vmem>>) target_semaphore(%arg16 : memref<!tpu.dma_semaphore, #tpu.memory_space<semaphore_mem>>)
    %dma_wait3A = arith.constant 0 : i32
    %dma_wait3A_16 = arith.constant 0 : i32
    %dma_wait3A_17 = tpu.memref_slice %arg2[%add3A, %dma_wait3A, %dma_wait3A_16] : memref<32x256x100xi32, #tpu.memory_space<hbm>> -> memref<1x4x100xi32, #tpu.memory_space<hbm>>
    %dma_wait3A_18 = tpu.memref_squeeze %dma_wait3A_17 : memref<1x4x100xi32, #tpu.memory_space<hbm>> -> memref<4x100xi32, #tpu.memory_space<hbm>>
    %dma_wait3A_19 = arith.constant 0 : i32
    %dma_wait3A_20 = arith.constant 0 : i32
    %dma_wait3A_21 = tpu.memref_slice %arg2[%add3A, %dma_wait3A_19, %dma_wait3A_20] : memref<32x256x100xi32, #tpu.memory_space<hbm>> -> memref<1x4x100xi32, #tpu.memory_space<hbm>>
    %dma_wait3A_22 = tpu.memref_squeeze %dma_wait3A_21 : memref<1x4x100xi32, #tpu.memory_space<hbm>> -> memref<4x100xi32, #tpu.memory_space<hbm>>
    tpu.wait_dma2 semaphore(%arg15 : memref<!tpu.dma_semaphore, #tpu.memory_space<semaphore_mem>>) src(%dma_wait3A_22 : memref<4x100xi32, #tpu.memory_space<hbm>>) dst(%arg6 : memref<4x100xi32, #tpu.memory_space<vmem>>)
    "tpu.region"() ({
      %run_scoped3A = tpu.sem_alloc : memref<!tpu.dma_semaphore, #tpu.memory_space<semaphore_mem>>
      tpu.enqueue_dma source(%arg4 : memref<200x64xf32, #tpu.memory_space<hbm>>) target(%arg14 : memref<200x64xf32, #tpu.memory_space<vmem>>) target_semaphore(%run_scoped3A : memref<!tpu.dma_semaphore, #tpu.memory_space<semaphore_mem>>)
      tpu.wait_dma2 semaphore(%run_scoped3A : memref<!tpu.dma_semaphore, #tpu.memory_space<semaphore_mem>>) src(%arg4 : memref<200x64xf32, #tpu.memory_space<hbm>>) dst(%arg14 : memref<200x64xf32, #tpu.memory_space<vmem>>)
      tpu.yield
    }) : () -> ()
    %dma_start3A_23 = arith.constant 0 : i32
    %dma_start3A_24 = arith.constant 0 : i32
    %dma_start3A_25 = arith.constant 0 : i32
    %dma_start3A_26 = tpu.memref_slice %arg10[%dma_start3A_24, %dma_start3A_25] : memref<400x64xf32, #tpu.memory_space<vmem>> -> memref<100x64xf32, #tpu.memory_space<vmem>>
    %dma_start3A_27 = arith.constant 0 : i32
    %dma_start3A_28 = tpu.memref_slice %arg6[%dma_start3A_23, %dma_start3A_27] : memref<4x100xi32, #tpu.memory_space<vmem>> -> memref<1x100xi32, #tpu.memory_space<vmem>>
    %dma_start3A_29 = tpu.memref_squeeze %dma_start3A_28 : memref<1x100xi32, #tpu.memory_space<vmem>> -> memref<100xi32, #tpu.memory_space<vmem>>
    %dma_start3A_30 = arith.constant 0 : i32
    %dma_start3A_31 = arith.constant 0 : i32
    %dma_start3A_32 = tpu.memref_slice %arg3[%dma_start3A_30, %dma_start3A_31] : memref<1000000x64xf32, #tpu.memory_space<hbm>> -> memref<1000000x64xf32, #tpu.memory_space<hbm>>
    tpu.enqueue_indirect_dma source(%dma_start3A_32 : memref<1000000x64xf32, #tpu.memory_space<hbm>>) target(%dma_start3A_26 : memref<100x64xf32, #tpu.memory_space<vmem>>) offsets(%dma_start3A_29 : memref<100xi32, #tpu.memory_space<vmem>>) semaphore(%arg17 : memref<!tpu.dma_semaphore, #tpu.memory_space<semaphore_mem>>)
    %dma_start3A_33 = arith.constant 1 : i32
    %dma_start3A_34 = arith.constant 100 : i32
    %dma_start3A_35 = arith.constant 0 : i32
    %dma_start3A_36 = tpu.memref_slice %arg10[%dma_start3A_34, %dma_start3A_35] : memref<400x64xf32, #tpu.memory_space<vmem>> -> memref<100x64xf32, #tpu.memory_space<vmem>>
    %dma_start3A_37 = arith.constant 0 : i32
    %dma_start3A_38 = tpu.memref_slice %arg6[%dma_start3A_33, %dma_start3A_37] : memref<4x100xi32, #tpu.memory_space<vmem>> -> memref<1x100xi32, #tpu.memory_space<vmem>>
    %dma_start3A_39 = tpu.memref_squeeze %dma_start3A_38 : memref<1x100xi32, #tpu.memory_space<vmem>> -> memref<100xi32, #tpu.memory_space<vmem>>
    %dma_start3A_40 = arith.constant 0 : i32
    %dma_start3A_41 = arith.constant 0 : i32
    %dma_start3A_42 = tpu.memref_slice %arg3[%dma_start3A_40, %dma_start3A_41] : memref<1000000x64xf32, #tpu.memory_space<hbm>> -> memref<1000000x64xf32, #tpu.memory_space<hbm>>
    tpu.enqueue_indirect_dma source(%dma_start3A_42 : memref<1000000x64xf32, #tpu.memory_space<hbm>>) target(%dma_start3A_36 : memref<100x64xf32, #tpu.memory_space<vmem>>) offsets(%dma_start3A_39 : memref<100xi32, #tpu.memory_space<vmem>>) semaphore(%arg17 : memref<!tpu.dma_semaphore, #tpu.memory_space<semaphore_mem>>)
    %dma_start3A_43 = arith.constant 2 : i32
    %dma_start3A_44 = arith.constant 200 : i32
    %dma_start3A_45 = arith.constant 0 : i32
    %dma_start3A_46 = tpu.memref_slice %arg10[%dma_start3A_44, %dma_start3A_45] : memref<400x64xf32, #tpu.memory_space<vmem>> -> memref<100x64xf32, #tpu.memory_space<vmem>>
    %dma_start3A_47 = arith.constant 0 : i32
    %dma_start3A_48 = tpu.memref_slice %arg6[%dma_start3A_43, %dma_start3A_47] : memref<4x100xi32, #tpu.memory_space<vmem>> -> memref<1x100xi32, #tpu.memory_space<vmem>>
    %dma_start3A_49 = tpu.memref_squeeze %dma_start3A_48 : memref<1x100xi32, #tpu.memory_space<vmem>> -> memref<100xi32, #tpu.memory_space<vmem>>
    %dma_start3A_50 = arith.constant 0 : i32
    %dma_start3A_51 = arith.constant 0 : i32
    %dma_start3A_52 = tpu.memref_slice %arg3[%dma_start3A_50, %dma_start3A_51] : memref<1000000x64xf32, #tpu.memory_space<hbm>> -> memref<1000000x64xf32, #tpu.memory_space<hbm>>
    tpu.enqueue_indirect_dma source(%dma_start3A_52 : memref<1000000x64xf32, #tpu.memory_space<hbm>>) target(%dma_start3A_46 : memref<100x64xf32, #tpu.memory_space<vmem>>) offsets(%dma_start3A_49 : memref<100xi32, #tpu.memory_space<vmem>>) semaphore(%arg17 : memref<!tpu.dma_semaphore, #tpu.memory_space<semaphore_mem>>)
    %dma_start3A_53 = arith.constant 3 : i32
    %dma_start3A_54 = arith.constant 300 : i32
    %dma_start3A_55 = arith.constant 0 : i32
    %dma_start3A_56 = tpu.memref_slice %arg10[%dma_start3A_54, %dma_start3A_55] : memref<400x64xf32, #tpu.memory_space<vmem>> -> memref<100x64xf32, #tpu.memory_space<vmem>>
    %dma_start3A_57 = arith.constant 0 : i32
    %dma_start3A_58 = tpu.memref_slice %arg6[%dma_start3A_53, %dma_start3A_57] : memref<4x100xi32, #tpu.memory_space<vmem>> -> memref<1x100xi32, #tpu.memory_space<vmem>>
    %dma_start3A_59 = tpu.memref_squeeze %dma_start3A_58 : memref<1x100xi32, #tpu.memory_space<vmem>> -> memref<100xi32, #tpu.memory_space<vmem>>
    %dma_start3A_60 = arith.constant 0 : i32
    %dma_start3A_61 = arith.constant 0 : i32
    %dma_start3A_62 = tpu.memref_slice %arg3[%dma_start3A_60, %dma_start3A_61] : memref<1000000x64xf32, #tpu.memory_space<hbm>> -> memref<1000000x64xf32, #tpu.memory_space<hbm>>
    tpu.enqueue_indirect_dma source(%dma_start3A_62 : memref<1000000x64xf32, #tpu.memory_space<hbm>>) target(%dma_start3A_56 : memref<100x64xf32, #tpu.memory_space<vmem>>) offsets(%dma_start3A_59 : memref<100xi32, #tpu.memory_space<vmem>>) semaphore(%arg17 : memref<!tpu.dma_semaphore, #tpu.memory_space<semaphore_mem>>)
    %scan3A = arith.constant 0 : i32
    %scan3A_63 = arith.constant 0 : i32
    %scan3A_64 = arith.constant 16 : i32
    %scan3A_65 = arith.addi %scan3A_63, %scan3A_64 : i32
    %scan3A_66 = arith.constant 1 : i32
    scf.for %scan3A_80 = %scan3A_63 to %scan3A_65 step %scan3A_66  : i32 {
      %mul3A_81 = arith.constant 4 : i32
      %mul3A_82 = arith.muli %mul3A_81, %scan3A_80 : i32
      %add3A_83 = arith.constant 0 : i32
      %add3A_84 = arith.addi %mul3A_82, %add3A_83 : i32
      %add3A_85 = arith.constant 2 : i32
      %add3A_86 = arith.addi %add3A_84, %add3A_85 : i32
      %lt3A = arith.constant 64 : i32
      %lt3A_87 = arith.cmpi slt, %add3A_86, %lt3A : i32
      %convert_element_type3A = arith.extui %lt3A_87 : i1 to i32
      %cond3A = arith.constant 0 : i32
      %cond3A_88 = arith.cmpi ne, %convert_element_type3A, %cond3A : i32
      scf.if %cond3A_88 {
        %add3A_240 = arith.constant 2 : i32
        %add3A_241 = arith.addi %add3A_84, %add3A_240 : i32
        %mul3A_242 = arith.constant 4 : i32
        %mul3A_243 = arith.muli %add3A_241, %mul3A_242 : i32
        %dma_start3A_244 = arith.constant 0 : i32
        %dma_start3A_245 = tpu.memref_slice %arg2[%add3A, %mul3A_243, %dma_start3A_244] : memref<32x256x100xi32, #tpu.memory_space<hbm>> -> memref<1x4x100xi32, #tpu.memory_space<hbm>>
        %dma_start3A_246 = tpu.memref_squeeze %dma_start3A_245 : memref<1x4x100xi32, #tpu.memory_space<hbm>> -> memref<4x100xi32, #tpu.memory_space<hbm>>
        %dma_start3A_247 = arith.constant 0 : i32
        %dma_start3A_248 = tpu.memref_slice %arg2[%add3A, %mul3A_243, %dma_start3A_247] : memref<32x256x100xi32, #tpu.memory_space<hbm>> -> memref<1x4x100xi32, #tpu.memory_space<hbm>>
        %dma_start3A_249 = tpu.memref_squeeze %dma_start3A_248 : memref<1x4x100xi32, #tpu.memory_space<hbm>> -> memref<4x100xi32, #tpu.memory_space<hbm>>
        tpu.enqueue_dma source(%dma_start3A_249 : memref<4x100xi32, #tpu.memory_space<hbm>>) target(%arg8 : memref<4x100xi32, #tpu.memory_space<vmem>>) target_semaphore(%arg15 : memref<!tpu.dma_semaphore, #tpu.memory_space<semaphore_mem>>)
      } else {
      }
      %add3A_89 = arith.constant 1 : i32
      %add3A_90 = arith.addi %add3A_84, %add3A_89 : i32
      %lt3A_91 = arith.constant 64 : i32
      %lt3A_92 = arith.cmpi slt, %add3A_90, %lt3A_91 : i32
      %convert_element_type3A_93 = arith.extui %lt3A_92 : i1 to i32
      %cond3A_94 = arith.constant 0 : i32
      %cond3A_95 = arith.cmpi ne, %convert_element_type3A_93, %cond3A_94 : i32
      scf.if %cond3A_95 {
        %dma_wait3A_240 = arith.constant 0 : i32
        %dma_wait3A_241 = arith.constant 0 : i32
        %dma_wait3A_242 = tpu.memref_slice %arg2[%add3A, %dma_wait3A_240, %dma_wait3A_241] : memref<32x256x100xi32, #tpu.memory_space<hbm>> -> memref<1x4x100xi32, #tpu.memory_space<hbm>>
        %dma_wait3A_243 = tpu.memref_squeeze %dma_wait3A_242 : memref<1x4x100xi32, #tpu.memory_space<hbm>> -> memref<4x100xi32, #tpu.memory_space<hbm>>
        %dma_wait3A_244 = arith.constant 0 : i32
        %dma_wait3A_245 = arith.constant 0 : i32
        %dma_wait3A_246 = tpu.memref_slice %arg2[%add3A, %dma_wait3A_244, %dma_wait3A_245] : memref<32x256x100xi32, #tpu.memory_space<hbm>> -> memref<1x4x100xi32, #tpu.memory_space<hbm>>
        %dma_wait3A_247 = tpu.memref_squeeze %dma_wait3A_246 : memref<1x4x100xi32, #tpu.memory_space<hbm>> -> memref<4x100xi32, #tpu.memory_space<hbm>>
        tpu.wait_dma2 semaphore(%arg16 : memref<!tpu.dma_semaphore, #tpu.memory_space<semaphore_mem>>) src(%dma_wait3A_247 : memref<4x100xi32, #tpu.memory_space<hbm>>) dst(%arg7 : memref<4x100xi32, #tpu.memory_space<vmem>>)
        %add3A_248 = arith.constant 1 : i32
        %add3A_249 = arith.addi %add3A_84, %add3A_248 : i32
        %dma_start3A_250 = arith.constant 0 : i32
        %dma_start3A_251 = arith.constant 0 : i32
        %dma_start3A_252 = arith.constant 0 : i32
        %dma_start3A_253 = tpu.memref_slice %arg11[%dma_start3A_251, %dma_start3A_252] : memref<400x64xf32, #tpu.memory_space<vmem>> -> memref<100x64xf32, #tpu.memory_space<vmem>>
        %dma_start3A_254 = arith.constant 0 : i32
        %dma_start3A_255 = tpu.memref_slice %arg7[%dma_start3A_250, %dma_start3A_254] : memref<4x100xi32, #tpu.memory_space<vmem>> -> memref<1x100xi32, #tpu.memory_space<vmem>>
        %dma_start3A_256 = tpu.memref_squeeze %dma_start3A_255 : memref<1x100xi32, #tpu.memory_space<vmem>> -> memref<100xi32, #tpu.memory_space<vmem>>
        %dma_start3A_257 = arith.constant 0 : i32
        %dma_start3A_258 = arith.constant 0 : i32
        %dma_start3A_259 = tpu.memref_slice %arg3[%dma_start3A_257, %dma_start3A_258] : memref<1000000x64xf32, #tpu.memory_space<hbm>> -> memref<1000000x64xf32, #tpu.memory_space<hbm>>
        tpu.enqueue_indirect_dma source(%dma_start3A_259 : memref<1000000x64xf32, #tpu.memory_space<hbm>>) target(%dma_start3A_253 : memref<100x64xf32, #tpu.memory_space<vmem>>) offsets(%dma_start3A_256 : memref<100xi32, #tpu.memory_space<vmem>>) semaphore(%arg18 : memref<!tpu.dma_semaphore, #tpu.memory_space<semaphore_mem>>)
        %dma_start3A_260 = arith.constant 1 : i32
        %dma_start3A_261 = arith.constant 100 : i32
        %dma_start3A_262 = arith.constant 0 : i32
        %dma_start3A_263 = tpu.memref_slice %arg11[%dma_start3A_261, %dma_start3A_262] : memref<400x64xf32, #tpu.memory_space<vmem>> -> memref<100x64xf32, #tpu.memory_space<vmem>>
        %dma_start3A_264 = arith.constant 0 : i32
        %dma_start3A_265 = tpu.memref_slice %arg7[%dma_start3A_260, %dma_start3A_264] : memref<4x100xi32, #tpu.memory_space<vmem>> -> memref<1x100xi32, #tpu.memory_space<vmem>>
        %dma_start3A_266 = tpu.memref_squeeze %dma_start3A_265 : memref<1x100xi32, #tpu.memory_space<vmem>> -> memref<100xi32, #tpu.memory_space<vmem>>
        %dma_start3A_267 = arith.constant 0 : i32
        %dma_start3A_268 = arith.constant 0 : i32
        %dma_start3A_269 = tpu.memref_slice %arg3[%dma_start3A_267, %dma_start3A_268] : memref<1000000x64xf32, #tpu.memory_space<hbm>> -> memref<1000000x64xf32, #tpu.memory_space<hbm>>
        tpu.enqueue_indirect_dma source(%dma_start3A_269 : memref<1000000x64xf32, #tpu.memory_space<hbm>>) target(%dma_start3A_263 : memref<100x64xf32, #tpu.memory_space<vmem>>) offsets(%dma_start3A_266 : memref<100xi32, #tpu.memory_space<vmem>>) semaphore(%arg18 : memref<!tpu.dma_semaphore, #tpu.memory_space<semaphore_mem>>)
        %dma_start3A_270 = arith.constant 2 : i32
        %dma_start3A_271 = arith.constant 200 : i32
        %dma_start3A_272 = arith.constant 0 : i32
        %dma_start3A_273 = tpu.memref_slice %arg11[%dma_start3A_271, %dma_start3A_272] : memref<400x64xf32, #tpu.memory_space<vmem>> -> memref<100x64xf32, #tpu.memory_space<vmem>>
        %dma_start3A_274 = arith.constant 0 : i32
        %dma_start3A_275 = tpu.memref_slice %arg7[%dma_start3A_270, %dma_start3A_274] : memref<4x100xi32, #tpu.memory_space<vmem>> -> memref<1x100xi32, #tpu.memory_space<vmem>>
        %dma_start3A_276 = tpu.memref_squeeze %dma_start3A_275 : memref<1x100xi32, #tpu.memory_space<vmem>> -> memref<100xi32, #tpu.memory_space<vmem>>
        %dma_start3A_277 = arith.constant 0 : i32
        %dma_start3A_278 = arith.constant 0 : i32
        %dma_start3A_279 = tpu.memref_slice %arg3[%dma_start3A_277, %dma_start3A_278] : memref<1000000x64xf32, #tpu.memory_space<hbm>> -> memref<1000000x64xf32, #tpu.memory_space<hbm>>
        tpu.enqueue_indirect_dma source(%dma_start3A_279 : memref<1000000x64xf32, #tpu.memory_space<hbm>>) target(%dma_start3A_273 : memref<100x64xf32, #tpu.memory_space<vmem>>) offsets(%dma_start3A_276 : memref<100xi32, #tpu.memory_space<vmem>>) semaphore(%arg18 : memref<!tpu.dma_semaphore, #tpu.memory_space<semaphore_mem>>)
        %dma_start3A_280 = arith.constant 3 : i32
        %dma_start3A_281 = arith.constant 300 : i32
        %dma_start3A_282 = arith.constant 0 : i32
        %dma_start3A_283 = tpu.memref_slice %arg11[%dma_start3A_281, %dma_start3A_282] : memref<400x64xf32, #tpu.memory_space<vmem>> -> memref<100x64xf32, #tpu.memory_space<vmem>>
        %dma_start3A_284 = arith.constant 0 : i32
        %dma_start3A_285 = tpu.memref_slice %arg7[%dma_start3A_280, %dma_start3A_284] : memref<4x100xi32, #tpu.memory_space<vmem>> -> memref<1x100xi32, #tpu.memory_space<vmem>>
        %dma_start3A_286 = tpu.memref_squeeze %dma_start3A_285 : memref<1x100xi32, #tpu.memory_space<vmem>> -> memref<100xi32, #tpu.memory_space<vmem>>
        %dma_start3A_287 = arith.constant 0 : i32
        %dma_start3A_288 = arith.constant 0 : i32
        %dma_start3A_289 = tpu.memref_slice %arg3[%dma_start3A_287, %dma_start3A_288] : memref<1000000x64xf32, #tpu.memory_space<hbm>> -> memref<1000000x64xf32, #tpu.memory_space<hbm>>
        tpu.enqueue_indirect_dma source(%dma_start3A_289 : memref<1000000x64xf32, #tpu.memory_space<hbm>>) target(%dma_start3A_283 : memref<100x64xf32, #tpu.memory_space<vmem>>) offsets(%dma_start3A_286 : memref<100xi32, #tpu.memory_space<vmem>>) semaphore(%arg18 : memref<!tpu.dma_semaphore, #tpu.memory_space<semaphore_mem>>)
      } else {
      }
      %dma_wait3A_96 = arith.constant 0 : i32
      %dma_wait3A_97 = arith.constant 0 : i32
      %dma_wait3A_98 = tpu.memref_slice %arg3[%dma_wait3A_96, %dma_wait3A_97] : memref<1000000x64xf32, #tpu.memory_space<hbm>> -> memref<400x64xf32, #tpu.memory_space<hbm>>
      %dma_wait3A_99 = arith.constant 0 : i32
      %dma_wait3A_100 = arith.constant 0 : i32
      %dma_wait3A_101 = tpu.memref_slice %arg3[%dma_wait3A_99, %dma_wait3A_100] : memref<1000000x64xf32, #tpu.memory_space<hbm>> -> memref<400x64xf32, #tpu.memory_space<hbm>>
      tpu.wait_dma2 semaphore(%arg17 : memref<!tpu.dma_semaphore, #tpu.memory_space<semaphore_mem>>) src(%dma_wait3A_101 : memref<400x64xf32, #tpu.memory_space<hbm>>) dst(%arg10 : memref<400x64xf32, #tpu.memory_space<vmem>>)
      %ge3A = arith.constant 2 : i32
      %ge3A_102 = arith.cmpi sge, %add3A_84, %ge3A : i32
      %convert_element_type3A_103 = arith.extui %ge3A_102 : i1 to i32
      %cond3A_104 = arith.constant 0 : i32
      %cond3A_105 = arith.cmpi ne, %convert_element_type3A_103, %cond3A_104 : i32
      scf.if %cond3A_105 {
        %dma_wait3A_240 = arith.constant 0 : i32
        %dma_wait3A_241 = arith.constant 0 : i32
        %dma_wait3A_242 = tpu.memref_slice %arg5[%dma_wait3A_240, %dma_wait3A_241] : memref<51200x1024xf32, #tpu.memory_space<hbm>> -> memref<25x1024xf32, #tpu.memory_space<hbm>>
        %dma_wait3A_243 = arith.constant 0 : i32
        %dma_wait3A_244 = arith.constant 0 : i32
        %dma_wait3A_245 = tpu.memref_slice %arg5[%dma_wait3A_243, %dma_wait3A_244] : memref<51200x1024xf32, #tpu.memory_space<hbm>> -> memref<25x1024xf32, #tpu.memory_space<hbm>>
        tpu.wait_dma2 semaphore(%arg19 : memref<!tpu.dma_semaphore, #tpu.memory_space<semaphore_mem>>) src(%arg12 : memref<25x1024xf32, #tpu.memory_space<vmem>>) dst(%dma_wait3A_245 : memref<25x1024xf32, #tpu.memory_space<hbm>>)
      } else {
      }
      %parallel_loop3A = arith.constant 0 : i32
      %parallel_loop3A_106 = arith.constant 200 : i32
      %parallel_loop3A_107 = arith.constant 1 : i32
      scf.for %parallel_loop3A_240 = %parallel_loop3A to %parallel_loop3A_106 step %parallel_loop3A_107  : i32 {
        %parallel_loop3A_241 = arith.index_cast %parallel_loop3A_240 : i32 to index
        %parallel_loop3A_242 = arith.constant 0 : index
        %parallel_loop3A_243 = tpu.vector_load %arg14[%parallel_loop3A_241, %parallel_loop3A_242] {strides = array<i32>} : memref<200x64xf32, #tpu.memory_space<vmem>>, vector<1x16xf32>,
        %parallel_loop3A_244 = vector.shape_cast %parallel_loop3A_243 : vector<1x16xf32> to vector<16xf32>
        %parallel_loop3A_245 = arith.constant 0 : i32
        %parallel_loop3A_246 = arith.addi %parallel_loop3A_245, %parallel_loop3A_240 : i32
        %parallel_loop3A_247 = arith.constant 64 : i32
        %parallel_loop3A_248 = arith.muli %parallel_loop3A_246, %parallel_loop3A_247 : i32
        %parallel_loop3A_249 = arith.constant 0 : i32
        %parallel_loop3A_250 = arith.addi %parallel_loop3A_248, %parallel_loop3A_249 : i32
        %parallel_loop3A_251 = arith.constant 0 : i32
        %parallel_loop3A_252 = arith.addi %parallel_loop3A_251, %parallel_loop3A_240 : i32
        %parallel_loop3A_253 = arith.index_cast %parallel_loop3A_252 : i32 to index
        %parallel_loop3A_254 = arith.constant 0 : index
        %parallel_loop3A_255 = tpu.vector_load %arg10[%parallel_loop3A_253, %parallel_loop3A_254] {strides = array<i32>} : memref<400x64xf32, #tpu.memory_space<vmem>>, vector<1x16xf32>,
        %parallel_loop3A_256 = vector.shape_cast %parallel_loop3A_255 : vector<1x16xf32> to vector<16xf32>
        %parallel_loop3A_257 = arith.addf %parallel_loop3A_256, %parallel_loop3A_244 : vector<16xf32>
        %parallel_loop3A_258 = arith.constant 1024 : i32
        %parallel_loop3A_259 = arith.divsi %parallel_loop3A_250, %parallel_loop3A_258 : i32
        %parallel_loop3A_260 = arith.constant 0 : i32
        %parallel_loop3A_261 = arith.cmpi sgt, %parallel_loop3A_250, %parallel_loop3A_260 : i32
        %parallel_loop3A_262 = arith.extui %parallel_loop3A_261 : i1 to i32
        %parallel_loop3A_263 = arith.constant 0 : i32
        %parallel_loop3A_264 = arith.cmpi slt, %parallel_loop3A_250, %parallel_loop3A_263 : i32
        %parallel_loop3A_265 = arith.extui %parallel_loop3A_264 : i1 to i32
        %parallel_loop3A_266 = arith.subi %parallel_loop3A_262, %parallel_loop3A_265 : i32
        %parallel_loop3A_267 = arith.constant 0 : i32
        %parallel_loop3A_268 = arith.cmpi sgt, %parallel_loop3A_258, %parallel_loop3A_267 : i32
        %parallel_loop3A_269 = arith.extui %parallel_loop3A_268 : i1 to i32
        %parallel_loop3A_270 = arith.constant 0 : i32
        %parallel_loop3A_271 = arith.cmpi slt, %parallel_loop3A_258, %parallel_loop3A_270 : i32
        %parallel_loop3A_272 = arith.extui %parallel_loop3A_271 : i1 to i32
        %parallel_loop3A_273 = arith.subi %parallel_loop3A_269, %parallel_loop3A_272 : i32
        %parallel_loop3A_274 = arith.cmpi ne, %parallel_loop3A_266, %parallel_loop3A_273 : i32
        %parallel_loop3A_275 = arith.remsi %parallel_loop3A_250, %parallel_loop3A_258 : i32
        %parallel_loop3A_276 = arith.constant 0 : i32
        %parallel_loop3A_277 = arith.cmpi ne, %parallel_loop3A_275, %parallel_loop3A_276 : i32
        %parallel_loop3A_278 = arith.andi %parallel_loop3A_274, %parallel_loop3A_277 : i1
        %parallel_loop3A_279 = arith.constant 1 : i32
        %parallel_loop3A_280 = arith.subi %parallel_loop3A_259, %parallel_loop3A_279 : i32
        %parallel_loop3A_281 = arith.select %parallel_loop3A_278, %parallel_loop3A_280, %parallel_loop3A_259 : i32
        %parallel_loop3A_282 = arith.constant 1024 : i32
        %parallel_loop3A_283 = arith.constant 0 : i32
        %parallel_loop3A_284 = arith.cmpi eq, %parallel_loop3A_282, %parallel_loop3A_283 : i32
        %parallel_loop3A_285 = arith.constant 1 : i32
        %parallel_loop3A_286 = arith.select %parallel_loop3A_284, %parallel_loop3A_285, %parallel_loop3A_282 : i32
        %parallel_loop3A_287 = arith.remsi %parallel_loop3A_250, %parallel_loop3A_286 : i32
        %parallel_loop3A_288 = arith.constant 0 : i32
        %parallel_loop3A_289 = arith.cmpi ne, %parallel_loop3A_287, %parallel_loop3A_288 : i32
        %parallel_loop3A_290 = arith.constant 0 : i32
        %parallel_loop3A_291 = arith.cmpi slt, %parallel_loop3A_287, %parallel_loop3A_290 : i32
        %parallel_loop3A_292 = arith.constant 0 : i32
        %parallel_loop3A_293 = arith.cmpi slt, %parallel_loop3A_286, %parallel_loop3A_292 : i32
        %parallel_loop3A_294 = arith.xori %parallel_loop3A_291, %parallel_loop3A_293 : i1
        %parallel_loop3A_295 = arith.andi %parallel_loop3A_294, %parallel_loop3A_289 : i1
        %parallel_loop3A_296 = arith.addi %parallel_loop3A_287, %parallel_loop3A_286 : i32
        %parallel_loop3A_297 = arith.select %parallel_loop3A_295, %parallel_loop3A_296, %parallel_loop3A_287 : i32
        %parallel_loop3A_298 = arith.index_cast %parallel_loop3A_281 : i32 to index
        %parallel_loop3A_299 = arith.index_cast %parallel_loop3A_297 : i32 to index
        %parallel_loop3A_300 = tpu.vector_load %arg12[%parallel_loop3A_298, %parallel_loop3A_299] {strides = array<i32>} : memref<25x1024xf32, #tpu.memory_space<vmem>>, vector<1x16xf32>,
        %parallel_loop3A_301 = vector.shape_cast %parallel_loop3A_300 : vector<1x16xf32> to vector<16xf32>
        %parallel_loop3A_302 = vector.shape_cast %parallel_loop3A_257 : vector<16xf32> to vector<1x16xf32>
        tpu.vector_store %arg12[%parallel_loop3A_298, %parallel_loop3A_299], %parallel_loop3A_302 {strides = array<i32>} : memref<25x1024xf32, #tpu.memory_space<vmem>>, vector<1x16xf32>,
        %parallel_loop3A_303 = arith.constant 200 : i32
        %parallel_loop3A_304 = arith.addi %parallel_loop3A_303, %parallel_loop3A_240 : i32
        %parallel_loop3A_305 = arith.constant 64 : i32
        %parallel_loop3A_306 = arith.muli %parallel_loop3A_304, %parallel_loop3A_305 : i32
        %parallel_loop3A_307 = arith.constant 0 : i32
        %parallel_loop3A_308 = arith.addi %parallel_loop3A_306, %parallel_loop3A_307 : i32
        %parallel_loop3A_309 = arith.constant 200 : i32
        %parallel_loop3A_310 = arith.addi %parallel_loop3A_309, %parallel_loop3A_240 : i32
        %parallel_loop3A_311 = arith.index_cast %parallel_loop3A_310 : i32 to index
        %parallel_loop3A_312 = arith.constant 0 : index
        %parallel_loop3A_313 = tpu.vector_load %arg10[%parallel_loop3A_311, %parallel_loop3A_312] {strides = array<i32>} : memref<400x64xf32, #tpu.memory_space<vmem>>, vector<1x16xf32>,
        %parallel_loop3A_314 = vector.shape_cast %parallel_loop3A_313 : vector<1x16xf32> to vector<16xf32>
        %parallel_loop3A_315 = arith.addf %parallel_loop3A_314, %parallel_loop3A_244 : vector<16xf32>
        %parallel_loop3A_316 = arith.constant 1024 : i32
        %parallel_loop3A_317 = arith.divsi %parallel_loop3A_308, %parallel_loop3A_316 : i32
        %parallel_loop3A_318 = arith.constant 0 : i32
        %parallel_loop3A_319 = arith.cmpi sgt, %parallel_loop3A_308, %parallel_loop3A_318 : i32
        %parallel_loop3A_320 = arith.extui %parallel_loop3A_319 : i1 to i32
        %parallel_loop3A_321 = arith.constant 0 : i32
        %parallel_loop3A_322 = arith.cmpi slt, %parallel_loop3A_308, %parallel_loop3A_321 : i32
        %parallel_loop3A_323 = arith.extui %parallel_loop3A_322 : i1 to i32
        %parallel_loop3A_324 = arith.subi %parallel_loop3A_320, %parallel_loop3A_323 : i32
        %parallel_loop3A_325 = arith.constant 0 : i32
        %parallel_loop3A_326 = arith.cmpi sgt, %parallel_loop3A_316, %parallel_loop3A_325 : i32
        %parallel_loop3A_327 = arith.extui %parallel_loop3A_326 : i1 to i32
        %parallel_loop3A_328 = arith.constant 0 : i32
        %parallel_loop3A_329 = arith.cmpi slt, %parallel_loop3A_316, %parallel_loop3A_328 : i32
        %parallel_loop3A_330 = arith.extui %parallel_loop3A_329 : i1 to i32
        %parallel_loop3A_331 = arith.subi %parallel_loop3A_327, %parallel_loop3A_330 : i32
        %parallel_loop3A_332 = arith.cmpi ne, %parallel_loop3A_324, %parallel_loop3A_331 : i32
        %parallel_loop3A_333 = arith.remsi %parallel_loop3A_308, %parallel_loop3A_316 : i32
        %parallel_loop3A_334 = arith.constant 0 : i32
        %parallel_loop3A_335 = arith.cmpi ne, %parallel_loop3A_333, %parallel_loop3A_334 : i32
        %parallel_loop3A_336 = arith.andi %parallel_loop3A_332, %parallel_loop3A_335 : i1
        %parallel_loop3A_337 = arith.constant 1 : i32
        %parallel_loop3A_338 = arith.subi %parallel_loop3A_317, %parallel_loop3A_337 : i32
        %parallel_loop3A_339 = arith.select %parallel_loop3A_336, %parallel_loop3A_338, %parallel_loop3A_317 : i32
        %parallel_loop3A_340 = arith.constant 1024 : i32
        %parallel_loop3A_341 = arith.constant 0 : i32
        %parallel_loop3A_342 = arith.cmpi eq, %parallel_loop3A_340, %parallel_loop3A_341 : i32
        %parallel_loop3A_343 = arith.constant 1 : i32
        %parallel_loop3A_344 = arith.select %parallel_loop3A_342, %parallel_loop3A_343, %parallel_loop3A_340 : i32
        %parallel_loop3A_345 = arith.remsi %parallel_loop3A_308, %parallel_loop3A_344 : i32
        %parallel_loop3A_346 = arith.constant 0 : i32
        %parallel_loop3A_347 = arith.cmpi ne, %parallel_loop3A_345, %parallel_loop3A_346 : i32
        %parallel_loop3A_348 = arith.constant 0 : i32
        %parallel_loop3A_349 = arith.cmpi slt, %parallel_loop3A_345, %parallel_loop3A_348 : i32
        %parallel_loop3A_350 = arith.constant 0 : i32
        %parallel_loop3A_351 = arith.cmpi slt, %parallel_loop3A_344, %parallel_loop3A_350 : i32
        %parallel_loop3A_352 = arith.xori %parallel_loop3A_349, %parallel_loop3A_351 : i1
        %parallel_loop3A_353 = arith.andi %parallel_loop3A_352, %parallel_loop3A_347 : i1
        %parallel_loop3A_354 = arith.addi %parallel_loop3A_345, %parallel_loop3A_344 : i32
        %parallel_loop3A_355 = arith.select %parallel_loop3A_353, %parallel_loop3A_354, %parallel_loop3A_345 : i32
        %parallel_loop3A_356 = arith.index_cast %parallel_loop3A_339 : i32 to index
        %parallel_loop3A_357 = arith.index_cast %parallel_loop3A_355 : i32 to index
        %parallel_loop3A_358 = tpu.vector_load %arg12[%parallel_loop3A_356, %parallel_loop3A_357] {strides = array<i32>} : memref<25x1024xf32, #tpu.memory_space<vmem>>, vector<1x16xf32>,
        %parallel_loop3A_359 = vector.shape_cast %parallel_loop3A_358 : vector<1x16xf32> to vector<16xf32>
        %parallel_loop3A_360 = vector.shape_cast %parallel_loop3A_315 : vector<16xf32> to vector<1x16xf32>
        tpu.vector_store %arg12[%parallel_loop3A_356, %parallel_loop3A_357], %parallel_loop3A_360 {strides = array<i32>} : memref<25x1024xf32, #tpu.memory_space<vmem>>, vector<1x16xf32>,
        %parallel_loop3A_361 = arith.index_cast %parallel_loop3A_240 : i32 to index
        %parallel_loop3A_362 = arith.constant 16 : index
        %parallel_loop3A_363 = tpu.vector_load %arg14[%parallel_loop3A_361, %parallel_loop3A_362] {strides = array<i32>} : memref<200x64xf32, #tpu.memory_space<vmem>>, vector<1x16xf32>,
        %parallel_loop3A_364 = vector.shape_cast %parallel_loop3A_363 : vector<1x16xf32> to vector<16xf32>
        %parallel_loop3A_365 = arith.constant 0 : i32
        %parallel_loop3A_366 = arith.addi %parallel_loop3A_365, %parallel_loop3A_240 : i32
        %parallel_loop3A_367 = arith.constant 64 : i32
        %parallel_loop3A_368 = arith.muli %parallel_loop3A_366, %parallel_loop3A_367 : i32
        %parallel_loop3A_369 = arith.constant 16 : i32
        %parallel_loop3A_370 = arith.addi %parallel_loop3A_368, %parallel_loop3A_369 : i32
        %parallel_loop3A_371 = arith.constant 0 : i32
        %parallel_loop3A_372 = arith.addi %parallel_loop3A_371, %parallel_loop3A_240 : i32
        %parallel_loop3A_373 = arith.index_cast %parallel_loop3A_372 : i32 to index
        %parallel_loop3A_374 = arith.constant 16 : index
        %parallel_loop3A_375 = tpu.vector_load %arg10[%parallel_loop3A_373, %parallel_loop3A_374] {strides = array<i32>} : memref<400x64xf32, #tpu.memory_space<vmem>>, vector<1x16xf32>,
        %parallel_loop3A_376 = vector.shape_cast %parallel_loop3A_375 : vector<1x16xf32> to vector<16xf32>
        %parallel_loop3A_377 = arith.addf %parallel_loop3A_376, %parallel_loop3A_364 : vector<16xf32>
        %parallel_loop3A_378 = arith.constant 1024 : i32
        %parallel_loop3A_379 = arith.divsi %parallel_loop3A_370, %parallel_loop3A_378 : i32
        %parallel_loop3A_380 = arith.constant 0 : i32
        %parallel_loop3A_381 = arith.cmpi sgt, %parallel_loop3A_370, %parallel_loop3A_380 : i32
        %parallel_loop3A_382 = arith.extui %parallel_loop3A_381 : i1 to i32
        %parallel_loop3A_383 = arith.constant 0 : i32
        %parallel_loop3A_384 = arith.cmpi slt, %parallel_loop3A_370, %parallel_loop3A_383 : i32
        %parallel_loop3A_385 = arith.extui %parallel_loop3A_384 : i1 to i32
        %parallel_loop3A_386 = arith.subi %parallel_loop3A_382, %parallel_loop3A_385 : i32
        %parallel_loop3A_387 = arith.constant 0 : i32
        %parallel_loop3A_388 = arith.cmpi sgt, %parallel_loop3A_378, %parallel_loop3A_387 : i32
        %parallel_loop3A_389 = arith.extui %parallel_loop3A_388 : i1 to i32
        %parallel_loop3A_390 = arith.constant 0 : i32
        %parallel_loop3A_391 = arith.cmpi slt, %parallel_loop3A_378, %parallel_loop3A_390 : i32
        %parallel_loop3A_392 = arith.extui %parallel_loop3A_391 : i1 to i32
        %parallel_loop3A_393 = arith.subi %parallel_loop3A_389, %parallel_loop3A_392 : i32
        %parallel_loop3A_394 = arith.cmpi ne, %parallel_loop3A_386, %parallel_loop3A_393 : i32
        %parallel_loop3A_395 = arith.remsi %parallel_loop3A_370, %parallel_loop3A_378 : i32
        %parallel_loop3A_396 = arith.constant 0 : i32
        %parallel_loop3A_397 = arith.cmpi ne, %parallel_loop3A_395, %parallel_loop3A_396 : i32
        %parallel_loop3A_398 = arith.andi %parallel_loop3A_394, %parallel_loop3A_397 : i1
        %parallel_loop3A_399 = arith.constant 1 : i32
        %parallel_loop3A_400 = arith.subi %parallel_loop3A_379, %parallel_loop3A_399 : i32
        %parallel_loop3A_401 = arith.select %parallel_loop3A_398, %parallel_loop3A_400, %parallel_loop3A_379 : i32
        %parallel_loop3A_402 = arith.constant 1024 : i32
        %parallel_loop3A_403 = arith.constant 0 : i32
        %parallel_loop3A_404 = arith.cmpi eq, %parallel_loop3A_402, %parallel_loop3A_403 : i32
        %parallel_loop3A_405 = arith.constant 1 : i32
        %parallel_loop3A_406 = arith.select %parallel_loop3A_404, %parallel_loop3A_405, %parallel_loop3A_402 : i32
        %parallel_loop3A_407 = arith.remsi %parallel_loop3A_370, %parallel_loop3A_406 : i32
        %parallel_loop3A_408 = arith.constant 0 : i32
        %parallel_loop3A_409 = arith.cmpi ne, %parallel_loop3A_407, %parallel_loop3A_408 : i32
        %parallel_loop3A_410 = arith.constant 0 : i32
        %parallel_loop3A_411 = arith.cmpi slt, %parallel_loop3A_407, %parallel_loop3A_410 : i32
        %parallel_loop3A_412 = arith.constant 0 : i32
        %parallel_loop3A_413 = arith.cmpi slt, %parallel_loop3A_406, %parallel_loop3A_412 : i32
        %parallel_loop3A_414 = arith.xori %parallel_loop3A_411, %parallel_loop3A_413 : i1
        %parallel_loop3A_415 = arith.andi %parallel_loop3A_414, %parallel_loop3A_409 : i1
        %parallel_loop3A_416 = arith.addi %parallel_loop3A_407, %parallel_loop3A_406 : i32
        %parallel_loop3A_417 = arith.select %parallel_loop3A_415, %parallel_loop3A_416, %parallel_loop3A_407 : i32
        %parallel_loop3A_418 = arith.index_cast %parallel_loop3A_401 : i32 to index
        %parallel_loop3A_419 = arith.index_cast %parallel_loop3A_417 : i32 to index
        %parallel_loop3A_420 = tpu.vector_load %arg12[%parallel_loop3A_418, %parallel_loop3A_419] {strides = array<i32>} : memref<25x1024xf32, #tpu.memory_space<vmem>>, vector<1x16xf32>,
        %parallel_loop3A_421 = vector.shape_cast %parallel_loop3A_420 : vector<1x16xf32> to vector<16xf32>
        %parallel_loop3A_422 = vector.shape_cast %parallel_loop3A_377 : vector<16xf32> to vector<1x16xf32>
        tpu.vector_store %arg12[%parallel_loop3A_418, %parallel_loop3A_419], %parallel_loop3A_422 {strides = array<i32>} : memref<25x1024xf32, #tpu.memory_space<vmem>>, vector<1x16xf32>,
        %parallel_loop3A_423 = arith.constant 200 : i32
        %parallel_loop3A_424 = arith.addi %parallel_loop3A_423, %parallel_loop3A_240 : i32
        %parallel_loop3A_425 = arith.constant 64 : i32
        %parallel_loop3A_426 = arith.muli %parallel_loop3A_424, %parallel_loop3A_425 : i32
        %parallel_loop3A_427 = arith.constant 16 : i32
        %parallel_loop3A_428 = arith.addi %parallel_loop3A_426, %parallel_loop3A_427 : i32
        %parallel_loop3A_429 = arith.constant 200 : i32
        %parallel_loop3A_430 = arith.addi %parallel_loop3A_429, %parallel_loop3A_240 : i32
        %parallel_loop3A_431 = arith.index_cast %parallel_loop3A_430 : i32 to index
        %parallel_loop3A_432 = arith.constant 16 : index
        %parallel_loop3A_433 = tpu.vector_load %arg10[%parallel_loop3A_431, %parallel_loop3A_432] {strides = array<i32>} : memref<400x64xf32, #tpu.memory_space<vmem>>, vector<1x16xf32>,
        %parallel_loop3A_434 = vector.shape_cast %parallel_loop3A_433 : vector<1x16xf32> to vector<16xf32>
        %parallel_loop3A_435 = arith.addf %parallel_loop3A_434, %parallel_loop3A_364 : vector<16xf32>
        %parallel_loop3A_436 = arith.constant 1024 : i32
        %parallel_loop3A_437 = arith.divsi %parallel_loop3A_428, %parallel_loop3A_436 : i32
        %parallel_loop3A_438 = arith.constant 0 : i32
        %parallel_loop3A_439 = arith.cmpi sgt, %parallel_loop3A_428, %parallel_loop3A_438 : i32
        %parallel_loop3A_440 = arith.extui %parallel_loop3A_439 : i1 to i32
        %parallel_loop3A_441 = arith.constant 0 : i32
        %parallel_loop3A_442 = arith.cmpi slt, %parallel_loop3A_428, %parallel_loop3A_441 : i32
        %parallel_loop3A_443 = arith.extui %parallel_loop3A_442 : i1 to i32
        %parallel_loop3A_444 = arith.subi %parallel_loop3A_440, %parallel_loop3A_443 : i32
        %parallel_loop3A_445 = arith.constant 0 : i32
        %parallel_loop3A_446 = arith.cmpi sgt, %parallel_loop3A_436, %parallel_loop3A_445 : i32
        %parallel_loop3A_447 = arith.extui %parallel_loop3A_446 : i1 to i32
        %parallel_loop3A_448 = arith.constant 0 : i32
        %parallel_loop3A_449 = arith.cmpi slt, %parallel_loop3A_436, %parallel_loop3A_448 : i32
        %parallel_loop3A_450 = arith.extui %parallel_loop3A_449 : i1 to i32
        %parallel_loop3A_451 = arith.subi %parallel_loop3A_447, %parallel_loop3A_450 : i32
        %parallel_loop3A_452 = arith.cmpi ne, %parallel_loop3A_444, %parallel_loop3A_451 : i32
        %parallel_loop3A_453 = arith.remsi %parallel_loop3A_428, %parallel_loop3A_436 : i32
        %parallel_loop3A_454 = arith.constant 0 : i32
        %parallel_loop3A_455 = arith.cmpi ne, %parallel_loop3A_453, %parallel_loop3A_454 : i32
        %parallel_loop3A_456 = arith.andi %parallel_loop3A_452, %parallel_loop3A_455 : i1
        %parallel_loop3A_457 = arith.constant 1 : i32
        %parallel_loop3A_458 = arith.subi %parallel_loop3A_437, %parallel_loop3A_457 : i32
        %parallel_loop3A_459 = arith.select %parallel_loop3A_456, %parallel_loop3A_458, %parallel_loop3A_437 : i32
        %parallel_loop3A_460 = arith.constant 1024 : i32
        %parallel_loop3A_461 = arith.constant 0 : i32
        %parallel_loop3A_462 = arith.cmpi eq, %parallel_loop3A_460, %parallel_loop3A_461 : i32
        %parallel_loop3A_463 = arith.constant 1 : i32
        %parallel_loop3A_464 = arith.select %parallel_loop3A_462, %parallel_loop3A_463, %parallel_loop3A_460 : i32
        %parallel_loop3A_465 = arith.remsi %parallel_loop3A_428, %parallel_loop3A_464 : i32
        %parallel_loop3A_466 = arith.constant 0 : i32
        %parallel_loop3A_467 = arith.cmpi ne, %parallel_loop3A_465, %parallel_loop3A_466 : i32
        %parallel_loop3A_468 = arith.constant 0 : i32
        %parallel_loop3A_469 = arith.cmpi slt, %parallel_loop3A_465, %parallel_loop3A_468 : i32
        %parallel_loop3A_470 = arith.constant 0 : i32
        %parallel_loop3A_471 = arith.cmpi slt, %parallel_loop3A_464, %parallel_loop3A_470 : i32
        %parallel_loop3A_472 = arith.xori %parallel_loop3A_469, %parallel_loop3A_471 : i1
        %parallel_loop3A_473 = arith.andi %parallel_loop3A_472, %parallel_loop3A_467 : i1
        %parallel_loop3A_474 = arith.addi %parallel_loop3A_465, %parallel_loop3A_464 : i32
        %parallel_loop3A_475 = arith.select %parallel_loop3A_473, %parallel_loop3A_474, %parallel_loop3A_465 : i32
        %parallel_loop3A_476 = arith.index_cast %parallel_loop3A_459 : i32 to index
        %parallel_loop3A_477 = arith.index_cast %parallel_loop3A_475 : i32 to index
        %parallel_loop3A_478 = tpu.vector_load %arg12[%parallel_loop3A_476, %parallel_loop3A_477] {strides = array<i32>} : memref<25x1024xf32, #tpu.memory_space<vmem>>, vector<1x16xf32>,
        %parallel_loop3A_479 = vector.shape_cast %parallel_loop3A_478 : vector<1x16xf32> to vector<16xf32>
        %parallel_loop3A_480 = vector.shape_cast %parallel_loop3A_435 : vector<16xf32> to vector<1x16xf32>
        tpu.vector_store %arg12[%parallel_loop3A_476, %parallel_loop3A_477], %parallel_loop3A_480 {strides = array<i32>} : memref<25x1024xf32, #tpu.memory_space<vmem>>, vector<1x16xf32>,
        %parallel_loop3A_481 = arith.index_cast %parallel_loop3A_240 : i32 to index
        %parallel_loop3A_482 = arith.constant 32 : index
        %parallel_loop3A_483 = tpu.vector_load %arg14[%parallel_loop3A_481, %parallel_loop3A_482] {strides = array<i32>} : memref<200x64xf32, #tpu.memory_space<vmem>>, vector<1x16xf32>,
        %parallel_loop3A_484 = vector.shape_cast %parallel_loop3A_483 : vector<1x16xf32> to vector<16xf32>
        %parallel_loop3A_485 = arith.constant 0 : i32
        %parallel_loop3A_486 = arith.addi %parallel_loop3A_485, %parallel_loop3A_240 : i32
        %parallel_loop3A_487 = arith.constant 64 : i32
        %parallel_loop3A_488 = arith.muli %parallel_loop3A_486, %parallel_loop3A_487 : i32
        %parallel_loop3A_489 = arith.constant 32 : i32
        %parallel_loop3A_490 = arith.addi %parallel_loop3A_488, %parallel_loop3A_489 : i32
        %parallel_loop3A_491 = arith.constant 0 : i32
        %parallel_loop3A_492 = arith.addi %parallel_loop3A_491, %parallel_loop3A_240 : i32
        %parallel_loop3A_493 = arith.index_cast %parallel_loop3A_492 : i32 to index
        %parallel_loop3A_494 = arith.constant 32 : index
        %parallel_loop3A_495 = tpu.vector_load %arg10[%parallel_loop3A_493, %parallel_loop3A_494] {strides = array<i32>} : memref<400x64xf32, #tpu.memory_space<vmem>>, vector<1x16xf32>,
        %parallel_loop3A_496 = vector.shape_cast %parallel_loop3A_495 : vector<1x16xf32> to vector<16xf32>
        %parallel_loop3A_497 = arith.addf %parallel_loop3A_496, %parallel_loop3A_484 : vector<16xf32>
        %parallel_loop3A_498 = arith.constant 1024 : i32
        %parallel_loop3A_499 = arith.divsi %parallel_loop3A_490, %parallel_loop3A_498 : i32
        %parallel_loop3A_500 = arith.constant 0 : i32
        %parallel_loop3A_501 = arith.cmpi sgt, %parallel_loop3A_490, %parallel_loop3A_500 : i32
        %parallel_loop3A_502 = arith.extui %parallel_loop3A_501 : i1 to i32
        %parallel_loop3A_503 = arith.constant 0 : i32
        %parallel_loop3A_504 = arith.cmpi slt, %parallel_loop3A_490, %parallel_loop3A_503 : i32
        %parallel_loop3A_505 = arith.extui %parallel_loop3A_504 : i1 to i32
        %parallel_loop3A_506 = arith.subi %parallel_loop3A_502, %parallel_loop3A_505 : i32
        %parallel_loop3A_507 = arith.constant 0 : i32
        %parallel_loop3A_508 = arith.cmpi sgt, %parallel_loop3A_498, %parallel_loop3A_507 : i32
        %parallel_loop3A_509 = arith.extui %parallel_loop3A_508 : i1 to i32
        %parallel_loop3A_510 = arith.constant 0 : i32
        %parallel_loop3A_511 = arith.cmpi slt, %parallel_loop3A_498, %parallel_loop3A_510 : i32
        %parallel_loop3A_512 = arith.extui %parallel_loop3A_511 : i1 to i32
        %parallel_loop3A_513 = arith.subi %parallel_loop3A_509, %parallel_loop3A_512 : i32
        %parallel_loop3A_514 = arith.cmpi ne, %parallel_loop3A_506, %parallel_loop3A_513 : i32
        %parallel_loop3A_515 = arith.remsi %parallel_loop3A_490, %parallel_loop3A_498 : i32
        %parallel_loop3A_516 = arith.constant 0 : i32
        %parallel_loop3A_517 = arith.cmpi ne, %parallel_loop3A_515, %parallel_loop3A_516 : i32
        %parallel_loop3A_518 = arith.andi %parallel_loop3A_514, %parallel_loop3A_517 : i1
        %parallel_loop3A_519 = arith.constant 1 : i32
        %parallel_loop3A_520 = arith.subi %parallel_loop3A_499, %parallel_loop3A_519 : i32
        %parallel_loop3A_521 = arith.select %parallel_loop3A_518, %parallel_loop3A_520, %parallel_loop3A_499 : i32
        %parallel_loop3A_522 = arith.constant 1024 : i32
        %parallel_loop3A_523 = arith.constant 0 : i32
        %parallel_loop3A_524 = arith.cmpi eq, %parallel_loop3A_522, %parallel_loop3A_523 : i32
        %parallel_loop3A_525 = arith.constant 1 : i32
        %parallel_loop3A_526 = arith.select %parallel_loop3A_524, %parallel_loop3A_525, %parallel_loop3A_522 : i32
        %parallel_loop3A_527 = arith.remsi %parallel_loop3A_490, %parallel_loop3A_526 : i32
        %parallel_loop3A_528 = arith.constant 0 : i32
        %parallel_loop3A_529 = arith.cmpi ne, %parallel_loop3A_527, %parallel_loop3A_528 : i32
        %parallel_loop3A_530 = arith.constant 0 : i32
        %parallel_loop3A_531 = arith.cmpi slt, %parallel_loop3A_527, %parallel_loop3A_530 : i32
        %parallel_loop3A_532 = arith.constant 0 : i32
        %parallel_loop3A_533 = arith.cmpi slt, %parallel_loop3A_526, %parallel_loop3A_532 : i32
        %parallel_loop3A_534 = arith.xori %parallel_loop3A_531, %parallel_loop3A_533 : i1
        %parallel_loop3A_535 = arith.andi %parallel_loop3A_534, %parallel_loop3A_529 : i1
        %parallel_loop3A_536 = arith.addi %parallel_loop3A_527, %parallel_loop3A_526 : i32
        %parallel_loop3A_537 = arith.select %parallel_loop3A_535, %parallel_loop3A_536, %parallel_loop3A_527 : i32
        %parallel_loop3A_538 = arith.index_cast %parallel_loop3A_521 : i32 to index
        %parallel_loop3A_539 = arith.index_cast %parallel_loop3A_537 : i32 to index
        %parallel_loop3A_540 = tpu.vector_load %arg12[%parallel_loop3A_538, %parallel_loop3A_539] {strides = array<i32>} : memref<25x1024xf32, #tpu.memory_space<vmem>>, vector<1x16xf32>,
        %parallel_loop3A_541 = vector.shape_cast %parallel_loop3A_540 : vector<1x16xf32> to vector<16xf32>
        %parallel_loop3A_542 = vector.shape_cast %parallel_loop3A_497 : vector<16xf32> to vector<1x16xf32>
        tpu.vector_store %arg12[%parallel_loop3A_538, %parallel_loop3A_539], %parallel_loop3A_542 {strides = array<i32>} : memref<25x1024xf32, #tpu.memory_space<vmem>>, vector<1x16xf32>,
        %parallel_loop3A_543 = arith.constant 200 : i32
        %parallel_loop3A_544 = arith.addi %parallel_loop3A_543, %parallel_loop3A_240 : i32
        %parallel_loop3A_545 = arith.constant 64 : i32
        %parallel_loop3A_546 = arith.muli %parallel_loop3A_544, %parallel_loop3A_545 : i32
        %parallel_loop3A_547 = arith.constant 32 : i32
        %parallel_loop3A_548 = arith.addi %parallel_loop3A_546, %parallel_loop3A_547 : i32
        %parallel_loop3A_549 = arith.constant 200 : i32
        %parallel_loop3A_550 = arith.addi %parallel_loop3A_549, %parallel_loop3A_240 : i32
        %parallel_loop3A_551 = arith.index_cast %parallel_loop3A_550 : i32 to index
        %parallel_loop3A_552 = arith.constant 32 : index
        %parallel_loop3A_553 = tpu.vector_load %arg10[%parallel_loop3A_551, %parallel_loop3A_552] {strides = array<i32>} : memref<400x64xf32, #tpu.memory_space<vmem>>, vector<1x16xf32>,
        %parallel_loop3A_554 = vector.shape_cast %parallel_loop3A_553 : vector<1x16xf32> to vector<16xf32>
        %parallel_loop3A_555 = arith.addf %parallel_loop3A_554, %parallel_loop3A_484 : vector<16xf32>
        %parallel_loop3A_556 = arith.constant 1024 : i32
        %parallel_loop3A_557 = arith.divsi %parallel_loop3A_548, %parallel_loop3A_556 : i32
        %parallel_loop3A_558 = arith.constant 0 : i32
        %parallel_loop3A_559 = arith.cmpi sgt, %parallel_loop3A_548, %parallel_loop3A_558 : i32
        %parallel_loop3A_560 = arith.extui %parallel_loop3A_559 : i1 to i32
        %parallel_loop3A_561 = arith.constant 0 : i32
        %parallel_loop3A_562 = arith.cmpi slt, %parallel_loop3A_548, %parallel_loop3A_561 : i32
        %parallel_loop3A_563 = arith.extui %parallel_loop3A_562 : i1 to i32
        %parallel_loop3A_564 = arith.subi %parallel_loop3A_560, %parallel_loop3A_563 : i32
        %parallel_loop3A_565 = arith.constant 0 : i32
        %parallel_loop3A_566 = arith.cmpi sgt, %parallel_loop3A_556, %parallel_loop3A_565 : i32
        %parallel_loop3A_567 = arith.extui %parallel_loop3A_566 : i1 to i32
        %parallel_loop3A_568 = arith.constant 0 : i32
        %parallel_loop3A_569 = arith.cmpi slt, %parallel_loop3A_556, %parallel_loop3A_568 : i32
        %parallel_loop3A_570 = arith.extui %parallel_loop3A_569 : i1 to i32
        %parallel_loop3A_571 = arith.subi %parallel_loop3A_567, %parallel_loop3A_570 : i32
        %parallel_loop3A_572 = arith.cmpi ne, %parallel_loop3A_564, %parallel_loop3A_571 : i32
        %parallel_loop3A_573 = arith.remsi %parallel_loop3A_548, %parallel_loop3A_556 : i32
        %parallel_loop3A_574 = arith.constant 0 : i32
        %parallel_loop3A_575 = arith.cmpi ne, %parallel_loop3A_573, %parallel_loop3A_574 : i32
        %parallel_loop3A_576 = arith.andi %parallel_loop3A_572, %parallel_loop3A_575 : i1
        %parallel_loop3A_577 = arith.constant 1 : i32
        %parallel_loop3A_578 = arith.subi %parallel_loop3A_557, %parallel_loop3A_577 : i32
        %parallel_loop3A_579 = arith.select %parallel_loop3A_576, %parallel_loop3A_578, %parallel_loop3A_557 : i32
        %parallel_loop3A_580 = arith.constant 1024 : i32
        %parallel_loop3A_581 = arith.constant 0 : i32
        %parallel_loop3A_582 = arith.cmpi eq, %parallel_loop3A_580, %parallel_loop3A_581 : i32
        %parallel_loop3A_583 = arith.constant 1 : i32
        %parallel_loop3A_584 = arith.select %parallel_loop3A_582, %parallel_loop3A_583, %parallel_loop3A_580 : i32
        %parallel_loop3A_585 = arith.remsi %parallel_loop3A_548, %parallel_loop3A_584 : i32
        %parallel_loop3A_586 = arith.constant 0 : i32
        %parallel_loop3A_587 = arith.cmpi ne, %parallel_loop3A_585, %parallel_loop3A_586 : i32
        %parallel_loop3A_588 = arith.constant 0 : i32
        %parallel_loop3A_589 = arith.cmpi slt, %parallel_loop3A_585, %parallel_loop3A_588 : i32
        %parallel_loop3A_590 = arith.constant 0 : i32
        %parallel_loop3A_591 = arith.cmpi slt, %parallel_loop3A_584, %parallel_loop3A_590 : i32
        %parallel_loop3A_592 = arith.xori %parallel_loop3A_589, %parallel_loop3A_591 : i1
        %parallel_loop3A_593 = arith.andi %parallel_loop3A_592, %parallel_loop3A_587 : i1
        %parallel_loop3A_594 = arith.addi %parallel_loop3A_585, %parallel_loop3A_584 : i32
        %parallel_loop3A_595 = arith.select %parallel_loop3A_593, %parallel_loop3A_594, %parallel_loop3A_585 : i32
        %parallel_loop3A_596 = arith.index_cast %parallel_loop3A_579 : i32 to index
        %parallel_loop3A_597 = arith.index_cast %parallel_loop3A_595 : i32 to index
        %parallel_loop3A_598 = tpu.vector_load %arg12[%parallel_loop3A_596, %parallel_loop3A_597] {strides = array<i32>} : memref<25x1024xf32, #tpu.memory_space<vmem>>, vector<1x16xf32>,
        %parallel_loop3A_599 = vector.shape_cast %parallel_loop3A_598 : vector<1x16xf32> to vector<16xf32>
        %parallel_loop3A_600 = vector.shape_cast %parallel_loop3A_555 : vector<16xf32> to vector<1x16xf32>
        tpu.vector_store %arg12[%parallel_loop3A_596, %parallel_loop3A_597], %parallel_loop3A_600 {strides = array<i32>} : memref<25x1024xf32, #tpu.memory_space<vmem>>, vector<1x16xf32>,
        %parallel_loop3A_601 = arith.index_cast %parallel_loop3A_240 : i32 to index
        %parallel_loop3A_602 = arith.constant 48 : index
        %parallel_loop3A_603 = tpu.vector_load %arg14[%parallel_loop3A_601, %parallel_loop3A_602] {strides = array<i32>} : memref<200x64xf32, #tpu.memory_space<vmem>>, vector<1x16xf32>,
        %parallel_loop3A_604 = vector.shape_cast %parallel_loop3A_603 : vector<1x16xf32> to vector<16xf32>
        %parallel_loop3A_605 = arith.constant 0 : i32
        %parallel_loop3A_606 = arith.addi %parallel_loop3A_605, %parallel_loop3A_240 : i32
        %parallel_loop3A_607 = arith.constant 64 : i32
        %parallel_loop3A_608 = arith.muli %parallel_loop3A_606, %parallel_loop3A_607 : i32
        %parallel_loop3A_609 = arith.constant 48 : i32
        %parallel_loop3A_610 = arith.addi %parallel_loop3A_608, %parallel_loop3A_609 : i32
        %parallel_loop3A_611 = arith.constant 0 : i32
        %parallel_loop3A_612 = arith.addi %parallel_loop3A_611, %parallel_loop3A_240 : i32
        %parallel_loop3A_613 = arith.index_cast %parallel_loop3A_612 : i32 to index
        %parallel_loop3A_614 = arith.constant 48 : index
        %parallel_loop3A_615 = tpu.vector_load %arg10[%parallel_loop3A_613, %parallel_loop3A_614] {strides = array<i32>} : memref<400x64xf32, #tpu.memory_space<vmem>>, vector<1x16xf32>,
        %parallel_loop3A_616 = vector.shape_cast %parallel_loop3A_615 : vector<1x16xf32> to vector<16xf32>
        %parallel_loop3A_617 = arith.addf %parallel_loop3A_616, %parallel_loop3A_604 : vector<16xf32>
        %parallel_loop3A_618 = arith.constant 1024 : i32
        %parallel_loop3A_619 = arith.divsi %parallel_loop3A_610, %parallel_loop3A_618 : i32
        %parallel_loop3A_620 = arith.constant 0 : i32
        %parallel_loop3A_621 = arith.cmpi sgt, %parallel_loop3A_610, %parallel_loop3A_620 : i32
        %parallel_loop3A_622 = arith.extui %parallel_loop3A_621 : i1 to i32
        %parallel_loop3A_623 = arith.constant 0 : i32
        %parallel_loop3A_624 = arith.cmpi slt, %parallel_loop3A_610, %parallel_loop3A_623 : i32
        %parallel_loop3A_625 = arith.extui %parallel_loop3A_624 : i1 to i32
        %parallel_loop3A_626 = arith.subi %parallel_loop3A_622, %parallel_loop3A_625 : i32
        %parallel_loop3A_627 = arith.constant 0 : i32
        %parallel_loop3A_628 = arith.cmpi sgt, %parallel_loop3A_618, %parallel_loop3A_627 : i32
        %parallel_loop3A_629 = arith.extui %parallel_loop3A_628 : i1 to i32
        %parallel_loop3A_630 = arith.constant 0 : i32
        %parallel_loop3A_631 = arith.cmpi slt, %parallel_loop3A_618, %parallel_loop3A_630 : i32
        %parallel_loop3A_632 = arith.extui %parallel_loop3A_631 : i1 to i32
        %parallel_loop3A_633 = arith.subi %parallel_loop3A_629, %parallel_loop3A_632 : i32
        %parallel_loop3A_634 = arith.cmpi ne, %parallel_loop3A_626, %parallel_loop3A_633 : i32
        %parallel_loop3A_635 = arith.remsi %parallel_loop3A_610, %parallel_loop3A_618 : i32
        %parallel_loop3A_636 = arith.constant 0 : i32
        %parallel_loop3A_637 = arith.cmpi ne, %parallel_loop3A_635, %parallel_loop3A_636 : i32
        %parallel_loop3A_638 = arith.andi %parallel_loop3A_634, %parallel_loop3A_637 : i1
        %parallel_loop3A_639 = arith.constant 1 : i32
        %parallel_loop3A_640 = arith.subi %parallel_loop3A_619, %parallel_loop3A_639 : i32
        %parallel_loop3A_641 = arith.select %parallel_loop3A_638, %parallel_loop3A_640, %parallel_loop3A_619 : i32
        %parallel_loop3A_642 = arith.constant 1024 : i32
        %parallel_loop3A_643 = arith.constant 0 : i32
        %parallel_loop3A_644 = arith.cmpi eq, %parallel_loop3A_642, %parallel_loop3A_643 : i32
        %parallel_loop3A_645 = arith.constant 1 : i32
        %parallel_loop3A_646 = arith.select %parallel_loop3A_644, %parallel_loop3A_645, %parallel_loop3A_642 : i32
        %parallel_loop3A_647 = arith.remsi %parallel_loop3A_610, %parallel_loop3A_646 : i32
        %parallel_loop3A_648 = arith.constant 0 : i32
        %parallel_loop3A_649 = arith.cmpi ne, %parallel_loop3A_647, %parallel_loop3A_648 : i32
        %parallel_loop3A_650 = arith.constant 0 : i32
        %parallel_loop3A_651 = arith.cmpi slt, %parallel_loop3A_647, %parallel_loop3A_650 : i32
        %parallel_loop3A_652 = arith.constant 0 : i32
        %parallel_loop3A_653 = arith.cmpi slt, %parallel_loop3A_646, %parallel_loop3A_652 : i32
        %parallel_loop3A_654 = arith.xori %parallel_loop3A_651, %parallel_loop3A_653 : i1
        %parallel_loop3A_655 = arith.andi %parallel_loop3A_654, %parallel_loop3A_649 : i1
        %parallel_loop3A_656 = arith.addi %parallel_loop3A_647, %parallel_loop3A_646 : i32
        %parallel_loop3A_657 = arith.select %parallel_loop3A_655, %parallel_loop3A_656, %parallel_loop3A_647 : i32
        %parallel_loop3A_658 = arith.index_cast %parallel_loop3A_641 : i32 to index
        %parallel_loop3A_659 = arith.index_cast %parallel_loop3A_657 : i32 to index
        %parallel_loop3A_660 = tpu.vector_load %arg12[%parallel_loop3A_658, %parallel_loop3A_659] {strides = array<i32>} : memref<25x1024xf32, #tpu.memory_space<vmem>>, vector<1x16xf32>,
        %parallel_loop3A_661 = vector.shape_cast %parallel_loop3A_660 : vector<1x16xf32> to vector<16xf32>
        %parallel_loop3A_662 = vector.shape_cast %parallel_loop3A_617 : vector<16xf32> to vector<1x16xf32>
        tpu.vector_store %arg12[%parallel_loop3A_658, %parallel_loop3A_659], %parallel_loop3A_662 {strides = array<i32>} : memref<25x1024xf32, #tpu.memory_space<vmem>>, vector<1x16xf32>,
        %parallel_loop3A_663 = arith.constant 200 : i32
        %parallel_loop3A_664 = arith.addi %parallel_loop3A_663, %parallel_loop3A_240 : i32
        %parallel_loop3A_665 = arith.constant 64 : i32
        %parallel_loop3A_666 = arith.muli %parallel_loop3A_664, %parallel_loop3A_665 : i32
        %parallel_loop3A_667 = arith.constant 48 : i32
        %parallel_loop3A_668 = arith.addi %parallel_loop3A_666, %parallel_loop3A_667 : i32
        %parallel_loop3A_669 = arith.constant 200 : i32
        %parallel_loop3A_670 = arith.addi %parallel_loop3A_669, %parallel_loop3A_240 : i32
        %parallel_loop3A_671 = arith.index_cast %parallel_loop3A_670 : i32 to index
        %parallel_loop3A_672 = arith.constant 48 : index
        %parallel_loop3A_673 = tpu.vector_load %arg10[%parallel_loop3A_671, %parallel_loop3A_672] {strides = array<i32>} : memref<400x64xf32, #tpu.memory_space<vmem>>, vector<1x16xf32>,
        %parallel_loop3A_674 = vector.shape_cast %parallel_loop3A_673 : vector<1x16xf32> to vector<16xf32>
        %parallel_loop3A_675 = arith.addf %parallel_loop3A_674, %parallel_loop3A_604 : vector<16xf32>
        %parallel_loop3A_676 = arith.constant 1024 : i32
        %parallel_loop3A_677 = arith.divsi %parallel_loop3A_668, %parallel_loop3A_676 : i32
        %parallel_loop3A_678 = arith.constant 0 : i32
        %parallel_loop3A_679 = arith.cmpi sgt, %parallel_loop3A_668, %parallel_loop3A_678 : i32
        %parallel_loop3A_680 = arith.extui %parallel_loop3A_679 : i1 to i32
        %parallel_loop3A_681 = arith.constant 0 : i32
        %parallel_loop3A_682 = arith.cmpi slt, %parallel_loop3A_668, %parallel_loop3A_681 : i32
        %parallel_loop3A_683 = arith.extui %parallel_loop3A_682 : i1 to i32
        %parallel_loop3A_684 = arith.subi %parallel_loop3A_680, %parallel_loop3A_683 : i32
        %parallel_loop3A_685 = arith.constant 0 : i32
        %parallel_loop3A_686 = arith.cmpi sgt, %parallel_loop3A_676, %parallel_loop3A_685 : i32
        %parallel_loop3A_687 = arith.extui %parallel_loop3A_686 : i1 to i32
        %parallel_loop3A_688 = arith.constant 0 : i32
        %parallel_loop3A_689 = arith.cmpi slt, %parallel_loop3A_676, %parallel_loop3A_688 : i32
        %parallel_loop3A_690 = arith.extui %parallel_loop3A_689 : i1 to i32
        %parallel_loop3A_691 = arith.subi %parallel_loop3A_687, %parallel_loop3A_690 : i32
        %parallel_loop3A_692 = arith.cmpi ne, %parallel_loop3A_684, %parallel_loop3A_691 : i32
        %parallel_loop3A_693 = arith.remsi %parallel_loop3A_668, %parallel_loop3A_676 : i32
        %parallel_loop3A_694 = arith.constant 0 : i32
        %parallel_loop3A_695 = arith.cmpi ne, %parallel_loop3A_693, %parallel_loop3A_694 : i32
        %parallel_loop3A_696 = arith.andi %parallel_loop3A_692, %parallel_loop3A_695 : i1
        %parallel_loop3A_697 = arith.constant 1 : i32
        %parallel_loop3A_698 = arith.subi %parallel_loop3A_677, %parallel_loop3A_697 : i32
        %parallel_loop3A_699 = arith.select %parallel_loop3A_696, %parallel_loop3A_698, %parallel_loop3A_677 : i32
        %parallel_loop3A_700 = arith.constant 1024 : i32
        %parallel_loop3A_701 = arith.constant 0 : i32
        %parallel_loop3A_702 = arith.cmpi eq, %parallel_loop3A_700, %parallel_loop3A_701 : i32
        %parallel_loop3A_703 = arith.constant 1 : i32
        %parallel_loop3A_704 = arith.select %parallel_loop3A_702, %parallel_loop3A_703, %parallel_loop3A_700 : i32
        %parallel_loop3A_705 = arith.remsi %parallel_loop3A_668, %parallel_loop3A_704 : i32
        %parallel_loop3A_706 = arith.constant 0 : i32
        %parallel_loop3A_707 = arith.cmpi ne, %parallel_loop3A_705, %parallel_loop3A_706 : i32
        %parallel_loop3A_708 = arith.constant 0 : i32
        %parallel_loop3A_709 = arith.cmpi slt, %parallel_loop3A_705, %parallel_loop3A_708 : i32
        %parallel_loop3A_710 = arith.constant 0 : i32
        %parallel_loop3A_711 = arith.cmpi slt, %parallel_loop3A_704, %parallel_loop3A_710 : i32
        %parallel_loop3A_712 = arith.xori %parallel_loop3A_709, %parallel_loop3A_711 : i1
        %parallel_loop3A_713 = arith.andi %parallel_loop3A_712, %parallel_loop3A_707 : i1
        %parallel_loop3A_714 = arith.addi %parallel_loop3A_705, %parallel_loop3A_704 : i32
        %parallel_loop3A_715 = arith.select %parallel_loop3A_713, %parallel_loop3A_714, %parallel_loop3A_705 : i32
        %parallel_loop3A_716 = arith.index_cast %parallel_loop3A_699 : i32 to index
        %parallel_loop3A_717 = arith.index_cast %parallel_loop3A_715 : i32 to index
        %parallel_loop3A_718 = tpu.vector_load %arg12[%parallel_loop3A_716, %parallel_loop3A_717] {strides = array<i32>} : memref<25x1024xf32, #tpu.memory_space<vmem>>, vector<1x16xf32>,
        %parallel_loop3A_719 = vector.shape_cast %parallel_loop3A_718 : vector<1x16xf32> to vector<16xf32>
        %parallel_loop3A_720 = vector.shape_cast %parallel_loop3A_675 : vector<16xf32> to vector<1x16xf32>
        tpu.vector_store %arg12[%parallel_loop3A_716, %parallel_loop3A_717], %parallel_loop3A_720 {strides = array<i32>} : memref<25x1024xf32, #tpu.memory_space<vmem>>, vector<1x16xf32>,
      } {sc.loop_unroll_factor = 2 : i64, sc.parallel_access}
      %mul3A_108 = arith.constant 64 : i32
      %mul3A_109 = arith.muli %add3A, %mul3A_108 : i32
      %add3A_110 = arith.addi %mul3A_109, %add3A_84 : i32
      %mul3A_111 = arith.constant 25 : i32
      %mul3A_112 = arith.muli %add3A_110, %mul3A_111 : i32
      %dma_start3A_113 = arith.constant 0 : i32
      %dma_start3A_114 = tpu.memref_slice %arg5[%mul3A_112, %dma_start3A_113] : memref<51200x1024xf32, #tpu.memory_space<hbm>> -> memref<25x1024xf32, #tpu.memory_space<hbm>>
      %dma_start3A_115 = arith.constant 0 : i32
      %dma_start3A_116 = tpu.memref_slice %arg5[%mul3A_112, %dma_start3A_115] : memref<51200x1024xf32, #tpu.memory_space<hbm>> -> memref<25x1024xf32, #tpu.memory_space<hbm>>
      tpu.enqueue_dma source(%arg12 : memref<25x1024xf32, #tpu.memory_space<vmem>>) target(%dma_start3A_116 : memref<25x1024xf32, #tpu.memory_space<hbm>>) target_semaphore(%arg19 : memref<!tpu.dma_semaphore, #tpu.memory_space<semaphore_mem>>)
      %mul3A_117 = arith.constant 4 : i32
      %mul3A_118 = arith.muli %mul3A_117, %scan3A_80 : i32
      %add3A_119 = arith.constant 1 : i32
      %add3A_120 = arith.addi %mul3A_118, %add3A_119 : i32
      %add3A_121 = arith.constant 2 : i32
      %add3A_122 = arith.addi %add3A_120, %add3A_121 : i32
      %lt3A_123 = arith.constant 64 : i32
      %lt3A_124 = arith.cmpi slt, %add3A_122, %lt3A_123 : i32
      %convert_element_type3A_125 = arith.extui %lt3A_124 : i1 to i32
      %cond3A_126 = arith.constant 0 : i32
      %cond3A_127 = arith.cmpi ne, %convert_element_type3A_125, %cond3A_126 : i32
      scf.if %cond3A_127 {
        %add3A_240 = arith.constant 2 : i32
        %add3A_241 = arith.addi %add3A_120, %add3A_240 : i32
        %mul3A_242 = arith.constant 4 : i32
        %mul3A_243 = arith.muli %add3A_241, %mul3A_242 : i32
        %dma_start3A_244 = arith.constant 0 : i32
        %dma_start3A_245 = tpu.memref_slice %arg2[%add3A, %mul3A_243, %dma_start3A_244] : memref<32x256x100xi32, #tpu.memory_space<hbm>> -> memref<1x4x100xi32, #tpu.memory_space<hbm>>
        %dma_start3A_246 = tpu.memref_squeeze %dma_start3A_245 : memref<1x4x100xi32, #tpu.memory_space<hbm>> -> memref<4x100xi32, #tpu.memory_space<hbm>>
        %dma_start3A_247 = arith.constant 0 : i32
        %dma_start3A_248 = tpu.memref_slice %arg2[%add3A, %mul3A_243, %dma_start3A_247] : memref<32x256x100xi32, #tpu.memory_space<hbm>> -> memref<1x4x100xi32, #tpu.memory_space<hbm>>
        %dma_start3A_249 = tpu.memref_squeeze %dma_start3A_248 : memref<1x4x100xi32, #tpu.memory_space<hbm>> -> memref<4x100xi32, #tpu.memory_space<hbm>>
        tpu.enqueue_dma source(%dma_start3A_249 : memref<4x100xi32, #tpu.memory_space<hbm>>) target(%arg9 : memref<4x100xi32, #tpu.memory_space<vmem>>) target_semaphore(%arg16 : memref<!tpu.dma_semaphore, #tpu.memory_space<semaphore_mem>>)
      } else {
      }
      %add3A_128 = arith.constant 1 : i32
      %add3A_129 = arith.addi %add3A_120, %add3A_128 : i32
      %lt3A_130 = arith.constant 64 : i32
      %lt3A_131 = arith.cmpi slt, %add3A_129, %lt3A_130 : i32
      %convert_element_type3A_132 = arith.extui %lt3A_131 : i1 to i32
      %cond3A_133 = arith.constant 0 : i32
      %cond3A_134 = arith.cmpi ne, %convert_element_type3A_132, %cond3A_133 : i32
      scf.if %cond3A_134 {
        %dma_wait3A_240 = arith.constant 0 : i32
        %dma_wait3A_241 = arith.constant 0 : i32
        %dma_wait3A_242 = tpu.memref_slice %arg2[%add3A, %dma_wait3A_240, %dma_wait3A_241] : memref<32x256x100xi32, #tpu.memory_space<hbm>> -> memref<1x4x100xi32, #tpu.memory_space<hbm>>
        %dma_wait3A_243 = tpu.memref_squeeze %dma_wait3A_242 : memref<1x4x100xi32, #tpu.memory_space<hbm>> -> memref<4x100xi32, #tpu.memory_space<hbm>>
        %dma_wait3A_244 = arith.constant 0 : i32
        %dma_wait3A_245 = arith.constant 0 : i32
        %dma_wait3A_246 = tpu.memref_slice %arg2[%add3A, %dma_wait3A_244, %dma_wait3A_245] : memref<32x256x100xi32, #tpu.memory_space<hbm>> -> memref<1x4x100xi32, #tpu.memory_space<hbm>>
        %dma_wait3A_247 = tpu.memref_squeeze %dma_wait3A_246 : memref<1x4x100xi32, #tpu.memory_space<hbm>> -> memref<4x100xi32, #tpu.memory_space<hbm>>
        tpu.wait_dma2 semaphore(%arg15 : memref<!tpu.dma_semaphore, #tpu.memory_space<semaphore_mem>>) src(%dma_wait3A_247 : memref<4x100xi32, #tpu.memory_space<hbm>>) dst(%arg8 : memref<4x100xi32, #tpu.memory_space<vmem>>)
        %add3A_248 = arith.constant 1 : i32
        %add3A_249 = arith.addi %add3A_120, %add3A_248 : i32
        %dma_start3A_250 = arith.constant 0 : i32
        %dma_start3A_251 = arith.constant 0 : i32
        %dma_start3A_252 = arith.constant 0 : i32
        %dma_start3A_253 = tpu.memref_slice %arg10[%dma_start3A_251, %dma_start3A_252] : memref<400x64xf32, #tpu.memory_space<vmem>> -> memref<100x64xf32, #tpu.memory_space<vmem>>
        %dma_start3A_254 = arith.constant 0 : i32
        %dma_start3A_255 = tpu.memref_slice %arg8[%dma_start3A_250, %dma_start3A_254] : memref<4x100xi32, #tpu.memory_space<vmem>> -> memref<1x100xi32, #tpu.memory_space<vmem>>
        %dma_start3A_256 = tpu.memref_squeeze %dma_start3A_255 : memref<1x100xi32, #tpu.memory_space<vmem>> -> memref<100xi32, #tpu.memory_space<vmem>>
        %dma_start3A_257 = arith.constant 0 : i32
        %dma_start3A_258 = arith.constant 0 : i32
        %dma_start3A_259 = tpu.memref_slice %arg3[%dma_start3A_257, %dma_start3A_258] : memref<1000000x64xf32, #tpu.memory_space<hbm>> -> memref<1000000x64xf32, #tpu.memory_space<hbm>>
        tpu.enqueue_indirect_dma source(%dma_start3A_259 : memref<1000000x64xf32, #tpu.memory_space<hbm>>) target(%dma_start3A_253 : memref<100x64xf32, #tpu.memory_space<vmem>>) offsets(%dma_start3A_256 : memref<100xi32, #tpu.memory_space<vmem>>) semaphore(%arg17 : memref<!tpu.dma_semaphore, #tpu.memory_space<semaphore_mem>>)
        %dma_start3A_260 = arith.constant 1 : i32
        %dma_start3A_261 = arith.constant 100 : i32
        %dma_start3A_262 = arith.constant 0 : i32
        %dma_start3A_263 = tpu.memref_slice %arg10[%dma_start3A_261, %dma_start3A_262] : memref<400x64xf32, #tpu.memory_space<vmem>> -> memref<100x64xf32, #tpu.memory_space<vmem>>
        %dma_start3A_264 = arith.constant 0 : i32
        %dma_start3A_265 = tpu.memref_slice %arg8[%dma_start3A_260, %dma_start3A_264] : memref<4x100xi32, #tpu.memory_space<vmem>> -> memref<1x100xi32, #tpu.memory_space<vmem>>
        %dma_start3A_266 = tpu.memref_squeeze %dma_start3A_265 : memref<1x100xi32, #tpu.memory_space<vmem>> -> memref<100xi32, #tpu.memory_space<vmem>>
        %dma_start3A_267 = arith.constant 0 : i32
        %dma_start3A_268 = arith.constant 0 : i32
        %dma_start3A_269 = tpu.memref_slice %arg3[%dma_start3A_267, %dma_start3A_268] : memref<1000000x64xf32, #tpu.memory_space<hbm>> -> memref<1000000x64xf32, #tpu.memory_space<hbm>>
        tpu.enqueue_indirect_dma source(%dma_start3A_269 : memref<1000000x64xf32, #tpu.memory_space<hbm>>) target(%dma_start3A_263 : memref<100x64xf32, #tpu.memory_space<vmem>>) offsets(%dma_start3A_266 : memref<100xi32, #tpu.memory_space<vmem>>) semaphore(%arg17 : memref<!tpu.dma_semaphore, #tpu.memory_space<semaphore_mem>>)
        %dma_start3A_270 = arith.constant 2 : i32
        %dma_start3A_271 = arith.constant 200 : i32
        %dma_start3A_272 = arith.constant 0 : i32
        %dma_start3A_273 = tpu.memref_slice %arg10[%dma_start3A_271, %dma_start3A_272] : memref<400x64xf32, #tpu.memory_space<vmem>> -> memref<100x64xf32, #tpu.memory_space<vmem>>
        %dma_start3A_274 = arith.constant 0 : i32
        %dma_start3A_275 = tpu.memref_slice %arg8[%dma_start3A_270, %dma_start3A_274] : memref<4x100xi32, #tpu.memory_space<vmem>> -> memref<1x100xi32, #tpu.memory_space<vmem>>
        %dma_start3A_276 = tpu.memref_squeeze %dma_start3A_275 : memref<1x100xi32, #tpu.memory_space<vmem>> -> memref<100xi32, #tpu.memory_space<vmem>>
        %dma_start3A_277 = arith.constant 0 : i32
        %dma_start3A_278 = arith.constant 0 : i32
        %dma_start3A_279 = tpu.memref_slice %arg3[%dma_start3A_277, %dma_start3A_278] : memref<1000000x64xf32, #tpu.memory_space<hbm>> -> memref<1000000x64xf32, #tpu.memory_space<hbm>>
        tpu.enqueue_indirect_dma source(%dma_start3A_279 : memref<1000000x64xf32, #tpu.memory_space<hbm>>) target(%dma_start3A_273 : memref<100x64xf32, #tpu.memory_space<vmem>>) offsets(%dma_start3A_276 : memref<100xi32, #tpu.memory_space<vmem>>) semaphore(%arg17 : memref<!tpu.dma_semaphore, #tpu.memory_space<semaphore_mem>>)
        %dma_start3A_280 = arith.constant 3 : i32
        %dma_start3A_281 = arith.constant 300 : i32
        %dma_start3A_282 = arith.constant 0 : i32
        %dma_start3A_283 = tpu.memref_slice %arg10[%dma_start3A_281, %dma_start3A_282] : memref<400x64xf32, #tpu.memory_space<vmem>> -> memref<100x64xf32, #tpu.memory_space<vmem>>
        %dma_start3A_284 = arith.constant 0 : i32
        %dma_start3A_285 = tpu.memref_slice %arg8[%dma_start3A_280, %dma_start3A_284] : memref<4x100xi32, #tpu.memory_space<vmem>> -> memref<1x100xi32, #tpu.memory_space<vmem>>
        %dma_start3A_286 = tpu.memref_squeeze %dma_start3A_285 : memref<1x100xi32, #tpu.memory_space<vmem>> -> memref<100xi32, #tpu.memory_space<vmem>>
        %dma_start3A_287 = arith.constant 0 : i32
        %dma_start3A_288 = arith.constant 0 : i32
        %dma_start3A_289 = tpu.memref_slice %arg3[%dma_start3A_287, %dma_start3A_288] : memref<1000000x64xf32, #tpu.memory_space<hbm>> -> memref<1000000x64xf32, #tpu.memory_space<hbm>>
        tpu.enqueue_indirect_dma source(%dma_start3A_289 : memref<1000000x64xf32, #tpu.memory_space<hbm>>) target(%dma_start3A_283 : memref<100x64xf32, #tpu.memory_space<vmem>>) offsets(%dma_start3A_286 : memref<100xi32, #tpu.memory_space<vmem>>) semaphore(%arg17 : memref<!tpu.dma_semaphore, #tpu.memory_space<semaphore_mem>>)
      } else {
      }
      %dma_wait3A_135 = arith.constant 0 : i32
      %dma_wait3A_136 = arith.constant 0 : i32
      %dma_wait3A_137 = tpu.memref_slice %arg3[%dma_wait3A_135, %dma_wait3A_136] : memref<1000000x64xf32, #tpu.memory_space<hbm>> -> memref<400x64xf32, #tpu.memory_space<hbm>>
      %dma_wait3A_138 = arith.constant 0 : i32
      %dma_wait3A_139 = arith.constant 0 : i32
      %dma_wait3A_140 = tpu.memref_slice %arg3[%dma_wait3A_138, %dma_wait3A_139] : memref<1000000x64xf32, #tpu.memory_space<hbm>> -> memref<400x64xf32, #tpu.memory_space<hbm>>
      tpu.wait_dma2 semaphore(%arg18 : memref<!tpu.dma_semaphore, #tpu.memory_space<semaphore_mem>>) src(%dma_wait3A_140 : memref<400x64xf32, #tpu.memory_space<hbm>>) dst(%arg11 : memref<400x64xf32, #tpu.memory_space<vmem>>)
      %ge3A_141 = arith.constant 2 : i32
      %ge3A_142 = arith.cmpi sge, %add3A_120, %ge3A_141 : i32
      %convert_element_type3A_143 = arith.extui %ge3A_142 : i1 to i32
      %cond3A_144 = arith.constant 0 : i32
      %cond3A_145 = arith.cmpi ne, %convert_element_type3A_143, %cond3A_144 : i32
      scf.if %cond3A_145 {
        %dma_wait3A_240 = arith.constant 0 : i32
        %dma_wait3A_241 = arith.constant 0 : i32
        %dma_wait3A_242 = tpu.memref_slice %arg5[%dma_wait3A_240, %dma_wait3A_241] : memref<51200x1024xf32, #tpu.memory_space<hbm>> -> memref<25x1024xf32, #tpu.memory_space<hbm>>
        %dma_wait3A_243 = arith.constant 0 : i32
        %dma_wait3A_244 = arith.constant 0 : i32
        %dma_wait3A_245 = tpu.memref_slice %arg5[%dma_wait3A_243, %dma_wait3A_244] : memref<51200x1024xf32, #tpu.memory_space<hbm>> -> memref<25x1024xf32, #tpu.memory_space<hbm>>
        tpu.wait_dma2 semaphore(%arg20 : memref<!tpu.dma_semaphore, #tpu.memory_space<semaphore_mem>>) src(%arg13 : memref<25x1024xf32, #tpu.memory_space<vmem>>) dst(%dma_wait3A_245 : memref<25x1024xf32, #tpu.memory_space<hbm>>)
      } else {
      }
      %parallel_loop3A_146 = arith.constant 0 : i32
      %parallel_loop3A_147 = arith.constant 200 : i32
      %parallel_loop3A_148 = arith.constant 1 : i32
      scf.for %parallel_loop3A_240 = %parallel_loop3A_146 to %parallel_loop3A_147 step %parallel_loop3A_148  : i32 {
        %parallel_loop3A_241 = arith.index_cast %parallel_loop3A_240 : i32 to index
        %parallel_loop3A_242 = arith.constant 0 : index
        %parallel_loop3A_243 = tpu.vector_load %arg14[%parallel_loop3A_241, %parallel_loop3A_242] {strides = array<i32>} : memref<200x64xf32, #tpu.memory_space<vmem>>, vector<1x16xf32>,
        %parallel_loop3A_244 = vector.shape_cast %parallel_loop3A_243 : vector<1x16xf32> to vector<16xf32>
        %parallel_loop3A_245 = arith.constant 0 : i32
        %parallel_loop3A_246 = arith.addi %parallel_loop3A_245, %parallel_loop3A_240 : i32
        %parallel_loop3A_247 = arith.constant 64 : i32
        %parallel_loop3A_248 = arith.muli %parallel_loop3A_246, %parallel_loop3A_247 : i32
        %parallel_loop3A_249 = arith.constant 0 : i32
        %parallel_loop3A_250 = arith.addi %parallel_loop3A_248, %parallel_loop3A_249 : i32
        %parallel_loop3A_251 = arith.constant 0 : i32
        %parallel_loop3A_252 = arith.addi %parallel_loop3A_251, %parallel_loop3A_240 : i32
        %parallel_loop3A_253 = arith.index_cast %parallel_loop3A_252 : i32 to index
        %parallel_loop3A_254 = arith.constant 0 : index
        %parallel_loop3A_255 = tpu.vector_load %arg11[%parallel_loop3A_253, %parallel_loop3A_254] {strides = array<i32>} : memref<400x64xf32, #tpu.memory_space<vmem>>, vector<1x16xf32>,
        %parallel_loop3A_256 = vector.shape_cast %parallel_loop3A_255 : vector<1x16xf32> to vector<16xf32>
        %parallel_loop3A_257 = arith.addf %parallel_loop3A_256, %parallel_loop3A_244 : vector<16xf32>
        %parallel_loop3A_258 = arith.constant 1024 : i32
        %parallel_loop3A_259 = arith.divsi %parallel_loop3A_250, %parallel_loop3A_258 : i32
        %parallel_loop3A_260 = arith.constant 0 : i32
        %parallel_loop3A_261 = arith.cmpi sgt, %parallel_loop3A_250, %parallel_loop3A_260 : i32
        %parallel_loop3A_262 = arith.extui %parallel_loop3A_261 : i1 to i32
        %parallel_loop3A_263 = arith.constant 0 : i32
        %parallel_loop3A_264 = arith.cmpi slt, %parallel_loop3A_250, %parallel_loop3A_263 : i32
        %parallel_loop3A_265 = arith.extui %parallel_loop3A_264 : i1 to i32
        %parallel_loop3A_266 = arith.subi %parallel_loop3A_262, %parallel_loop3A_265 : i32
        %parallel_loop3A_267 = arith.constant 0 : i32
        %parallel_loop3A_268 = arith.cmpi sgt, %parallel_loop3A_258, %parallel_loop3A_267 : i32
        %parallel_loop3A_269 = arith.extui %parallel_loop3A_268 : i1 to i32
        %parallel_loop3A_270 = arith.constant 0 : i32
        %parallel_loop3A_271 = arith.cmpi slt, %parallel_loop3A_258, %parallel_loop3A_270 : i32
        %parallel_loop3A_272 = arith.extui %parallel_loop3A_271 : i1 to i32
        %parallel_loop3A_273 = arith.subi %parallel_loop3A_269, %parallel_loop3A_272 : i32
        %parallel_loop3A_274 = arith.cmpi ne, %parallel_loop3A_266, %parallel_loop3A_273 : i32
        %parallel_loop3A_275 = arith.remsi %parallel_loop3A_250, %parallel_loop3A_258 : i32
        %parallel_loop3A_276 = arith.constant 0 : i32
        %parallel_loop3A_277 = arith.cmpi ne, %parallel_loop3A_275, %parallel_loop3A_276 : i32
        %parallel_loop3A_278 = arith.andi %parallel_loop3A_274, %parallel_loop3A_277 : i1
        %parallel_loop3A_279 = arith.constant 1 : i32
        %parallel_loop3A_280 = arith.subi %parallel_loop3A_259, %parallel_loop3A_279 : i32
        %parallel_loop3A_281 = arith.select %parallel_loop3A_278, %parallel_loop3A_280, %parallel_loop3A_259 : i32
        %parallel_loop3A_282 = arith.constant 1024 : i32
        %parallel_loop3A_283 = arith.constant 0 : i32
        %parallel_loop3A_284 = arith.cmpi eq, %parallel_loop3A_282, %parallel_loop3A_283 : i32
        %parallel_loop3A_285 = arith.constant 1 : i32
        %parallel_loop3A_286 = arith.select %parallel_loop3A_284, %parallel_loop3A_285, %parallel_loop3A_282 : i32
        %parallel_loop3A_287 = arith.remsi %parallel_loop3A_250, %parallel_loop3A_286 : i32
        %parallel_loop3A_288 = arith.constant 0 : i32
        %parallel_loop3A_289 = arith.cmpi ne, %parallel_loop3A_287, %parallel_loop3A_288 : i32
        %parallel_loop3A_290 = arith.constant 0 : i32
        %parallel_loop3A_291 = arith.cmpi slt, %parallel_loop3A_287, %parallel_loop3A_290 : i32
        %parallel_loop3A_292 = arith.constant 0 : i32
        %parallel_loop3A_293 = arith.cmpi slt, %parallel_loop3A_286, %parallel_loop3A_292 : i32
        %parallel_loop3A_294 = arith.xori %parallel_loop3A_291, %parallel_loop3A_293 : i1
        %parallel_loop3A_295 = arith.andi %parallel_loop3A_294, %parallel_loop3A_289 : i1
        %parallel_loop3A_296 = arith.addi %parallel_loop3A_287, %parallel_loop3A_286 : i32
        %parallel_loop3A_297 = arith.select %parallel_loop3A_295, %parallel_loop3A_296, %parallel_loop3A_287 : i32
        %parallel_loop3A_298 = arith.index_cast %parallel_loop3A_281 : i32 to index
        %parallel_loop3A_299 = arith.index_cast %parallel_loop3A_297 : i32 to index
        %parallel_loop3A_300 = tpu.vector_load %arg13[%parallel_loop3A_298, %parallel_loop3A_299] {strides = array<i32>} : memref<25x1024xf32, #tpu.memory_space<vmem>>, vector<1x16xf32>,
        %parallel_loop3A_301 = vector.shape_cast %parallel_loop3A_300 : vector<1x16xf32> to vector<16xf32>
        %parallel_loop3A_302 = vector.shape_cast %parallel_loop3A_257 : vector<16xf32> to vector<1x16xf32>
        tpu.vector_store %arg13[%parallel_loop3A_298, %parallel_loop3A_299], %parallel_loop3A_302 {strides = array<i32>} : memref<25x1024xf32, #tpu.memory_space<vmem>>, vector<1x16xf32>,
        %parallel_loop3A_303 = arith.constant 200 : i32
        %parallel_loop3A_304 = arith.addi %parallel_loop3A_303, %parallel_loop3A_240 : i32
        %parallel_loop3A_305 = arith.constant 64 : i32
        %parallel_loop3A_306 = arith.muli %parallel_loop3A_304, %parallel_loop3A_305 : i32
        %parallel_loop3A_307 = arith.constant 0 : i32
        %parallel_loop3A_308 = arith.addi %parallel_loop3A_306, %parallel_loop3A_307 : i32
        %parallel_loop3A_309 = arith.constant 200 : i32
        %parallel_loop3A_310 = arith.addi %parallel_loop3A_309, %parallel_loop3A_240 : i32
        %parallel_loop3A_311 = arith.index_cast %parallel_loop3A_310 : i32 to index
        %parallel_loop3A_312 = arith.constant 0 : index
        %parallel_loop3A_313 = tpu.vector_load %arg11[%parallel_loop3A_311, %parallel_loop3A_312] {strides = array<i32>} : memref<400x64xf32, #tpu.memory_space<vmem>>, vector<1x16xf32>,
        %parallel_loop3A_314 = vector.shape_cast %parallel_loop3A_313 : vector<1x16xf32> to vector<16xf32>
        %parallel_loop3A_315 = arith.addf %parallel_loop3A_314, %parallel_loop3A_244 : vector<16xf32>
        %parallel_loop3A_316 = arith.constant 1024 : i32
        %parallel_loop3A_317 = arith.divsi %parallel_loop3A_308, %parallel_loop3A_316 : i32
        %parallel_loop3A_318 = arith.constant 0 : i32
        %parallel_loop3A_319 = arith.cmpi sgt, %parallel_loop3A_308, %parallel_loop3A_318 : i32
        %parallel_loop3A_320 = arith.extui %parallel_loop3A_319 : i1 to i32
        %parallel_loop3A_321 = arith.constant 0 : i32
        %parallel_loop3A_322 = arith.cmpi slt, %parallel_loop3A_308, %parallel_loop3A_321 : i32
        %parallel_loop3A_323 = arith.extui %parallel_loop3A_322 : i1 to i32
        %parallel_loop3A_324 = arith.subi %parallel_loop3A_320, %parallel_loop3A_323 : i32
        %parallel_loop3A_325 = arith.constant 0 : i32
        %parallel_loop3A_326 = arith.cmpi sgt, %parallel_loop3A_316, %parallel_loop3A_325 : i32
        %parallel_loop3A_327 = arith.extui %parallel_loop3A_326 : i1 to i32
        %parallel_loop3A_328 = arith.constant 0 : i32
        %parallel_loop3A_329 = arith.cmpi slt, %parallel_loop3A_316, %parallel_loop3A_328 : i32
        %parallel_loop3A_330 = arith.extui %parallel_loop3A_329 : i1 to i32
        %parallel_loop3A_331 = arith.subi %parallel_loop3A_327, %parallel_loop3A_330 : i32
        %parallel_loop3A_332 = arith.cmpi ne, %parallel_loop3A_324, %parallel_loop3A_331 : i32
        %parallel_loop3A_333 = arith.remsi %parallel_loop3A_308, %parallel_loop3A_316 : i32
        %parallel_loop3A_334 = arith.constant 0 : i32
        %parallel_loop3A_335 = arith.cmpi ne, %parallel_loop3A_333, %parallel_loop3A_334 : i32
        %parallel_loop3A_336 = arith.andi %parallel_loop3A_332, %parallel_loop3A_335 : i1
        %parallel_loop3A_337 = arith.constant 1 : i32
        %parallel_loop3A_338 = arith.subi %parallel_loop3A_317, %parallel_loop3A_337 : i32
        %parallel_loop3A_339 = arith.select %parallel_loop3A_336, %parallel_loop3A_338, %parallel_loop3A_317 : i32
        %parallel_loop3A_340 = arith.constant 1024 : i32
        %parallel_loop3A_341 = arith.constant 0 : i32
        %parallel_loop3A_342 = arith.cmpi eq, %parallel_loop3A_340, %parallel_loop3A_341 : i32
        %parallel_loop3A_343 = arith.constant 1 : i32
        %parallel_loop3A_344 = arith.select %parallel_loop3A_342, %parallel_loop3A_343, %parallel_loop3A_340 : i32
        %parallel_loop3A_345 = arith.remsi %parallel_loop3A_308, %parallel_loop3A_344 : i32
        %parallel_loop3A_346 = arith.constant 0 : i32
        %parallel_loop3A_347 = arith.cmpi ne, %parallel_loop3A_345, %parallel_loop3A_346 : i32
        %parallel_loop3A_348 = arith.constant 0 : i32
        %parallel_loop3A_349 = arith.cmpi slt, %parallel_loop3A_345, %parallel_loop3A_348 : i32
        %parallel_loop3A_350 = arith.constant 0 : i32
        %parallel_loop3A_351 = arith.cmpi slt, %parallel_loop3A_344, %parallel_loop3A_350 : i32
        %parallel_loop3A_352 = arith.xori %parallel_loop3A_349, %parallel_loop3A_351 : i1
        %parallel_loop3A_353 = arith.andi %parallel_loop3A_352, %parallel_loop3A_347 : i1
        %parallel_loop3A_354 = arith.addi %parallel_loop3A_345, %parallel_loop3A_344 : i32
        %parallel_loop3A_355 = arith.select %parallel_loop3A_353, %parallel_loop3A_354, %parallel_loop3A_345 : i32
        %parallel_loop3A_356 = arith.index_cast %parallel_loop3A_339 : i32 to index
        %parallel_loop3A_357 = arith.index_cast %parallel_loop3A_355 : i32 to index
        %parallel_loop3A_358 = tpu.vector_load %arg13[%parallel_loop3A_356, %parallel_loop3A_357] {strides = array<i32>} : memref<25x1024xf32, #tpu.memory_space<vmem>>, vector<1x16xf32>,
        %parallel_loop3A_359 = vector.shape_cast %parallel_loop3A_358 : vector<1x16xf32> to vector<16xf32>
        %parallel_loop3A_360 = vector.shape_cast %parallel_loop3A_315 : vector<16xf32> to vector<1x16xf32>
        tpu.vector_store %arg13[%parallel_loop3A_356, %parallel_loop3A_357], %parallel_loop3A_360 {strides = array<i32>} : memref<25x1024xf32, #tpu.memory_space<vmem>>, vector<1x16xf32>,
        %parallel_loop3A_361 = arith.index_cast %parallel_loop3A_240 : i32 to index
        %parallel_loop3A_362 = arith.constant 16 : index
        %parallel_loop3A_363 = tpu.vector_load %arg14[%parallel_loop3A_361, %parallel_loop3A_362] {strides = array<i32>} : memref<200x64xf32, #tpu.memory_space<vmem>>, vector<1x16xf32>,
        %parallel_loop3A_364 = vector.shape_cast %parallel_loop3A_363 : vector<1x16xf32> to vector<16xf32>
        %parallel_loop3A_365 = arith.constant 0 : i32
        %parallel_loop3A_366 = arith.addi %parallel_loop3A_365, %parallel_loop3A_240 : i32
        %parallel_loop3A_367 = arith.constant 64 : i32
        %parallel_loop3A_368 = arith.muli %parallel_loop3A_366, %parallel_loop3A_367 : i32
        %parallel_loop3A_369 = arith.constant 16 : i32
        %parallel_loop3A_370 = arith.addi %parallel_loop3A_368, %parallel_loop3A_369 : i32
        %parallel_loop3A_371 = arith.constant 0 : i32
        %parallel_loop3A_372 = arith.addi %parallel_loop3A_371, %parallel_loop3A_240 : i32
        %parallel_loop3A_373 = arith.index_cast %parallel_loop3A_372 : i32 to index
        %parallel_loop3A_374 = arith.constant 16 : index
        %parallel_loop3A_375 = tpu.vector_load %arg11[%parallel_loop3A_373, %parallel_loop3A_374] {strides = array<i32>} : memref<400x64xf32, #tpu.memory_space<vmem>>, vector<1x16xf32>,
        %parallel_loop3A_376 = vector.shape_cast %parallel_loop3A_375 : vector<1x16xf32> to vector<16xf32>
        %parallel_loop3A_377 = arith.addf %parallel_loop3A_376, %parallel_loop3A_364 : vector<16xf32>
        %parallel_loop3A_378 = arith.constant 1024 : i32
        %parallel_loop3A_379 = arith.divsi %parallel_loop3A_370, %parallel_loop3A_378 : i32
        %parallel_loop3A_380 = arith.constant 0 : i32
        %parallel_loop3A_381 = arith.cmpi sgt, %parallel_loop3A_370, %parallel_loop3A_380 : i32
        %parallel_loop3A_382 = arith.extui %parallel_loop3A_381 : i1 to i32
        %parallel_loop3A_383 = arith.constant 0 : i32
        %parallel_loop3A_384 = arith.cmpi slt, %parallel_loop3A_370, %parallel_loop3A_383 : i32
        %parallel_loop3A_385 = arith.extui %parallel_loop3A_384 : i1 to i32
        %parallel_loop3A_386 = arith.subi %parallel_loop3A_382, %parallel_loop3A_385 : i32
        %parallel_loop3A_387 = arith.constant 0 : i32
        %parallel_loop3A_388 = arith.cmpi sgt, %parallel_loop3A_378, %parallel_loop3A_387 : i32
        %parallel_loop3A_389 = arith.extui %parallel_loop3A_388 : i1 to i32
        %parallel_loop3A_390 = arith.constant 0 : i32
        %parallel_loop3A_391 = arith.cmpi slt, %parallel_loop3A_378, %parallel_loop3A_390 : i32
        %parallel_loop3A_392 = arith.extui %parallel_loop3A_391 : i1 to i32
        %parallel_loop3A_393 = arith.subi %parallel_loop3A_389, %parallel_loop3A_392 : i32
        %parallel_loop3A_394 = arith.cmpi ne, %parallel_loop3A_386, %parallel_loop3A_393 : i32
        %parallel_loop3A_395 = arith.remsi %parallel_loop3A_370, %parallel_loop3A_378 : i32
        %parallel_loop3A_396 = arith.constant 0 : i32
        %parallel_loop3A_397 = arith.cmpi ne, %parallel_loop3A_395, %parallel_loop3A_396 : i32
        %parallel_loop3A_398 = arith.andi %parallel_loop3A_394, %parallel_loop3A_397 : i1
        %parallel_loop3A_399 = arith.constant 1 : i32
        %parallel_loop3A_400 = arith.subi %parallel_loop3A_379, %parallel_loop3A_399 : i32
        %parallel_loop3A_401 = arith.select %parallel_loop3A_398, %parallel_loop3A_400, %parallel_loop3A_379 : i32
        %parallel_loop3A_402 = arith.constant 1024 : i32
        %parallel_loop3A_403 = arith.constant 0 : i32
        %parallel_loop3A_404 = arith.cmpi eq, %parallel_loop3A_402, %parallel_loop3A_403 : i32
        %parallel_loop3A_405 = arith.constant 1 : i32
        %parallel_loop3A_406 = arith.select %parallel_loop3A_404, %parallel_loop3A_405, %parallel_loop3A_402 : i32
        %parallel_loop3A_407 = arith.remsi %parallel_loop3A_370, %parallel_loop3A_406 : i32
        %parallel_loop3A_408 = arith.constant 0 : i32
        %parallel_loop3A_409 = arith.cmpi ne, %parallel_loop3A_407, %parallel_loop3A_408 : i32
        %parallel_loop3A_410 = arith.constant 0 : i32
        %parallel_loop3A_411 = arith.cmpi slt, %parallel_loop3A_407, %parallel_loop3A_410 : i32
        %parallel_loop3A_412 = arith.constant 0 : i32
        %parallel_loop3A_413 = arith.cmpi slt, %parallel_loop3A_406, %parallel_loop3A_412 : i32
        %parallel_loop3A_414 = arith.xori %parallel_loop3A_411, %parallel_loop3A_413 : i1
        %parallel_loop3A_415 = arith.andi %parallel_loop3A_414, %parallel_loop3A_409 : i1
        %parallel_loop3A_416 = arith.addi %parallel_loop3A_407, %parallel_loop3A_406 : i32
        %parallel_loop3A_417 = arith.select %parallel_loop3A_415, %parallel_loop3A_416, %parallel_loop3A_407 : i32
        %parallel_loop3A_418 = arith.index_cast %parallel_loop3A_401 : i32 to index
        %parallel_loop3A_419 = arith.index_cast %parallel_loop3A_417 : i32 to index
        %parallel_loop3A_420 = tpu.vector_load %arg13[%parallel_loop3A_418, %parallel_loop3A_419] {strides = array<i32>} : memref<25x1024xf32, #tpu.memory_space<vmem>>, vector<1x16xf32>,
        %parallel_loop3A_421 = vector.shape_cast %parallel_loop3A_420 : vector<1x16xf32> to vector<16xf32>
        %parallel_loop3A_422 = vector.shape_cast %parallel_loop3A_377 : vector<16xf32> to vector<1x16xf32>
        tpu.vector_store %arg13[%parallel_loop3A_418, %parallel_loop3A_419], %parallel_loop3A_422 {strides = array<i32>} : memref<25x1024xf32, #tpu.memory_space<vmem>>, vector<1x16xf32>,
        %parallel_loop3A_423 = arith.constant 200 : i32
        %parallel_loop3A_424 = arith.addi %parallel_loop3A_423, %parallel_loop3A_240 : i32
        %parallel_loop3A_425 = arith.constant 64 : i32
        %parallel_loop3A_426 = arith.muli %parallel_loop3A_424, %parallel_loop3A_425 : i32
        %parallel_loop3A_427 = arith.constant 16 : i32
        %parallel_loop3A_428 = arith.addi %parallel_loop3A_426, %parallel_loop3A_427 : i32
        %parallel_loop3A_429 = arith.constant 200 : i32
        %parallel_loop3A_430 = arith.addi %parallel_loop3A_429, %parallel_loop3A_240 : i32
        %parallel_loop3A_431 = arith.index_cast %parallel_loop3A_430 : i32 to index
        %parallel_loop3A_432 = arith.constant 16 : index
        %parallel_loop3A_433 = tpu.vector_load %arg11[%parallel_loop3A_431, %parallel_loop3A_432] {strides = array<i32>} : memref<400x64xf32, #tpu.memory_space<vmem>>, vector<1x16xf32>,
        %parallel_loop3A_434 = vector.shape_cast %parallel_loop3A_433 : vector<1x16xf32> to vector<16xf32>
        %parallel_loop3A_435 = arith.addf %parallel_loop3A_434, %parallel_loop3A_364 : vector<16xf32>
        %parallel_loop3A_436 = arith.constant 1024 : i32
        %parallel_loop3A_437 = arith.divsi %parallel_loop3A_428, %parallel_loop3A_436 : i32
        %parallel_loop3A_438 = arith.constant 0 : i32
        %parallel_loop3A_439 = arith.cmpi sgt, %parallel_loop3A_428, %parallel_loop3A_438 : i32
        %parallel_loop3A_440 = arith.extui %parallel_loop3A_439 : i1 to i32
        %parallel_loop3A_441 = arith.constant 0 : i32
        %parallel_loop3A_442 = arith.cmpi slt, %parallel_loop3A_428, %parallel_loop3A_441 : i32
        %parallel_loop3A_443 = arith.extui %parallel_loop3A_442 : i1 to i32
        %parallel_loop3A_444 = arith.subi %parallel_loop3A_440, %parallel_loop3A_443 : i32
        %parallel_loop3A_445 = arith.constant 0 : i32
        %parallel_loop3A_446 = arith.cmpi sgt, %parallel_loop3A_436, %parallel_loop3A_445 : i32
        %parallel_loop3A_447 = arith.extui %parallel_loop3A_446 : i1 to i32
        %parallel_loop3A_448 = arith.constant 0 : i32
        %parallel_loop3A_449 = arith.cmpi slt, %parallel_loop3A_436, %parallel_loop3A_448 : i32
        %parallel_loop3A_450 = arith.extui %parallel_loop3A_449 : i1 to i32
        %parallel_loop3A_451 = arith.subi %parallel_loop3A_447, %parallel_loop3A_450 : i32
        %parallel_loop3A_452 = arith.cmpi ne, %parallel_loop3A_444, %parallel_loop3A_451 : i32
        %parallel_loop3A_453 = arith.remsi %parallel_loop3A_428, %parallel_loop3A_436 : i32
        %parallel_loop3A_454 = arith.constant 0 : i32
        %parallel_loop3A_455 = arith.cmpi ne, %parallel_loop3A_453, %parallel_loop3A_454 : i32
        %parallel_loop3A_456 = arith.andi %parallel_loop3A_452, %parallel_loop3A_455 : i1
        %parallel_loop3A_457 = arith.constant 1 : i32
        %parallel_loop3A_458 = arith.subi %parallel_loop3A_437, %parallel_loop3A_457 : i32
        %parallel_loop3A_459 = arith.select %parallel_loop3A_456, %parallel_loop3A_458, %parallel_loop3A_437 : i32
        %parallel_loop3A_460 = arith.constant 1024 : i32
        %parallel_loop3A_461 = arith.constant 0 : i32
        %parallel_loop3A_462 = arith.cmpi eq, %parallel_loop3A_460, %parallel_loop3A_461 : i32
        %parallel_loop3A_463 = arith.constant 1 : i32
        %parallel_loop3A_464 = arith.select %parallel_loop3A_462, %parallel_loop3A_463, %parallel_loop3A_460 : i32
        %parallel_loop3A_465 = arith.remsi %parallel_loop3A_428, %parallel_loop3A_464 : i32
        %parallel_loop3A_466 = arith.constant 0 : i32
        %parallel_loop3A_467 = arith.cmpi ne, %parallel_loop3A_465, %parallel_loop3A_466 : i32
        %parallel_loop3A_468 = arith.constant 0 : i32
        %parallel_loop3A_469 = arith.cmpi slt, %parallel_loop3A_465, %parallel_loop3A_468 : i32
        %parallel_loop3A_470 = arith.constant 0 : i32
        %parallel_loop3A_471 = arith.cmpi slt, %parallel_loop3A_464, %parallel_loop3A_470 : i32
        %parallel_loop3A_472 = arith.xori %parallel_loop3A_469, %parallel_loop3A_471 : i1
        %parallel_loop3A_473 = arith.andi %parallel_loop3A_472, %parallel_loop3A_467 : i1
        %parallel_loop3A_474 = arith.addi %parallel_loop3A_465, %parallel_loop3A_464 : i32
        %parallel_loop3A_475 = arith.select %parallel_loop3A_473, %parallel_loop3A_474, %parallel_loop3A_465 : i32
        %parallel_loop3A_476 = arith.index_cast %parallel_loop3A_459 : i32 to index
        %parallel_loop3A_477 = arith.index_cast %parallel_loop3A_475 : i32 to index
        %parallel_loop3A_478 = tpu.vector_load %arg13[%parallel_loop3A_476, %parallel_loop3A_477] {strides = array<i32>} : memref<25x1024xf32, #tpu.memory_space<vmem>>, vector<1x16xf32>,
        %parallel_loop3A_479 = vector.shape_cast %parallel_loop3A_478 : vector<1x16xf32> to vector<16xf32>
        %parallel_loop3A_480 = vector.shape_cast %parallel_loop3A_435 : vector<16xf32> to vector<1x16xf32>
        tpu.vector_store %arg13[%parallel_loop3A_476, %parallel_loop3A_477], %parallel_loop3A_480 {strides = array<i32>} : memref<25x1024xf32, #tpu.memory_space<vmem>>, vector<1x16xf32>,
        %parallel_loop3A_481 = arith.index_cast %parallel_loop3A_240 : i32 to index
        %parallel_loop3A_482 = arith.constant 32 : index
        %parallel_loop3A_483 = tpu.vector_load %arg14[%parallel_loop3A_481, %parallel_loop3A_482] {strides = array<i32>} : memref<200x64xf32, #tpu.memory_space<vmem>>, vector<1x16xf32>,
        %parallel_loop3A_484 = vector.shape_cast %parallel_loop3A_483 : vector<1x16xf32> to vector<16xf32>
        %parallel_loop3A_485 = arith.constant 0 : i32
        %parallel_loop3A_486 = arith.addi %parallel_loop3A_485, %parallel_loop3A_240 : i32
        %parallel_loop3A_487 = arith.constant 64 : i32
        %parallel_loop3A_488 = arith.muli %parallel_loop3A_486, %parallel_loop3A_487 : i32
        %parallel_loop3A_489 = arith.constant 32 : i32
        %parallel_loop3A_490 = arith.addi %parallel_loop3A_488, %parallel_loop3A_489 : i32
        %parallel_loop3A_491 = arith.constant 0 : i32
        %parallel_loop3A_492 = arith.addi %parallel_loop3A_491, %parallel_loop3A_240 : i32
        %parallel_loop3A_493 = arith.index_cast %parallel_loop3A_492 : i32 to index
        %parallel_loop3A_494 = arith.constant 32 : index
        %parallel_loop3A_495 = tpu.vector_load %arg11[%parallel_loop3A_493, %parallel_loop3A_494] {strides = array<i32>} : memref<400x64xf32, #tpu.memory_space<vmem>>, vector<1x16xf32>,
        %parallel_loop3A_496 = vector.shape_cast %parallel_loop3A_495 : vector<1x16xf32> to vector<16xf32>
        %parallel_loop3A_497 = arith.addf %parallel_loop3A_496, %parallel_loop3A_484 : vector<16xf32>
        %parallel_loop3A_498 = arith.constant 1024 : i32
        %parallel_loop3A_499 = arith.divsi %parallel_loop3A_490, %parallel_loop3A_498 : i32
        %parallel_loop3A_500 = arith.constant 0 : i32
        %parallel_loop3A_501 = arith.cmpi sgt, %parallel_loop3A_490, %parallel_loop3A_500 : i32
        %parallel_loop3A_502 = arith.extui %parallel_loop3A_501 : i1 to i32
        %parallel_loop3A_503 = arith.constant 0 : i32
        %parallel_loop3A_504 = arith.cmpi slt, %parallel_loop3A_490, %parallel_loop3A_503 : i32
        %parallel_loop3A_505 = arith.extui %parallel_loop3A_504 : i1 to i32
        %parallel_loop3A_506 = arith.subi %parallel_loop3A_502, %parallel_loop3A_505 : i32
        %parallel_loop3A_507 = arith.constant 0 : i32
        %parallel_loop3A_508 = arith.cmpi sgt, %parallel_loop3A_498, %parallel_loop3A_507 : i32
        %parallel_loop3A_509 = arith.extui %parallel_loop3A_508 : i1 to i32
        %parallel_loop3A_510 = arith.constant 0 : i32
        %parallel_loop3A_511 = arith.cmpi slt, %parallel_loop3A_498, %parallel_loop3A_510 : i32
        %parallel_loop3A_512 = arith.extui %parallel_loop3A_511 : i1 to i32
        %parallel_loop3A_513 = arith.subi %parallel_loop3A_509, %parallel_loop3A_512 : i32
        %parallel_loop3A_514 = arith.cmpi ne, %parallel_loop3A_506, %parallel_loop3A_513 : i32
        %parallel_loop3A_515 = arith.remsi %parallel_loop3A_490, %parallel_loop3A_498 : i32
        %parallel_loop3A_516 = arith.constant 0 : i32
        %parallel_loop3A_517 = arith.cmpi ne, %parallel_loop3A_515, %parallel_loop3A_516 : i32
        %parallel_loop3A_518 = arith.andi %parallel_loop3A_514, %parallel_loop3A_517 : i1
        %parallel_loop3A_519 = arith.constant 1 : i32
        %parallel_loop3A_520 = arith.subi %parallel_loop3A_499, %parallel_loop3A_519 : i32
        %parallel_loop3A_521 = arith.select %parallel_loop3A_518, %parallel_loop3A_520, %parallel_loop3A_499 : i32
        %parallel_loop3A_522 = arith.constant 1024 : i32
        %parallel_loop3A_523 = arith.constant 0 : i32
        %parallel_loop3A_524 = arith.cmpi eq, %parallel_loop3A_522, %parallel_loop3A_523 : i32
        %parallel_loop3A_525 = arith.constant 1 : i32
        %parallel_loop3A_526 = arith.select %parallel_loop3A_524, %parallel_loop3A_525, %parallel_loop3A_522 : i32
        %parallel_loop3A_527 = arith.remsi %parallel_loop3A_490, %parallel_loop3A_526 : i32
        %parallel_loop3A_528 = arith.constant 0 : i32
        %parallel_loop3A_529 = arith.cmpi ne, %parallel_loop3A_527, %parallel_loop3A_528 : i32
        %parallel_loop3A_530 = arith.constant 0 : i32
        %parallel_loop3A_531 = arith.cmpi slt, %parallel_loop3A_527, %parallel_loop3A_530 : i32
        %parallel_loop3A_532 = arith.constant 0 : i32
        %parallel_loop3A_533 = arith.cmpi slt, %parallel_loop3A_526, %parallel_loop3A_532 : i32
        %parallel_loop3A_534 = arith.xori %parallel_loop3A_531, %parallel_loop3A_533 : i1
        %parallel_loop3A_535 = arith.andi %parallel_loop3A_534, %parallel_loop3A_529 : i1
        %parallel_loop3A_536 = arith.addi %parallel_loop3A_527, %parallel_loop3A_526 : i32
        %parallel_loop3A_537 = arith.select %parallel_loop3A_535, %parallel_loop3A_536, %parallel_loop3A_527 : i32
        %parallel_loop3A_538 = arith.index_cast %parallel_loop3A_521 : i32 to index
        %parallel_loop3A_539 = arith.index_cast %parallel_loop3A_537 : i32 to index
        %parallel_loop3A_540 = tpu.vector_load %arg13[%parallel_loop3A_538, %parallel_loop3A_539] {strides = array<i32>} : memref<25x1024xf32, #tpu.memory_space<vmem>>, vector<1x16xf32>,
        %parallel_loop3A_541 = vector.shape_cast %parallel_loop3A_540 : vector<1x16xf32> to vector<16xf32>
        %parallel_loop3A_542 = vector.shape_cast %parallel_loop3A_497 : vector<16xf32> to vector<1x16xf32>
        tpu.vector_store %arg13[%parallel_loop3A_538, %parallel_loop3A_539], %parallel_loop3A_542 {strides = array<i32>} : memref<25x1024xf32, #tpu.memory_space<vmem>>, vector<1x16xf32>,
        %parallel_loop3A_543 = arith.constant 200 : i32
        %parallel_loop3A_544 = arith.addi %parallel_loop3A_543, %parallel_loop3A_240 : i32
        %parallel_loop3A_545 = arith.constant 64 : i32
        %parallel_loop3A_546 = arith.muli %parallel_loop3A_544, %parallel_loop3A_545 : i32
        %parallel_loop3A_547 = arith.constant 32 : i32
        %parallel_loop3A_548 = arith.addi %parallel_loop3A_546, %parallel_loop3A_547 : i32
        %parallel_loop3A_549 = arith.constant 200 : i32
        %parallel_loop3A_550 = arith.addi %parallel_loop3A_549, %parallel_loop3A_240 : i32
        %parallel_loop3A_551 = arith.index_cast %parallel_loop3A_550 : i32 to index
        %parallel_loop3A_552 = arith.constant 32 : index
        %parallel_loop3A_553 = tpu.vector_load %arg11[%parallel_loop3A_551, %parallel_loop3A_552] {strides = array<i32>} : memref<400x64xf32, #tpu.memory_space<vmem>>, vector<1x16xf32>,
        %parallel_loop3A_554 = vector.shape_cast %parallel_loop3A_553 : vector<1x16xf32> to vector<16xf32>
        %parallel_loop3A_555 = arith.addf %parallel_loop3A_554, %parallel_loop3A_484 : vector<16xf32>
        %parallel_loop3A_556 = arith.constant 1024 : i32
        %parallel_loop3A_557 = arith.divsi %parallel_loop3A_548, %parallel_loop3A_556 : i32
        %parallel_loop3A_558 = arith.constant 0 : i32
        %parallel_loop3A_559 = arith.cmpi sgt, %parallel_loop3A_548, %parallel_loop3A_558 : i32
        %parallel_loop3A_560 = arith.extui %parallel_loop3A_559 : i1 to i32
        %parallel_loop3A_561 = arith.constant 0 : i32
        %parallel_loop3A_562 = arith.cmpi slt, %parallel_loop3A_548, %parallel_loop3A_561 : i32
        %parallel_loop3A_563 = arith.extui %parallel_loop3A_562 : i1 to i32
        %parallel_loop3A_564 = arith.subi %parallel_loop3A_560, %parallel_loop3A_563 : i32
        %parallel_loop3A_565 = arith.constant 0 : i32
        %parallel_loop3A_566 = arith.cmpi sgt, %parallel_loop3A_556, %parallel_loop3A_565 : i32
        %parallel_loop3A_567 = arith.extui %parallel_loop3A_566 : i1 to i32
        %parallel_loop3A_568 = arith.constant 0 : i32
        %parallel_loop3A_569 = arith.cmpi slt, %parallel_loop3A_556, %parallel_loop3A_568 : i32
        %parallel_loop3A_570 = arith.extui %parallel_loop3A_569 : i1 to i32
        %parallel_loop3A_571 = arith.subi %parallel_loop3A_567, %parallel_loop3A_570 : i32
        %parallel_loop3A_572 = arith.cmpi ne, %parallel_loop3A_564, %parallel_loop3A_571 : i32
        %parallel_loop3A_573 = arith.remsi %parallel_loop3A_548, %parallel_loop3A_556 : i32
        %parallel_loop3A_574 = arith.constant 0 : i32
        %parallel_loop3A_575 = arith.cmpi ne, %parallel_loop3A_573, %parallel_loop3A_574 : i32
        %parallel_loop3A_576 = arith.andi %parallel_loop3A_572, %parallel_loop3A_575 : i1
        %parallel_loop3A_577 = arith.constant 1 : i32
        %parallel_loop3A_578 = arith.subi %parallel_loop3A_557, %parallel_loop3A_577 : i32
        %parallel_loop3A_579 = arith.select %parallel_loop3A_576, %parallel_loop3A_578, %parallel_loop3A_557 : i32
        %parallel_loop3A_580 = arith.constant 1024 : i32
        %parallel_loop3A_581 = arith.constant 0 : i32
        %parallel_loop3A_582 = arith.cmpi eq, %parallel_loop3A_580, %parallel_loop3A_581 : i32
        %parallel_loop3A_583 = arith.constant 1 : i32
        %parallel_loop3A_584 = arith.select %parallel_loop3A_582, %parallel_loop3A_583, %parallel_loop3A_580 : i32
        %parallel_loop3A_585 = arith.remsi %parallel_loop3A_548, %parallel_loop3A_584 : i32
        %parallel_loop3A_586 = arith.constant 0 : i32
        %parallel_loop3A_587 = arith.cmpi ne, %parallel_loop3A_585, %parallel_loop3A_586 : i32
        %parallel_loop3A_588 = arith.constant 0 : i32
        %parallel_loop3A_589 = arith.cmpi slt, %parallel_loop3A_585, %parallel_loop3A_588 : i32
        %parallel_loop3A_590 = arith.constant 0 : i32
        %parallel_loop3A_591 = arith.cmpi slt, %parallel_loop3A_584, %parallel_loop3A_590 : i32
        %parallel_loop3A_592 = arith.xori %parallel_loop3A_589, %parallel_loop3A_591 : i1
        %parallel_loop3A_593 = arith.andi %parallel_loop3A_592, %parallel_loop3A_587 : i1
        %parallel_loop3A_594 = arith.addi %parallel_loop3A_585, %parallel_loop3A_584 : i32
        %parallel_loop3A_595 = arith.select %parallel_loop3A_593, %parallel_loop3A_594, %parallel_loop3A_585 : i32
        %parallel_loop3A_596 = arith.index_cast %parallel_loop3A_579 : i32 to index
        %parallel_loop3A_597 = arith.index_cast %parallel_loop3A_595 : i32 to index
        %parallel_loop3A_598 = tpu.vector_load %arg13[%parallel_loop3A_596, %parallel_loop3A_597] {strides = array<i32>} : memref<25x1024xf32, #tpu.memory_space<vmem>>, vector<1x16xf32>,
        %parallel_loop3A_599 = vector.shape_cast %parallel_loop3A_598 : vector<1x16xf32> to vector<16xf32>
        %parallel_loop3A_600 = vector.shape_cast %parallel_loop3A_555 : vector<16xf32> to vector<1x16xf32>
        tpu.vector_store %arg13[%parallel_loop3A_596, %parallel_loop3A_597], %parallel_loop3A_600 {strides = array<i32>} : memref<25x1024xf32, #tpu.memory_space<vmem>>, vector<1x16xf32>,
        %parallel_loop3A_601 = arith.index_cast %parallel_loop3A_240 : i32 to index
        %parallel_loop3A_602 = arith.constant 48 : index
        %parallel_loop3A_603 = tpu.vector_load %arg14[%parallel_loop3A_601, %parallel_loop3A_602] {strides = array<i32>} : memref<200x64xf32, #tpu.memory_space<vmem>>, vector<1x16xf32>,
        %parallel_loop3A_604 = vector.shape_cast %parallel_loop3A_603 : vector<1x16xf32> to vector<16xf32>
        %parallel_loop3A_605 = arith.constant 0 : i32
        %parallel_loop3A_606 = arith.addi %parallel_loop3A_605, %parallel_loop3A_240 : i32
        %parallel_loop3A_607 = arith.constant 64 : i32
        %parallel_loop3A_608 = arith.muli %parallel_loop3A_606, %parallel_loop3A_607 : i32
        %parallel_loop3A_609 = arith.constant 48 : i32
        %parallel_loop3A_610 = arith.addi %parallel_loop3A_608, %parallel_loop3A_609 : i32
        %parallel_loop3A_611 = arith.constant 0 : i32
        %parallel_loop3A_612 = arith.addi %parallel_loop3A_611, %parallel_loop3A_240 : i32
        %parallel_loop3A_613 = arith.index_cast %parallel_loop3A_612 : i32 to index
        %parallel_loop3A_614 = arith.constant 48 : index
        %parallel_loop3A_615 = tpu.vector_load %arg11[%parallel_loop3A_613, %parallel_loop3A_614] {strides = array<i32>} : memref<400x64xf32, #tpu.memory_space<vmem>>, vector<1x16xf32>,
        %parallel_loop3A_616 = vector.shape_cast %parallel_loop3A_615 : vector<1x16xf32> to vector<16xf32>
        %parallel_loop3A_617 = arith.addf %parallel_loop3A_616, %parallel_loop3A_604 : vector<16xf32>
        %parallel_loop3A_618 = arith.constant 1024 : i32
        %parallel_loop3A_619 = arith.divsi %parallel_loop3A_610, %parallel_loop3A_618 : i32
        %parallel_loop3A_620 = arith.constant 0 : i32
        %parallel_loop3A_621 = arith.cmpi sgt, %parallel_loop3A_610, %parallel_loop3A_620 : i32
        %parallel_loop3A_622 = arith.extui %parallel_loop3A_621 : i1 to i32
        %parallel_loop3A_623 = arith.constant 0 : i32
        %parallel_loop3A_624 = arith.cmpi slt, %parallel_loop3A_610, %parallel_loop3A_623 : i32
        %parallel_loop3A_625 = arith.extui %parallel_loop3A_624 : i1 to i32
        %parallel_loop3A_626 = arith.subi %parallel_loop3A_622, %parallel_loop3A_625 : i32
        %parallel_loop3A_627 = arith.constant 0 : i32
        %parallel_loop3A_628 = arith.cmpi sgt, %parallel_loop3A_618, %parallel_loop3A_627 : i32
        %parallel_loop3A_629 = arith.extui %parallel_loop3A_628 : i1 to i32
        %parallel_loop3A_630 = arith.constant 0 : i32
        %parallel_loop3A_631 = arith.cmpi slt, %parallel_loop3A_618, %parallel_loop3A_630 : i32
        %parallel_loop3A_632 = arith.extui %parallel_loop3A_631 : i1 to i32
        %parallel_loop3A_633 = arith.subi %parallel_loop3A_629, %parallel_loop3A_632 : i32
        %parallel_loop3A_634 = arith.cmpi ne, %parallel_loop3A_626, %parallel_loop3A_633 : i32
        %parallel_loop3A_635 = arith.remsi %parallel_loop3A_610, %parallel_loop3A_618 : i32
        %parallel_loop3A_636 = arith.constant 0 : i32
        %parallel_loop3A_637 = arith.cmpi ne, %parallel_loop3A_635, %parallel_loop3A_636 : i32
        %parallel_loop3A_638 = arith.andi %parallel_loop3A_634, %parallel_loop3A_637 : i1
        %parallel_loop3A_639 = arith.constant 1 : i32
        %parallel_loop3A_640 = arith.subi %parallel_loop3A_619, %parallel_loop3A_639 : i32
        %parallel_loop3A_641 = arith.select %parallel_loop3A_638, %parallel_loop3A_640, %parallel_loop3A_619 : i32
        %parallel_loop3A_642 = arith.constant 1024 : i32
        %parallel_loop3A_643 = arith.constant 0 : i32
        %parallel_loop3A_644 = arith.cmpi eq, %parallel_loop3A_642, %parallel_loop3A_643 : i32
        %parallel_loop3A_645 = arith.constant 1 : i32
        %parallel_loop3A_646 = arith.select %parallel_loop3A_644, %parallel_loop3A_645, %parallel_loop3A_642 : i32
        %parallel_loop3A_647 = arith.remsi %parallel_loop3A_610, %parallel_loop3A_646 : i32
        %parallel_loop3A_648 = arith.constant 0 : i32
        %parallel_loop3A_649 = arith.cmpi ne, %parallel_loop3A_647, %parallel_loop3A_648 : i32
        %parallel_loop3A_650 = arith.constant 0 : i32
        %parallel_loop3A_651 = arith.cmpi slt, %parallel_loop3A_647, %parallel_loop3A_650 : i32
        %parallel_loop3A_652 = arith.constant 0 : i32
        %parallel_loop3A_653 = arith.cmpi slt, %parallel_loop3A_646, %parallel_loop3A_652 : i32
        %parallel_loop3A_654 = arith.xori %parallel_loop3A_651, %parallel_loop3A_653 : i1
        %parallel_loop3A_655 = arith.andi %parallel_loop3A_654, %parallel_loop3A_649 : i1
        %parallel_loop3A_656 = arith.addi %parallel_loop3A_647, %parallel_loop3A_646 : i32
        %parallel_loop3A_657 = arith.select %parallel_loop3A_655, %parallel_loop3A_656, %parallel_loop3A_647 : i32
        %parallel_loop3A_658 = arith.index_cast %parallel_loop3A_641 : i32 to index
        %parallel_loop3A_659 = arith.index_cast %parallel_loop3A_657 : i32 to index
        %parallel_loop3A_660 = tpu.vector_load %arg13[%parallel_loop3A_658, %parallel_loop3A_659] {strides = array<i32>} : memref<25x1024xf32, #tpu.memory_space<vmem>>, vector<1x16xf32>,
        %parallel_loop3A_661 = vector.shape_cast %parallel_loop3A_660 : vector<1x16xf32> to vector<16xf32>
        %parallel_loop3A_662 = vector.shape_cast %parallel_loop3A_617 : vector<16xf32> to vector<1x16xf32>
        tpu.vector_store %arg13[%parallel_loop3A_658, %parallel_loop3A_659], %parallel_loop3A_662 {strides = array<i32>} : memref<25x1024xf32, #tpu.memory_space<vmem>>, vector<1x16xf32>,
        %parallel_loop3A_663 = arith.constant 200 : i32
        %parallel_loop3A_664 = arith.addi %parallel_loop3A_663, %parallel_loop3A_240 : i32
        %parallel_loop3A_665 = arith.constant 64 : i32
        %parallel_loop3A_666 = arith.muli %parallel_loop3A_664, %parallel_loop3A_665 : i32
        %parallel_loop3A_667 = arith.constant 48 : i32
        %parallel_loop3A_668 = arith.addi %parallel_loop3A_666, %parallel_loop3A_667 : i32
        %parallel_loop3A_669 = arith.constant 200 : i32
        %parallel_loop3A_670 = arith.addi %parallel_loop3A_669, %parallel_loop3A_240 : i32
        %parallel_loop3A_671 = arith.index_cast %parallel_loop3A_670 : i32 to index
        %parallel_loop3A_672 = arith.constant 48 : index
        %parallel_loop3A_673 = tpu.vector_load %arg11[%parallel_loop3A_671, %parallel_loop3A_672] {strides = array<i32>} : memref<400x64xf32, #tpu.memory_space<vmem>>, vector<1x16xf32>,
        %parallel_loop3A_674 = vector.shape_cast %parallel_loop3A_673 : vector<1x16xf32> to vector<16xf32>
        %parallel_loop3A_675 = arith.addf %parallel_loop3A_674, %parallel_loop3A_604 : vector<16xf32>
        %parallel_loop3A_676 = arith.constant 1024 : i32
        %parallel_loop3A_677 = arith.divsi %parallel_loop3A_668, %parallel_loop3A_676 : i32
        %parallel_loop3A_678 = arith.constant 0 : i32
        %parallel_loop3A_679 = arith.cmpi sgt, %parallel_loop3A_668, %parallel_loop3A_678 : i32
        %parallel_loop3A_680 = arith.extui %parallel_loop3A_679 : i1 to i32
        %parallel_loop3A_681 = arith.constant 0 : i32
        %parallel_loop3A_682 = arith.cmpi slt, %parallel_loop3A_668, %parallel_loop3A_681 : i32
        %parallel_loop3A_683 = arith.extui %parallel_loop3A_682 : i1 to i32
        %parallel_loop3A_684 = arith.subi %parallel_loop3A_680, %parallel_loop3A_683 : i32
        %parallel_loop3A_685 = arith.constant 0 : i32
        %parallel_loop3A_686 = arith.cmpi sgt, %parallel_loop3A_676, %parallel_loop3A_685 : i32
        %parallel_loop3A_687 = arith.extui %parallel_loop3A_686 : i1 to i32
        %parallel_loop3A_688 = arith.constant 0 : i32
        %parallel_loop3A_689 = arith.cmpi slt, %parallel_loop3A_676, %parallel_loop3A_688 : i32
        %parallel_loop3A_690 = arith.extui %parallel_loop3A_689 : i1 to i32
        %parallel_loop3A_691 = arith.subi %parallel_loop3A_687, %parallel_loop3A_690 : i32
        %parallel_loop3A_692 = arith.cmpi ne, %parallel_loop3A_684, %parallel_loop3A_691 : i32
        %parallel_loop3A_693 = arith.remsi %parallel_loop3A_668, %parallel_loop3A_676 : i32
        %parallel_loop3A_694 = arith.constant 0 : i32
        %parallel_loop3A_695 = arith.cmpi ne, %parallel_loop3A_693, %parallel_loop3A_694 : i32
        %parallel_loop3A_696 = arith.andi %parallel_loop3A_692, %parallel_loop3A_695 : i1
        %parallel_loop3A_697 = arith.constant 1 : i32
        %parallel_loop3A_698 = arith.subi %parallel_loop3A_677, %parallel_loop3A_697 : i32
        %parallel_loop3A_699 = arith.select %parallel_loop3A_696, %parallel_loop3A_698, %parallel_loop3A_677 : i32
        %parallel_loop3A_700 = arith.constant 1024 : i32
        %parallel_loop3A_701 = arith.constant 0 : i32
        %parallel_loop3A_702 = arith.cmpi eq, %parallel_loop3A_700, %parallel_loop3A_701 : i32
        %parallel_loop3A_703 = arith.constant 1 : i32
        %parallel_loop3A_704 = arith.select %parallel_loop3A_702, %parallel_loop3A_703, %parallel_loop3A_700 : i32
        %parallel_loop3A_705 = arith.remsi %parallel_loop3A_668, %parallel_loop3A_704 : i32
        %parallel_loop3A_706 = arith.constant 0 : i32
        %parallel_loop3A_707 = arith.cmpi ne, %parallel_loop3A_705, %parallel_loop3A_706 : i32
        %parallel_loop3A_708 = arith.constant 0 : i32
        %parallel_loop3A_709 = arith.cmpi slt, %parallel_loop3A_705, %parallel_loop3A_708 : i32
        %parallel_loop3A_710 = arith.constant 0 : i32
        %parallel_loop3A_711 = arith.cmpi slt, %parallel_loop3A_704, %parallel_loop3A_710 : i32
        %parallel_loop3A_712 = arith.xori %parallel_loop3A_709, %parallel_loop3A_711 : i1
        %parallel_loop3A_713 = arith.andi %parallel_loop3A_712, %parallel_loop3A_707 : i1
        %parallel_loop3A_714 = arith.addi %parallel_loop3A_705, %parallel_loop3A_704 : i32
        %parallel_loop3A_715 = arith.select %parallel_loop3A_713, %parallel_loop3A_714, %parallel_loop3A_705 : i32
        %parallel_loop3A_716 = arith.index_cast %parallel_loop3A_699 : i32 to index
        %parallel_loop3A_717 = arith.index_cast %parallel_loop3A_715 : i32 to index
        %parallel_loop3A_718 = tpu.vector_load %arg13[%parallel_loop3A_716, %parallel_loop3A_717] {strides = array<i32>} : memref<25x1024xf32, #tpu.memory_space<vmem>>, vector<1x16xf32>,
        %parallel_loop3A_719 = vector.shape_cast %parallel_loop3A_718 : vector<1x16xf32> to vector<16xf32>
        %parallel_loop3A_720 = vector.shape_cast %parallel_loop3A_675 : vector<16xf32> to vector<1x16xf32>
        tpu.vector_store %arg13[%parallel_loop3A_716, %parallel_loop3A_717], %parallel_loop3A_720 {strides = array<i32>} : memref<25x1024xf32, #tpu.memory_space<vmem>>, vector<1x16xf32>,
      } {sc.loop_unroll_factor = 2 : i64, sc.parallel_access}
      %mul3A_149 = arith.constant 64 : i32
      %mul3A_150 = arith.muli %add3A, %mul3A_149 : i32
      %add3A_151 = arith.addi %mul3A_150, %add3A_120 : i32
      %mul3A_152 = arith.constant 25 : i32
      %mul3A_153 = arith.muli %add3A_151, %mul3A_152 : i32
      %dma_start3A_154 = arith.constant 0 : i32
      %dma_start3A_155 = tpu.memref_slice %arg5[%mul3A_153, %dma_start3A_154] : memref<51200x1024xf32, #tpu.memory_space<hbm>> -> memref<25x1024xf32, #tpu.memory_space<hbm>>
      %dma_start3A_156 = arith.constant 0 : i32
      %dma_start3A_157 = tpu.memref_slice %arg5[%mul3A_153, %dma_start3A_156] : memref<51200x1024xf32, #tpu.memory_space<hbm>> -> memref<25x1024xf32, #tpu.memory_space<hbm>>
      tpu.enqueue_dma source(%arg13 : memref<25x1024xf32, #tpu.memory_space<vmem>>) target(%dma_start3A_157 : memref<25x1024xf32, #tpu.memory_space<hbm>>) target_semaphore(%arg20 : memref<!tpu.dma_semaphore, #tpu.memory_space<semaphore_mem>>)
      %mul3A_158 = arith.constant 4 : i32
      %mul3A_159 = arith.muli %mul3A_158, %scan3A_80 : i32
      %add3A_160 = arith.constant 2 : i32
      %add3A_161 = arith.addi %mul3A_159, %add3A_160 : i32
      %add3A_162 = arith.constant 2 : i32
      %add3A_163 = arith.addi %add3A_161, %add3A_162 : i32
      %lt3A_164 = arith.constant 64 : i32
      %lt3A_165 = arith.cmpi slt, %add3A_163, %lt3A_164 : i32
      %convert_element_type3A_166 = arith.extui %lt3A_165 : i1 to i32
      %cond3A_167 = arith.constant 0 : i32
      %cond3A_168 = arith.cmpi ne, %convert_element_type3A_166, %cond3A_167 : i32
      scf.if %cond3A_168 {
        %add3A_240 = arith.constant 2 : i32
        %add3A_241 = arith.addi %add3A_161, %add3A_240 : i32
        %mul3A_242 = arith.constant 4 : i32
        %mul3A_243 = arith.muli %add3A_241, %mul3A_242 : i32
        %dma_start3A_244 = arith.constant 0 : i32
        %dma_start3A_245 = tpu.memref_slice %arg2[%add3A, %mul3A_243, %dma_start3A_244] : memref<32x256x100xi32, #tpu.memory_space<hbm>> -> memref<1x4x100xi32, #tpu.memory_space<hbm>>
        %dma_start3A_246 = tpu.memref_squeeze %dma_start3A_245 : memref<1x4x100xi32, #tpu.memory_space<hbm>> -> memref<4x100xi32, #tpu.memory_space<hbm>>
        %dma_start3A_247 = arith.constant 0 : i32
        %dma_start3A_248 = tpu.memref_slice %arg2[%add3A, %mul3A_243, %dma_start3A_247] : memref<32x256x100xi32, #tpu.memory_space<hbm>> -> memref<1x4x100xi32, #tpu.memory_space<hbm>>
        %dma_start3A_249 = tpu.memref_squeeze %dma_start3A_248 : memref<1x4x100xi32, #tpu.memory_space<hbm>> -> memref<4x100xi32, #tpu.memory_space<hbm>>
        tpu.enqueue_dma source(%dma_start3A_249 : memref<4x100xi32, #tpu.memory_space<hbm>>) target(%arg6 : memref<4x100xi32, #tpu.memory_space<vmem>>) target_semaphore(%arg15 : memref<!tpu.dma_semaphore, #tpu.memory_space<semaphore_mem>>)
      } else {
      }
      %add3A_169 = arith.constant 1 : i32
      %add3A_170 = arith.addi %add3A_161, %add3A_169 : i32
      %lt3A_171 = arith.constant 64 : i32
      %lt3A_172 = arith.cmpi slt, %add3A_170, %lt3A_171 : i32
      %convert_element_type3A_173 = arith.extui %lt3A_172 : i1 to i32
      %cond3A_174 = arith.constant 0 : i32
      %cond3A_175 = arith.cmpi ne, %convert_element_type3A_173, %cond3A_174 : i32
      scf.if %cond3A_175 {
        %dma_wait3A_240 = arith.constant 0 : i32
        %dma_wait3A_241 = arith.constant 0 : i32
        %dma_wait3A_242 = tpu.memref_slice %arg2[%add3A, %dma_wait3A_240, %dma_wait3A_241] : memref<32x256x100xi32, #tpu.memory_space<hbm>> -> memref<1x4x100xi32, #tpu.memory_space<hbm>>
        %dma_wait3A_243 = tpu.memref_squeeze %dma_wait3A_242 : memref<1x4x100xi32, #tpu.memory_space<hbm>> -> memref<4x100xi32, #tpu.memory_space<hbm>>
        %dma_wait3A_244 = arith.constant 0 : i32
        %dma_wait3A_245 = arith.constant 0 : i32
        %dma_wait3A_246 = tpu.memref_slice %arg2[%add3A, %dma_wait3A_244, %dma_wait3A_245] : memref<32x256x100xi32, #tpu.memory_space<hbm>> -> memref<1x4x100xi32, #tpu.memory_space<hbm>>
        %dma_wait3A_247 = tpu.memref_squeeze %dma_wait3A_246 : memref<1x4x100xi32, #tpu.memory_space<hbm>> -> memref<4x100xi32, #tpu.memory_space<hbm>>
        tpu.wait_dma2 semaphore(%arg16 : memref<!tpu.dma_semaphore, #tpu.memory_space<semaphore_mem>>) src(%dma_wait3A_247 : memref<4x100xi32, #tpu.memory_space<hbm>>) dst(%arg9 : memref<4x100xi32, #tpu.memory_space<vmem>>)
        %add3A_248 = arith.constant 1 : i32
        %add3A_249 = arith.addi %add3A_161, %add3A_248 : i32
        %dma_start3A_250 = arith.constant 0 : i32
        %dma_start3A_251 = arith.constant 0 : i32
        %dma_start3A_252 = arith.constant 0 : i32
        %dma_start3A_253 = tpu.memref_slice %arg11[%dma_start3A_251, %dma_start3A_252] : memref<400x64xf32, #tpu.memory_space<vmem>> -> memref<100x64xf32, #tpu.memory_space<vmem>>
        %dma_start3A_254 = arith.constant 0 : i32
        %dma_start3A_255 = tpu.memref_slice %arg9[%dma_start3A_250, %dma_start3A_254] : memref<4x100xi32, #tpu.memory_space<vmem>> -> memref<1x100xi32, #tpu.memory_space<vmem>>
        %dma_start3A_256 = tpu.memref_squeeze %dma_start3A_255 : memref<1x100xi32, #tpu.memory_space<vmem>> -> memref<100xi32, #tpu.memory_space<vmem>>
        %dma_start3A_257 = arith.constant 0 : i32
        %dma_start3A_258 = arith.constant 0 : i32
        %dma_start3A_259 = tpu.memref_slice %arg3[%dma_start3A_257, %dma_start3A_258] : memref<1000000x64xf32, #tpu.memory_space<hbm>> -> memref<1000000x64xf32, #tpu.memory_space<hbm>>
        tpu.enqueue_indirect_dma source(%dma_start3A_259 : memref<1000000x64xf32, #tpu.memory_space<hbm>>) target(%dma_start3A_253 : memref<100x64xf32, #tpu.memory_space<vmem>>) offsets(%dma_start3A_256 : memref<100xi32, #tpu.memory_space<vmem>>) semaphore(%arg18 : memref<!tpu.dma_semaphore, #tpu.memory_space<semaphore_mem>>)
        %dma_start3A_260 = arith.constant 1 : i32
        %dma_start3A_261 = arith.constant 100 : i32
        %dma_start3A_262 = arith.constant 0 : i32
        %dma_start3A_263 = tpu.memref_slice %arg11[%dma_start3A_261, %dma_start3A_262] : memref<400x64xf32, #tpu.memory_space<vmem>> -> memref<100x64xf32, #tpu.memory_space<vmem>>
        %dma_start3A_264 = arith.constant 0 : i32
        %dma_start3A_265 = tpu.memref_slice %arg9[%dma_start3A_260, %dma_start3A_264] : memref<4x100xi32, #tpu.memory_space<vmem>> -> memref<1x100xi32, #tpu.memory_space<vmem>>
        %dma_start3A_266 = tpu.memref_squeeze %dma_start3A_265 : memref<1x100xi32, #tpu.memory_space<vmem>> -> memref<100xi32, #tpu.memory_space<vmem>>
        %dma_start3A_267 = arith.constant 0 : i32
        %dma_start3A_268 = arith.constant 0 : i32
        %dma_start3A_269 = tpu.memref_slice %arg3[%dma_start3A_267, %dma_start3A_268] : memref<1000000x64xf32, #tpu.memory_space<hbm>> -> memref<1000000x64xf32, #tpu.memory_space<hbm>>
        tpu.enqueue_indirect_dma source(%dma_start3A_269 : memref<1000000x64xf32, #tpu.memory_space<hbm>>) target(%dma_start3A_263 : memref<100x64xf32, #tpu.memory_space<vmem>>) offsets(%dma_start3A_266 : memref<100xi32, #tpu.memory_space<vmem>>) semaphore(%arg18 : memref<!tpu.dma_semaphore, #tpu.memory_space<semaphore_mem>>)
        %dma_start3A_270 = arith.constant 2 : i32
        %dma_start3A_271 = arith.constant 200 : i32
        %dma_start3A_272 = arith.constant 0 : i32
        %dma_start3A_273 = tpu.memref_slice %arg11[%dma_start3A_271, %dma_start3A_272] : memref<400x64xf32, #tpu.memory_space<vmem>> -> memref<100x64xf32, #tpu.memory_space<vmem>>
        %dma_start3A_274 = arith.constant 0 : i32
        %dma_start3A_275 = tpu.memref_slice %arg9[%dma_start3A_270, %dma_start3A_274] : memref<4x100xi32, #tpu.memory_space<vmem>> -> memref<1x100xi32, #tpu.memory_space<vmem>>
        %dma_start3A_276 = tpu.memref_squeeze %dma_start3A_275 : memref<1x100xi32, #tpu.memory_space<vmem>> -> memref<100xi32, #tpu.memory_space<vmem>>
        %dma_start3A_277 = arith.constant 0 : i32
        %dma_start3A_278 = arith.constant 0 : i32
        %dma_start3A_279 = tpu.memref_slice %arg3[%dma_start3A_277, %dma_start3A_278] : memref<1000000x64xf32, #tpu.memory_space<hbm>> -> memref<1000000x64xf32, #tpu.memory_space<hbm>>
        tpu.enqueue_indirect_dma source(%dma_start3A_279 : memref<1000000x64xf32, #tpu.memory_space<hbm>>) target(%dma_start3A_273 : memref<100x64xf32, #tpu.memory_space<vmem>>) offsets(%dma_start3A_276 : memref<100xi32, #tpu.memory_space<vmem>>) semaphore(%arg18 : memref<!tpu.dma_semaphore, #tpu.memory_space<semaphore_mem>>)
        %dma_start3A_280 = arith.constant 3 : i32
        %dma_start3A_281 = arith.constant 300 : i32
        %dma_start3A_282 = arith.constant 0 : i32
        %dma_start3A_283 = tpu.memref_slice %arg11[%dma_start3A_281, %dma_start3A_282] : memref<400x64xf32, #tpu.memory_space<vmem>> -> memref<100x64xf32, #tpu.memory_space<vmem>>
        %dma_start3A_284 = arith.constant 0 : i32
        %dma_start3A_285 = tpu.memref_slice %arg9[%dma_start3A_280, %dma_start3A_284] : memref<4x100xi32, #tpu.memory_space<vmem>> -> memref<1x100xi32, #tpu.memory_space<vmem>>
        %dma_start3A_286 = tpu.memref_squeeze %dma_start3A_285 : memref<1x100xi32, #tpu.memory_space<vmem>> -> memref<100xi32, #tpu.memory_space<vmem>>
        %dma_start3A_287 = arith.constant 0 : i32
        %dma_start3A_288 = arith.constant 0 : i32
        %dma_start3A_289 = tpu.memref_slice %arg3[%dma_start3A_287, %dma_start3A_288] : memref<1000000x64xf32, #tpu.memory_space<hbm>> -> memref<1000000x64xf32, #tpu.memory_space<hbm>>
        tpu.enqueue_indirect_dma source(%dma_start3A_289 : memref<1000000x64xf32, #tpu.memory_space<hbm>>) target(%dma_start3A_283 : memref<100x64xf32, #tpu.memory_space<vmem>>) offsets(%dma_start3A_286 : memref<100xi32, #tpu.memory_space<vmem>>) semaphore(%arg18 : memref<!tpu.dma_semaphore, #tpu.memory_space<semaphore_mem>>)
      } else {
      }
      %dma_wait3A_176 = arith.constant 0 : i32
      %dma_wait3A_177 = arith.constant 0 : i32
      %dma_wait3A_178 = tpu.memref_slice %arg3[%dma_wait3A_176, %dma_wait3A_177] : memref<1000000x64xf32, #tpu.memory_space<hbm>> -> memref<400x64xf32, #tpu.memory_space<hbm>>
      %dma_wait3A_179 = arith.constant 0 : i32
      %dma_wait3A_180 = arith.constant 0 : i32
      %dma_wait3A_181 = tpu.memref_slice %arg3[%dma_wait3A_179, %dma_wait3A_180] : memref<1000000x64xf32, #tpu.memory_space<hbm>> -> memref<400x64xf32, #tpu.memory_space<hbm>>
      tpu.wait_dma2 semaphore(%arg17 : memref<!tpu.dma_semaphore, #tpu.memory_space<semaphore_mem>>) src(%dma_wait3A_181 : memref<400x64xf32, #tpu.memory_space<hbm>>) dst(%arg10 : memref<400x64xf32, #tpu.memory_space<vmem>>)
      %ge3A_182 = arith.constant 2 : i32
      %ge3A_183 = arith.cmpi sge, %add3A_161, %ge3A_182 : i32
      %convert_element_type3A_184 = arith.extui %ge3A_183 : i1 to i32
      %cond3A_185 = arith.constant 0 : i32
      %cond3A_186 = arith.cmpi ne, %convert_element_type3A_184, %cond3A_185 : i32
      scf.if %cond3A_186 {
        %dma_wait3A_240 = arith.constant 0 : i32
        %dma_wait3A_241 = arith.constant 0 : i32
        %dma_wait3A_242 = tpu.memref_slice %arg5[%dma_wait3A_240, %dma_wait3A_241] : memref<51200x1024xf32, #tpu.memory_space<hbm>> -> memref<25x1024xf32, #tpu.memory_space<hbm>>
        %dma_wait3A_243 = arith.constant 0 : i32
        %dma_wait3A_244 = arith.constant 0 : i32
        %dma_wait3A_245 = tpu.memref_slice %arg5[%dma_wait3A_243, %dma_wait3A_244] : memref<51200x1024xf32, #tpu.memory_space<hbm>> -> memref<25x1024xf32, #tpu.memory_space<hbm>>
        tpu.wait_dma2 semaphore(%arg19 : memref<!tpu.dma_semaphore, #tpu.memory_space<semaphore_mem>>) src(%arg12 : memref<25x1024xf32, #tpu.memory_space<vmem>>) dst(%dma_wait3A_245 : memref<25x1024xf32, #tpu.memory_space<hbm>>)
      } else {
      }
      %parallel_loop3A_187 = arith.constant 0 : i32
      %parallel_loop3A_188 = arith.constant 200 : i32
      %parallel_loop3A_189 = arith.constant 1 : i32
      scf.for %parallel_loop3A_240 = %parallel_loop3A_187 to %parallel_loop3A_188 step %parallel_loop3A_189  : i32 {
        %parallel_loop3A_241 = arith.index_cast %parallel_loop3A_240 : i32 to index
        %parallel_loop3A_242 = arith.constant 0 : index
        %parallel_loop3A_243 = tpu.vector_load %arg14[%parallel_loop3A_241, %parallel_loop3A_242] {strides = array<i32>} : memref<200x64xf32, #tpu.memory_space<vmem>>, vector<1x16xf32>,
        %parallel_loop3A_244 = vector.shape_cast %parallel_loop3A_243 : vector<1x16xf32> to vector<16xf32>
        %parallel_loop3A_245 = arith.constant 0 : i32
        %parallel_loop3A_246 = arith.addi %parallel_loop3A_245, %parallel_loop3A_240 : i32
        %parallel_loop3A_247 = arith.constant 64 : i32
        %parallel_loop3A_248 = arith.muli %parallel_loop3A_246, %parallel_loop3A_247 : i32
        %parallel_loop3A_249 = arith.constant 0 : i32
        %parallel_loop3A_250 = arith.addi %parallel_loop3A_248, %parallel_loop3A_249 : i32
        %parallel_loop3A_251 = arith.constant 0 : i32
        %parallel_loop3A_252 = arith.addi %parallel_loop3A_251, %parallel_loop3A_240 : i32
        %parallel_loop3A_253 = arith.index_cast %parallel_loop3A_252 : i32 to index
        %parallel_loop3A_254 = arith.constant 0 : index
        %parallel_loop3A_255 = tpu.vector_load %arg10[%parallel_loop3A_253, %parallel_loop3A_254] {strides = array<i32>} : memref<400x64xf32, #tpu.memory_space<vmem>>, vector<1x16xf32>,
        %parallel_loop3A_256 = vector.shape_cast %parallel_loop3A_255 : vector<1x16xf32> to vector<16xf32>
        %parallel_loop3A_257 = arith.addf %parallel_loop3A_256, %parallel_loop3A_244 : vector<16xf32>
        %parallel_loop3A_258 = arith.constant 1024 : i32
        %parallel_loop3A_259 = arith.divsi %parallel_loop3A_250, %parallel_loop3A_258 : i32
        %parallel_loop3A_260 = arith.constant 0 : i32
        %parallel_loop3A_261 = arith.cmpi sgt, %parallel_loop3A_250, %parallel_loop3A_260 : i32
        %parallel_loop3A_262 = arith.extui %parallel_loop3A_261 : i1 to i32
        %parallel_loop3A_263 = arith.constant 0 : i32
        %parallel_loop3A_264 = arith.cmpi slt, %parallel_loop3A_250, %parallel_loop3A_263 : i32
        %parallel_loop3A_265 = arith.extui %parallel_loop3A_264 : i1 to i32
        %parallel_loop3A_266 = arith.subi %parallel_loop3A_262, %parallel_loop3A_265 : i32
        %parallel_loop3A_267 = arith.constant 0 : i32
        %parallel_loop3A_268 = arith.cmpi sgt, %parallel_loop3A_258, %parallel_loop3A_267 : i32
        %parallel_loop3A_269 = arith.extui %parallel_loop3A_268 : i1 to i32
        %parallel_loop3A_270 = arith.constant 0 : i32
        %parallel_loop3A_271 = arith.cmpi slt, %parallel_loop3A_258, %parallel_loop3A_270 : i32
        %parallel_loop3A_272 = arith.extui %parallel_loop3A_271 : i1 to i32
        %parallel_loop3A_273 = arith.subi %parallel_loop3A_269, %parallel_loop3A_272 : i32
        %parallel_loop3A_274 = arith.cmpi ne, %parallel_loop3A_266, %parallel_loop3A_273 : i32
        %parallel_loop3A_275 = arith.remsi %parallel_loop3A_250, %parallel_loop3A_258 : i32
        %parallel_loop3A_276 = arith.constant 0 : i32
        %parallel_loop3A_277 = arith.cmpi ne, %parallel_loop3A_275, %parallel_loop3A_276 : i32
        %parallel_loop3A_278 = arith.andi %parallel_loop3A_274, %parallel_loop3A_277 : i1
        %parallel_loop3A_279 = arith.constant 1 : i32
        %parallel_loop3A_280 = arith.subi %parallel_loop3A_259, %parallel_loop3A_279 : i32
        %parallel_loop3A_281 = arith.select %parallel_loop3A_278, %parallel_loop3A_280, %parallel_loop3A_259 : i32
        %parallel_loop3A_282 = arith.constant 1024 : i32
        %parallel_loop3A_283 = arith.constant 0 : i32
        %parallel_loop3A_284 = arith.cmpi eq, %parallel_loop3A_282, %parallel_loop3A_283 : i32
        %parallel_loop3A_285 = arith.constant 1 : i32
        %parallel_loop3A_286 = arith.select %parallel_loop3A_284, %parallel_loop3A_285, %parallel_loop3A_282 : i32
        %parallel_loop3A_287 = arith.remsi %parallel_loop3A_250, %parallel_loop3A_286 : i32
        %parallel_loop3A_288 = arith.constant 0 : i32
        %parallel_loop3A_289 = arith.cmpi ne, %parallel_loop3A_287, %parallel_loop3A_288 : i32
        %parallel_loop3A_290 = arith.constant 0 : i32
        %parallel_loop3A_291 = arith.cmpi slt, %parallel_loop3A_287, %parallel_loop3A_290 : i32
        %parallel_loop3A_292 = arith.constant 0 : i32
        %parallel_loop3A_293 = arith.cmpi slt, %parallel_loop3A_286, %parallel_loop3A_292 : i32
        %parallel_loop3A_294 = arith.xori %parallel_loop3A_291, %parallel_loop3A_293 : i1
        %parallel_loop3A_295 = arith.andi %parallel_loop3A_294, %parallel_loop3A_289 : i1
        %parallel_loop3A_296 = arith.addi %parallel_loop3A_287, %parallel_loop3A_286 : i32
        %parallel_loop3A_297 = arith.select %parallel_loop3A_295, %parallel_loop3A_296, %parallel_loop3A_287 : i32
        %parallel_loop3A_298 = arith.index_cast %parallel_loop3A_281 : i32 to index
        %parallel_loop3A_299 = arith.index_cast %parallel_loop3A_297 : i32 to index
        %parallel_loop3A_300 = tpu.vector_load %arg12[%parallel_loop3A_298, %parallel_loop3A_299] {strides = array<i32>} : memref<25x1024xf32, #tpu.memory_space<vmem>>, vector<1x16xf32>,
        %parallel_loop3A_301 = vector.shape_cast %parallel_loop3A_300 : vector<1x16xf32> to vector<16xf32>
        %parallel_loop3A_302 = vector.shape_cast %parallel_loop3A_257 : vector<16xf32> to vector<1x16xf32>
        tpu.vector_store %arg12[%parallel_loop3A_298, %parallel_loop3A_299], %parallel_loop3A_302 {strides = array<i32>} : memref<25x1024xf32, #tpu.memory_space<vmem>>, vector<1x16xf32>,
        %parallel_loop3A_303 = arith.constant 200 : i32
        %parallel_loop3A_304 = arith.addi %parallel_loop3A_303, %parallel_loop3A_240 : i32
        %parallel_loop3A_305 = arith.constant 64 : i32
        %parallel_loop3A_306 = arith.muli %parallel_loop3A_304, %parallel_loop3A_305 : i32
        %parallel_loop3A_307 = arith.constant 0 : i32
        %parallel_loop3A_308 = arith.addi %parallel_loop3A_306, %parallel_loop3A_307 : i32
        %parallel_loop3A_309 = arith.constant 200 : i32
        %parallel_loop3A_310 = arith.addi %parallel_loop3A_309, %parallel_loop3A_240 : i32
        %parallel_loop3A_311 = arith.index_cast %parallel_loop3A_310 : i32 to index
        %parallel_loop3A_312 = arith.constant 0 : index
        %parallel_loop3A_313 = tpu.vector_load %arg10[%parallel_loop3A_311, %parallel_loop3A_312] {strides = array<i32>} : memref<400x64xf32, #tpu.memory_space<vmem>>, vector<1x16xf32>,
        %parallel_loop3A_314 = vector.shape_cast %parallel_loop3A_313 : vector<1x16xf32> to vector<16xf32>
        %parallel_loop3A_315 = arith.addf %parallel_loop3A_314, %parallel_loop3A_244 : vector<16xf32>
        %parallel_loop3A_316 = arith.constant 1024 : i32
        %parallel_loop3A_317 = arith.divsi %parallel_loop3A_308, %parallel_loop3A_316 : i32
        %parallel_loop3A_318 = arith.constant 0 : i32
        %parallel_loop3A_319 = arith.cmpi sgt, %parallel_loop3A_308, %parallel_loop3A_318 : i32
        %parallel_loop3A_320 = arith.extui %parallel_loop3A_319 : i1 to i32
        %parallel_loop3A_321 = arith.constant 0 : i32
        %parallel_loop3A_322 = arith.cmpi slt, %parallel_loop3A_308, %parallel_loop3A_321 : i32
        %parallel_loop3A_323 = arith.extui %parallel_loop3A_322 : i1 to i32
        %parallel_loop3A_324 = arith.subi %parallel_loop3A_320, %parallel_loop3A_323 : i32
        %parallel_loop3A_325 = arith.constant 0 : i32
        %parallel_loop3A_326 = arith.cmpi sgt, %parallel_loop3A_316, %parallel_loop3A_325 : i32
        %parallel_loop3A_327 = arith.extui %parallel_loop3A_326 : i1 to i32
        %parallel_loop3A_328 = arith.constant 0 : i32
        %parallel_loop3A_329 = arith.cmpi slt, %parallel_loop3A_316, %parallel_loop3A_328 : i32
        %parallel_loop3A_330 = arith.extui %parallel_loop3A_329 : i1 to i32
        %parallel_loop3A_331 = arith.subi %parallel_loop3A_327, %parallel_loop3A_330 : i32
        %parallel_loop3A_332 = arith.cmpi ne, %parallel_loop3A_324, %parallel_loop3A_331 : i32
        %parallel_loop3A_333 = arith.remsi %parallel_loop3A_308, %parallel_loop3A_316 : i32
        %parallel_loop3A_334 = arith.constant 0 : i32
        %parallel_loop3A_335 = arith.cmpi ne, %parallel_loop3A_333, %parallel_loop3A_334 : i32
        %parallel_loop3A_336 = arith.andi %parallel_loop3A_332, %parallel_loop3A_335 : i1
        %parallel_loop3A_337 = arith.constant 1 : i32
        %parallel_loop3A_338 = arith.subi %parallel_loop3A_317, %parallel_loop3A_337 : i32
        %parallel_loop3A_339 = arith.select %parallel_loop3A_336, %parallel_loop3A_338, %parallel_loop3A_317 : i32
        %parallel_loop3A_340 = arith.constant 1024 : i32
        %parallel_loop3A_341 = arith.constant 0 : i32
        %parallel_loop3A_342 = arith.cmpi eq, %parallel_loop3A_340, %parallel_loop3A_341 : i32
        %parallel_loop3A_343 = arith.constant 1 : i32
        %parallel_loop3A_344 = arith.select %parallel_loop3A_342, %parallel_loop3A_343, %parallel_loop3A_340 : i32
        %parallel_loop3A_345 = arith.remsi %parallel_loop3A_308, %parallel_loop3A_344 : i32
        %parallel_loop3A_346 = arith.constant 0 : i32
        %parallel_loop3A_347 = arith.cmpi ne, %parallel_loop3A_345, %parallel_loop3A_346 : i32
        %parallel_loop3A_348 = arith.constant 0 : i32
        %parallel_loop3A_349 = arith.cmpi slt, %parallel_loop3A_345, %parallel_loop3A_348 : i32
        %parallel_loop3A_350 = arith.constant 0 : i32
        %parallel_loop3A_351 = arith.cmpi slt, %parallel_loop3A_344, %parallel_loop3A_350 : i32
        %parallel_loop3A_352 = arith.xori %parallel_loop3A_349, %parallel_loop3A_351 : i1
        %parallel_loop3A_353 = arith.andi %parallel_loop3A_352, %parallel_loop3A_347 : i1
        %parallel_loop3A_354 = arith.addi %parallel_loop3A_345, %parallel_loop3A_344 : i32
        %parallel_loop3A_355 = arith.select %parallel_loop3A_353, %parallel_loop3A_354, %parallel_loop3A_345 : i32
        %parallel_loop3A_356 = arith.index_cast %parallel_loop3A_339 : i32 to index
        %parallel_loop3A_357 = arith.index_cast %parallel_loop3A_355 : i32 to index
        %parallel_loop3A_358 = tpu.vector_load %arg12[%parallel_loop3A_356, %parallel_loop3A_357] {strides = array<i32>} : memref<25x1024xf32, #tpu.memory_space<vmem>>, vector<1x16xf32>,
        %parallel_loop3A_359 = vector.shape_cast %parallel_loop3A_358 : vector<1x16xf32> to vector<16xf32>
        %parallel_loop3A_360 = vector.shape_cast %parallel_loop3A_315 : vector<16xf32> to vector<1x16xf32>
        tpu.vector_store %arg12[%parallel_loop3A_356, %parallel_loop3A_357], %parallel_loop3A_360 {strides = array<i32>} : memref<25x1024xf32, #tpu.memory_space<vmem>>, vector<1x16xf32>,
        %parallel_loop3A_361 = arith.index_cast %parallel_loop3A_240 : i32 to index
        %parallel_loop3A_362 = arith.constant 16 : index
        %parallel_loop3A_363 = tpu.vector_load %arg14[%parallel_loop3A_361, %parallel_loop3A_362] {strides = array<i32>} : memref<200x64xf32, #tpu.memory_space<vmem>>, vector<1x16xf32>,
        %parallel_loop3A_364 = vector.shape_cast %parallel_loop3A_363 : vector<1x16xf32> to vector<16xf32>
        %parallel_loop3A_365 = arith.constant 0 : i32
        %parallel_loop3A_366 = arith.addi %parallel_loop3A_365, %parallel_loop3A_240 : i32
        %parallel_loop3A_367 = arith.constant 64 : i32
        %parallel_loop3A_368 = arith.muli %parallel_loop3A_366, %parallel_loop3A_367 : i32
        %parallel_loop3A_369 = arith.constant 16 : i32
        %parallel_loop3A_370 = arith.addi %parallel_loop3A_368, %parallel_loop3A_369 : i32
        %parallel_loop3A_371 = arith.constant 0 : i32
        %parallel_loop3A_372 = arith.addi %parallel_loop3A_371, %parallel_loop3A_240 : i32
        %parallel_loop3A_373 = arith.index_cast %parallel_loop3A_372 : i32 to index
        %parallel_loop3A_374 = arith.constant 16 : index
        %parallel_loop3A_375 = tpu.vector_load %arg10[%parallel_loop3A_373, %parallel_loop3A_374] {strides = array<i32>} : memref<400x64xf32, #tpu.memory_space<vmem>>, vector<1x16xf32>,
        %parallel_loop3A_376 = vector.shape_cast %parallel_loop3A_375 : vector<1x16xf32> to vector<16xf32>
        %parallel_loop3A_377 = arith.addf %parallel_loop3A_376, %parallel_loop3A_364 : vector<16xf32>
        %parallel_loop3A_378 = arith.constant 1024 : i32
        %parallel_loop3A_379 = arith.divsi %parallel_loop3A_370, %parallel_loop3A_378 : i32
        %parallel_loop3A_380 = arith.constant 0 : i32
        %parallel_loop3A_381 = arith.cmpi sgt, %parallel_loop3A_370, %parallel_loop3A_380 : i32
        %parallel_loop3A_382 = arith.extui %parallel_loop3A_381 : i1 to i32
        %parallel_loop3A_383 = arith.constant 0 : i32
        %parallel_loop3A_384 = arith.cmpi slt, %parallel_loop3A_370, %parallel_loop3A_383 : i32
        %parallel_loop3A_385 = arith.extui %parallel_loop3A_384 : i1 to i32
        %parallel_loop3A_386 = arith.subi %parallel_loop3A_382, %parallel_loop3A_385 : i32
        %parallel_loop3A_387 = arith.constant 0 : i32
        %parallel_loop3A_388 = arith.cmpi sgt, %parallel_loop3A_378, %parallel_loop3A_387 : i32
        %parallel_loop3A_389 = arith.extui %parallel_loop3A_388 : i1 to i32
        %parallel_loop3A_390 = arith.constant 0 : i32
        %parallel_loop3A_391 = arith.cmpi slt, %parallel_loop3A_378, %parallel_loop3A_390 : i32
        %parallel_loop3A_392 = arith.extui %parallel_loop3A_391 : i1 to i32
        %parallel_loop3A_393 = arith.subi %parallel_loop3A_389, %parallel_loop3A_392 : i32
        %parallel_loop3A_394 = arith.cmpi ne, %parallel_loop3A_386, %parallel_loop3A_393 : i32
        %parallel_loop3A_395 = arith.remsi %parallel_loop3A_370, %parallel_loop3A_378 : i32
        %parallel_loop3A_396 = arith.constant 0 : i32
        %parallel_loop3A_397 = arith.cmpi ne, %parallel_loop3A_395, %parallel_loop3A_396 : i32
        %parallel_loop3A_398 = arith.andi %parallel_loop3A_394, %parallel_loop3A_397 : i1
        %parallel_loop3A_399 = arith.constant 1 : i32
        %parallel_loop3A_400 = arith.subi %parallel_loop3A_379, %parallel_loop3A_399 : i32
        %parallel_loop3A_401 = arith.select %parallel_loop3A_398, %parallel_loop3A_400, %parallel_loop3A_379 : i32
        %parallel_loop3A_402 = arith.constant 1024 : i32
        %parallel_loop3A_403 = arith.constant 0 : i32
        %parallel_loop3A_404 = arith.cmpi eq, %parallel_loop3A_402, %parallel_loop3A_403 : i32
        %parallel_loop3A_405 = arith.constant 1 : i32
        %parallel_loop3A_406 = arith.select %parallel_loop3A_404, %parallel_loop3A_405, %parallel_loop3A_402 : i32
        %parallel_loop3A_407 = arith.remsi %parallel_loop3A_370, %parallel_loop3A_406 : i32
        %parallel_loop3A_408 = arith.constant 0 : i32
        %parallel_loop3A_409 = arith.cmpi ne, %parallel_loop3A_407, %parallel_loop3A_408 : i32
        %parallel_loop3A_410 = arith.constant 0 : i32
        %parallel_loop3A_411 = arith.cmpi slt, %parallel_loop3A_407, %parallel_loop3A_410 : i32
        %parallel_loop3A_412 = arith.constant 0 : i32
        %parallel_loop3A_413 = arith.cmpi slt, %parallel_loop3A_406, %parallel_loop3A_412 : i32
        %parallel_loop3A_414 = arith.xori %parallel_loop3A_411, %parallel_loop3A_413 : i1
        %parallel_loop3A_415 = arith.andi %parallel_loop3A_414, %parallel_loop3A_409 : i1
        %parallel_loop3A_416 = arith.addi %parallel_loop3A_407, %parallel_loop3A_406 : i32
        %parallel_loop3A_417 = arith.select %parallel_loop3A_415, %parallel_loop3A_416, %parallel_loop3A_407 : i32
        %parallel_loop3A_418 = arith.index_cast %parallel_loop3A_401 : i32 to index
        %parallel_loop3A_419 = arith.index_cast %parallel_loop3A_417 : i32 to index
        %parallel_loop3A_420 = tpu.vector_load %arg12[%parallel_loop3A_418, %parallel_loop3A_419] {strides = array<i32>} : memref<25x1024xf32, #tpu.memory_space<vmem>>, vector<1x16xf32>,
        %parallel_loop3A_421 = vector.shape_cast %parallel_loop3A_420 : vector<1x16xf32> to vector<16xf32>
        %parallel_loop3A_422 = vector.shape_cast %parallel_loop3A_377 : vector<16xf32> to vector<1x16xf32>
        tpu.vector_store %arg12[%parallel_loop3A_418, %parallel_loop3A_419], %parallel_loop3A_422 {strides = array<i32>} : memref<25x1024xf32, #tpu.memory_space<vmem>>, vector<1x16xf32>,
        %parallel_loop3A_423 = arith.constant 200 : i32
        %parallel_loop3A_424 = arith.addi %parallel_loop3A_423, %parallel_loop3A_240 : i32
        %parallel_loop3A_425 = arith.constant 64 : i32
        %parallel_loop3A_426 = arith.muli %parallel_loop3A_424, %parallel_loop3A_425 : i32
        %parallel_loop3A_427 = arith.constant 16 : i32
        %parallel_loop3A_428 = arith.addi %parallel_loop3A_426, %parallel_loop3A_427 : i32
        %parallel_loop3A_429 = arith.constant 200 : i32
        %parallel_loop3A_430 = arith.addi %parallel_loop3A_429, %parallel_loop3A_240 : i32
        %parallel_loop3A_431 = arith.index_cast %parallel_loop3A_430 : i32 to index
        %parallel_loop3A_432 = arith.constant 16 : index
        %parallel_loop3A_433 = tpu.vector_load %arg10[%parallel_loop3A_431, %parallel_loop3A_432] {strides = array<i32>} : memref<400x64xf32, #tpu.memory_space<vmem>>, vector<1x16xf32>,
        %parallel_loop3A_434 = vector.shape_cast %parallel_loop3A_433 : vector<1x16xf32> to vector<16xf32>
        %parallel_loop3A_435 = arith.addf %parallel_loop3A_434, %parallel_loop3A_364 : vector<16xf32>
        %parallel_loop3A_436 = arith.constant 1024 : i32
        %parallel_loop3A_437 = arith.divsi %parallel_loop3A_428, %parallel_loop3A_436 : i32
        %parallel_loop3A_438 = arith.constant 0 : i32
        %parallel_loop3A_439 = arith.cmpi sgt, %parallel_loop3A_428, %parallel_loop3A_438 : i32
        %parallel_loop3A_440 = arith.extui %parallel_loop3A_439 : i1 to i32
        %parallel_loop3A_441 = arith.constant 0 : i32
        %parallel_loop3A_442 = arith.cmpi slt, %parallel_loop3A_428, %parallel_loop3A_441 : i32
        %parallel_loop3A_443 = arith.extui %parallel_loop3A_442 : i1 to i32
        %parallel_loop3A_444 = arith.subi %parallel_loop3A_440, %parallel_loop3A_443 : i32
        %parallel_loop3A_445 = arith.constant 0 : i32
        %parallel_loop3A_446 = arith.cmpi sgt, %parallel_loop3A_436, %parallel_loop3A_445 : i32
        %parallel_loop3A_447 = arith.extui %parallel_loop3A_446 : i1 to i32
        %parallel_loop3A_448 = arith.constant 0 : i32
        %parallel_loop3A_449 = arith.cmpi slt, %parallel_loop3A_436, %parallel_loop3A_448 : i32
        %parallel_loop3A_450 = arith.extui %parallel_loop3A_449 : i1 to i32
        %parallel_loop3A_451 = arith.subi %parallel_loop3A_447, %parallel_loop3A_450 : i32
        %parallel_loop3A_452 = arith.cmpi ne, %parallel_loop3A_444, %parallel_loop3A_451 : i32
        %parallel_loop3A_453 = arith.remsi %parallel_loop3A_428, %parallel_loop3A_436 : i32
        %parallel_loop3A_454 = arith.constant 0 : i32
        %parallel_loop3A_455 = arith.cmpi ne, %parallel_loop3A_453, %parallel_loop3A_454 : i32
        %parallel_loop3A_456 = arith.andi %parallel_loop3A_452, %parallel_loop3A_455 : i1
        %parallel_loop3A_457 = arith.constant 1 : i32
        %parallel_loop3A_458 = arith.subi %parallel_loop3A_437, %parallel_loop3A_457 : i32
        %parallel_loop3A_459 = arith.select %parallel_loop3A_456, %parallel_loop3A_458, %parallel_loop3A_437 : i32
        %parallel_loop3A_460 = arith.constant 1024 : i32
        %parallel_loop3A_461 = arith.constant 0 : i32
        %parallel_loop3A_462 = arith.cmpi eq, %parallel_loop3A_460, %parallel_loop3A_461 : i32
        %parallel_loop3A_463 = arith.constant 1 : i32
        %parallel_loop3A_464 = arith.select %parallel_loop3A_462, %parallel_loop3A_463, %parallel_loop3A_460 : i32
        %parallel_loop3A_465 = arith.remsi %parallel_loop3A_428, %parallel_loop3A_464 : i32
        %parallel_loop3A_466 = arith.constant 0 : i32
        %parallel_loop3A_467 = arith.cmpi ne, %parallel_loop3A_465, %parallel_loop3A_466 : i32
        %parallel_loop3A_468 = arith.constant 0 : i32
        %parallel_loop3A_469 = arith.cmpi slt, %parallel_loop3A_465, %parallel_loop3A_468 : i32
        %parallel_loop3A_470 = arith.constant 0 : i32
        %parallel_loop3A_471 = arith.cmpi slt, %parallel_loop3A_464, %parallel_loop3A_470 : i32
        %parallel_loop3A_472 = arith.xori %parallel_loop3A_469, %parallel_loop3A_471 : i1
        %parallel_loop3A_473 = arith.andi %parallel_loop3A_472, %parallel_loop3A_467 : i1
        %parallel_loop3A_474 = arith.addi %parallel_loop3A_465, %parallel_loop3A_464 : i32
        %parallel_loop3A_475 = arith.select %parallel_loop3A_473, %parallel_loop3A_474, %parallel_loop3A_465 : i32
        %parallel_loop3A_476 = arith.index_cast %parallel_loop3A_459 : i32 to index
        %parallel_loop3A_477 = arith.index_cast %parallel_loop3A_475 : i32 to index
        %parallel_loop3A_478 = tpu.vector_load %arg12[%parallel_loop3A_476, %parallel_loop3A_477] {strides = array<i32>} : memref<25x1024xf32, #tpu.memory_space<vmem>>, vector<1x16xf32>,
        %parallel_loop3A_479 = vector.shape_cast %parallel_loop3A_478 : vector<1x16xf32> to vector<16xf32>
        %parallel_loop3A_480 = vector.shape_cast %parallel_loop3A_435 : vector<16xf32> to vector<1x16xf32>
        tpu.vector_store %arg12[%parallel_loop3A_476, %parallel_loop3A_477], %parallel_loop3A_480 {strides = array<i32>} : memref<25x1024xf32, #tpu.memory_space<vmem>>, vector<1x16xf32>,
        %parallel_loop3A_481 = arith.index_cast %parallel_loop3A_240 : i32 to index
        %parallel_loop3A_482 = arith.constant 32 : index
        %parallel_loop3A_483 = tpu.vector_load %arg14[%parallel_loop3A_481, %parallel_loop3A_482] {strides = array<i32>} : memref<200x64xf32, #tpu.memory_space<vmem>>, vector<1x16xf32>,
        %parallel_loop3A_484 = vector.shape_cast %parallel_loop3A_483 : vector<1x16xf32> to vector<16xf32>
        %parallel_loop3A_485 = arith.constant 0 : i32
        %parallel_loop3A_486 = arith.addi %parallel_loop3A_485, %parallel_loop3A_240 : i32
        %parallel_loop3A_487 = arith.constant 64 : i32
        %parallel_loop3A_488 = arith.muli %parallel_loop3A_486, %parallel_loop3A_487 : i32
        %parallel_loop3A_489 = arith.constant 32 : i32
        %parallel_loop3A_490 = arith.addi %parallel_loop3A_488, %parallel_loop3A_489 : i32
        %parallel_loop3A_491 = arith.constant 0 : i32
        %parallel_loop3A_492 = arith.addi %parallel_loop3A_491, %parallel_loop3A_240 : i32
        %parallel_loop3A_493 = arith.index_cast %parallel_loop3A_492 : i32 to index
        %parallel_loop3A_494 = arith.constant 32 : index
        %parallel_loop3A_495 = tpu.vector_load %arg10[%parallel_loop3A_493, %parallel_loop3A_494] {strides = array<i32>} : memref<400x64xf32, #tpu.memory_space<vmem>>, vector<1x16xf32>,
        %parallel_loop3A_496 = vector.shape_cast %parallel_loop3A_495 : vector<1x16xf32> to vector<16xf32>
        %parallel_loop3A_497 = arith.addf %parallel_loop3A_496, %parallel_loop3A_484 : vector<16xf32>
        %parallel_loop3A_498 = arith.constant 1024 : i32
        %parallel_loop3A_499 = arith.divsi %parallel_loop3A_490, %parallel_loop3A_498 : i32
        %parallel_loop3A_500 = arith.constant 0 : i32
        %parallel_loop3A_501 = arith.cmpi sgt, %parallel_loop3A_490, %parallel_loop3A_500 : i32
        %parallel_loop3A_502 = arith.extui %parallel_loop3A_501 : i1 to i32
        %parallel_loop3A_503 = arith.constant 0 : i32
        %parallel_loop3A_504 = arith.cmpi slt, %parallel_loop3A_490, %parallel_loop3A_503 : i32
        %parallel_loop3A_505 = arith.extui %parallel_loop3A_504 : i1 to i32
        %parallel_loop3A_506 = arith.subi %parallel_loop3A_502, %parallel_loop3A_505 : i32
        %parallel_loop3A_507 = arith.constant 0 : i32
        %parallel_loop3A_508 = arith.cmpi sgt, %parallel_loop3A_498, %parallel_loop3A_507 : i32
        %parallel_loop3A_509 = arith.extui %parallel_loop3A_508 : i1 to i32
        %parallel_loop3A_510 = arith.constant 0 : i32
        %parallel_loop3A_511 = arith.cmpi slt, %parallel_loop3A_498, %parallel_loop3A_510 : i32
        %parallel_loop3A_512 = arith.extui %parallel_loop3A_511 : i1 to i32
        %parallel_loop3A_513 = arith.subi %parallel_loop3A_509, %parallel_loop3A_512 : i32
        %parallel_loop3A_514 = arith.cmpi ne, %parallel_loop3A_506, %parallel_loop3A_513 : i32
        %parallel_loop3A_515 = arith.remsi %parallel_loop3A_490, %parallel_loop3A_498 : i32
        %parallel_loop3A_516 = arith.constant 0 : i32
        %parallel_loop3A_517 = arith.cmpi ne, %parallel_loop3A_515, %parallel_loop3A_516 : i32
        %parallel_loop3A_518 = arith.andi %parallel_loop3A_514, %parallel_loop3A_517 : i1
        %parallel_loop3A_519 = arith.constant 1 : i32
        %parallel_loop3A_520 = arith.subi %parallel_loop3A_499, %parallel_loop3A_519 : i32
        %parallel_loop3A_521 = arith.select %parallel_loop3A_518, %parallel_loop3A_520, %parallel_loop3A_499 : i32
        %parallel_loop3A_522 = arith.constant 1024 : i32
        %parallel_loop3A_523 = arith.constant 0 : i32
        %parallel_loop3A_524 = arith.cmpi eq, %parallel_loop3A_522, %parallel_loop3A_523 : i32
        %parallel_loop3A_525 = arith.constant 1 : i32
        %parallel_loop3A_526 = arith.select %parallel_loop3A_524, %parallel_loop3A_525, %parallel_loop3A_522 : i32
        %parallel_loop3A_527 = arith.remsi %parallel_loop3A_490, %parallel_loop3A_526 : i32
        %parallel_loop3A_528 = arith.constant 0 : i32
        %parallel_loop3A_529 = arith.cmpi ne, %parallel_loop3A_527, %parallel_loop3A_528 : i32
        %parallel_loop3A_530 = arith.constant 0 : i32
        %parallel_loop3A_531 = arith.cmpi slt, %parallel_loop3A_527, %parallel_loop3A_530 : i32
        %parallel_loop3A_532 = arith.constant 0 : i32
        %parallel_loop3A_533 = arith.cmpi slt, %parallel_loop3A_526, %parallel_loop3A_532 : i32
        %parallel_loop3A_534 = arith.xori %parallel_loop3A_531, %parallel_loop3A_533 : i1
        %parallel_loop3A_535 = arith.andi %parallel_loop3A_534, %parallel_loop3A_529 : i1
        %parallel_loop3A_536 = arith.addi %parallel_loop3A_527, %parallel_loop3A_526 : i32
        %parallel_loop3A_537 = arith.select %parallel_loop3A_535, %parallel_loop3A_536, %parallel_loop3A_527 : i32
        %parallel_loop3A_538 = arith.index_cast %parallel_loop3A_521 : i32 to index
        %parallel_loop3A_539 = arith.index_cast %parallel_loop3A_537 : i32 to index
        %parallel_loop3A_540 = tpu.vector_load %arg12[%parallel_loop3A_538, %parallel_loop3A_539] {strides = array<i32>} : memref<25x1024xf32, #tpu.memory_space<vmem>>, vector<1x16xf32>,
        %parallel_loop3A_541 = vector.shape_cast %parallel_loop3A_540 : vector<1x16xf32> to vector<16xf32>
        %parallel_loop3A_542 = vector.shape_cast %parallel_loop3A_497 : vector<16xf32> to vector<1x16xf32>
        tpu.vector_store %arg12[%parallel_loop3A_538, %parallel_loop3A_539], %parallel_loop3A_542 {strides = array<i32>} : memref<25x1024xf32, #tpu.memory_space<vmem>>, vector<1x16xf32>,
        %parallel_loop3A_543 = arith.constant 200 : i32
        %parallel_loop3A_544 = arith.addi %parallel_loop3A_543, %parallel_loop3A_240 : i32
        %parallel_loop3A_545 = arith.constant 64 : i32
        %parallel_loop3A_546 = arith.muli %parallel_loop3A_544, %parallel_loop3A_545 : i32
        %parallel_loop3A_547 = arith.constant 32 : i32
        %parallel_loop3A_548 = arith.addi %parallel_loop3A_546, %parallel_loop3A_547 : i32
        %parallel_loop3A_549 = arith.constant 200 : i32
        %parallel_loop3A_550 = arith.addi %parallel_loop3A_549, %parallel_loop3A_240 : i32
        %parallel_loop3A_551 = arith.index_cast %parallel_loop3A_550 : i32 to index
        %parallel_loop3A_552 = arith.constant 32 : index
        %parallel_loop3A_553 = tpu.vector_load %arg10[%parallel_loop3A_551, %parallel_loop3A_552] {strides = array<i32>} : memref<400x64xf32, #tpu.memory_space<vmem>>, vector<1x16xf32>,
        %parallel_loop3A_554 = vector.shape_cast %parallel_loop3A_553 : vector<1x16xf32> to vector<16xf32>
        %parallel_loop3A_555 = arith.addf %parallel_loop3A_554, %parallel_loop3A_484 : vector<16xf32>
        %parallel_loop3A_556 = arith.constant 1024 : i32
        %parallel_loop3A_557 = arith.divsi %parallel_loop3A_548, %parallel_loop3A_556 : i32
        %parallel_loop3A_558 = arith.constant 0 : i32
        %parallel_loop3A_559 = arith.cmpi sgt, %parallel_loop3A_548, %parallel_loop3A_558 : i32
        %parallel_loop3A_560 = arith.extui %parallel_loop3A_559 : i1 to i32
        %parallel_loop3A_561 = arith.constant 0 : i32
        %parallel_loop3A_562 = arith.cmpi slt, %parallel_loop3A_548, %parallel_loop3A_561 : i32
        %parallel_loop3A_563 = arith.extui %parallel_loop3A_562 : i1 to i32
        %parallel_loop3A_564 = arith.subi %parallel_loop3A_560, %parallel_loop3A_563 : i32
        %parallel_loop3A_565 = arith.constant 0 : i32
        %parallel_loop3A_566 = arith.cmpi sgt, %parallel_loop3A_556, %parallel_loop3A_565 : i32
        %parallel_loop3A_567 = arith.extui %parallel_loop3A_566 : i1 to i32
        %parallel_loop3A_568 = arith.constant 0 : i32
        %parallel_loop3A_569 = arith.cmpi slt, %parallel_loop3A_556, %parallel_loop3A_568 : i32
        %parallel_loop3A_570 = arith.extui %parallel_loop3A_569 : i1 to i32
        %parallel_loop3A_571 = arith.subi %parallel_loop3A_567, %parallel_loop3A_570 : i32
        %parallel_loop3A_572 = arith.cmpi ne, %parallel_loop3A_564, %parallel_loop3A_571 : i32
        %parallel_loop3A_573 = arith.remsi %parallel_loop3A_548, %parallel_loop3A_556 : i32
        %parallel_loop3A_574 = arith.constant 0 : i32
        %parallel_loop3A_575 = arith.cmpi ne, %parallel_loop3A_573, %parallel_loop3A_574 : i32
        %parallel_loop3A_576 = arith.andi %parallel_loop3A_572, %parallel_loop3A_575 : i1
        %parallel_loop3A_577 = arith.constant 1 : i32
        %parallel_loop3A_578 = arith.subi %parallel_loop3A_557, %parallel_loop3A_577 : i32
        %parallel_loop3A_579 = arith.select %parallel_loop3A_576, %parallel_loop3A_578, %parallel_loop3A_557 : i32
        %parallel_loop3A_580 = arith.constant 1024 : i32
        %parallel_loop3A_581 = arith.constant 0 : i32
        %parallel_loop3A_582 = arith.cmpi eq, %parallel_loop3A_580, %parallel_loop3A_581 : i32
        %parallel_loop3A_583 = arith.constant 1 : i32
        %parallel_loop3A_584 = arith.select %parallel_loop3A_582, %parallel_loop3A_583, %parallel_loop3A_580 : i32
        %parallel_loop3A_585 = arith.remsi %parallel_loop3A_548, %parallel_loop3A_584 : i32
        %parallel_loop3A_586 = arith.constant 0 : i32
        %parallel_loop3A_587 = arith.cmpi ne, %parallel_loop3A_585, %parallel_loop3A_586 : i32
        %parallel_loop3A_588 = arith.constant 0 : i32
        %parallel_loop3A_589 = arith.cmpi slt, %parallel_loop3A_585, %parallel_loop3A_588 : i32
        %parallel_loop3A_590 = arith.constant 0 : i32
        %parallel_loop3A_591 = arith.cmpi slt, %parallel_loop3A_584, %parallel_loop3A_590 : i32
        %parallel_loop3A_592 = arith.xori %parallel_loop3A_589, %parallel_loop3A_591 : i1
        %parallel_loop3A_593 = arith.andi %parallel_loop3A_592, %parallel_loop3A_587 : i1
        %parallel_loop3A_594 = arith.addi %parallel_loop3A_585, %parallel_loop3A_584 : i32
        %parallel_loop3A_595 = arith.select %parallel_loop3A_593, %parallel_loop3A_594, %parallel_loop3A_585 : i32
        %parallel_loop3A_596 = arith.index_cast %parallel_loop3A_579 : i32 to index
        %parallel_loop3A_597 = arith.index_cast %parallel_loop3A_595 : i32 to index
        %parallel_loop3A_598 = tpu.vector_load %arg12[%parallel_loop3A_596, %parallel_loop3A_597] {strides = array<i32>} : memref<25x1024xf32, #tpu.memory_space<vmem>>, vector<1x16xf32>,
        %parallel_loop3A_599 = vector.shape_cast %parallel_loop3A_598 : vector<1x16xf32> to vector<16xf32>
        %parallel_loop3A_600 = vector.shape_cast %parallel_loop3A_555 : vector<16xf32> to vector<1x16xf32>
        tpu.vector_store %arg12[%parallel_loop3A_596, %parallel_loop3A_597], %parallel_loop3A_600 {strides = array<i32>} : memref<25x1024xf32, #tpu.memory_space<vmem>>, vector<1x16xf32>,
        %parallel_loop3A_601 = arith.index_cast %parallel_loop3A_240 : i32 to index
        %parallel_loop3A_602 = arith.constant 48 : index
        %parallel_loop3A_603 = tpu.vector_load %arg14[%parallel_loop3A_601, %parallel_loop3A_602] {strides = array<i32>} : memref<200x64xf32, #tpu.memory_space<vmem>>, vector<1x16xf32>,
        %parallel_loop3A_604 = vector.shape_cast %parallel_loop3A_603 : vector<1x16xf32> to vector<16xf32>
        %parallel_loop3A_605 = arith.constant 0 : i32
        %parallel_loop3A_606 = arith.addi %parallel_loop3A_605, %parallel_loop3A_240 : i32
        %parallel_loop3A_607 = arith.constant 64 : i32
        %parallel_loop3A_608 = arith.muli %parallel_loop3A_606, %parallel_loop3A_607 : i32
        %parallel_loop3A_609 = arith.constant 48 : i32
        %parallel_loop3A_610 = arith.addi %parallel_loop3A_608, %parallel_loop3A_609 : i32
        %parallel_loop3A_611 = arith.constant 0 : i32
        %parallel_loop3A_612 = arith.addi %parallel_loop3A_611, %parallel_loop3A_240 : i32
        %parallel_loop3A_613 = arith.index_cast %parallel_loop3A_612 : i32 to index
        %parallel_loop3A_614 = arith.constant 48 : index
        %parallel_loop3A_615 = tpu.vector_load %arg10[%parallel_loop3A_613, %parallel_loop3A_614] {strides = array<i32>} : memref<400x64xf32, #tpu.memory_space<vmem>>, vector<1x16xf32>,
        %parallel_loop3A_616 = vector.shape_cast %parallel_loop3A_615 : vector<1x16xf32> to vector<16xf32>
        %parallel_loop3A_617 = arith.addf %parallel_loop3A_616, %parallel_loop3A_604 : vector<16xf32>
        %parallel_loop3A_618 = arith.constant 1024 : i32
        %parallel_loop3A_619 = arith.divsi %parallel_loop3A_610, %parallel_loop3A_618 : i32
        %parallel_loop3A_620 = arith.constant 0 : i32
        %parallel_loop3A_621 = arith.cmpi sgt, %parallel_loop3A_610, %parallel_loop3A_620 : i32
        %parallel_loop3A_622 = arith.extui %parallel_loop3A_621 : i1 to i32
        %parallel_loop3A_623 = arith.constant 0 : i32
        %parallel_loop3A_624 = arith.cmpi slt, %parallel_loop3A_610, %parallel_loop3A_623 : i32
        %parallel_loop3A_625 = arith.extui %parallel_loop3A_624 : i1 to i32
        %parallel_loop3A_626 = arith.subi %parallel_loop3A_622, %parallel_loop3A_625 : i32
        %parallel_loop3A_627 = arith.constant 0 : i32
        %parallel_loop3A_628 = arith.cmpi sgt, %parallel_loop3A_618, %parallel_loop3A_627 : i32
        %parallel_loop3A_629 = arith.extui %parallel_loop3A_628 : i1 to i32
        %parallel_loop3A_630 = arith.constant 0 : i32
        %parallel_loop3A_631 = arith.cmpi slt, %parallel_loop3A_618, %parallel_loop3A_630 : i32
        %parallel_loop3A_632 = arith.extui %parallel_loop3A_631 : i1 to i32
        %parallel_loop3A_633 = arith.subi %parallel_loop3A_629, %parallel_loop3A_632 : i32
        %parallel_loop3A_634 = arith.cmpi ne, %parallel_loop3A_626, %parallel_loop3A_633 : i32
        %parallel_loop3A_635 = arith.remsi %parallel_loop3A_610, %parallel_loop3A_618 : i32
        %parallel_loop3A_636 = arith.constant 0 : i32
        %parallel_loop3A_637 = arith.cmpi ne, %parallel_loop3A_635, %parallel_loop3A_636 : i32
        %parallel_loop3A_638 = arith.andi %parallel_loop3A_634, %parallel_loop3A_637 : i1
        %parallel_loop3A_639 = arith.constant 1 : i32
        %parallel_loop3A_640 = arith.subi %parallel_loop3A_619, %parallel_loop3A_639 : i32
        %parallel_loop3A_641 = arith.select %parallel_loop3A_638, %parallel_loop3A_640, %parallel_loop3A_619 : i32
        %parallel_loop3A_642 = arith.constant 1024 : i32
        %parallel_loop3A_643 = arith.constant 0 : i32
        %parallel_loop3A_644 = arith.cmpi eq, %parallel_loop3A_642, %parallel_loop3A_643 : i32
        %parallel_loop3A_645 = arith.constant 1 : i32
        %parallel_loop3A_646 = arith.select %parallel_loop3A_644, %parallel_loop3A_645, %parallel_loop3A_642 : i32
        %parallel_loop3A_647 = arith.remsi %parallel_loop3A_610, %parallel_loop3A_646 : i32
        %parallel_loop3A_648 = arith.constant 0 : i32
        %parallel_loop3A_649 = arith.cmpi ne, %parallel_loop3A_647, %parallel_loop3A_648 : i32
        %parallel_loop3A_650 = arith.constant 0 : i32
        %parallel_loop3A_651 = arith.cmpi slt, %parallel_loop3A_647, %parallel_loop3A_650 : i32
        %parallel_loop3A_652 = arith.constant 0 : i32
        %parallel_loop3A_653 = arith.cmpi slt, %parallel_loop3A_646, %parallel_loop3A_652 : i32
        %parallel_loop3A_654 = arith.xori %parallel_loop3A_651, %parallel_loop3A_653 : i1
        %parallel_loop3A_655 = arith.andi %parallel_loop3A_654, %parallel_loop3A_649 : i1
        %parallel_loop3A_656 = arith.addi %parallel_loop3A_647, %parallel_loop3A_646 : i32
        %parallel_loop3A_657 = arith.select %parallel_loop3A_655, %parallel_loop3A_656, %parallel_loop3A_647 : i32
        %parallel_loop3A_658 = arith.index_cast %parallel_loop3A_641 : i32 to index
        %parallel_loop3A_659 = arith.index_cast %parallel_loop3A_657 : i32 to index
        %parallel_loop3A_660 = tpu.vector_load %arg12[%parallel_loop3A_658, %parallel_loop3A_659] {strides = array<i32>} : memref<25x1024xf32, #tpu.memory_space<vmem>>, vector<1x16xf32>,
        %parallel_loop3A_661 = vector.shape_cast %parallel_loop3A_660 : vector<1x16xf32> to vector<16xf32>
        %parallel_loop3A_662 = vector.shape_cast %parallel_loop3A_617 : vector<16xf32> to vector<1x16xf32>
        tpu.vector_store %arg12[%parallel_loop3A_658, %parallel_loop3A_659], %parallel_loop3A_662 {strides = array<i32>} : memref<25x1024xf32, #tpu.memory_space<vmem>>, vector<1x16xf32>,
        %parallel_loop3A_663 = arith.constant 200 : i32
        %parallel_loop3A_664 = arith.addi %parallel_loop3A_663, %parallel_loop3A_240 : i32
        %parallel_loop3A_665 = arith.constant 64 : i32
        %parallel_loop3A_666 = arith.muli %parallel_loop3A_664, %parallel_loop3A_665 : i32
        %parallel_loop3A_667 = arith.constant 48 : i32
        %parallel_loop3A_668 = arith.addi %parallel_loop3A_666, %parallel_loop3A_667 : i32
        %parallel_loop3A_669 = arith.constant 200 : i32
        %parallel_loop3A_670 = arith.addi %parallel_loop3A_669, %parallel_loop3A_240 : i32
        %parallel_loop3A_671 = arith.index_cast %parallel_loop3A_670 : i32 to index
        %parallel_loop3A_672 = arith.constant 48 : index
        %parallel_loop3A_673 = tpu.vector_load %arg10[%parallel_loop3A_671, %parallel_loop3A_672] {strides = array<i32>} : memref<400x64xf32, #tpu.memory_space<vmem>>, vector<1x16xf32>,
        %parallel_loop3A_674 = vector.shape_cast %parallel_loop3A_673 : vector<1x16xf32> to vector<16xf32>
        %parallel_loop3A_675 = arith.addf %parallel_loop3A_674, %parallel_loop3A_604 : vector<16xf32>
        %parallel_loop3A_676 = arith.constant 1024 : i32
        %parallel_loop3A_677 = arith.divsi %parallel_loop3A_668, %parallel_loop3A_676 : i32
        %parallel_loop3A_678 = arith.constant 0 : i32
        %parallel_loop3A_679 = arith.cmpi sgt, %parallel_loop3A_668, %parallel_loop3A_678 : i32
        %parallel_loop3A_680 = arith.extui %parallel_loop3A_679 : i1 to i32
        %parallel_loop3A_681 = arith.constant 0 : i32
        %parallel_loop3A_682 = arith.cmpi slt, %parallel_loop3A_668, %parallel_loop3A_681 : i32
        %parallel_loop3A_683 = arith.extui %parallel_loop3A_682 : i1 to i32
        %parallel_loop3A_684 = arith.subi %parallel_loop3A_680, %parallel_loop3A_683 : i32
        %parallel_loop3A_685 = arith.constant 0 : i32
        %parallel_loop3A_686 = arith.cmpi sgt, %parallel_loop3A_676, %parallel_loop3A_685 : i32
        %parallel_loop3A_687 = arith.extui %parallel_loop3A_686 : i1 to i32
        %parallel_loop3A_688 = arith.constant 0 : i32
        %parallel_loop3A_689 = arith.cmpi slt, %parallel_loop3A_676, %parallel_loop3A_688 : i32
        %parallel_loop3A_690 = arith.extui %parallel_loop3A_689 : i1 to i32
        %parallel_loop3A_691 = arith.subi %parallel_loop3A_687, %parallel_loop3A_690 : i32
        %parallel_loop3A_692 = arith.cmpi ne, %parallel_loop3A_684, %parallel_loop3A_691 : i32
        %parallel_loop3A_693 = arith.remsi %parallel_loop3A_668, %parallel_loop3A_676 : i32
        %parallel_loop3A_694 = arith.constant 0 : i32
        %parallel_loop3A_695 = arith.cmpi ne, %parallel_loop3A_693, %parallel_loop3A_694 : i32
        %parallel_loop3A_696 = arith.andi %parallel_loop3A_692, %parallel_loop3A_695 : i1
        %parallel_loop3A_697 = arith.constant 1 : i32
        %parallel_loop3A_698 = arith.subi %parallel_loop3A_677, %parallel_loop3A_697 : i32
        %parallel_loop3A_699 = arith.select %parallel_loop3A_696, %parallel_loop3A_698, %parallel_loop3A_677 : i32
        %parallel_loop3A_700 = arith.constant 1024 : i32
        %parallel_loop3A_701 = arith.constant 0 : i32
        %parallel_loop3A_702 = arith.cmpi eq, %parallel_loop3A_700, %parallel_loop3A_701 : i32
        %parallel_loop3A_703 = arith.constant 1 : i32
        %parallel_loop3A_704 = arith.select %parallel_loop3A_702, %parallel_loop3A_703, %parallel_loop3A_700 : i32
        %parallel_loop3A_705 = arith.remsi %parallel_loop3A_668, %parallel_loop3A_704 : i32
        %parallel_loop3A_706 = arith.constant 0 : i32
        %parallel_loop3A_707 = arith.cmpi ne, %parallel_loop3A_705, %parallel_loop3A_706 : i32
        %parallel_loop3A_708 = arith.constant 0 : i32
        %parallel_loop3A_709 = arith.cmpi slt, %parallel_loop3A_705, %parallel_loop3A_708 : i32
        %parallel_loop3A_710 = arith.constant 0 : i32
        %parallel_loop3A_711 = arith.cmpi slt, %parallel_loop3A_704, %parallel_loop3A_710 : i32
        %parallel_loop3A_712 = arith.xori %parallel_loop3A_709, %parallel_loop3A_711 : i1
        %parallel_loop3A_713 = arith.andi %parallel_loop3A_712, %parallel_loop3A_707 : i1
        %parallel_loop3A_714 = arith.addi %parallel_loop3A_705, %parallel_loop3A_704 : i32
        %parallel_loop3A_715 = arith.select %parallel_loop3A_713, %parallel_loop3A_714, %parallel_loop3A_705 : i32
        %parallel_loop3A_716 = arith.index_cast %parallel_loop3A_699 : i32 to index
        %parallel_loop3A_717 = arith.index_cast %parallel_loop3A_715 : i32 to index
        %parallel_loop3A_718 = tpu.vector_load %arg12[%parallel_loop3A_716, %parallel_loop3A_717] {strides = array<i32>} : memref<25x1024xf32, #tpu.memory_space<vmem>>, vector<1x16xf32>,
        %parallel_loop3A_719 = vector.shape_cast %parallel_loop3A_718 : vector<1x16xf32> to vector<16xf32>
        %parallel_loop3A_720 = vector.shape_cast %parallel_loop3A_675 : vector<16xf32> to vector<1x16xf32>
        tpu.vector_store %arg12[%parallel_loop3A_716, %parallel_loop3A_717], %parallel_loop3A_720 {strides = array<i32>} : memref<25x1024xf32, #tpu.memory_space<vmem>>, vector<1x16xf32>,
      } {sc.loop_unroll_factor = 2 : i64, sc.parallel_access}
      %mul3A_190 = arith.constant 64 : i32
      %mul3A_191 = arith.muli %add3A, %mul3A_190 : i32
      %add3A_192 = arith.addi %mul3A_191, %add3A_161 : i32
      %mul3A_193 = arith.constant 25 : i32
      %mul3A_194 = arith.muli %add3A_192, %mul3A_193 : i32
      %dma_start3A_195 = arith.constant 0 : i32
      %dma_start3A_196 = tpu.memref_slice %arg5[%mul3A_194, %dma_start3A_195] : memref<51200x1024xf32, #tpu.memory_space<hbm>> -> memref<25x1024xf32, #tpu.memory_space<hbm>>
      %dma_start3A_197 = arith.constant 0 : i32
      %dma_start3A_198 = tpu.memref_slice %arg5[%mul3A_194, %dma_start3A_197] : memref<51200x1024xf32, #tpu.memory_space<hbm>> -> memref<25x1024xf32, #tpu.memory_space<hbm>>
      tpu.enqueue_dma source(%arg12 : memref<25x1024xf32, #tpu.memory_space<vmem>>) target(%dma_start3A_198 : memref<25x1024xf32, #tpu.memory_space<hbm>>) target_semaphore(%arg19 : memref<!tpu.dma_semaphore, #tpu.memory_space<semaphore_mem>>)
      %mul3A_199 = arith.constant 4 : i32
      %mul3A_200 = arith.muli %mul3A_199, %scan3A_80 : i32
      %add3A_201 = arith.constant 3 : i32
      %add3A_202 = arith.addi %mul3A_200, %add3A_201 : i32
      %add3A_203 = arith.constant 2 : i32
      %add3A_204 = arith.addi %add3A_202, %add3A_203 : i32
      %lt3A_205 = arith.constant 64 : i32
      %lt3A_206 = arith.cmpi slt, %add3A_204, %lt3A_205 : i32
      %convert_element_type3A_207 = arith.extui %lt3A_206 : i1 to i32
      %cond3A_208 = arith.constant 0 : i32
      %cond3A_209 = arith.cmpi ne, %convert_element_type3A_207, %cond3A_208 : i32
      scf.if %cond3A_209 {
        %add3A_240 = arith.constant 2 : i32
        %add3A_241 = arith.addi %add3A_202, %add3A_240 : i32
        %mul3A_242 = arith.constant 4 : i32
        %mul3A_243 = arith.muli %add3A_241, %mul3A_242 : i32
        %dma_start3A_244 = arith.constant 0 : i32
        %dma_start3A_245 = tpu.memref_slice %arg2[%add3A, %mul3A_243, %dma_start3A_244] : memref<32x256x100xi32, #tpu.memory_space<hbm>> -> memref<1x4x100xi32, #tpu.memory_space<hbm>>
        %dma_start3A_246 = tpu.memref_squeeze %dma_start3A_245 : memref<1x4x100xi32, #tpu.memory_space<hbm>> -> memref<4x100xi32, #tpu.memory_space<hbm>>
        %dma_start3A_247 = arith.constant 0 : i32
        %dma_start3A_248 = tpu.memref_slice %arg2[%add3A, %mul3A_243, %dma_start3A_247] : memref<32x256x100xi32, #tpu.memory_space<hbm>> -> memref<1x4x100xi32, #tpu.memory_space<hbm>>
        %dma_start3A_249 = tpu.memref_squeeze %dma_start3A_248 : memref<1x4x100xi32, #tpu.memory_space<hbm>> -> memref<4x100xi32, #tpu.memory_space<hbm>>
        tpu.enqueue_dma source(%dma_start3A_249 : memref<4x100xi32, #tpu.memory_space<hbm>>) target(%arg7 : memref<4x100xi32, #tpu.memory_space<vmem>>) target_semaphore(%arg16 : memref<!tpu.dma_semaphore, #tpu.memory_space<semaphore_mem>>)
      } else {
      }
      %add3A_210 = arith.constant 1 : i32
      %add3A_211 = arith.addi %add3A_202, %add3A_210 : i32
      %lt3A_212 = arith.constant 64 : i32
      %lt3A_213 = arith.cmpi slt, %add3A_211, %lt3A_212 : i32
      %convert_element_type3A_214 = arith.extui %lt3A_213 : i1 to i32
      %cond3A_215 = arith.constant 0 : i32
      %cond3A_216 = arith.cmpi ne, %convert_element_type3A_214, %cond3A_215 : i32
      scf.if %cond3A_216 {
        %dma_wait3A_240 = arith.constant 0 : i32
        %dma_wait3A_241 = arith.constant 0 : i32
        %dma_wait3A_242 = tpu.memref_slice %arg2[%add3A, %dma_wait3A_240, %dma_wait3A_241] : memref<32x256x100xi32, #tpu.memory_space<hbm>> -> memref<1x4x100xi32, #tpu.memory_space<hbm>>
        %dma_wait3A_243 = tpu.memref_squeeze %dma_wait3A_242 : memref<1x4x100xi32, #tpu.memory_space<hbm>> -> memref<4x100xi32, #tpu.memory_space<hbm>>
        %dma_wait3A_244 = arith.constant 0 : i32
        %dma_wait3A_245 = arith.constant 0 : i32
        %dma_wait3A_246 = tpu.memref_slice %arg2[%add3A, %dma_wait3A_244, %dma_wait3A_245] : memref<32x256x100xi32, #tpu.memory_space<hbm>> -> memref<1x4x100xi32, #tpu.memory_space<hbm>>
        %dma_wait3A_247 = tpu.memref_squeeze %dma_wait3A_246 : memref<1x4x100xi32, #tpu.memory_space<hbm>> -> memref<4x100xi32, #tpu.memory_space<hbm>>
        tpu.wait_dma2 semaphore(%arg15 : memref<!tpu.dma_semaphore, #tpu.memory_space<semaphore_mem>>) src(%dma_wait3A_247 : memref<4x100xi32, #tpu.memory_space<hbm>>) dst(%arg6 : memref<4x100xi32, #tpu.memory_space<vmem>>)
        %add3A_248 = arith.constant 1 : i32
        %add3A_249 = arith.addi %add3A_202, %add3A_248 : i32
        %dma_start3A_250 = arith.constant 0 : i32
        %dma_start3A_251 = arith.constant 0 : i32
        %dma_start3A_252 = arith.constant 0 : i32
        %dma_start3A_253 = tpu.memref_slice %arg10[%dma_start3A_251, %dma_start3A_252] : memref<400x64xf32, #tpu.memory_space<vmem>> -> memref<100x64xf32, #tpu.memory_space<vmem>>
        %dma_start3A_254 = arith.constant 0 : i32
        %dma_start3A_255 = tpu.memref_slice %arg6[%dma_start3A_250, %dma_start3A_254] : memref<4x100xi32, #tpu.memory_space<vmem>> -> memref<1x100xi32, #tpu.memory_space<vmem>>
        %dma_start3A_256 = tpu.memref_squeeze %dma_start3A_255 : memref<1x100xi32, #tpu.memory_space<vmem>> -> memref<100xi32, #tpu.memory_space<vmem>>
        %dma_start3A_257 = arith.constant 0 : i32
        %dma_start3A_258 = arith.constant 0 : i32
        %dma_start3A_259 = tpu.memref_slice %arg3[%dma_start3A_257, %dma_start3A_258] : memref<1000000x64xf32, #tpu.memory_space<hbm>> -> memref<1000000x64xf32, #tpu.memory_space<hbm>>
        tpu.enqueue_indirect_dma source(%dma_start3A_259 : memref<1000000x64xf32, #tpu.memory_space<hbm>>) target(%dma_start3A_253 : memref<100x64xf32, #tpu.memory_space<vmem>>) offsets(%dma_start3A_256 : memref<100xi32, #tpu.memory_space<vmem>>) semaphore(%arg17 : memref<!tpu.dma_semaphore, #tpu.memory_space<semaphore_mem>>)
        %dma_start3A_260 = arith.constant 1 : i32
        %dma_start3A_261 = arith.constant 100 : i32
        %dma_start3A_262 = arith.constant 0 : i32
        %dma_start3A_263 = tpu.memref_slice %arg10[%dma_start3A_261, %dma_start3A_262] : memref<400x64xf32, #tpu.memory_space<vmem>> -> memref<100x64xf32, #tpu.memory_space<vmem>>
        %dma_start3A_264 = arith.constant 0 : i32
        %dma_start3A_265 = tpu.memref_slice %arg6[%dma_start3A_260, %dma_start3A_264] : memref<4x100xi32, #tpu.memory_space<vmem>> -> memref<1x100xi32, #tpu.memory_space<vmem>>
        %dma_start3A_266 = tpu.memref_squeeze %dma_start3A_265 : memref<1x100xi32, #tpu.memory_space<vmem>> -> memref<100xi32, #tpu.memory_space<vmem>>
        %dma_start3A_267 = arith.constant 0 : i32
        %dma_start3A_268 = arith.constant 0 : i32
        %dma_start3A_269 = tpu.memref_slice %arg3[%dma_start3A_267, %dma_start3A_268] : memref<1000000x64xf32, #tpu.memory_space<hbm>> -> memref<1000000x64xf32, #tpu.memory_space<hbm>>
        tpu.enqueue_indirect_dma source(%dma_start3A_269 : memref<1000000x64xf32, #tpu.memory_space<hbm>>) target(%dma_start3A_263 : memref<100x64xf32, #tpu.memory_space<vmem>>) offsets(%dma_start3A_266 : memref<100xi32, #tpu.memory_space<vmem>>) semaphore(%arg17 : memref<!tpu.dma_semaphore, #tpu.memory_space<semaphore_mem>>)
        %dma_start3A_270 = arith.constant 2 : i32
        %dma_start3A_271 = arith.constant 200 : i32
        %dma_start3A_272 = arith.constant 0 : i32
        %dma_start3A_273 = tpu.memref_slice %arg10[%dma_start3A_271, %dma_start3A_272] : memref<400x64xf32, #tpu.memory_space<vmem>> -> memref<100x64xf32, #tpu.memory_space<vmem>>
        %dma_start3A_274 = arith.constant 0 : i32
        %dma_start3A_275 = tpu.memref_slice %arg6[%dma_start3A_270, %dma_start3A_274] : memref<4x100xi32, #tpu.memory_space<vmem>> -> memref<1x100xi32, #tpu.memory_space<vmem>>
        %dma_start3A_276 = tpu.memref_squeeze %dma_start3A_275 : memref<1x100xi32, #tpu.memory_space<vmem>> -> memref<100xi32, #tpu.memory_space<vmem>>
        %dma_start3A_277 = arith.constant 0 : i32
        %dma_start3A_278 = arith.constant 0 : i32
        %dma_start3A_279 = tpu.memref_slice %arg3[%dma_start3A_277, %dma_start3A_278] : memref<1000000x64xf32, #tpu.memory_space<hbm>> -> memref<1000000x64xf32, #tpu.memory_space<hbm>>
        tpu.enqueue_indirect_dma source(%dma_start3A_279 : memref<1000000x64xf32, #tpu.memory_space<hbm>>) target(%dma_start3A_273 : memref<100x64xf32, #tpu.memory_space<vmem>>) offsets(%dma_start3A_276 : memref<100xi32, #tpu.memory_space<vmem>>) semaphore(%arg17 : memref<!tpu.dma_semaphore, #tpu.memory_space<semaphore_mem>>)
        %dma_start3A_280 = arith.constant 3 : i32
        %dma_start3A_281 = arith.constant 300 : i32
        %dma_start3A_282 = arith.constant 0 : i32
        %dma_start3A_283 = tpu.memref_slice %arg10[%dma_start3A_281, %dma_start3A_282] : memref<400x64xf32, #tpu.memory_space<vmem>> -> memref<100x64xf32, #tpu.memory_space<vmem>>
        %dma_start3A_284 = arith.constant 0 : i32
        %dma_start3A_285 = tpu.memref_slice %arg6[%dma_start3A_280, %dma_start3A_284] : memref<4x100xi32, #tpu.memory_space<vmem>> -> memref<1x100xi32, #tpu.memory_space<vmem>>
        %dma_start3A_286 = tpu.memref_squeeze %dma_start3A_285 : memref<1x100xi32, #tpu.memory_space<vmem>> -> memref<100xi32, #tpu.memory_space<vmem>>
        %dma_start3A_287 = arith.constant 0 : i32
        %dma_start3A_288 = arith.constant 0 : i32
        %dma_start3A_289 = tpu.memref_slice %arg3[%dma_start3A_287, %dma_start3A_288] : memref<1000000x64xf32, #tpu.memory_space<hbm>> -> memref<1000000x64xf32, #tpu.memory_space<hbm>>
        tpu.enqueue_indirect_dma source(%dma_start3A_289 : memref<1000000x64xf32, #tpu.memory_space<hbm>>) target(%dma_start3A_283 : memref<100x64xf32, #tpu.memory_space<vmem>>) offsets(%dma_start3A_286 : memref<100xi32, #tpu.memory_space<vmem>>) semaphore(%arg17 : memref<!tpu.dma_semaphore, #tpu.memory_space<semaphore_mem>>)
      } else {
      }
      %dma_wait3A_217 = arith.constant 0 : i32
      %dma_wait3A_218 = arith.constant 0 : i32
      %dma_wait3A_219 = tpu.memref_slice %arg3[%dma_wait3A_217, %dma_wait3A_218] : memref<1000000x64xf32, #tpu.memory_space<hbm>> -> memref<400x64xf32, #tpu.memory_space<hbm>>
      %dma_wait3A_220 = arith.constant 0 : i32
      %dma_wait3A_221 = arith.constant 0 : i32
      %dma_wait3A_222 = tpu.memref_slice %arg3[%dma_wait3A_220, %dma_wait3A_221] : memref<1000000x64xf32, #tpu.memory_space<hbm>> -> memref<400x64xf32, #tpu.memory_space<hbm>>
      tpu.wait_dma2 semaphore(%arg18 : memref<!tpu.dma_semaphore, #tpu.memory_space<semaphore_mem>>) src(%dma_wait3A_222 : memref<400x64xf32, #tpu.memory_space<hbm>>) dst(%arg11 : memref<400x64xf32, #tpu.memory_space<vmem>>)
      %ge3A_223 = arith.constant 2 : i32
      %ge3A_224 = arith.cmpi sge, %add3A_202, %ge3A_223 : i32
      %convert_element_type3A_225 = arith.extui %ge3A_224 : i1 to i32
      %cond3A_226 = arith.constant 0 : i32
      %cond3A_227 = arith.cmpi ne, %convert_element_type3A_225, %cond3A_226 : i32
      scf.if %cond3A_227 {
        %dma_wait3A_240 = arith.constant 0 : i32
        %dma_wait3A_241 = arith.constant 0 : i32
        %dma_wait3A_242 = tpu.memref_slice %arg5[%dma_wait3A_240, %dma_wait3A_241] : memref<51200x1024xf32, #tpu.memory_space<hbm>> -> memref<25x1024xf32, #tpu.memory_space<hbm>>
        %dma_wait3A_243 = arith.constant 0 : i32
        %dma_wait3A_244 = arith.constant 0 : i32
        %dma_wait3A_245 = tpu.memref_slice %arg5[%dma_wait3A_243, %dma_wait3A_244] : memref<51200x1024xf32, #tpu.memory_space<hbm>> -> memref<25x1024xf32, #tpu.memory_space<hbm>>
        tpu.wait_dma2 semaphore(%arg20 : memref<!tpu.dma_semaphore, #tpu.memory_space<semaphore_mem>>) src(%arg13 : memref<25x1024xf32, #tpu.memory_space<vmem>>) dst(%dma_wait3A_245 : memref<25x1024xf32, #tpu.memory_space<hbm>>)
      } else {
      }
      %parallel_loop3A_228 = arith.constant 0 : i32
      %parallel_loop3A_229 = arith.constant 200 : i32
      %parallel_loop3A_230 = arith.constant 1 : i32
      scf.for %parallel_loop3A_240 = %parallel_loop3A_228 to %parallel_loop3A_229 step %parallel_loop3A_230  : i32 {
        %parallel_loop3A_241 = arith.index_cast %parallel_loop3A_240 : i32 to index
        %parallel_loop3A_242 = arith.constant 0 : index
        %parallel_loop3A_243 = tpu.vector_load %arg14[%parallel_loop3A_241, %parallel_loop3A_242] {strides = array<i32>} : memref<200x64xf32, #tpu.memory_space<vmem>>, vector<1x16xf32>,
        %parallel_loop3A_244 = vector.shape_cast %parallel_loop3A_243 : vector<1x16xf32> to vector<16xf32>
        %parallel_loop3A_245 = arith.constant 0 : i32
        %parallel_loop3A_246 = arith.addi %parallel_loop3A_245, %parallel_loop3A_240 : i32
        %parallel_loop3A_247 = arith.constant 64 : i32
        %parallel_loop3A_248 = arith.muli %parallel_loop3A_246, %parallel_loop3A_247 : i32
        %parallel_loop3A_249 = arith.constant 0 : i32
        %parallel_loop3A_250 = arith.addi %parallel_loop3A_248, %parallel_loop3A_249 : i32
        %parallel_loop3A_251 = arith.constant 0 : i32
        %parallel_loop3A_252 = arith.addi %parallel_loop3A_251, %parallel_loop3A_240 : i32
        %parallel_loop3A_253 = arith.index_cast %parallel_loop3A_252 : i32 to index
        %parallel_loop3A_254 = arith.constant 0 : index
        %parallel_loop3A_255 = tpu.vector_load %arg11[%parallel_loop3A_253, %parallel_loop3A_254] {strides = array<i32>} : memref<400x64xf32, #tpu.memory_space<vmem>>, vector<1x16xf32>,
        %parallel_loop3A_256 = vector.shape_cast %parallel_loop3A_255 : vector<1x16xf32> to vector<16xf32>
        %parallel_loop3A_257 = arith.addf %parallel_loop3A_256, %parallel_loop3A_244 : vector<16xf32>
        %parallel_loop3A_258 = arith.constant 1024 : i32
        %parallel_loop3A_259 = arith.divsi %parallel_loop3A_250, %parallel_loop3A_258 : i32
        %parallel_loop3A_260 = arith.constant 0 : i32
        %parallel_loop3A_261 = arith.cmpi sgt, %parallel_loop3A_250, %parallel_loop3A_260 : i32
        %parallel_loop3A_262 = arith.extui %parallel_loop3A_261 : i1 to i32
        %parallel_loop3A_263 = arith.constant 0 : i32
        %parallel_loop3A_264 = arith.cmpi slt, %parallel_loop3A_250, %parallel_loop3A_263 : i32
        %parallel_loop3A_265 = arith.extui %parallel_loop3A_264 : i1 to i32
        %parallel_loop3A_266 = arith.subi %parallel_loop3A_262, %parallel_loop3A_265 : i32
        %parallel_loop3A_267 = arith.constant 0 : i32
        %parallel_loop3A_268 = arith.cmpi sgt, %parallel_loop3A_258, %parallel_loop3A_267 : i32
        %parallel_loop3A_269 = arith.extui %parallel_loop3A_268 : i1 to i32
        %parallel_loop3A_270 = arith.constant 0 : i32
        %parallel_loop3A_271 = arith.cmpi slt, %parallel_loop3A_258, %parallel_loop3A_270 : i32
        %parallel_loop3A_272 = arith.extui %parallel_loop3A_271 : i1 to i32
        %parallel_loop3A_273 = arith.subi %parallel_loop3A_269, %parallel_loop3A_272 : i32
        %parallel_loop3A_274 = arith.cmpi ne, %parallel_loop3A_266, %parallel_loop3A_273 : i32
        %parallel_loop3A_275 = arith.remsi %parallel_loop3A_250, %parallel_loop3A_258 : i32
        %parallel_loop3A_276 = arith.constant 0 : i32
        %parallel_loop3A_277 = arith.cmpi ne, %parallel_loop3A_275, %parallel_loop3A_276 : i32
        %parallel_loop3A_278 = arith.andi %parallel_loop3A_274, %parallel_loop3A_277 : i1
        %parallel_loop3A_279 = arith.constant 1 : i32
        %parallel_loop3A_280 = arith.subi %parallel_loop3A_259, %parallel_loop3A_279 : i32
        %parallel_loop3A_281 = arith.select %parallel_loop3A_278, %parallel_loop3A_280, %parallel_loop3A_259 : i32
        %parallel_loop3A_282 = arith.constant 1024 : i32
        %parallel_loop3A_283 = arith.constant 0 : i32
        %parallel_loop3A_284 = arith.cmpi eq, %parallel_loop3A_282, %parallel_loop3A_283 : i32
        %parallel_loop3A_285 = arith.constant 1 : i32
        %parallel_loop3A_286 = arith.select %parallel_loop3A_284, %parallel_loop3A_285, %parallel_loop3A_282 : i32
        %parallel_loop3A_287 = arith.remsi %parallel_loop3A_250, %parallel_loop3A_286 : i32
        %parallel_loop3A_288 = arith.constant 0 : i32
        %parallel_loop3A_289 = arith.cmpi ne, %parallel_loop3A_287, %parallel_loop3A_288 : i32
        %parallel_loop3A_290 = arith.constant 0 : i32
        %parallel_loop3A_291 = arith.cmpi slt, %parallel_loop3A_287, %parallel_loop3A_290 : i32
        %parallel_loop3A_292 = arith.constant 0 : i32
        %parallel_loop3A_293 = arith.cmpi slt, %parallel_loop3A_286, %parallel_loop3A_292 : i32
        %parallel_loop3A_294 = arith.xori %parallel_loop3A_291, %parallel_loop3A_293 : i1
        %parallel_loop3A_295 = arith.andi %parallel_loop3A_294, %parallel_loop3A_289 : i1
        %parallel_loop3A_296 = arith.addi %parallel_loop3A_287, %parallel_loop3A_286 : i32
        %parallel_loop3A_297 = arith.select %parallel_loop3A_295, %parallel_loop3A_296, %parallel_loop3A_287 : i32
        %parallel_loop3A_298 = arith.index_cast %parallel_loop3A_281 : i32 to index
        %parallel_loop3A_299 = arith.index_cast %parallel_loop3A_297 : i32 to index
        %parallel_loop3A_300 = tpu.vector_load %arg13[%parallel_loop3A_298, %parallel_loop3A_299] {strides = array<i32>} : memref<25x1024xf32, #tpu.memory_space<vmem>>, vector<1x16xf32>,
        %parallel_loop3A_301 = vector.shape_cast %parallel_loop3A_300 : vector<1x16xf32> to vector<16xf32>
        %parallel_loop3A_302 = vector.shape_cast %parallel_loop3A_257 : vector<16xf32> to vector<1x16xf32>
        tpu.vector_store %arg13[%parallel_loop3A_298, %parallel_loop3A_299], %parallel_loop3A_302 {strides = array<i32>} : memref<25x1024xf32, #tpu.memory_space<vmem>>, vector<1x16xf32>,
        %parallel_loop3A_303 = arith.constant 200 : i32
        %parallel_loop3A_304 = arith.addi %parallel_loop3A_303, %parallel_loop3A_240 : i32
        %parallel_loop3A_305 = arith.constant 64 : i32
        %parallel_loop3A_306 = arith.muli %parallel_loop3A_304, %parallel_loop3A_305 : i32
        %parallel_loop3A_307 = arith.constant 0 : i32
        %parallel_loop3A_308 = arith.addi %parallel_loop3A_306, %parallel_loop3A_307 : i32
        %parallel_loop3A_309 = arith.constant 200 : i32
        %parallel_loop3A_310 = arith.addi %parallel_loop3A_309, %parallel_loop3A_240 : i32
        %parallel_loop3A_311 = arith.index_cast %parallel_loop3A_310 : i32 to index
        %parallel_loop3A_312 = arith.constant 0 : index
        %parallel_loop3A_313 = tpu.vector_load %arg11[%parallel_loop3A_311, %parallel_loop3A_312] {strides = array<i32>} : memref<400x64xf32, #tpu.memory_space<vmem>>, vector<1x16xf32>,
        %parallel_loop3A_314 = vector.shape_cast %parallel_loop3A_313 : vector<1x16xf32> to vector<16xf32>
        %parallel_loop3A_315 = arith.addf %parallel_loop3A_314, %parallel_loop3A_244 : vector<16xf32>
        %parallel_loop3A_316 = arith.constant 1024 : i32
        %parallel_loop3A_317 = arith.divsi %parallel_loop3A_308, %parallel_loop3A_316 : i32
        %parallel_loop3A_318 = arith.constant 0 : i32
        %parallel_loop3A_319 = arith.cmpi sgt, %parallel_loop3A_308, %parallel_loop3A_318 : i32
        %parallel_loop3A_320 = arith.extui %parallel_loop3A_319 : i1 to i32
        %parallel_loop3A_321 = arith.constant 0 : i32
        %parallel_loop3A_322 = arith.cmpi slt, %parallel_loop3A_308, %parallel_loop3A_321 : i32
        %parallel_loop3A_323 = arith.extui %parallel_loop3A_322 : i1 to i32
        %parallel_loop3A_324 = arith.subi %parallel_loop3A_320, %parallel_loop3A_323 : i32
        %parallel_loop3A_325 = arith.constant 0 : i32
        %parallel_loop3A_326 = arith.cmpi sgt, %parallel_loop3A_316, %parallel_loop3A_325 : i32
        %parallel_loop3A_327 = arith.extui %parallel_loop3A_326 : i1 to i32
        %parallel_loop3A_328 = arith.constant 0 : i32
        %parallel_loop3A_329 = arith.cmpi slt, %parallel_loop3A_316, %parallel_loop3A_328 : i32
        %parallel_loop3A_330 = arith.extui %parallel_loop3A_329 : i1 to i32
        %parallel_loop3A_331 = arith.subi %parallel_loop3A_327, %parallel_loop3A_330 : i32
        %parallel_loop3A_332 = arith.cmpi ne, %parallel_loop3A_324, %parallel_loop3A_331 : i32
        %parallel_loop3A_333 = arith.remsi %parallel_loop3A_308, %parallel_loop3A_316 : i32
        %parallel_loop3A_334 = arith.constant 0 : i32
        %parallel_loop3A_335 = arith.cmpi ne, %parallel_loop3A_333, %parallel_loop3A_334 : i32
        %parallel_loop3A_336 = arith.andi %parallel_loop3A_332, %parallel_loop3A_335 : i1
        %parallel_loop3A_337 = arith.constant 1 : i32
        %parallel_loop3A_338 = arith.subi %parallel_loop3A_317, %parallel_loop3A_337 : i32
        %parallel_loop3A_339 = arith.select %parallel_loop3A_336, %parallel_loop3A_338, %parallel_loop3A_317 : i32
        %parallel_loop3A_340 = arith.constant 1024 : i32
        %parallel_loop3A_341 = arith.constant 0 : i32
        %parallel_loop3A_342 = arith.cmpi eq, %parallel_loop3A_340, %parallel_loop3A_341 : i32
        %parallel_loop3A_343 = arith.constant 1 : i32
        %parallel_loop3A_344 = arith.select %parallel_loop3A_342, %parallel_loop3A_343, %parallel_loop3A_340 : i32
        %parallel_loop3A_345 = arith.remsi %parallel_loop3A_308, %parallel_loop3A_344 : i32
        %parallel_loop3A_346 = arith.constant 0 : i32
        %parallel_loop3A_347 = arith.cmpi ne, %parallel_loop3A_345, %parallel_loop3A_346 : i32
        %parallel_loop3A_348 = arith.constant 0 : i32
        %parallel_loop3A_349 = arith.cmpi slt, %parallel_loop3A_345, %parallel_loop3A_348 : i32
        %parallel_loop3A_350 = arith.constant 0 : i32
        %parallel_loop3A_351 = arith.cmpi slt, %parallel_loop3A_344, %parallel_loop3A_350 : i32
        %parallel_loop3A_352 = arith.xori %parallel_loop3A_349, %parallel_loop3A_351 : i1
        %parallel_loop3A_353 = arith.andi %parallel_loop3A_352, %parallel_loop3A_347 : i1
        %parallel_loop3A_354 = arith.addi %parallel_loop3A_345, %parallel_loop3A_344 : i32
        %parallel_loop3A_355 = arith.select %parallel_loop3A_353, %parallel_loop3A_354, %parallel_loop3A_345 : i32
        %parallel_loop3A_356 = arith.index_cast %parallel_loop3A_339 : i32 to index
        %parallel_loop3A_357 = arith.index_cast %parallel_loop3A_355 : i32 to index
        %parallel_loop3A_358 = tpu.vector_load %arg13[%parallel_loop3A_356, %parallel_loop3A_357] {strides = array<i32>} : memref<25x1024xf32, #tpu.memory_space<vmem>>, vector<1x16xf32>,
        %parallel_loop3A_359 = vector.shape_cast %parallel_loop3A_358 : vector<1x16xf32> to vector<16xf32>
        %parallel_loop3A_360 = vector.shape_cast %parallel_loop3A_315 : vector<16xf32> to vector<1x16xf32>
        tpu.vector_store %arg13[%parallel_loop3A_356, %parallel_loop3A_357], %parallel_loop3A_360 {strides = array<i32>} : memref<25x1024xf32, #tpu.memory_space<vmem>>, vector<1x16xf32>,
        %parallel_loop3A_361 = arith.index_cast %parallel_loop3A_240 : i32 to index
        %parallel_loop3A_362 = arith.constant 16 : index
        %parallel_loop3A_363 = tpu.vector_load %arg14[%parallel_loop3A_361, %parallel_loop3A_362] {strides = array<i32>} : memref<200x64xf32, #tpu.memory_space<vmem>>, vector<1x16xf32>,
        %parallel_loop3A_364 = vector.shape_cast %parallel_loop3A_363 : vector<1x16xf32> to vector<16xf32>
        %parallel_loop3A_365 = arith.constant 0 : i32
        %parallel_loop3A_366 = arith.addi %parallel_loop3A_365, %parallel_loop3A_240 : i32
        %parallel_loop3A_367 = arith.constant 64 : i32
        %parallel_loop3A_368 = arith.muli %parallel_loop3A_366, %parallel_loop3A_367 : i32
        %parallel_loop3A_369 = arith.constant 16 : i32
        %parallel_loop3A_370 = arith.addi %parallel_loop3A_368, %parallel_loop3A_369 : i32
        %parallel_loop3A_371 = arith.constant 0 : i32
        %parallel_loop3A_372 = arith.addi %parallel_loop3A_371, %parallel_loop3A_240 : i32
        %parallel_loop3A_373 = arith.index_cast %parallel_loop3A_372 : i32 to index
        %parallel_loop3A_374 = arith.constant 16 : index
        %parallel_loop3A_375 = tpu.vector_load %arg11[%parallel_loop3A_373, %parallel_loop3A_374] {strides = array<i32>} : memref<400x64xf32, #tpu.memory_space<vmem>>, vector<1x16xf32>,
        %parallel_loop3A_376 = vector.shape_cast %parallel_loop3A_375 : vector<1x16xf32> to vector<16xf32>
        %parallel_loop3A_377 = arith.addf %parallel_loop3A_376, %parallel_loop3A_364 : vector<16xf32>
        %parallel_loop3A_378 = arith.constant 1024 : i32
        %parallel_loop3A_379 = arith.divsi %parallel_loop3A_370, %parallel_loop3A_378 : i32
        %parallel_loop3A_380 = arith.constant 0 : i32
        %parallel_loop3A_381 = arith.cmpi sgt, %parallel_loop3A_370, %parallel_loop3A_380 : i32
        %parallel_loop3A_382 = arith.extui %parallel_loop3A_381 : i1 to i32
        %parallel_loop3A_383 = arith.constant 0 : i32
        %parallel_loop3A_384 = arith.cmpi slt, %parallel_loop3A_370, %parallel_loop3A_383 : i32
        %parallel_loop3A_385 = arith.extui %parallel_loop3A_384 : i1 to i32
        %parallel_loop3A_386 = arith.subi %parallel_loop3A_382, %parallel_loop3A_385 : i32
        %parallel_loop3A_387 = arith.constant 0 : i32
        %parallel_loop3A_388 = arith.cmpi sgt, %parallel_loop3A_378, %parallel_loop3A_387 : i32
        %parallel_loop3A_389 = arith.extui %parallel_loop3A_388 : i1 to i32
        %parallel_loop3A_390 = arith.constant 0 : i32
        %parallel_loop3A_391 = arith.cmpi slt, %parallel_loop3A_378, %parallel_loop3A_390 : i32
        %parallel_loop3A_392 = arith.extui %parallel_loop3A_391 : i1 to i32
        %parallel_loop3A_393 = arith.subi %parallel_loop3A_389, %parallel_loop3A_392 : i32
        %parallel_loop3A_394 = arith.cmpi ne, %parallel_loop3A_386, %parallel_loop3A_393 : i32
        %parallel_loop3A_395 = arith.remsi %parallel_loop3A_370, %parallel_loop3A_378 : i32
        %parallel_loop3A_396 = arith.constant 0 : i32
        %parallel_loop3A_397 = arith.cmpi ne, %parallel_loop3A_395, %parallel_loop3A_396 : i32
        %parallel_loop3A_398 = arith.andi %parallel_loop3A_394, %parallel_loop3A_397 : i1
        %parallel_loop3A_399 = arith.constant 1 : i32
        %parallel_loop3A_400 = arith.subi %parallel_loop3A_379, %parallel_loop3A_399 : i32
        %parallel_loop3A_401 = arith.select %parallel_loop3A_398, %parallel_loop3A_400, %parallel_loop3A_379 : i32
        %parallel_loop3A_402 = arith.constant 1024 : i32
        %parallel_loop3A_403 = arith.constant 0 : i32
        %parallel_loop3A_404 = arith.cmpi eq, %parallel_loop3A_402, %parallel_loop3A_403 : i32
        %parallel_loop3A_405 = arith.constant 1 : i32
        %parallel_loop3A_406 = arith.select %parallel_loop3A_404, %parallel_loop3A_405, %parallel_loop3A_402 : i32
        %parallel_loop3A_407 = arith.remsi %parallel_loop3A_370, %parallel_loop3A_406 : i32
        %parallel_loop3A_408 = arith.constant 0 : i32
        %parallel_loop3A_409 = arith.cmpi ne, %parallel_loop3A_407, %parallel_loop3A_408 : i32
        %parallel_loop3A_410 = arith.constant 0 : i32
        %parallel_loop3A_411 = arith.cmpi slt, %parallel_loop3A_407, %parallel_loop3A_410 : i32
        %parallel_loop3A_412 = arith.constant 0 : i32
        %parallel_loop3A_413 = arith.cmpi slt, %parallel_loop3A_406, %parallel_loop3A_412 : i32
        %parallel_loop3A_414 = arith.xori %parallel_loop3A_411, %parallel_loop3A_413 : i1
        %parallel_loop3A_415 = arith.andi %parallel_loop3A_414, %parallel_loop3A_409 : i1
        %parallel_loop3A_416 = arith.addi %parallel_loop3A_407, %parallel_loop3A_406 : i32
        %parallel_loop3A_417 = arith.select %parallel_loop3A_415, %parallel_loop3A_416, %parallel_loop3A_407 : i32
        %parallel_loop3A_418 = arith.index_cast %parallel_loop3A_401 : i32 to index
        %parallel_loop3A_419 = arith.index_cast %parallel_loop3A_417 : i32 to index
        %parallel_loop3A_420 = tpu.vector_load %arg13[%parallel_loop3A_418, %parallel_loop3A_419] {strides = array<i32>} : memref<25x1024xf32, #tpu.memory_space<vmem>>, vector<1x16xf32>,
        %parallel_loop3A_421 = vector.shape_cast %parallel_loop3A_420 : vector<1x16xf32> to vector<16xf32>
        %parallel_loop3A_422 = vector.shape_cast %parallel_loop3A_377 : vector<16xf32> to vector<1x16xf32>
        tpu.vector_store %arg13[%parallel_loop3A_418, %parallel_loop3A_419], %parallel_loop3A_422 {strides = array<i32>} : memref<25x1024xf32, #tpu.memory_space<vmem>>, vector<1x16xf32>,
        %parallel_loop3A_423 = arith.constant 200 : i32
        %parallel_loop3A_424 = arith.addi %parallel_loop3A_423, %parallel_loop3A_240 : i32
        %parallel_loop3A_425 = arith.constant 64 : i32
        %parallel_loop3A_426 = arith.muli %parallel_loop3A_424, %parallel_loop3A_425 : i32
        %parallel_loop3A_427 = arith.constant 16 : i32
        %parallel_loop3A_428 = arith.addi %parallel_loop3A_426, %parallel_loop3A_427 : i32
        %parallel_loop3A_429 = arith.constant 200 : i32
        %parallel_loop3A_430 = arith.addi %parallel_loop3A_429, %parallel_loop3A_240 : i32
        %parallel_loop3A_431 = arith.index_cast %parallel_loop3A_430 : i32 to index
        %parallel_loop3A_432 = arith.constant 16 : index
        %parallel_loop3A_433 = tpu.vector_load %arg11[%parallel_loop3A_431, %parallel_loop3A_432] {strides = array<i32>} : memref<400x64xf32, #tpu.memory_space<vmem>>, vector<1x16xf32>,
        %parallel_loop3A_434 = vector.shape_cast %parallel_loop3A_433 : vector<1x16xf32> to vector<16xf32>
        %parallel_loop3A_435 = arith.addf %parallel_loop3A_434, %parallel_loop3A_364 : vector<16xf32>
        %parallel_loop3A_436 = arith.constant 1024 : i32
        %parallel_loop3A_437 = arith.divsi %parallel_loop3A_428, %parallel_loop3A_436 : i32
        %parallel_loop3A_438 = arith.constant 0 : i32
        %parallel_loop3A_439 = arith.cmpi sgt, %parallel_loop3A_428, %parallel_loop3A_438 : i32
        %parallel_loop3A_440 = arith.extui %parallel_loop3A_439 : i1 to i32
        %parallel_loop3A_441 = arith.constant 0 : i32
        %parallel_loop3A_442 = arith.cmpi slt, %parallel_loop3A_428, %parallel_loop3A_441 : i32
        %parallel_loop3A_443 = arith.extui %parallel_loop3A_442 : i1 to i32
        %parallel_loop3A_444 = arith.subi %parallel_loop3A_440, %parallel_loop3A_443 : i32
        %parallel_loop3A_445 = arith.constant 0 : i32
        %parallel_loop3A_446 = arith.cmpi sgt, %parallel_loop3A_436, %parallel_loop3A_445 : i32
        %parallel_loop3A_447 = arith.extui %parallel_loop3A_446 : i1 to i32
        %parallel_loop3A_448 = arith.constant 0 : i32
        %parallel_loop3A_449 = arith.cmpi slt, %parallel_loop3A_436, %parallel_loop3A_448 : i32
        %parallel_loop3A_450 = arith.extui %parallel_loop3A_449 : i1 to i32
        %parallel_loop3A_451 = arith.subi %parallel_loop3A_447, %parallel_loop3A_450 : i32
        %parallel_loop3A_452 = arith.cmpi ne, %parallel_loop3A_444, %parallel_loop3A_451 : i32
        %parallel_loop3A_453 = arith.remsi %parallel_loop3A_428, %parallel_loop3A_436 : i32
        %parallel_loop3A_454 = arith.constant 0 : i32
        %parallel_loop3A_455 = arith.cmpi ne, %parallel_loop3A_453, %parallel_loop3A_454 : i32
        %parallel_loop3A_456 = arith.andi %parallel_loop3A_452, %parallel_loop3A_455 : i1
        %parallel_loop3A_457 = arith.constant 1 : i32
        %parallel_loop3A_458 = arith.subi %parallel_loop3A_437, %parallel_loop3A_457 : i32
        %parallel_loop3A_459 = arith.select %parallel_loop3A_456, %parallel_loop3A_458, %parallel_loop3A_437 : i32
        %parallel_loop3A_460 = arith.constant 1024 : i32
        %parallel_loop3A_461 = arith.constant 0 : i32
        %parallel_loop3A_462 = arith.cmpi eq, %parallel_loop3A_460, %parallel_loop3A_461 : i32
        %parallel_loop3A_463 = arith.constant 1 : i32
        %parallel_loop3A_464 = arith.select %parallel_loop3A_462, %parallel_loop3A_463, %parallel_loop3A_460 : i32
        %parallel_loop3A_465 = arith.remsi %parallel_loop3A_428, %parallel_loop3A_464 : i32
        %parallel_loop3A_466 = arith.constant 0 : i32
        %parallel_loop3A_467 = arith.cmpi ne, %parallel_loop3A_465, %parallel_loop3A_466 : i32
        %parallel_loop3A_468 = arith.constant 0 : i32
        %parallel_loop3A_469 = arith.cmpi slt, %parallel_loop3A_465, %parallel_loop3A_468 : i32
        %parallel_loop3A_470 = arith.constant 0 : i32
        %parallel_loop3A_471 = arith.cmpi slt, %parallel_loop3A_464, %parallel_loop3A_470 : i32
        %parallel_loop3A_472 = arith.xori %parallel_loop3A_469, %parallel_loop3A_471 : i1
        %parallel_loop3A_473 = arith.andi %parallel_loop3A_472, %parallel_loop3A_467 : i1
        %parallel_loop3A_474 = arith.addi %parallel_loop3A_465, %parallel_loop3A_464 : i32
        %parallel_loop3A_475 = arith.select %parallel_loop3A_473, %parallel_loop3A_474, %parallel_loop3A_465 : i32
        %parallel_loop3A_476 = arith.index_cast %parallel_loop3A_459 : i32 to index
        %parallel_loop3A_477 = arith.index_cast %parallel_loop3A_475 : i32 to index
        %parallel_loop3A_478 = tpu.vector_load %arg13[%parallel_loop3A_476, %parallel_loop3A_477] {strides = array<i32>} : memref<25x1024xf32, #tpu.memory_space<vmem>>, vector<1x16xf32>,
        %parallel_loop3A_479 = vector.shape_cast %parallel_loop3A_478 : vector<1x16xf32> to vector<16xf32>
        %parallel_loop3A_480 = vector.shape_cast %parallel_loop3A_435 : vector<16xf32> to vector<1x16xf32>
        tpu.vector_store %arg13[%parallel_loop3A_476, %parallel_loop3A_477], %parallel_loop3A_480 {strides = array<i32>} : memref<25x1024xf32, #tpu.memory_space<vmem>>, vector<1x16xf32>,
        %parallel_loop3A_481 = arith.index_cast %parallel_loop3A_240 : i32 to index
        %parallel_loop3A_482 = arith.constant 32 : index
        %parallel_loop3A_483 = tpu.vector_load %arg14[%parallel_loop3A_481, %parallel_loop3A_482] {strides = array<i32>} : memref<200x64xf32, #tpu.memory_space<vmem>>, vector<1x16xf32>,
        %parallel_loop3A_484 = vector.shape_cast %parallel_loop3A_483 : vector<1x16xf32> to vector<16xf32>
        %parallel_loop3A_485 = arith.constant 0 : i32
        %parallel_loop3A_486 = arith.addi %parallel_loop3A_485, %parallel_loop3A_240 : i32
        %parallel_loop3A_487 = arith.constant 64 : i32
        %parallel_loop3A_488 = arith.muli %parallel_loop3A_486, %parallel_loop3A_487 : i32
        %parallel_loop3A_489 = arith.constant 32 : i32
        %parallel_loop3A_490 = arith.addi %parallel_loop3A_488, %parallel_loop3A_489 : i32
        %parallel_loop3A_491 = arith.constant 0 : i32
        %parallel_loop3A_492 = arith.addi %parallel_loop3A_491, %parallel_loop3A_240 : i32
        %parallel_loop3A_493 = arith.index_cast %parallel_loop3A_492 : i32 to index
        %parallel_loop3A_494 = arith.constant 32 : index
        %parallel_loop3A_495 = tpu.vector_load %arg11[%parallel_loop3A_493, %parallel_loop3A_494] {strides = array<i32>} : memref<400x64xf32, #tpu.memory_space<vmem>>, vector<1x16xf32>,
        %parallel_loop3A_496 = vector.shape_cast %parallel_loop3A_495 : vector<1x16xf32> to vector<16xf32>
        %parallel_loop3A_497 = arith.addf %parallel_loop3A_496, %parallel_loop3A_484 : vector<16xf32>
        %parallel_loop3A_498 = arith.constant 1024 : i32
        %parallel_loop3A_499 = arith.divsi %parallel_loop3A_490, %parallel_loop3A_498 : i32
        %parallel_loop3A_500 = arith.constant 0 : i32
        %parallel_loop3A_501 = arith.cmpi sgt, %parallel_loop3A_490, %parallel_loop3A_500 : i32
        %parallel_loop3A_502 = arith.extui %parallel_loop3A_501 : i1 to i32
        %parallel_loop3A_503 = arith.constant 0 : i32
        %parallel_loop3A_504 = arith.cmpi slt, %parallel_loop3A_490, %parallel_loop3A_503 : i32
        %parallel_loop3A_505 = arith.extui %parallel_loop3A_504 : i1 to i32
        %parallel_loop3A_506 = arith.subi %parallel_loop3A_502, %parallel_loop3A_505 : i32
        %parallel_loop3A_507 = arith.constant 0 : i32
        %parallel_loop3A_508 = arith.cmpi sgt, %parallel_loop3A_498, %parallel_loop3A_507 : i32
        %parallel_loop3A_509 = arith.extui %parallel_loop3A_508 : i1 to i32
        %parallel_loop3A_510 = arith.constant 0 : i32
        %parallel_loop3A_511 = arith.cmpi slt, %parallel_loop3A_498, %parallel_loop3A_510 : i32
        %parallel_loop3A_512 = arith.extui %parallel_loop3A_511 : i1 to i32
        %parallel_loop3A_513 = arith.subi %parallel_loop3A_509, %parallel_loop3A_512 : i32
        %parallel_loop3A_514 = arith.cmpi ne, %parallel_loop3A_506, %parallel_loop3A_513 : i32
        %parallel_loop3A_515 = arith.remsi %parallel_loop3A_490, %parallel_loop3A_498 : i32
        %parallel_loop3A_516 = arith.constant 0 : i32
        %parallel_loop3A_517 = arith.cmpi ne, %parallel_loop3A_515, %parallel_loop3A_516 : i32
        %parallel_loop3A_518 = arith.andi %parallel_loop3A_514, %parallel_loop3A_517 : i1
        %parallel_loop3A_519 = arith.constant 1 : i32
        %parallel_loop3A_520 = arith.subi %parallel_loop3A_499, %parallel_loop3A_519 : i32
        %parallel_loop3A_521 = arith.select %parallel_loop3A_518, %parallel_loop3A_520, %parallel_loop3A_499 : i32
        %parallel_loop3A_522 = arith.constant 1024 : i32
        %parallel_loop3A_523 = arith.constant 0 : i32
        %parallel_loop3A_524 = arith.cmpi eq, %parallel_loop3A_522, %parallel_loop3A_523 : i32
        %parallel_loop3A_525 = arith.constant 1 : i32
        %parallel_loop3A_526 = arith.select %parallel_loop3A_524, %parallel_loop3A_525, %parallel_loop3A_522 : i32
        %parallel_loop3A_527 = arith.remsi %parallel_loop3A_490, %parallel_loop3A_526 : i32
        %parallel_loop3A_528 = arith.constant 0 : i32
        %parallel_loop3A_529 = arith.cmpi ne, %parallel_loop3A_527, %parallel_loop3A_528 : i32
        %parallel_loop3A_530 = arith.constant 0 : i32
        %parallel_loop3A_531 = arith.cmpi slt, %parallel_loop3A_527, %parallel_loop3A_530 : i32
        %parallel_loop3A_532 = arith.constant 0 : i32
        %parallel_loop3A_533 = arith.cmpi slt, %parallel_loop3A_526, %parallel_loop3A_532 : i32
        %parallel_loop3A_534 = arith.xori %parallel_loop3A_531, %parallel_loop3A_533 : i1
        %parallel_loop3A_535 = arith.andi %parallel_loop3A_534, %parallel_loop3A_529 : i1
        %parallel_loop3A_536 = arith.addi %parallel_loop3A_527, %parallel_loop3A_526 : i32
        %parallel_loop3A_537 = arith.select %parallel_loop3A_535, %parallel_loop3A_536, %parallel_loop3A_527 : i32
        %parallel_loop3A_538 = arith.index_cast %parallel_loop3A_521 : i32 to index
        %parallel_loop3A_539 = arith.index_cast %parallel_loop3A_537 : i32 to index
        %parallel_loop3A_540 = tpu.vector_load %arg13[%parallel_loop3A_538, %parallel_loop3A_539] {strides = array<i32>} : memref<25x1024xf32, #tpu.memory_space<vmem>>, vector<1x16xf32>,
        %parallel_loop3A_541 = vector.shape_cast %parallel_loop3A_540 : vector<1x16xf32> to vector<16xf32>
        %parallel_loop3A_542 = vector.shape_cast %parallel_loop3A_497 : vector<16xf32> to vector<1x16xf32>
        tpu.vector_store %arg13[%parallel_loop3A_538, %parallel_loop3A_539], %parallel_loop3A_542 {strides = array<i32>} : memref<25x1024xf32, #tpu.memory_space<vmem>>, vector<1x16xf32>,
        %parallel_loop3A_543 = arith.constant 200 : i32
        %parallel_loop3A_544 = arith.addi %parallel_loop3A_543, %parallel_loop3A_240 : i32
        %parallel_loop3A_545 = arith.constant 64 : i32
        %parallel_loop3A_546 = arith.muli %parallel_loop3A_544, %parallel_loop3A_545 : i32
        %parallel_loop3A_547 = arith.constant 32 : i32
        %parallel_loop3A_548 = arith.addi %parallel_loop3A_546, %parallel_loop3A_547 : i32
        %parallel_loop3A_549 = arith.constant 200 : i32
        %parallel_loop3A_550 = arith.addi %parallel_loop3A_549, %parallel_loop3A_240 : i32
        %parallel_loop3A_551 = arith.index_cast %parallel_loop3A_550 : i32 to index
        %parallel_loop3A_552 = arith.constant 32 : index
        %parallel_loop3A_553 = tpu.vector_load %arg11[%parallel_loop3A_551, %parallel_loop3A_552] {strides = array<i32>} : memref<400x64xf32, #tpu.memory_space<vmem>>, vector<1x16xf32>,
        %parallel_loop3A_554 = vector.shape_cast %parallel_loop3A_553 : vector<1x16xf32> to vector<16xf32>
        %parallel_loop3A_555 = arith.addf %parallel_loop3A_554, %parallel_loop3A_484 : vector<16xf32>
        %parallel_loop3A_556 = arith.constant 1024 : i32
        %parallel_loop3A_557 = arith.divsi %parallel_loop3A_548, %parallel_loop3A_556 : i32
        %parallel_loop3A_558 = arith.constant 0 : i32
        %parallel_loop3A_559 = arith.cmpi sgt, %parallel_loop3A_548, %parallel_loop3A_558 : i32
        %parallel_loop3A_560 = arith.extui %parallel_loop3A_559 : i1 to i32
        %parallel_loop3A_561 = arith.constant 0 : i32
        %parallel_loop3A_562 = arith.cmpi slt, %parallel_loop3A_548, %parallel_loop3A_561 : i32
        %parallel_loop3A_563 = arith.extui %parallel_loop3A_562 : i1 to i32
        %parallel_loop3A_564 = arith.subi %parallel_loop3A_560, %parallel_loop3A_563 : i32
        %parallel_loop3A_565 = arith.constant 0 : i32
        %parallel_loop3A_566 = arith.cmpi sgt, %parallel_loop3A_556, %parallel_loop3A_565 : i32
        %parallel_loop3A_567 = arith.extui %parallel_loop3A_566 : i1 to i32
        %parallel_loop3A_568 = arith.constant 0 : i32
        %parallel_loop3A_569 = arith.cmpi slt, %parallel_loop3A_556, %parallel_loop3A_568 : i32
        %parallel_loop3A_570 = arith.extui %parallel_loop3A_569 : i1 to i32
        %parallel_loop3A_571 = arith.subi %parallel_loop3A_567, %parallel_loop3A_570 : i32
        %parallel_loop3A_572 = arith.cmpi ne, %parallel_loop3A_564, %parallel_loop3A_571 : i32
        %parallel_loop3A_573 = arith.remsi %parallel_loop3A_548, %parallel_loop3A_556 : i32
        %parallel_loop3A_574 = arith.constant 0 : i32
        %parallel_loop3A_575 = arith.cmpi ne, %parallel_loop3A_573, %parallel_loop3A_574 : i32
        %parallel_loop3A_576 = arith.andi %parallel_loop3A_572, %parallel_loop3A_575 : i1
        %parallel_loop3A_577 = arith.constant 1 : i32
        %parallel_loop3A_578 = arith.subi %parallel_loop3A_557, %parallel_loop3A_577 : i32
        %parallel_loop3A_579 = arith.select %parallel_loop3A_576, %parallel_loop3A_578, %parallel_loop3A_557 : i32
        %parallel_loop3A_580 = arith.constant 1024 : i32
        %parallel_loop3A_581 = arith.constant 0 : i32
        %parallel_loop3A_582 = arith.cmpi eq, %parallel_loop3A_580, %parallel_loop3A_581 : i32
        %parallel_loop3A_583 = arith.constant 1 : i32
        %parallel_loop3A_584 = arith.select %parallel_loop3A_582, %parallel_loop3A_583, %parallel_loop3A_580 : i32
        %parallel_loop3A_585 = arith.remsi %parallel_loop3A_548, %parallel_loop3A_584 : i32
        %parallel_loop3A_586 = arith.constant 0 : i32
        %parallel_loop3A_587 = arith.cmpi ne, %parallel_loop3A_585, %parallel_loop3A_586 : i32
        %parallel_loop3A_588 = arith.constant 0 : i32
        %parallel_loop3A_589 = arith.cmpi slt, %parallel_loop3A_585, %parallel_loop3A_588 : i32
        %parallel_loop3A_590 = arith.constant 0 : i32
        %parallel_loop3A_591 = arith.cmpi slt, %parallel_loop3A_584, %parallel_loop3A_590 : i32
        %parallel_loop3A_592 = arith.xori %parallel_loop3A_589, %parallel_loop3A_591 : i1
        %parallel_loop3A_593 = arith.andi %parallel_loop3A_592, %parallel_loop3A_587 : i1
        %parallel_loop3A_594 = arith.addi %parallel_loop3A_585, %parallel_loop3A_584 : i32
        %parallel_loop3A_595 = arith.select %parallel_loop3A_593, %parallel_loop3A_594, %parallel_loop3A_585 : i32
        %parallel_loop3A_596 = arith.index_cast %parallel_loop3A_579 : i32 to index
        %parallel_loop3A_597 = arith.index_cast %parallel_loop3A_595 : i32 to index
        %parallel_loop3A_598 = tpu.vector_load %arg13[%parallel_loop3A_596, %parallel_loop3A_597] {strides = array<i32>} : memref<25x1024xf32, #tpu.memory_space<vmem>>, vector<1x16xf32>,
        %parallel_loop3A_599 = vector.shape_cast %parallel_loop3A_598 : vector<1x16xf32> to vector<16xf32>
        %parallel_loop3A_600 = vector.shape_cast %parallel_loop3A_555 : vector<16xf32> to vector<1x16xf32>
        tpu.vector_store %arg13[%parallel_loop3A_596, %parallel_loop3A_597], %parallel_loop3A_600 {strides = array<i32>} : memref<25x1024xf32, #tpu.memory_space<vmem>>, vector<1x16xf32>,
        %parallel_loop3A_601 = arith.index_cast %parallel_loop3A_240 : i32 to index
        %parallel_loop3A_602 = arith.constant 48 : index
        %parallel_loop3A_603 = tpu.vector_load %arg14[%parallel_loop3A_601, %parallel_loop3A_602] {strides = array<i32>} : memref<200x64xf32, #tpu.memory_space<vmem>>, vector<1x16xf32>,
        %parallel_loop3A_604 = vector.shape_cast %parallel_loop3A_603 : vector<1x16xf32> to vector<16xf32>
        %parallel_loop3A_605 = arith.constant 0 : i32
        %parallel_loop3A_606 = arith.addi %parallel_loop3A_605, %parallel_loop3A_240 : i32
        %parallel_loop3A_607 = arith.constant 64 : i32
        %parallel_loop3A_608 = arith.muli %parallel_loop3A_606, %parallel_loop3A_607 : i32
        %parallel_loop3A_609 = arith.constant 48 : i32
        %parallel_loop3A_610 = arith.addi %parallel_loop3A_608, %parallel_loop3A_609 : i32
        %parallel_loop3A_611 = arith.constant 0 : i32
        %parallel_loop3A_612 = arith.addi %parallel_loop3A_611, %parallel_loop3A_240 : i32
        %parallel_loop3A_613 = arith.index_cast %parallel_loop3A_612 : i32 to index
        %parallel_loop3A_614 = arith.constant 48 : index
        %parallel_loop3A_615 = tpu.vector_load %arg11[%parallel_loop3A_613, %parallel_loop3A_614] {strides = array<i32>} : memref<400x64xf32, #tpu.memory_space<vmem>>, vector<1x16xf32>,
        %parallel_loop3A_616 = vector.shape_cast %parallel_loop3A_615 : vector<1x16xf32> to vector<16xf32>
        %parallel_loop3A_617 = arith.addf %parallel_loop3A_616, %parallel_loop3A_604 : vector<16xf32>
        %parallel_loop3A_618 = arith.constant 1024 : i32
        %parallel_loop3A_619 = arith.divsi %parallel_loop3A_610, %parallel_loop3A_618 : i32
        %parallel_loop3A_620 = arith.constant 0 : i32
        %parallel_loop3A_621 = arith.cmpi sgt, %parallel_loop3A_610, %parallel_loop3A_620 : i32
        %parallel_loop3A_622 = arith.extui %parallel_loop3A_621 : i1 to i32
        %parallel_loop3A_623 = arith.constant 0 : i32
        %parallel_loop3A_624 = arith.cmpi slt, %parallel_loop3A_610, %parallel_loop3A_623 : i32
        %parallel_loop3A_625 = arith.extui %parallel_loop3A_624 : i1 to i32
        %parallel_loop3A_626 = arith.subi %parallel_loop3A_622, %parallel_loop3A_625 : i32
        %parallel_loop3A_627 = arith.constant 0 : i32
        %parallel_loop3A_628 = arith.cmpi sgt, %parallel_loop3A_618, %parallel_loop3A_627 : i32
        %parallel_loop3A_629 = arith.extui %parallel_loop3A_628 : i1 to i32
        %parallel_loop3A_630 = arith.constant 0 : i32
        %parallel_loop3A_631 = arith.cmpi slt, %parallel_loop3A_618, %parallel_loop3A_630 : i32
        %parallel_loop3A_632 = arith.extui %parallel_loop3A_631 : i1 to i32
        %parallel_loop3A_633 = arith.subi %parallel_loop3A_629, %parallel_loop3A_632 : i32
        %parallel_loop3A_634 = arith.cmpi ne, %parallel_loop3A_626, %parallel_loop3A_633 : i32
        %parallel_loop3A_635 = arith.remsi %parallel_loop3A_610, %parallel_loop3A_618 : i32
        %parallel_loop3A_636 = arith.constant 0 : i32
        %parallel_loop3A_637 = arith.cmpi ne, %parallel_loop3A_635, %parallel_loop3A_636 : i32
        %parallel_loop3A_638 = arith.andi %parallel_loop3A_634, %parallel_loop3A_637 : i1
        %parallel_loop3A_639 = arith.constant 1 : i32
        %parallel_loop3A_640 = arith.subi %parallel_loop3A_619, %parallel_loop3A_639 : i32
        %parallel_loop3A_641 = arith.select %parallel_loop3A_638, %parallel_loop3A_640, %parallel_loop3A_619 : i32
        %parallel_loop3A_642 = arith.constant 1024 : i32
        %parallel_loop3A_643 = arith.constant 0 : i32
        %parallel_loop3A_644 = arith.cmpi eq, %parallel_loop3A_642, %parallel_loop3A_643 : i32
        %parallel_loop3A_645 = arith.constant 1 : i32
        %parallel_loop3A_646 = arith.select %parallel_loop3A_644, %parallel_loop3A_645, %parallel_loop3A_642 : i32
        %parallel_loop3A_647 = arith.remsi %parallel_loop3A_610, %parallel_loop3A_646 : i32
        %parallel_loop3A_648 = arith.constant 0 : i32
        %parallel_loop3A_649 = arith.cmpi ne, %parallel_loop3A_647, %parallel_loop3A_648 : i32
        %parallel_loop3A_650 = arith.constant 0 : i32
        %parallel_loop3A_651 = arith.cmpi slt, %parallel_loop3A_647, %parallel_loop3A_650 : i32
        %parallel_loop3A_652 = arith.constant 0 : i32
        %parallel_loop3A_653 = arith.cmpi slt, %parallel_loop3A_646, %parallel_loop3A_652 : i32
        %parallel_loop3A_654 = arith.xori %parallel_loop3A_651, %parallel_loop3A_653 : i1
        %parallel_loop3A_655 = arith.andi %parallel_loop3A_654, %parallel_loop3A_649 : i1
        %parallel_loop3A_656 = arith.addi %parallel_loop3A_647, %parallel_loop3A_646 : i32
        %parallel_loop3A_657 = arith.select %parallel_loop3A_655, %parallel_loop3A_656, %parallel_loop3A_647 : i32
        %parallel_loop3A_658 = arith.index_cast %parallel_loop3A_641 : i32 to index
        %parallel_loop3A_659 = arith.index_cast %parallel_loop3A_657 : i32 to index
        %parallel_loop3A_660 = tpu.vector_load %arg13[%parallel_loop3A_658, %parallel_loop3A_659] {strides = array<i32>} : memref<25x1024xf32, #tpu.memory_space<vmem>>, vector<1x16xf32>,
        %parallel_loop3A_661 = vector.shape_cast %parallel_loop3A_660 : vector<1x16xf32> to vector<16xf32>
        %parallel_loop3A_662 = vector.shape_cast %parallel_loop3A_617 : vector<16xf32> to vector<1x16xf32>
        tpu.vector_store %arg13[%parallel_loop3A_658, %parallel_loop3A_659], %parallel_loop3A_662 {strides = array<i32>} : memref<25x1024xf32, #tpu.memory_space<vmem>>, vector<1x16xf32>,
        %parallel_loop3A_663 = arith.constant 200 : i32
        %parallel_loop3A_664 = arith.addi %parallel_loop3A_663, %parallel_loop3A_240 : i32
        %parallel_loop3A_665 = arith.constant 64 : i32
        %parallel_loop3A_666 = arith.muli %parallel_loop3A_664, %parallel_loop3A_665 : i32
        %parallel_loop3A_667 = arith.constant 48 : i32
        %parallel_loop3A_668 = arith.addi %parallel_loop3A_666, %parallel_loop3A_667 : i32
        %parallel_loop3A_669 = arith.constant 200 : i32
        %parallel_loop3A_670 = arith.addi %parallel_loop3A_669, %parallel_loop3A_240 : i32
        %parallel_loop3A_671 = arith.index_cast %parallel_loop3A_670 : i32 to index
        %parallel_loop3A_672 = arith.constant 48 : index
        %parallel_loop3A_673 = tpu.vector_load %arg11[%parallel_loop3A_671, %parallel_loop3A_672] {strides = array<i32>} : memref<400x64xf32, #tpu.memory_space<vmem>>, vector<1x16xf32>,
        %parallel_loop3A_674 = vector.shape_cast %parallel_loop3A_673 : vector<1x16xf32> to vector<16xf32>
        %parallel_loop3A_675 = arith.addf %parallel_loop3A_674, %parallel_loop3A_604 : vector<16xf32>
        %parallel_loop3A_676 = arith.constant 1024 : i32
        %parallel_loop3A_677 = arith.divsi %parallel_loop3A_668, %parallel_loop3A_676 : i32
        %parallel_loop3A_678 = arith.constant 0 : i32
        %parallel_loop3A_679 = arith.cmpi sgt, %parallel_loop3A_668, %parallel_loop3A_678 : i32
        %parallel_loop3A_680 = arith.extui %parallel_loop3A_679 : i1 to i32
        %parallel_loop3A_681 = arith.constant 0 : i32
        %parallel_loop3A_682 = arith.cmpi slt, %parallel_loop3A_668, %parallel_loop3A_681 : i32
        %parallel_loop3A_683 = arith.extui %parallel_loop3A_682 : i1 to i32
        %parallel_loop3A_684 = arith.subi %parallel_loop3A_680, %parallel_loop3A_683 : i32
        %parallel_loop3A_685 = arith.constant 0 : i32
        %parallel_loop3A_686 = arith.cmpi sgt, %parallel_loop3A_676, %parallel_loop3A_685 : i32
        %parallel_loop3A_687 = arith.extui %parallel_loop3A_686 : i1 to i32
        %parallel_loop3A_688 = arith.constant 0 : i32
        %parallel_loop3A_689 = arith.cmpi slt, %parallel_loop3A_676, %parallel_loop3A_688 : i32
        %parallel_loop3A_690 = arith.extui %parallel_loop3A_689 : i1 to i32
        %parallel_loop3A_691 = arith.subi %parallel_loop3A_687, %parallel_loop3A_690 : i32
        %parallel_loop3A_692 = arith.cmpi ne, %parallel_loop3A_684, %parallel_loop3A_691 : i32
        %parallel_loop3A_693 = arith.remsi %parallel_loop3A_668, %parallel_loop3A_676 : i32
        %parallel_loop3A_694 = arith.constant 0 : i32
        %parallel_loop3A_695 = arith.cmpi ne, %parallel_loop3A_693, %parallel_loop3A_694 : i32
        %parallel_loop3A_696 = arith.andi %parallel_loop3A_692, %parallel_loop3A_695 : i1
        %parallel_loop3A_697 = arith.constant 1 : i32
        %parallel_loop3A_698 = arith.subi %parallel_loop3A_677, %parallel_loop3A_697 : i32
        %parallel_loop3A_699 = arith.select %parallel_loop3A_696, %parallel_loop3A_698, %parallel_loop3A_677 : i32
        %parallel_loop3A_700 = arith.constant 1024 : i32
        %parallel_loop3A_701 = arith.constant 0 : i32
        %parallel_loop3A_702 = arith.cmpi eq, %parallel_loop3A_700, %parallel_loop3A_701 : i32
        %parallel_loop3A_703 = arith.constant 1 : i32
        %parallel_loop3A_704 = arith.select %parallel_loop3A_702, %parallel_loop3A_703, %parallel_loop3A_700 : i32
        %parallel_loop3A_705 = arith.remsi %parallel_loop3A_668, %parallel_loop3A_704 : i32
        %parallel_loop3A_706 = arith.constant 0 : i32
        %parallel_loop3A_707 = arith.cmpi ne, %parallel_loop3A_705, %parallel_loop3A_706 : i32
        %parallel_loop3A_708 = arith.constant 0 : i32
        %parallel_loop3A_709 = arith.cmpi slt, %parallel_loop3A_705, %parallel_loop3A_708 : i32
        %parallel_loop3A_710 = arith.constant 0 : i32
        %parallel_loop3A_711 = arith.cmpi slt, %parallel_loop3A_704, %parallel_loop3A_710 : i32
        %parallel_loop3A_712 = arith.xori %parallel_loop3A_709, %parallel_loop3A_711 : i1
        %parallel_loop3A_713 = arith.andi %parallel_loop3A_712, %parallel_loop3A_707 : i1
        %parallel_loop3A_714 = arith.addi %parallel_loop3A_705, %parallel_loop3A_704 : i32
        %parallel_loop3A_715 = arith.select %parallel_loop3A_713, %parallel_loop3A_714, %parallel_loop3A_705 : i32
        %parallel_loop3A_716 = arith.index_cast %parallel_loop3A_699 : i32 to index
        %parallel_loop3A_717 = arith.index_cast %parallel_loop3A_715 : i32 to index
        %parallel_loop3A_718 = tpu.vector_load %arg13[%parallel_loop3A_716, %parallel_loop3A_717] {strides = array<i32>} : memref<25x1024xf32, #tpu.memory_space<vmem>>, vector<1x16xf32>,
        %parallel_loop3A_719 = vector.shape_cast %parallel_loop3A_718 : vector<1x16xf32> to vector<16xf32>
        %parallel_loop3A_720 = vector.shape_cast %parallel_loop3A_675 : vector<16xf32> to vector<1x16xf32>
        tpu.vector_store %arg13[%parallel_loop3A_716, %parallel_loop3A_717], %parallel_loop3A_720 {strides = array<i32>} : memref<25x1024xf32, #tpu.memory_space<vmem>>, vector<1x16xf32>,
      } {sc.loop_unroll_factor = 2 : i64, sc.parallel_access}
      %mul3A_231 = arith.constant 64 : i32
      %mul3A_232 = arith.muli %add3A, %mul3A_231 : i32
      %add3A_233 = arith.addi %mul3A_232, %add3A_202 : i32
      %mul3A_234 = arith.constant 25 : i32
      %mul3A_235 = arith.muli %add3A_233, %mul3A_234 : i32
      %dma_start3A_236 = arith.constant 0 : i32
      %dma_start3A_237 = tpu.memref_slice %arg5[%mul3A_235, %dma_start3A_236] : memref<51200x1024xf32, #tpu.memory_space<hbm>> -> memref<25x1024xf32, #tpu.memory_space<hbm>>
      %dma_start3A_238 = arith.constant 0 : i32
      %dma_start3A_239 = tpu.memref_slice %arg5[%mul3A_235, %dma_start3A_238] : memref<51200x1024xf32, #tpu.memory_space<hbm>> -> memref<25x1024xf32, #tpu.memory_space<hbm>>
      tpu.enqueue_dma source(%arg13 : memref<25x1024xf32, #tpu.memory_space<vmem>>) target(%dma_start3A_239 : memref<25x1024xf32, #tpu.memory_space<hbm>>) target_semaphore(%arg20 : memref<!tpu.dma_semaphore, #tpu.memory_space<semaphore_mem>>)
    }
    %scan3A_67 = arith.constant 16 : i32
    %dma_wait3A_68 = arith.constant 0 : i32
    %dma_wait3A_69 = arith.constant 0 : i32
    %dma_wait3A_70 = tpu.memref_slice %arg5[%dma_wait3A_68, %dma_wait3A_69] : memref<51200x1024xf32, #tpu.memory_space<hbm>> -> memref<25x1024xf32, #tpu.memory_space<hbm>>
    %dma_wait3A_71 = arith.constant 0 : i32
    %dma_wait3A_72 = arith.constant 0 : i32
    %dma_wait3A_73 = tpu.memref_slice %arg5[%dma_wait3A_71, %dma_wait3A_72] : memref<51200x1024xf32, #tpu.memory_space<hbm>> -> memref<25x1024xf32, #tpu.memory_space<hbm>>
    tpu.wait_dma2 semaphore(%arg19 : memref<!tpu.dma_semaphore, #tpu.memory_space<semaphore_mem>>) src(%arg12 : memref<25x1024xf32, #tpu.memory_space<vmem>>) dst(%dma_wait3A_73 : memref<25x1024xf32, #tpu.memory_space<hbm>>)
    %dma_wait3A_74 = arith.constant 0 : i32
    %dma_wait3A_75 = arith.constant 0 : i32
    %dma_wait3A_76 = tpu.memref_slice %arg5[%dma_wait3A_74, %dma_wait3A_75] : memref<51200x1024xf32, #tpu.memory_space<hbm>> -> memref<25x1024xf32, #tpu.memory_space<hbm>>
    %dma_wait3A_77 = arith.constant 0 : i32
    %dma_wait3A_78 = arith.constant 0 : i32
    %dma_wait3A_79 = tpu.memref_slice %arg5[%dma_wait3A_77, %dma_wait3A_78] : memref<51200x1024xf32, #tpu.memory_space<hbm>> -> memref<25x1024xf32, #tpu.memory_space<hbm>>
    tpu.wait_dma2 semaphore(%arg20 : memref<!tpu.dma_semaphore, #tpu.memory_space<semaphore_mem>>) src(%arg13 : memref<25x1024xf32, #tpu.memory_space<vmem>>) dst(%dma_wait3A_79 : memref<25x1024xf32, #tpu.memory_space<hbm>>)
    return
  }
}

</mosaic_0001>

<sc_bundles>
// kernel: kernel.3.cloned.1.call-start
scs
__scs_entry_jumppad:
0x0: {  	(pc) =	sbr.rel $0x88, $3  }
0x1: {  	(tag) =	ssettag $0x0;
	lr =	simm.s32 $0x1  }
0x2: {  	[smem:$0x3F9E] =	sst lr;
	_ =	strace $0xD0000000  }
0x3: {  	_ = 	snop  }
0x4: {  	_ = 	snop  }
0x5: {  	_ = 	snop  }
0x6: {  	_ = 	snop  }
0x7: {  	_ = 	snop  }
__scs_overlays_trampoline_lowered:
0x8: {  	[smem:$0x3FAD] =	sst s0  }
0x9: {  	[smem:$0x3FAE] =	sst s1  }
0xa: {  	[smem:$0x3FAF] =	sst s2  }
0xb: {  	[smem:$0x3FB0] =	sst s3  }
0xc: {  	[smem:$0x3FB1] =	sst s4  }
0xd: {  	[smem:$0x3FB2] =	sst s5  }
0xe: {  	[smem:$0x3FB3] =	sst s6  }
0xf: {  	[smem:$0x3FB4] =	sst s7  }
0x10: {  	[smem:$0x3FB5] =	sst s8  }
0x11: {  	[smem:$0x3FB6] =	sst s9;
	s0 =	simm.s32 @!p0 $0x0  }
0x12: {  	s1 =	sld [smem:$0x3F9C];
	s0 =	simm.s32 @p0 $0x1  }
0x13: {  	[smem:$0x3FB7] =	sst s0;
	s0 =	simm.s32 @!p1 $0x0  }
0x14: {  	s2 =	sld [smem:$0x3F9B];
	s0 =	simm.s32 @p1 $0x1  }
0x15: {  	[smem:$0x3FB8] =	sst s0;
	s0 =	simm.s32 @!p2 $0x0  }
0x16: {  	s3 =	sld [smem:$0x3FDB];
	s0 =	simm.s32 @p2 $0x1  }
0x17: {  	s4 =	simm.s32 $0x1BF5;
	[smem:$0x3FBA] =	sst s0  }
0x18: {  	s0 =	sld [smem:$0x3F9D];
	_ =	swait.ge [sflag:s4], $0x0  }
0x19: {  	s7 =	sld [smem:$0x3F9E]  }
0x1a: {  	s8 =	sadd.s32 $0xFFFFE003, lr  }
0x1b: {  	s9 =	sadd.s32 $0xFFFFFEF7, lr;
	s5 =	simm.s32 $0xFFFFFFFF;
	p2 =	slt.u32 s8, $0xFFFFF086  }
0x1c: {  	p1 =	slt.u32 s9, $0xF7A;
	s5 =	simm.s32 @!p2 $0x0  }
0x1d: {  	s5 =	simm.s32 @p1 $0x1;
	p0 =	seq.s32 s7, s2  }
0x1e: {  	s7 =	smul.u32 @!p0 $0xF7A, s2;
	p2 =	seq.s32 @!p0 s5, $0x0  }
0x1f: {  	s9 =	smul.u32 $0xF7A, s1;
	s8 =	simm.s32 @!p0 $0x1BF5;
	p2 =	por !p2, p0  }
0x20: {  	[sflag:s8] =	ssyncset.s32 @!p0 $0xFFFFF086;
	s6 =	sadd.s32 @!p0 s3, s7;
	s7 =	simm.s32 @!p0 $0x108  }
0x21: {  	s3 =	sadd.s32 s3, s9;
	s6 =	sadd.s32 @!p0 $0x88, s6;
	s7 =	simm.s32 @p2 $0x1082  }
0x22: {  	[simem:s7], [sflag:s8] =	dma.local @!p0 [hbm:s6], $0xF7A  }
0x23: {  	s9 =	sor.u32 $0xD0000000, s2;
	s6 =	simm.s32 $0x108;
	_ =	swait.ge @!p0 [sflag:s8], $0x0  }
0x24: {  	s3 =	sadd.s32 $0x88, s3;
	s6 =	simm.s32 @!p1 $0x1082;
	[sflag:s4] =	ssyncset.s32 $0xFFFFF086  }
0x25: {  	[simem:s6], [sflag:s4] =	dma.local [hbm:s3], $0xF7A  }
0x26: {  	[smem:$0x3F9E] =	sst s1;
	(tag) =	ssettag s2;
	_ =	strace s9  }
0x27: {  	s1 =	sld [smem:$0x3FAE]  }
0x28: {  	s2 =	sld [smem:$0x3FAF]  }
0x29: {  	s4 =	sld [smem:$0x3FB1]  }
0x2a: {  	p0 =	seq.s32 s5, $0x0;
	s5 =	sld [smem:$0x3FB2]  }
0x2b: {  	s6 =	sld [smem:$0x3FB3]  }
0x2c: {  	s7 =	sld [smem:$0x3FB4]  }
0x2d: {  	s3 =	simm.s32 $0x108;
	s8 =	sld [smem:$0x3FB5]  }
0x2e: {  	s3 =	simm.s32 @!p0 $0x1082;
	s9 =	sld [smem:$0x3FB6]  }
0x2f: {  	lr =	sadd.s32 s0, s3;
	s0 =	sld [smem:$0x3FAD]  }
0x30: {  	s3 =	sld [smem:$0x3FB0]  }
0x31: {  	[smem:$0x3FB9] =	sst s10  }
0x32: {  	s10 =	sld [smem:$0x3FB7];
	_ =	sdelay $0x3  }
0x33: {  	p0 =	seq.s32 s10, $0x1;
	s10 =	sld [smem:$0x3FB9];
	_ =	sdelay $0x3  }
0x34: {  	[smem:$0x3FB9] =	sst s10  }
0x35: {  	s10 =	sld [smem:$0x3FB8];
	_ =	sdelay $0x3  }
0x36: {  	p1 =	seq.s32 s10, $0x1;
	s10 =	sld [smem:$0x3FB9];
	_ =	sdelay $0x3  }
0x37: {  	[smem:$0x3FB9] =	sst s10  }
0x38: {  	s10 =	sld [smem:$0x3FBA]  }
0x39: {  	_ = 	snop;
	(pc) =	sbr.ind lr, $3  }
0x3a: {  	_ = 	snop  }
0x3b: {  	_ = 	snop  }
0x3c: {  	p2 =	seq.s32 s10, $0x1;
	s10 =	sld [smem:$0x3FB9]  }
0x3d: {  	_ =	shalt  }
0x3e: {  	_ =	shalt  }
0x3f: {  	_ =	shalt  }
0x40: {  	_ =	shalt  }
0x41: {  	_ =	shalt  }
0x42: {  	_ =	shalt  }
0x43: {  	_ =	shalt  }
0x44: {  	_ =	shalt  }
0x45: {  	_ =	shalt  }
0x46: {  	_ =	shalt  }
0x47: {  	_ =	shalt  }
0x48: {  	_ =	shalt  }
0x49: {  	_ =	shalt  }
0x4a: {  	_ =	shalt  }
0x4b: {  	_ =	shalt  }
0x4c: {  	_ =	shalt  }
0x4d: {  	_ =	shalt  }
0x4e: {  	_ =	shalt  }
0x4f: {  	_ =	shalt  }
0x50: {  	_ =	shalt  }
0x51: {  	_ =	shalt  }
0x52: {  	_ =	shalt  }
0x53: {  	_ =	shalt  }
0x54: {  	_ =	shalt  }
0x55: {  	_ =	shalt  }
0x56: {  	_ =	shalt  }
0x57: {  	_ =	shalt  }
0x58: {  	_ =	shalt  }
0x59: {  	_ =	shalt  }
0x5a: {  	_ =	shalt  }
0x5b: {  	_ =	shalt  }
0x5c: {  	_ =	shalt  }
0x5d: {  	_ =	shalt  }
0x5e: {  	_ =	shalt  }
0x5f: {  	_ =	shalt  }
0x60: {  	_ =	shalt  }
0x61: {  	_ =	shalt  }
0x62: {  	_ =	shalt  }
0x63: {  	_ =	shalt  }
0x64: {  	_ =	shalt  }
0x65: {  	_ =	shalt  }
0x66: {  	_ =	shalt  }
0x67: {  	_ =	shalt  }
0x68: {  	_ =	shalt  }
0x69: {  	_ =	shalt  }
0x6a: {  	_ =	shalt  }
0x6b: {  	_ =	shalt  }
0x6c: {  	_ =	shalt  }
0x6d: {  	_ =	shalt  }
0x6e: {  	_ =	shalt  }
0x6f: {  	_ =	shalt  }
0x70: {  	_ =	shalt  }
0x71: {  	_ =	shalt  }
0x72: {  	_ =	shalt  }
0x73: {  	_ =	shalt  }
0x74: {  	_ =	shalt  }
0x75: {  	_ =	shalt  }
0x76: {  	_ =	shalt  }
0x77: {  	_ =	shalt  }
0x78: {  	_ =	shalt  }
0x79: {  	_ =	shalt  }
0x7a: {  	_ =	shalt  }
0x7b: {  	_ =	shalt  }
0x7c: {  	_ =	shalt  }
0x7d: {  	_ =	shalt  }
0x7e: {  	_ =	shalt  }
0x7f: {  	_ =	shalt  }
0x80: {  	_ =	shalt  }
0x81: {  	_ =	shalt  }
0x82: {  	_ =	shalt  }
0x83: {  	_ =	shalt  }
0x84: {  	_ =	shalt  }
0x85: {  	_ =	shalt  }
0x86: {  	_ =	shalt  }
0x87: {  	_ =	shalt  }
.Lfunc_end0:
.L_simem_size_0:
called_computation.1_lowered:
.L_overlay_start_0:
0x88: {  	s2 =	sld [smem:$0x3FD9]  }
0x89: {  	s3 =	sld [smem:$0x3FFE];
	_ =	sdelay $0x1  }
0x8a: {  	s1 =	srdreg.scid  }
0x8b: {  	s0 =	sand.u32 $0x1, s1  }
0x8c: {  	s17 =	sshll.u32 s0, $0xA;
	s2 =	sadd.s32 s3, s2  }
0x8d: {  	s2 =	sadd.s32 s2, s17  }
0x8e: {  	[smem:$0x3FC5] =	sst s2  }
0x8f: {  	_ = 	snop  }
0x90: {  	s2 =	sld [smem:$0x3FD0];
	(tm) =	ssettm $0x1  }
0x91: {  	s18 =	sld [smem:$0x3FFB];
	_ =	sdelay $0x3  }
0x92: {  	_ =	strace s18  }
0x93: {  	s3 =	sld [smem:$0x3FFC];
	_ =	sdelay $0x3  }
0x94: {  	_ =	strace s3  }
0x95: {  	s3 =	sld [smem:$0x3FFD];
	_ =	sdelay $0x3  }
0x96: {  	_ =	strace s3  }
0x97: {  	_ =	strace $0x8FFFFFFF  }
0x98: {  	s19 =	sld [smem:$0x3FDB];
	_ =	sdelay $0x1  }
0x99: {  	s4 =	simm.s32 $_scs_section_size  }
0x9a: {  	s5 =	simm.s32 $_size__tile_overlayer_lowered;
	s6 =	simm.s32 $_tile_overlayer_lowered  }
0x9b: {  	s22 =	simm.s32 $0x1BFF;
	s21 =	sshll.u32 s6, $0x1;
	s3 =	sadd.s32 s4, s19  }
0x9c: {  	s7 =	simm.s32 $0x0;
	s20 =	sshll.u32 s5, $0x1;
	s5 =	sadd.s32 s21, s3  }
0x9d: {  	[timem:s7], [sflag:s22] =	dma.local [hbm:s5], s20  }
0x9e: {  	_ =	swait.ge [sflag:s22], s20  }
0x9f: {  	s4 =	ssub.s32 $0x0, s20;
	[sflag:s22] =	ssyncset.done $0x0  }
0xa0: {  	[sflag:s22] =	ssyncadd.s32 s4;
	_ =	sdelay $0x1  }
0xa1: {  	s23 =	simm.s32 $0x1B8B  }
0xa2: {  	_ =	swait.ge [sflag:s23], $0x1  }
0xa3: {  	[sflag:s23] =	ssyncset.done $0x0  }
0xa4: {  	s25 =	simm.s32 $0x1B8E;
	s24 =	sld [smem:$0x3FFE];
	[sflag:s23] =	ssyncadd.s32 $0xFFFFFFFF  }
0xa5: {  	s26 =	simm.s32 $execute0_lowered;
	[smem:$0x3FD2] =	sst s25  }
0xa6: {  	s5 =	sshll.u32 s26, $0x1;
	_ =	strace $0x80000046;
	[dreg:$0x1] =	wrdreg $0xFFFFFFFF  }
0xa7: {  	s28 =	simm.s32 $_size_execute0_lowered;
	s3 =	sadd.s32 s3, s5;
	[dreg:$0x0] =	wrdreg $0x0  }
0xa8: {  	s5 =	sshll.u32 s28, $0x1;
	[dreg:$0x2] =	wrdreg s3  }
0xa9: {  	[dreg:$0x3] =	wrdreg s5  }
0xaa: {  	[dreg:$0x4] =	wrdreg $0xC0  }
0xab: {  	_ =	task [dreg:s7], $0x5FFFF  }
0xac: {  	[dreg:$0x1] =	wrdreg $0xFFFFFFFF  }
0xad: {  	[dreg:$0x0] =	wrdreg $0x60  }
0xae: {  	[dreg:$0x2] =	wrdreg s24  }
0xaf: {  	[dreg:$0x3] =	wrdreg s2  }
0xb0: {  	[dreg:$0x4] =	wrdreg $0x9  }
0xb1: {  	_ =	task.clear_ibuf [dreg:s7], $0x5FFFF;
	_ =	strace $0x90000046  }
0xb2: {  	s29 =	simm.s32 $0x9;
	_ =	strace $0x80000048  }
0xb3: {  	_ =	swait.ge [sflag:s29], $0x1  }
0xb4: {  	[sflag:s29] =	ssyncadd.s32 $0xFFFFFFFF  }
0xb5: {  	_ =	strace $0x90000048  }
0xb6: {  	_ =	sfence  }
0xb7: {  	s30 =	sld [smem:$0x0];
	_ =	sdelay $0x2  }
0xb8: {  	s31 =	sshll.u32 s1, $0xD;
	s1 =	sshrl.u32 s1, $0x2  }
0xb9: {  	s3 =	sand.u32 $0x4000, s31;
	s1 =	sadd.s32 s1, s30  }
0xba: {  	s0 =	sor.u32 s3, s0;
	s1 =	sshll.u32 s1, $0x11  }
0xbb: {  	s0 =	sor.u32 s1, s0  }
0xbc: {  	s0 =	sadd.s32 $0x8F2B, s0  }
0xbd: {  	[sflag:s0] =	ssyncadd.remote.s32 $0x1  }
0xbe: {  	_ =	sfence.sel $0xFFFF  }
0xbf: {  	[dreg:$0x0] =	wrdreg $0xFFFFFFFF;
	(pc) =	sbr.abs _section_cstart, $3  }
0xc0: {  	[dreg:$0x1] =	wrdreg $0xFFFFFFFF  }
0xc1: {  	_ =	task.clear_ibuf [dreg:s7], $0x2FFFF;
	_ =	strace $0x9FFFFFFF  }
0xc2: {  	(tm) =	ssettm $0x7FFFFFFF  }
0xc3: {  	_ =	shalt  }
tec
execute0_lowered:
.L_overlay_start_1:
0x0: {  	(tag) =	ssettag $0x1  }
0x1: {  	s0 =	rddreg [dreg:$0x0]  }
0x2: {  	s1 =	srdreg.scid;
	s2 =	stileid.u32  }
0x3: {  	s30 =	simm.s32 $0x0;
	s1 =	sand.u32 $0x1, s1;
	s2 =	sshll.u32 s2, $0x1  }
0x4: {  	[smem:$0x7FF] =	sst s30;
	s3 =	sadd.s32 $0xC00, s0;
	s6 =	sadd.s32 $0xF43000, s0  }
0x5: {  	s0 =	sadd.s32 $0x1AC00, s0;
	s2 =	sor.u32 s1, s2;
	_ =	strace $0x80000047  }
0x6: {  	[dreg:$0x5] =	wrdreg s0;
	s5 =	smul.u32 $0x6800, s2;
	s28 =	sshll.u32 s2, $0x6  }
0x7: {  	s1 =	ssub.s32 $0x2, s1;
	[dreg:$0x7] =	wrdreg s28  }
0x8: {  	s7 =	sshrl.u32 s1, $0x1;
	s29 =	sor.u32 $0x680, s5;
	[dreg:$0x3] =	wrdreg s5  }
0x9: {  	s25 =	ssub.s32 s1, s7;
	s31 =	sadd.s32 $0x820, s5;
	[dreg:$0x8] =	wrdreg s29  }
0xa: {  	s4 =	sshrl.u32 s5, $0x3;
	s0 =	smax.u32 s25, $0x1;
	[dreg:$0x9] =	wrdreg s31  }
0xb: {  	s10 =	smov.u32 s3;
	s3 =	sadd.s32 s3, s4;
	[dreg:$0xa] =	wrdreg s0  }
0xc: {  	[dreg:$0x4] =	wrdreg s3;
	s26 =	sadd.s32 $0x34, s3  }
0xd: {  	s18 =	simm.s32 $0x64;
	s2 =	simm.s32 $0x0;
	[dreg:$0x6] =	wrdreg s26  }
.LBB2_1:
0xe: {  	[dreg:$0xb] =	wrdreg s2  }
0xf: {  	s0 =	rddreg [dreg:$0x4]  }
0x10: {  	[tilespmem:s30], [sflag:$0x1] =	stream.linear.gather [hbm4b:s0+s30], $0x1A0, $0x38;
	[tilespmem:$0x1C880] =	vst v63  }
0x11: {  	s17 =	rddreg [dreg:$0x6];
	s1 =	simm.s32 $0x1A0;
	s19 =	simm.s32 $0x1  }
0x12: {  	[tilespmem:s1], [sflag:$0x2] =	stream.linear.gather [hbm4b:s17+s30], $0x1A0, $0x38;
	[tilespmem:$0x1C880] =	vst v63  }
0x13: {  	_ =	swait.ge [sflag:s19], $0x1A0  }
0x14: {  	s21 =	simm.s32 $0x19680;
	[sflag:s19] =	ssyncset.done $0x0  }
0x15: {  	s22 =	simm.s32 $0x7;
	s20 =	rddreg [dreg:$0x5];
	[sflag:s19] =	ssyncadd.s32 $0xFFFFFE60  }
0x16: {  	[tilespmem:s21], [sflag:$0x7] =	stream.linear.gather [hbm4b:s20+s30], $0x3200, $0x38;
	[tilespmem:$0x1C880] =	vst v63  }
0x17: {  	_ =	swait.ge [sflag:s22], $0x3200  }
0x18: {  	[sflag:s22] =	ssyncset.done $0x0  }
0x19: {  	s23 =	simm.s32 $0x680;
	[sflag:s22] =	ssyncadd.s32 $0xFFFFCE00  }
0x1a: {  	[tilespmem:s23], [sflag:$0x3] =	stream.indirect.gather [hbm4b:s6+s18], $0x40, s30, s18, $0xb8;
	[tilespmem:$0x1C880] =	vst v63  }
0x1b: {  	s24 =	simm.s32 $0x68;
	s25 =	simm.s32 $0x1F80  }
0x1c: {  	[tilespmem:s25], [sflag:$0x3] =	stream.indirect.gather [hbm4b:s6+s18], $0x40, s24, s18, $0xb8;
	[tilespmem:$0x1C880] =	vst v63  }
0x1d: {  	s26 =	simm.s32 $0xD0;
	s28 =	simm.s32 $0x3880  }
0x1e: {  	[tilespmem:s28], [sflag:$0x3] =	stream.indirect.gather [hbm4b:s6+s18], $0x40, s26, s18, $0xb8;
	[tilespmem:$0x1C880] =	vst v63  }
0x1f: {  	s29 =	simm.s32 $0x138;
	s31 =	simm.s32 $0x5180;
	s1 =	simm.s32 $0x0  }
0x20: {  	[tilespmem:s31], [sflag:$0x3] =	stream.indirect.gather [hbm4b:s6+s18], $0x40, s29, s18, $0xb8;
	[tilespmem:$0x1C880] =	vst v63  }
.LBB2_2:
0x21: {  	s16 =	sshll.u32 s1, $0x2  }
0x22: {  	s9 =	sor.u32 $0x2, s16  }
0x23: {  	s0 =	smul.u32 $0x1A0, s9;
	_ =	sdelay $0x1  }
0x24: {  	s0 =	sadd.s32 s5, s0  }
0x25: {  	s0 =	sshrl.u32 s0, $0x3  }
0x26: {  	s2 =	simm.s32 $0x340;
	s19 =	simm.s32 $0x2;
	s0 =	sadd.s32 s10, s0  }
0x27: {  	[tilespmem:s2], [sflag:$0x1] =	stream.linear.gather [hbm4b:s0+s30], $0x1A0, $0x38;
	[tilespmem:$0x1C880] =	vst v63  }
0x28: {  	_ =	swait.ge [sflag:s19], $0x1A0  }
0x29: {  	[sflag:s19] =	ssyncset.done $0x0  }
0x2a: {  	s20 =	simm.s32 $0x1A0;
	s21 =	simm.s32 $0x6A80;
	[sflag:s19] =	ssyncadd.s32 $0xFFFFFE60  }
0x2b: {  	[tilespmem:s21], [sflag:$0x4] =	stream.indirect.gather [hbm4b:s6+s18], $0x40, s20, s18, $0xb8;
	[tilespmem:$0x1C880] =	vst v63  }
0x2c: {  	s22 =	simm.s32 $0x208;
	s23 =	simm.s32 $0x8380  }
0x2d: {  	[tilespmem:s23], [sflag:$0x4] =	stream.indirect.gather [hbm4b:s6+s18], $0x40, s22, s18, $0xb8;
	[tilespmem:$0x1C880] =	vst v63  }
0x2e: {  	s24 =	simm.s32 $0x270;
	s25 =	simm.s32 $0x9C80  }
0x2f: {  	[tilespmem:s25], [sflag:$0x4] =	stream.indirect.gather [hbm4b:s6+s18], $0x40, s24, s18, $0xb8;
	[tilespmem:$0x1C880] =	vst v63  }
0x30: {  	s26 =	simm.s32 $0x2D8;
	s28 =	simm.s32 $0xB580;
	s2 =	simm.s32 $0x3  }
0x31: {  	[tilespmem:s28], [sflag:$0x4] =	stream.indirect.gather [hbm4b:s6+s18], $0x40, s26, s18, $0xb8;
	[tilespmem:$0x1C880] =	vst v63  }
0x32: {  	_ =	swait.ge [sflag:s2], $0x6400  }
0x33: {  	p0 =	seq.s32 s1, $0x0;
	[sflag:s2] =	ssyncset.done $0x0  }
0x34: {  	s0 =	simm.s32 @!p0 $0x5;
	[sflag:s2] =	ssyncadd.s32 $0xFFFF9C00  }
0x35: {  	_ =	swait.ge @!p0 [sflag:s0], $0x6400  }
0x36: {  	[sflag:s0] =	ssyncset.done @!p0 $0x0  }
0x37: {  	s23 =	simm.s32 $0x3270;
	[sflag:s0] =	ssyncadd.s32 @!p0 $0xFFFF9C00  }
0x38: {  	v0 =	vld [tilespmem:s23+$0x16450]  }
0x39: {  	v1 =	vld [tilespmem:s23+$0xFFFFD450];
	_ =	sdelay $0x1  }
0x3a: {  	s3 =	simm.s32 $0x0;
	v2 =	vld [tilespmem:s23+$0x16410]  }
0x3b: {  	s0 =	sand.u32 $0xF000, s3;
	v3 =	vld [tilespmem:s23+$0xFFFFD410]  }
0x3c: {  	s4 =	simm.s32 $0x40;
	s0 =	sshrl.u32 s0, $0x2  }
0x3d: {  	s7 =	sand.u32 $0x3C0, s4;
	s19 =	sadd.s32 $0xCE80, s0;
	v1 =	vadd.f32 v1, v0  }
0x3e: {  	s0 =	sadd.s32 s7, s19  }
0x3f: {  	s8 =	simm.s32 $0x0;
	[tilespmem:s0+$0x0] =	vst v1  }
0x40: {  	s11 =	sand.u32 $0x380, s8;
	v1 =	vadd.f32 v3, v2;
	v3 =	vld [tilespmem:s23+$0x650]  }
0x41: {  	s0 =	sadd.s32 s11, s19  }
0x42: {  	[tilespmem:s0+$0x0] =	vst v1  }
0x43: {  	s12 =	simm.s32 $0xC900;
	v1 =	vld [tilespmem:s23+$0x610]  }
0x44: {  	s13 =	simm.s32 $0x3240;
	s0 =	sand.u32 $0x1F000, s12  }
0x45: {  	s2 =	sand.u32 $0x3C0, s13;
	s0 =	sshrl.u32 s0, $0x2;
	v0 =	vadd.f32 v3, v0  }
0x46: {  	s4 =	simm.s32 $0xC800;
	s0 =	sor.u32 s2, s0  }
0x47: {  	s15 =	simm.s32 $0x3200;
	s14 =	sand.u32 $0x1F000, s4;
	[tilespmem:s0+$0xCE80] =	vst v0  }
0x48: {  	s17 =	sshrl.u32 s14, $0x2;
	s20 =	sand.u32 $0x380, s15;
	v0 =	vadd.f32 v1, v2;
	v1 =	vld [tilespmem:s23+$0x16460]  }
0x49: {  	s0 =	sor.u32 s20, s17;
	v2 =	vld [tilespmem:s23+$0xFFFFD460]  }
0x4a: {  	[tilespmem:s0+$0xCE80] =	vst v0  }
0x4b: {  	v0 =	vld [tilespmem:s23+$0x16420]  }
0x4c: {  	v3 =	vld [tilespmem:s23+$0xFFFFD420]  }
0x4d: {  	s31 =	simm.s32 $0xC9C0;
	s14 =	sor.u32 $0x1, s16;
	s21 =	simm.s32 $0x50  }
0x4e: {  	s22 =	simm.s32 $0xC840;
	s24 =	simm.s32 $0x10;
	s0 =	sand.u32 $0x3D0, s21;
	v2 =	vadd.f32 v2, v1  }
0x4f: {  	s4 =	sand.u32 $0x390, s24;
	s13 =	simm.s32 $0xC880;
	s0 =	sadd.s32 s0, s19  }
0x50: {  	s24 =	simm.s32 $0x30;
	s26 =	simm.s32 $0x3270;
	s15 =	sand.u32 $0x1F000, s13;
	[tilespmem:s0+$0x0] =	vst v2  }
0x51: {  	s3 =	simm.s32 $0x20;
	s7 =	simm.s32 $0x3210;
	s25 =	sadd.s32 s4, s19;
	v2 =	vadd.f32 v3, v0;
	v3 =	vld [tilespmem:s23+$0x660]  }
0x52: {  	s28 =	sand.u32 $0x390, s7;
	s11 =	sand.u32 $0x3A0, s3;
	s3 =	simm.s32 $0x3230  }
0x53: {  	s4 =	sadd.s32 s11, s19;
	s11 =	simm.s32 $0x3250;
	s12 =	simm.s32 $0x3220;
	[tilespmem:s25+$0x0] =	vst v2  }
0x54: {  	s2 =	sand.u32 $0x1F000, s22;
	s17 =	simm.s32 $0xC940;
	s21 =	simm.s32 $0x32F0;
	v2 =	vld [tilespmem:s23+$0x620]  }
0x55: {  	s7 =	sand.u32 $0x3A0, s12;
	s2 =	sshrl.u32 s2, $0x2;
	s12 =	sand.u32 $0x1F000, s17;
	v4 =	vld [tilespmem:s21+$0x16450]  }
0x56: {  	s20 =	sand.u32 $0x3D0, s11;
	s22 =	sshrl.u32 s12, $0x2;
	v5 =	vld [tilespmem:s21+$0xFFFFD450];
	s0 =	sshrl.u32 s15, $0x2;
	v1 =	vadd.f32 v3, v1  }
0x57: {  	s8 =	sor.u32 s28, s2;
	v6 =	vld [tilespmem:s21+$0xFFFFD410];
	s2 =	sor.u32 s7, s0;
	s0 =	sor.u32 s20, s22  }
0x58: {  	s28 =	sand.u32 $0x3B0, s24;
	s24 =	simm.s32 $0xCA00;
	s15 =	simm.s32 $0x200;
	v3 =	vld [tilespmem:s21+$0x16410];
	[tilespmem:s0+$0xCE80] =	vst v1  }
0x59: {  	s13 =	sadd.s32 s28, s19;
	s15 =	sand.u32 $0xF000, s15;
	s25 =	simm.s32 $0xC8C0;
	v0 =	vadd.f32 v2, v0;
	v1 =	vld [tilespmem:s23+$0x16470]  }
0x5a: {  	s17 =	simm.s32 $0xC0;
	s7 =	sshrl.u32 s15, $0x2;
	s12 =	sand.u32 $0x1F000, s25;
	v2 =	vld [tilespmem:s23+$0xFFFFD470]  }
0x5b: {  	s20 =	sand.u32 $0x3C0, s17;
	s0 =	sshrl.u32 s12, $0x2;
	s12 =	sadd.s32 $0xCE80, s7;
	[tilespmem:s8+$0xCE80] =	vst v0;
	v0 =	vadd.f32 v5, v4  }
0x5c: {  	s11 =	sand.u32 $0x3B0, s3;
	s22 =	simm.s32 $0x80;
	s7 =	sadd.s32 s20, s12;
	v5 =	vld [tilespmem:s23+$0x16430]  }
0x5d: {  	s3 =	simm.s32 $0x60;
	s11 =	sor.u32 s11, s0;
	s0 =	sand.u32 $0x380, s22;
	v7 =	vld [tilespmem:s23+$0xFFFFD430];
	v6 =	vadd.f32 v6, v3;
	[tilespmem:s7+$0x0] =	vst v0  }
0x5e: {  	s28 =	simm.s32 $0xCA40;
	s15 =	sand.u32 $0x3E0, s3;
	s0 =	sadd.s32 s0, s12;
	v0 =	vld [tilespmem:s21+$0x650]  }
0x5f: {  	s17 =	simm.s32 $0x3280;
	s25 =	simm.s32 $0xCBC0;
	s15 =	sadd.s32 s15, s19;
	[tilespmem:s0+$0x0] =	vst v6;
	v2 =	vadd.f32 v2, v1  }
0x60: {  	s20 =	simm.s32 $0x2;
	s22 =	simm.s32 $0xCB00;
	s8 =	sand.u32 $0x1F000, s24;
	v6 =	vld [tilespmem:s21+$0x610]  }
0x61: {  	s24 =	simm.s32 $0x32C0;
	s22 =	sand.u32 $0x1F000, s22;
	s8 =	sshrl.u32 s8, $0x2;
	[tilespmem:s15+$0x0] =	vst v2  }
0x62: {  	s24 =	sand.u32 $0x3C0, s24;
	s22 =	sshrl.u32 s22, $0x2;
	s7 =	sand.u32 $0x1F000, s28;
	v2 =	vadd.f32 v7, v5;
	v7 =	vld [tilespmem:s23+$0x670]  }
0x63: {  	s28 =	simm.s32 $0x90;
	s24 =	sor.u32 s24, s22;
	s7 =	sshrl.u32 s7, $0x2;
	v0 =	vadd.f32 v0, v4  }
0x64: {  	s0 =	simm.s32 $0x32F0;
	s3 =	sand.u32 $0x390, s28;
	s15 =	sand.u32 $0x380, s17;
	[tilespmem:s4+$0x0] =	vst v2  }
0x65: {  	s28 =	simm.s32 $0xC980;
	s17 =	simm.s32 $0x3290;
	s8 =	sor.u32 s15, s8;
	v4 =	vld [tilespmem:s23+$0x630];
	v3 =	vadd.f32 v6, v3;
	[tilespmem:s24+$0xCE80] =	vst v0  }
0x66: {  	s4 =	sand.u32 $0x1F000, s28;
	s24 =	sadd.s32 s3, s12;
	s3 =	simm.s32 $0x3260;
	v2 =	vld [tilespmem:s21+$0x16460]  }
0x67: {  	s22 =	sand.u32 $0x390, s17;
	s4 =	sshrl.u32 s4, $0x2;
	[tilespmem:s8+$0xCE80] =	vst v3;
	v0 =	vld [tilespmem:s21+$0xFFFFD460];
	s17 =	sand.u32 $0x3E0, s3;
	v1 =	vadd.f32 v7, v1  }
0x68: {  	s7 =	sor.u32 s22, s7;
	s28 =	simm.s32 $0xCA80;
	v3 =	vld [tilespmem:s21+$0x16420];
	s4 =	sor.u32 s17, s4  }
0x69: {  	s22 =	simm.s32 $0xCAC0;
	s15 =	sand.u32 $0x1F000, s28;
	s3 =	simm.s32 $0xA0;
	v6 =	vld [tilespmem:s21+$0xFFFFD420];
	[tilespmem:s4+$0xCE80] =	vst v1  }
0x6a: {  	s15 =	sshrl.u32 s15, $0x2;
	s17 =	simm.s32 $0x32A0;
	s28 =	sand.u32 $0x3A0, s3;
	v4 =	vadd.f32 v4, v5;
	v1 =	vld [tilespmem:s23+$0x16480]  }
0x6b: {  	s8 =	sand.u32 $0x1F000, s22;
	s3 =	sand.u32 $0x3A0, s17;
	s30 =	sadd.s32 s28, s12;
	v5 =	vld [tilespmem:s23+$0xFFFFD480]  }
0x6c: {  	s17 =	simm.s32 $0xB0;
	s28 =	simm.s32 $0xD0;
	s15 =	sor.u32 s3, s15;
	[tilespmem:s2+$0xCE80] =	vst v4  }
0x6d: {  	s4 =	sand.u32 $0x3B0, s17;
	s3 =	simm.s32 $0x32B0;
	s22 =	sand.u32 $0x3D0, s28;
	v7 =	vadd.f32 v0, v2;
	v0 =	vld [tilespmem:s23+$0x16440]  }
0x6e: {  	s17 =	sshrl.u32 s8, $0x2;
	s22 =	sadd.s32 s22, s12;
	s2 =	sand.u32 $0x3B0, s3;
	v8 =	vadd.f32 v6, v3;
	v4 =	vld [tilespmem:s23+$0xFFFFD440]  }
0x6f: {  	s28 =	simm.s32 $0x70;
	s8 =	sadd.s32 s4, s12;
	s29 =	sor.u32 s2, s17;
	[tilespmem:s22+$0x0] =	vst v7  }
0x70: {  	s2 =	simm.s32 $0xCDC0;
	s22 =	sand.u32 $0x3F0, s28;
	v6 =	vld [tilespmem:s21+$0x660];
	[tilespmem:s24+$0x0] =	vst v8;
	s24 =	simm.s32 $0x32F0;
	v5 =	vadd.f32 v5, v1  }
.LBB2_3:
0x71: {  	s28 =	sshra.s32 s2, $0x2;
	s3 =	sadd.s32 $0xFFFFFE40, s2;
	s22 =	sadd.s32 s22, s19  }
0x72: {  	v7 =	vld [tilespmem:s21+$0x620];
	s19 =	smov.u32 s12;
	s4 =	smov.u32 s25;
	s25 =	smov.u32 s2  }
0x73: {  	s12 =	sadd.s32 $0xFFFFFE80, s2;
	s3 =	sand.u32 $0x1F000, s3;
	v8 =	vld [tilespmem:s28+$0x16450];
	s17 =	sadd.s32 $0xFFFFFF80, s4;
	v4 =	vadd.f32 v4, v0;
	[tilespmem:s22+$0x0] =	vst v5  }
0x74: {  	s22 =	sadd.s32 $0xFFFFFFE0, s0;
	s3 =	sshrl.u32 s3, $0x2;
	s17 =	sand.u32 $0x1F000, s17;
	v5 =	vld [tilespmem:s23+$0x680]  }
0x75: {  	s12 =	sand.u32 $0x1F000, s12;
	s22 =	sand.u32 $0x3D0, s22;
	v9 =	vld [tilespmem:s28+$0xFFFFD450];
	v2 =	vadd.f32 v6, v2;
	s17 =	sshrl.u32 s17, $0x2;
	[tilespmem:s13+$0x0] =	vst v4  }
0x76: {  	s0 =	sadd.s32 $0x80, s0;
	s13 =	sshrl.u32 s12, $0x2;
	v4 =	vld [tilespmem:s28+$0x16410];
	s12 =	sor.u32 s22, s17  }
0x77: {  	s20 =	sadd.s32 $0x2, s20;
	s17 =	sadd.s32 $0xFFFF3640, s2;
	s22 =	sand.u32 $0x3F0, s26;
	v6 =	vld [tilespmem:s28+$0xFFFFD410];
	v3 =	vadd.f32 v7, v3;
	[tilespmem:s12+$0xCE80] =	vst v2  }
0x78: {  	p1 =	slt.u32 s20, $0xC6;
	s12 =	sand.u32 $0xF000, s17;
	s17 =	sand.u32 $0x1F000, s31;
	v7 =	vld [tilespmem:s21+$0x16470]  }
0x79: {  	s26 =	sadd.s32 $0xFFFFCDD0, s0;
	s12 =	sshrl.u32 s12, $0x2;
	[tilespmem:s7+$0xCE80] =	vst v3;
	v2 =	vld [tilespmem:s21+$0xFFFFD470];
	v1 =	vadd.f32 v5, v1;
	s7 =	sshrl.u32 s17, $0x2  }
0x7a: {  	s12 =	sadd.s32 $0xCE80, s12;
	s17 =	sand.u32 $0x3C0, s26;
	v3 =	vadd.f32 v9, v8;
	v5 =	vld [tilespmem:s21+$0x16430];
	s7 =	sor.u32 s22, s7  }
0x7b: {  	s26 =	sadd.s32 $0xFFFFFF90, s0;
	s22 =	sadd.s32 $0xFFFFCD90, s0;
	s17 =	sadd.s32 s17, s12;
	v9 =	vld [tilespmem:s21+$0xFFFFD430];
	[tilespmem:s7+$0xCE80] =	vst v1  }
0x7c: {  	s7 =	sand.u32 $0x380, s22;
	s22 =	sand.u32 $0x380, s26;
	s26 =	sadd.s32 $0xFFFFCDA0, s0;
	v1 =	vadd.f32 v6, v4;
	[tilespmem:s17+$0x0] =	vst v3;
	v3 =	vld [tilespmem:s23+$0x640]  }
0x7d: {  	s7 =	sadd.s32 s7, s12;
	s3 =	sor.u32 s22, s3;
	s17 =	sadd.s32 $0xFFFFCDF0, s24;
	v6 =	vld [tilespmem:s28+$0x650]  }
0x7e: {  	s22 =	sadd.s32 $0xFFFFFFA0, s0;
	s17 =	sand.u32 $0x3E0, s17;
	[tilespmem:s7+$0x0] =	vst v1;
	s7 =	sand.u32 $0x390, s26;
	v1 =	vadd.f32 v2, v7  }
0x7f: {  	s17 =	sadd.s32 s17, s19;
	v2 =	vld [tilespmem:s28+$0x610];
	s31 =	sadd.s32 s7, s12;
	s7 =	sand.u32 $0x390, s22  }
0x80: {  	s22 =	sadd.s32 $0xFFFFFF40, s2;
	s7 =	sor.u32 s7, s13;
	s13 =	sadd.s32 $0xFFFFCDB0, s0;
	v9 =	vadd.f32 v9, v5;
	[tilespmem:s17+$0x0] =	vst v1  }
0x81: {  	s17 =	sadd.s32 $0xFFFFFFD0, s0;
	s22 =	sand.u32 $0x1F000, s22;
	s13 =	sand.u32 $0x3A0, s13;
	v1 =	vld [tilespmem:s21+$0x670];
	v0 =	vadd.f32 v3, v0  }
0x82: {  	s17 =	sand.u32 $0x3C0, s17;
	s22 =	sshrl.u32 s22, $0x2;
	v3 =	vadd.f32 v6, v8;
	[tilespmem:s30+$0x0] =	vst v9;
	s30 =	sadd.s32 s13, s12  }
0x83: {  	s23 =	sadd.s32 $0xFFFFFEC0, s2;
	s13 =	sadd.s32 $0xFFFFFFB0, s0;
	s17 =	sor.u32 s17, s22;
	v6 =	vld [tilespmem:s21+$0x630];
	[tilespmem:s11+$0xCE80] =	vst v0  }
0x84: {  	s11 =	sand.u32 $0x3A0, s13;
	s13 =	sand.u32 $0x1F000, s23;
	v0 =	vadd.f32 v2, v4;
	[tilespmem:s17+$0xCE80] =	vst v3;
	s17 =	sadd.s32 $0xFFFFFFC0, s4  }
0x85: {  	s22 =	sadd.s32 $0xFFFFFFF0, s24;
	s13 =	sshrl.u32 s13, $0x2;
	v2 =	vld [tilespmem:s28+$0x16460];
	s17 =	sand.u32 $0x1F000, s17  }
0x86: {  	[tilespmem:s3+$0xCE80] =	vst v0;
	s3 =	sor.u32 s11, s13;
	v0 =	vld [tilespmem:s28+$0xFFFFD460];
	v1 =	vadd.f32 v1, v7;
	s11 =	sand.u32 $0x3E0, s22;
	s13 =	sshrl.u32 s17, $0x2  }
0x87: {  	s17 =	sadd.s32 $0xFFFFCDC0, s0;
	s22 =	sadd.s32 $0xFFFFFF00, s2;
	v3 =	vld [tilespmem:s28+$0x16420];
	s11 =	sor.u32 s11, s13  }
0x88: {  	s13 =	sand.u32 $0x3B0, s17;
	s17 =	sadd.s32 $0xFFFFFFC0, s0;
	s22 =	sand.u32 $0x1F000, s22;
	v7 =	vld [tilespmem:s28+$0xFFFFD420];
	v4 =	vadd.f32 v6, v5;
	[tilespmem:s11+$0xCE80] =	vst v1  }
0x89: {  	s11 =	sadd.s32 s13, s12;
	s13 =	sand.u32 $0x3B0, s17;
	s17 =	sshrl.u32 s22, $0x2;
	v1 =	vld [tilespmem:s21+$0x16480]  }
0x8a: {  	s23 =	smov.u32 s21;
	s17 =	sor.u32 s13, s17;
	s13 =	sadd.s32 $0xFFFFCDE0, s0;
	[tilespmem:s15+$0xCE80] =	vst v4;
	v5 =	vld [tilespmem:s21+$0xFFFFD480]  }
.Ltmp0:
0x8b: {  	s13 =	sand.u32 $0x3D0, s13;
	s21 =	smov.u32 s28;
	v6 =	vadd.f32 v0, v2;
	v0 =	vld [tilespmem:s23+$0x16440];
	(pc) =	sbr.rel @p1 .LBB2_3-.Ltmp0, $4  }
0x8c: {  	s26 =	smov.u32 s24;
	s24 =	smov.u32 s0;
	s13 =	sadd.s32 s13, s12;
	v4 =	vld [tilespmem:s23+$0xFFFFD440]  }
0x8d: {  	s15 =	smov.u32 s3;
	v7 =	vadd.f32 v7, v3;
	[tilespmem:s13+$0x0] =	vst v6;
	s13 =	smov.u32 s8;
	s8 =	smov.u32 s11  }
0x8e: {  	s3 =	sadd.s32 $0xFFFFCE00, s26;
	s11 =	smov.u32 s29;
	s29 =	smov.u32 s17;
	v6 =	vld [tilespmem:s21+$0x660]  }
0x8f: {  	s2 =	sadd.s32 $0x200, s2;
	s22 =	sand.u32 $0x3F0, s3;
	[tilespmem:s31+$0x0] =	vst v7;
	v5 =	vadd.f32 v5, v1;
	s31 =	smov.u32 s4  }
0x90: {  	v7 =	vld [tilespmem:s21+$0x620]  }
0x91: {  	s2 =	sadd.s32 $0xFFFFFF80, s25  }
0x92: {  	s0 =	sadd.s32 $0xFFFFFFE0, s0;
	s2 =	sand.u32 $0x1F000, s2  }
0x93: {  	s0 =	sand.u32 $0x3D0, s0;
	s2 =	sshrl.u32 s2, $0x2;
	v2 =	vadd.f32 v6, v2  }
0x94: {  	s0 =	sor.u32 s0, s2  }
0x95: {  	v3 =	vadd.f32 v7, v3;
	[tilespmem:s0+$0xCE80] =	vst v2  }
0x96: {  	v2 =	vld [tilespmem:s21+$0x16470]  }
0x97: {  	[tilespmem:s7+$0xCE80] =	vst v3;
	v3 =	vld [tilespmem:s21+$0xFFFFD470]  }
0x98: {  	v6 =	vld [tilespmem:s21+$0x16430]  }
0x99: {  	v7 =	vld [tilespmem:s21+$0xFFFFD430];
	_ =	sdelay $0x1  }
0x9a: {  	s17 =	sadd.s32 $0xFFFFCDF0, s24  }
0x9b: {  	s0 =	sand.u32 $0x3E0, s17;
	v3 =	vadd.f32 v3, v2  }
0x9c: {  	s0 =	sadd.s32 s0, s12  }
0x9d: {  	v7 =	vadd.f32 v7, v6;
	[tilespmem:s0+$0x0] =	vst v3  }
0x9e: {  	v3 =	vld [tilespmem:s21+$0x670]  }
0x9f: {  	[tilespmem:s30+$0x0] =	vst v7  }
0xa0: {  	v7 =	vld [tilespmem:s21+$0x630]  }
0xa1: {  	s20 =	sadd.s32 $0xFFFFFFC0, s25  }
0xa2: {  	s28 =	sadd.s32 $0xFFFFFFF0, s24;
	s0 =	sand.u32 $0x1F000, s20  }
0xa3: {  	s2 =	sand.u32 $0x3E0, s28;
	s0 =	sshrl.u32 s0, $0x2;
	v2 =	vadd.f32 v3, v2  }
0xa4: {  	s0 =	sor.u32 s2, s0  }
0xa5: {  	v3 =	vadd.f32 v7, v6;
	[tilespmem:s0+$0xCE80] =	vst v2  }
0xa6: {  	v2 =	vld [tilespmem:s21+$0x16480]  }
0xa7: {  	[tilespmem:s15+$0xCE80] =	vst v3;
	v3 =	vld [tilespmem:s21+$0xFFFFD480]  }
0xa8: {  	v6 =	vld [tilespmem:s21+$0x16440]  }
0xa9: {  	s3 =	sadd.s32 s22, s19;
	v7 =	vld [tilespmem:s21+$0xFFFFD440]  }
0xaa: {  	[tilespmem:s3+$0x0] =	vst v5  }
0xab: {  	v5 =	vld [tilespmem:s23+$0x680]  }
0xac: {  	s4 =	sadd.s32 $0xFFFFCE00, s24;
	v4 =	vadd.f32 v4, v0  }
0xad: {  	s7 =	sand.u32 $0x3F0, s4;
	v3 =	vadd.f32 v3, v2  }
0xae: {  	[tilespmem:s13+$0x0] =	vst v4;
	s0 =	sadd.s32 s7, s12;
	v4 =	vadd.f32 v7, v6  }
0xaf: {  	s12 =	sand.u32 $0x1F000, s31;
	v7 =	vld [tilespmem:s23+$0x640];
	[tilespmem:s0+$0x0] =	vst v3  }
0xb0: {  	s13 =	sand.u32 $0x3F0, s26;
	v1 =	vadd.f32 v5, v1;
	s0 =	sshrl.u32 s12, $0x2;
	v3 =	vld [tilespmem:s21+$0x680];
	[tilespmem:s8+$0x0] =	vst v4  }
0xb1: {  	s0 =	sor.u32 s13, s0;
	v4 =	vld [tilespmem:s21+$0x640]  }
0xb2: {  	[tilespmem:s0+$0xCE80] =	vst v1  }
0xb3: {  	s3 =	rddreg [dreg:$0x7]  }
0xb4: {  	s17 =	sand.u32 $0x3F0, s24;
	s15 =	sand.u32 $0x1F000, s25;
	v0 =	vadd.f32 v7, v0;
	s3 =	sadd.s32 s3, s16  }
0xb5: {  	s2 =	sshrl.u32 s15, $0x2;
	s16 =	sor.u32 $0x3, s16;
	s19 =	smul.u32 $0xC80, s3;
	v1 =	vadd.f32 v3, v2  }
0xb6: {  	s0 =	sor.u32 s17, s2;
	s21 =	smul.u32 $0x1A0, s16;
	[tilespmem:s11+$0xCE80] =	vst v0;
	v0 =	vadd.f32 v4, v6  }
0xb7: {  	s22 =	simm.s32 $0x0;
	s20 =	rddreg [dreg:$0x1];
	[tilespmem:s0+$0xCE80] =	vst v1  }
0xb8: {  	s4 =	simm.s32 $0xCE80;
	s23 =	sadd.s32 s5, s21;
	s0 =	sadd.s32 s20, s19;
	[tilespmem:s29+$0xCE80] =	vst v0  }
0xb9: {  	[hbm4b:s0+s22] =	stream.linear.scatter [tilespmem:s4], [sflag:$0x5], $0x6400, $0x38;
	[tilespmem:$0x1C880] =	vst v63  }
0xba: {  	s0 =	sshrl.u32 s23, $0x3  }
0xbb: {  	s24 =	simm.s32 $0x4E0;
	s25 =	simm.s32 $0x1;
	s0 =	sadd.s32 s10, s0  }
0xbc: {  	[tilespmem:s24], [sflag:$0x2] =	stream.linear.gather [hbm4b:s0+s22], $0x1A0, $0x38;
	[tilespmem:$0x1C880] =	vst v63  }
0xbd: {  	_ =	swait.ge [sflag:s25], $0x1A0  }
0xbe: {  	[sflag:s25] =	ssyncset.done $0x0  }
0xbf: {  	s26 =	simm.s32 $0x680;
	s28 =	simm.s32 $0x340;
	[sflag:s25] =	ssyncadd.s32 $0xFFFFFE60  }
0xc0: {  	[tilespmem:s26], [sflag:$0x3] =	stream.indirect.gather [hbm4b:s6+s18], $0x40, s28, s18, $0xb8;
	[tilespmem:$0x1C880] =	vst v63  }
0xc1: {  	s2 =	simm.s32 $0x1F80;
	s3 =	simm.s32 $0x3A8  }
0xc2: {  	[tilespmem:s2], [sflag:$0x3] =	stream.indirect.gather [hbm4b:s6+s18], $0x40, s3, s18, $0xb8;
	[tilespmem:$0x1C880] =	vst v63  }
0xc3: {  	s7 =	simm.s32 $0x410;
	s4 =	simm.s32 $0x3880  }
0xc4: {  	[tilespmem:s4], [sflag:$0x3] =	stream.indirect.gather [hbm4b:s6+s18], $0x40, s7, s18, $0xb8;
	[tilespmem:$0x1C880] =	vst v63  }
0xc5: {  	s12 =	simm.s32 $0x4;
	s8 =	simm.s32 $0x5180;
	s11 =	simm.s32 $0x478  }
0xc6: {  	[tilespmem:s8], [sflag:$0x3] =	stream.indirect.gather [hbm4b:s6+s18], $0x40, s11, s18, $0xb8;
	[tilespmem:$0x1C880] =	vst v63  }
0xc7: {  	_ =	swait.ge [sflag:s12], $0x6400  }
0xc8: {  	[sflag:s12] =	ssyncset.done $0x0  }
0xc9: {  	s0 =	simm.s32 @!p0 $0x6;
	[sflag:s12] =	ssyncadd.s32 $0xFFFF9C00  }
0xca: {  	_ =	swait.ge @!p0 [sflag:s0], $0x6400  }
0xcb: {  	[sflag:s0] =	ssyncset.done @!p0 $0x0  }
0xcc: {  	s23 =	simm.s32 $0x3270;
	[sflag:s0] =	ssyncadd.s32 @!p0 $0xFFFF9C00  }
0xcd: {  	v0 =	vld [tilespmem:s23+$0x16450]  }
0xce: {  	v1 =	vld [tilespmem:s23+$0x3850];
	_ =	sdelay $0x1  }
0xcf: {  	s13 =	simm.s32 $0x0;
	v2 =	vld [tilespmem:s23+$0x16410]  }
0xd0: {  	s0 =	sand.u32 $0xF000, s13;
	v3 =	vld [tilespmem:s23+$0x3810]  }
0xd1: {  	s15 =	simm.s32 $0x40;
	s0 =	sshrl.u32 s0, $0x2  }
0xd2: {  	s17 =	sand.u32 $0x3C0, s15;
	s19 =	sadd.s32 $0x13280, s0;
	v1 =	vadd.f32 v1, v0  }
0xd3: {  	s0 =	sadd.s32 s17, s19  }
0xd4: {  	s20 =	simm.s32 $0x0;
	[tilespmem:s0+$0x0] =	vst v1  }
0xd5: {  	s21 =	sand.u32 $0x380, s20;
	v1 =	vadd.f32 v3, v2;
	v3 =	vld [tilespmem:s23+$0x6A50]  }
0xd6: {  	s0 =	sadd.s32 s21, s19  }
0xd7: {  	[tilespmem:s0+$0x0] =	vst v1  }
0xd8: {  	s22 =	simm.s32 $0xC900;
	v1 =	vld [tilespmem:s23+$0x6A10]  }
0xd9: {  	s24 =	simm.s32 $0x3240;
	s0 =	sand.u32 $0x1F000, s22  }
0xda: {  	s2 =	sand.u32 $0x3C0, s24;
	s0 =	sshrl.u32 s0, $0x2;
	v0 =	vadd.f32 v3, v0  }
0xdb: {  	s25 =	simm.s32 $0xC800;
	s0 =	sor.u32 s2, s0  }
0xdc: {  	s26 =	sand.u32 $0x1F000, s25;
	s28 =	simm.s32 $0x3200;
	[tilespmem:s0+$0x13280] =	vst v0  }
0xdd: {  	s3 =	sand.u32 $0x380, s28;
	s2 =	sshrl.u32 s26, $0x2;
	v0 =	vadd.f32 v1, v2;
	v1 =	vld [tilespmem:s23+$0x16460]  }
0xde: {  	s0 =	sor.u32 s3, s2;
	v2 =	vld [tilespmem:s23+$0x3860]  }
0xdf: {  	[tilespmem:s0+$0x13280] =	vst v0  }
0xe0: {  	v0 =	vld [tilespmem:s23+$0x16420]  }
0xe1: {  	v3 =	vld [tilespmem:s23+$0x3820]  }
0xe2: {  	s31 =	simm.s32 $0xC9C0;
	s15 =	simm.s32 $0x20;
	s4 =	simm.s32 $0x50  }
0xe3: {  	s5 =	simm.s32 $0x0;
	s20 =	simm.s32 $0x3220;
	s0 =	sand.u32 $0x3D0, s4;
	v2 =	vadd.f32 v2, v1  }
0xe4: {  	s25 =	simm.s32 $0x3250;
	s24 =	simm.s32 $0xC940;
	s0 =	sadd.s32 s0, s19  }
0xe5: {  	s28 =	sand.u32 $0x1F000, s24;
	s8 =	simm.s32 $0x10;
	s11 =	simm.s32 $0x3210;
	[tilespmem:s0+$0x0] =	vst v2  }
0xe6: {  	s7 =	simm.s32 $0xC840;
	s13 =	sand.u32 $0x390, s11;
	s3 =	sand.u32 $0x390, s8;
	v2 =	vadd.f32 v3, v0;
	v3 =	vld [tilespmem:s23+$0x6A60]  }
0xe7: {  	s11 =	sshrl.u32 s28, $0x2;
	s21 =	simm.s32 $0xC880;
	s12 =	sadd.s32 s3, s19  }
0xe8: {  	s17 =	sand.u32 $0x3A0, s15;
	s22 =	sand.u32 $0x1F000, s21;
	s21 =	simm.s32 $0x32F0;
	[tilespmem:s12+$0x0] =	vst v2  }
0xe9: {  	s26 =	simm.s32 $0x3270;
	s2 =	sand.u32 $0x1F000, s7;
	s7 =	sand.u32 $0x3A0, s20;
	v2 =	vld [tilespmem:s23+$0x6A20]  }
0xea: {  	v4 =	vld [tilespmem:s21+$0x16450];
	s8 =	sand.u32 $0x3D0, s25;
	s20 =	simm.s32 $0x200;
	s25 =	simm.s32 $0xC0  }
0xeb: {  	v5 =	vld [tilespmem:s21+$0x3850];
	s2 =	sshrl.u32 s2, $0x2;
	s24 =	sand.u32 $0xF000, s20;
	s0 =	sshrl.u32 s22, $0x2;
	v1 =	vadd.f32 v3, v1  }
0xec: {  	v6 =	vld [tilespmem:s21+$0x3810];
	s3 =	sor.u32 s13, s2;
	s2 =	sor.u32 s7, s0;
	s0 =	sor.u32 s8, s11  }
0xed: {  	s28 =	sand.u32 $0x3C0, s25;
	s25 =	simm.s32 $0xCBC0;
	s13 =	simm.s32 $0xC8C0;
	v3 =	vld [tilespmem:s21+$0x16410];
	[tilespmem:s0+$0x13280] =	vst v1  }
0xee: {  	s4 =	sadd.s32 s17, s19;
	s17 =	simm.s32 $0x3230;
	s22 =	sand.u32 $0x1F000, s13;
	v0 =	vadd.f32 v2, v0;
	v1 =	vld [tilespmem:s23+$0x16470]  }
0xef: {  	s8 =	sand.u32 $0x3B0, s17;
	s7 =	sshrl.u32 s24, $0x2;
	s12 =	simm.s32 $0x30;
	v2 =	vld [tilespmem:s23+$0x3870]  }
0xf0: {  	s17 =	simm.s32 $0x60;
	s15 =	sand.u32 $0x3B0, s12;
	s12 =	sadd.s32 $0x13280, s7;
	[tilespmem:s3+$0x13280] =	vst v0;
	v0 =	vadd.f32 v5, v4  }
0xf1: {  	s7 =	simm.s32 $0x80;
	s0 =	sshrl.u32 s22, $0x2;
	s3 =	sadd.s32 s28, s12;
	v5 =	vld [tilespmem:s23+$0x16430]  }
0xf2: {  	s24 =	simm.s32 $0x3280;
	s11 =	sor.u32 s8, s0;
	s0 =	sand.u32 $0x380, s7;
	v7 =	vld [tilespmem:s23+$0x3830];
	v6 =	vadd.f32 v6, v3;
	[tilespmem:s3+$0x0] =	vst v0  }
0xf3: {  	s20 =	sand.u32 $0x3E0, s17;
	s17 =	simm.s32 $0x32C0;
	s0 =	sadd.s32 s0, s12;
	v0 =	vld [tilespmem:s21+$0x6A50]  }
0xf4: {  	s17 =	sand.u32 $0x3C0, s17;
	s13 =	sadd.s32 s15, s19;
	s8 =	simm.s32 $0xCA00;
	[tilespmem:s0+$0x0] =	vst v6;
	v2 =	vadd.f32 v2, v1  }
0xf5: {  	s15 =	simm.s32 $0xCA40;
	s7 =	sand.u32 $0x1F000, s8;
	s8 =	sadd.s32 s20, s19;
	v6 =	vld [tilespmem:s21+$0x6A10]  }
0xf6: {  	s22 =	simm.s32 $0xCB00;
	s20 =	simm.s32 $0x2;
	s28 =	simm.s32 $0x90;
	[tilespmem:s8+$0x0] =	vst v2  }
0xf7: {  	s7 =	sshrl.u32 s7, $0x2;
	s3 =	sand.u32 $0x1F000, s15;
	s15 =	sand.u32 $0x1F000, s22;
	v2 =	vadd.f32 v7, v5;
	v7 =	vld [tilespmem:s23+$0x6A70]  }
0xf8: {  	s22 =	simm.s32 $0x3290;
	s3 =	sshrl.u32 s3, $0x2;
	s15 =	sshrl.u32 s15, $0x2;
	v0 =	vadd.f32 v0, v4  }
0xf9: {  	s0 =	simm.s32 $0x32F0;
	s15 =	sor.u32 s17, s15;
	s17 =	sand.u32 $0x390, s28;
	[tilespmem:s4+$0x0] =	vst v2  }
0xfa: {  	s28 =	simm.s32 $0x3260;
	s8 =	sand.u32 $0x380, s24;
	s24 =	simm.s32 $0xC980;
	v4 =	vld [tilespmem:s23+$0x6A30];
	v3 =	vadd.f32 v6, v3;
	[tilespmem:s15+$0x13280] =	vst v0  }
0xfb: {  	s7 =	sor.u32 s8, s7;
	s8 =	sadd.s32 s17, s12;
	s4 =	sand.u32 $0x1F000, s24;
	v2 =	vld [tilespmem:s21+$0x16460]  }
0xfc: {  	s17 =	sand.u32 $0x3E0, s28;
	s4 =	sshrl.u32 s4, $0x2;
	s15 =	sand.u32 $0x390, s22;
	[tilespmem:s7+$0x13280] =	vst v3;
	v0 =	vld [tilespmem:s21+$0x3860];
	v1 =	vadd.f32 v7, v1  }
0xfd: {  	s4 =	sor.u32 s17, s4;
	s17 =	simm.s32 $0xA0;
	s22 =	simm.s32 $0x32A0;
	v3 =	vld [tilespmem:s21+$0x16420]  }
0xfe: {  	s7 =	sor.u32 s15, s3;
	s15 =	simm.s32 $0xCA80;
	s24 =	sand.u32 $0x3A0, s17;
	v6 =	vld [tilespmem:s21+$0x3820];
	[tilespmem:s4+$0x13280] =	vst v1  }
0xff: {  	s28 =	sand.u32 $0x3A0, s22;
	s17 =	simm.s32 $0xCAC0;
	s3 =	sand.u32 $0x1F000, s15;
	v4 =	vadd.f32 v4, v5;
	v1 =	vld [tilespmem:s23+$0x16480]  }
0x100: {  	s22 =	simm.s32 $0xD0;
	s30 =	sadd.s32 s24, s12;
	s3 =	sshrl.u32 s3, $0x2;
	v5 =	vld [tilespmem:s23+$0x3880]  }
0x101: {  	s15 =	sor.u32 s28, s3;
	s4 =	simm.s32 $0xB0;
	s28 =	simm.s32 $0x70;
	[tilespmem:s2+$0x13280] =	vst v4  }
0x102: {  	s3 =	sand.u32 $0x3B0, s4;
	s4 =	sand.u32 $0x1F000, s17;
	s17 =	sand.u32 $0x3D0, s22;
	v7 =	vadd.f32 v0, v2;
	v0 =	vld [tilespmem:s23+$0x16440]  }
0x103: {  	s24 =	simm.s32 $0x32B0;
	s22 =	sand.u32 $0x3F0, s28;
	s17 =	sadd.s32 s17, s12;
	v8 =	vadd.f32 v6, v3;
	v4 =	vld [tilespmem:s23+$0x3840]  }
0x104: {  	s2 =	sand.u32 $0x3B0, s24;
	s4 =	sshrl.u32 s4, $0x2;
	s24 =	sadd.s32 s3, s12;
	[tilespmem:s17+$0x0] =	vst v7  }
0x105: {  	s29 =	sor.u32 s2, s4;
	s2 =	simm.s32 $0xCDC0;
	v6 =	vld [tilespmem:s21+$0x6A60];
	[tilespmem:s8+$0x0] =	vst v8;
	s8 =	simm.s32 $0x32F0;
	v5 =	vadd.f32 v5, v1  }
.LBB2_5:
0x106: {  	s28 =	sshra.s32 s2, $0x2;
	s3 =	sadd.s32 $0xFFFFFE40, s2;
	s17 =	sadd.s32 s22, s19  }
0x107: {  	v7 =	vld [tilespmem:s21+$0x6A20];
	s19 =	smov.u32 s12;
	s4 =	smov.u32 s25;
	s25 =	smov.u32 s2  }
0x108: {  	s12 =	sadd.s32 $0xFFFFFE80, s2;
	s3 =	sand.u32 $0x1F000, s3;
	v8 =	vld [tilespmem:s28+$0x16450];
	s22 =	sadd.s32 $0xFFFFFF80, s4;
	v4 =	vadd.f32 v4, v0;
	[tilespmem:s17+$0x0] =	vst v5  }
0x109: {  	s17 =	sadd.s32 $0xFFFFFFE0, s0;
	s3 =	sshrl.u32 s3, $0x2;
	s22 =	sand.u32 $0x1F000, s22;
	v5 =	vld [tilespmem:s23+$0x6A80]  }
0x10a: {  	s12 =	sand.u32 $0x1F000, s12;
	s17 =	sand.u32 $0x3D0, s17;
	v9 =	vld [tilespmem:s28+$0x3850];
	v2 =	vadd.f32 v6, v2;
	s22 =	sshrl.u32 s22, $0x2;
	[tilespmem:s13+$0x0] =	vst v4  }
0x10b: {  	s0 =	sadd.s32 $0x80, s0;
	s13 =	sshrl.u32 s12, $0x2;
	v4 =	vld [tilespmem:s28+$0x16410];
	s12 =	sor.u32 s17, s22  }
0x10c: {  	s20 =	sadd.s32 $0x2, s20;
	s17 =	sadd.s32 $0xFFFF3640, s2;
	s22 =	sand.u32 $0x3F0, s26;
	v6 =	vld [tilespmem:s28+$0x3810];
	v3 =	vadd.f32 v7, v3;
	[tilespmem:s12+$0x13280] =	vst v2  }
0x10d: {  	p0 =	slt.u32 s20, $0xC6;
	s12 =	sand.u32 $0xF000, s17;
	s17 =	sand.u32 $0x1F000, s31;
	v7 =	vld [tilespmem:s21+$0x16470]  }
0x10e: {  	s26 =	sadd.s32 $0xFFFFCDD0, s0;
	s12 =	sshrl.u32 s12, $0x2;
	[tilespmem:s7+$0x13280] =	vst v3;
	v2 =	vld [tilespmem:s21+$0x3870];
	v1 =	vadd.f32 v5, v1;
	s7 =	sshrl.u32 s17, $0x2  }
0x10f: {  	s12 =	sadd.s32 $0x13280, s12;
	s17 =	sand.u32 $0x3C0, s26;
	v3 =	vadd.f32 v9, v8;
	v5 =	vld [tilespmem:s21+$0x16430];
	s7 =	sor.u32 s22, s7  }
0x110: {  	s26 =	sadd.s32 $0xFFFFFF90, s0;
	s22 =	sadd.s32 $0xFFFFCD90, s0;
	s17 =	sadd.s32 s17, s12;
	v9 =	vld [tilespmem:s21+$0x3830];
	[tilespmem:s7+$0x13280] =	vst v1  }
0x111: {  	s7 =	sand.u32 $0x380, s22;
	s22 =	sand.u32 $0x380, s26;
	s26 =	sadd.s32 $0xFFFFCDA0, s0;
	v1 =	vadd.f32 v6, v4;
	[tilespmem:s17+$0x0] =	vst v3;
	v3 =	vld [tilespmem:s23+$0x6A40]  }
0x112: {  	s7 =	sadd.s32 s7, s12;
	s3 =	sor.u32 s22, s3;
	s17 =	sadd.s32 $0xFFFFCDF0, s8;
	v6 =	vld [tilespmem:s28+$0x6A50]  }
0x113: {  	s22 =	sadd.s32 $0xFFFFFFA0, s0;
	s17 =	sand.u32 $0x3E0, s17;
	[tilespmem:s7+$0x0] =	vst v1;
	s7 =	sand.u32 $0x390, s26;
	v1 =	vadd.f32 v2, v7  }
0x114: {  	s17 =	sadd.s32 s17, s19;
	v2 =	vld [tilespmem:s28+$0x6A10];
	s31 =	sadd.s32 s7, s12;
	s7 =	sand.u32 $0x390, s22  }
0x115: {  	s22 =	sadd.s32 $0xFFFFFF40, s2;
	s7 =	sor.u32 s7, s13;
	s13 =	sadd.s32 $0xFFFFCDB0, s0;
	v9 =	vadd.f32 v9, v5;
	[tilespmem:s17+$0x0] =	vst v1  }
0x116: {  	s17 =	sadd.s32 $0xFFFFFFD0, s0;
	s22 =	sand.u32 $0x1F000, s22;
	s13 =	sand.u32 $0x3A0, s13;
	v1 =	vld [tilespmem:s21+$0x6A70];
	v0 =	vadd.f32 v3, v0  }
0x117: {  	s17 =	sand.u32 $0x3C0, s17;
	s22 =	sshrl.u32 s22, $0x2;
	v3 =	vadd.f32 v6, v8;
	[tilespmem:s30+$0x0] =	vst v9;
	s30 =	sadd.s32 s13, s12  }
0x118: {  	s23 =	sadd.s32 $0xFFFFFEC0, s2;
	s13 =	sadd.s32 $0xFFFFFFB0, s0;
	s17 =	sor.u32 s17, s22;
	v6 =	vld [tilespmem:s21+$0x6A30];
	[tilespmem:s11+$0x13280] =	vst v0  }
0x119: {  	s11 =	sand.u32 $0x3A0, s13;
	s13 =	sand.u32 $0x1F000, s23;
	v0 =	vadd.f32 v2, v4;
	[tilespmem:s17+$0x13280] =	vst v3;
	s17 =	sadd.s32 $0xFFFFFFC0, s4  }
0x11a: {  	s22 =	sadd.s32 $0xFFFFFFF0, s8;
	s13 =	sshrl.u32 s13, $0x2;
	v2 =	vld [tilespmem:s28+$0x16460];
	s17 =	sand.u32 $0x1F000, s17  }
0x11b: {  	[tilespmem:s3+$0x13280] =	vst v0;
	s3 =	sor.u32 s11, s13;
	v0 =	vld [tilespmem:s28+$0x3860];
	v1 =	vadd.f32 v1, v7;
	s11 =	sand.u32 $0x3E0, s22;
	s13 =	sshrl.u32 s17, $0x2  }
0x11c: {  	s17 =	sadd.s32 $0xFFFFCDC0, s0;
	s22 =	sadd.s32 $0xFFFFFF00, s2;
	v3 =	vld [tilespmem:s28+$0x16420];
	s11 =	sor.u32 s11, s13  }
0x11d: {  	s13 =	sand.u32 $0x3B0, s17;
	s17 =	sadd.s32 $0xFFFFFFC0, s0;
	s22 =	sand.u32 $0x1F000, s22;
	v7 =	vld [tilespmem:s28+$0x3820];
	v4 =	vadd.f32 v6, v5;
	[tilespmem:s11+$0x13280] =	vst v1  }
0x11e: {  	s11 =	sadd.s32 s13, s12;
	s13 =	sand.u32 $0x3B0, s17;
	s17 =	sshrl.u32 s22, $0x2;
	v1 =	vld [tilespmem:s21+$0x16480]  }
0x11f: {  	s23 =	smov.u32 s21;
	s17 =	sor.u32 s13, s17;
	s13 =	sadd.s32 $0xFFFFCDE0, s0;
	[tilespmem:s15+$0x13280] =	vst v4;
	v5 =	vld [tilespmem:s21+$0x3880]  }
.Ltmp1:
0x120: {  	s13 =	sand.u32 $0x3D0, s13;
	s21 =	smov.u32 s28;
	v6 =	vadd.f32 v0, v2;
	v0 =	vld [tilespmem:s23+$0x16440];
	(pc) =	sbr.rel @p0 .LBB2_5-.Ltmp1, $4  }
0x121: {  	s26 =	smov.u32 s8;
	s8 =	smov.u32 s0;
	s13 =	sadd.s32 s13, s12;
	v4 =	vld [tilespmem:s23+$0x3840]  }
0x122: {  	s15 =	smov.u32 s3;
	v7 =	vadd.f32 v7, v3;
	[tilespmem:s13+$0x0] =	vst v6;
	s13 =	smov.u32 s24;
	s24 =	smov.u32 s11  }
0x123: {  	s3 =	sadd.s32 $0xFFFFCE00, s26;
	s11 =	smov.u32 s29;
	s29 =	smov.u32 s17;
	v6 =	vld [tilespmem:s21+$0x6A60]  }
0x124: {  	s2 =	sadd.s32 $0x200, s2;
	s22 =	sand.u32 $0x3F0, s3;
	[tilespmem:s31+$0x0] =	vst v7;
	v5 =	vadd.f32 v5, v1;
	s31 =	smov.u32 s4  }
0x125: {  	v7 =	vld [tilespmem:s21+$0x6A20]  }
0x126: {  	s2 =	sadd.s32 $0xFFFFFF80, s25  }
0x127: {  	s0 =	sadd.s32 $0xFFFFFFE0, s0;
	s2 =	sand.u32 $0x1F000, s2  }
0x128: {  	s0 =	sand.u32 $0x3D0, s0;
	s2 =	sshrl.u32 s2, $0x2;
	v2 =	vadd.f32 v6, v2  }
0x129: {  	s0 =	sor.u32 s0, s2  }
0x12a: {  	v3 =	vadd.f32 v7, v3;
	[tilespmem:s0+$0x13280] =	vst v2  }
0x12b: {  	v2 =	vld [tilespmem:s21+$0x16470]  }
0x12c: {  	[tilespmem:s7+$0x13280] =	vst v3;
	v3 =	vld [tilespmem:s21+$0x3870]  }
0x12d: {  	v6 =	vld [tilespmem:s21+$0x16430]  }
0x12e: {  	v7 =	vld [tilespmem:s21+$0x3830];
	_ =	sdelay $0x1  }
0x12f: {  	s3 =	sadd.s32 $0xFFFFCDF0, s8  }
0x130: {  	s0 =	sand.u32 $0x3E0, s3;
	v3 =	vadd.f32 v3, v2  }
0x131: {  	s0 =	sadd.s32 s0, s12  }
0x132: {  	v7 =	vadd.f32 v7, v6;
	[tilespmem:s0+$0x0] =	vst v3  }
0x133: {  	v3 =	vld [tilespmem:s21+$0x6A70]  }
0x134: {  	[tilespmem:s30+$0x0] =	vst v7  }
0x135: {  	v7 =	vld [tilespmem:s21+$0x6A30]  }
0x136: {  	s4 =	sadd.s32 $0xFFFFFFC0, s25  }
0x137: {  	s7 =	sadd.s32 $0xFFFFFFF0, s8;
	s0 =	sand.u32 $0x1F000, s4  }
0x138: {  	s2 =	sand.u32 $0x3E0, s7;
	s0 =	sshrl.u32 s0, $0x2;
	v2 =	vadd.f32 v3, v2  }
0x139: {  	s0 =	sor.u32 s2, s0  }
0x13a: {  	v3 =	vadd.f32 v7, v6;
	[tilespmem:s0+$0x13280] =	vst v2  }
0x13b: {  	v2 =	vld [tilespmem:s21+$0x16480]  }
0x13c: {  	[tilespmem:s15+$0x13280] =	vst v3;
	v3 =	vld [tilespmem:s21+$0x3880]  }
0x13d: {  	v6 =	vld [tilespmem:s21+$0x16440]  }
0x13e: {  	v7 =	vld [tilespmem:s21+$0x3840];
	_ =	sdelay $0x1  }
0x13f: {  	s17 =	sadd.s32 s22, s19  }
0x140: {  	s19 =	sadd.s32 $0xFFFFCE00, s8;
	v4 =	vadd.f32 v4, v0;
	[tilespmem:s17+$0x0] =	vst v5  }
0x141: {  	s20 =	sand.u32 $0x3F0, s19;
	v5 =	vld [tilespmem:s23+$0x6A80];
	v3 =	vadd.f32 v3, v2  }
0x142: {  	[tilespmem:s13+$0x0] =	vst v4;
	s0 =	sadd.s32 s20, s12;
	v4 =	vadd.f32 v7, v6  }
0x143: {  	v7 =	vld [tilespmem:s23+$0x6A40];
	[tilespmem:s0+$0x0] =	vst v3  }
0x144: {  	v3 =	vld [tilespmem:s21+$0x6A80];
	[tilespmem:s24+$0x0] =	vst v4  }
0x145: {  	v4 =	vld [tilespmem:s21+$0x6A40];
	s21 =	sand.u32 $0x1F000, s31  }
0x146: {  	s22 =	sand.u32 $0x3F0, s26;
	v1 =	vadd.f32 v5, v1;
	s0 =	sshrl.u32 s21, $0x2  }
0x147: {  	s0 =	sor.u32 s22, s0  }
0x148: {  	[tilespmem:s0+$0x13280] =	vst v1  }
0x149: {  	s23 =	sand.u32 $0x1F000, s25;
	v0 =	vadd.f32 v7, v0;
	s3 =	rddreg [dreg:$0x7]  }
0x14a: {  	s2 =	sshrl.u32 s23, $0x2;
	s24 =	sand.u32 $0x3F0, s8;
	v1 =	vadd.f32 v3, v2;
	s3 =	sadd.s32 s3, s14  }
0x14b: {  	s0 =	sor.u32 s24, s2;
	[tilespmem:s11+$0x13280] =	vst v0;
	v0 =	vadd.f32 v4, v6;
	s25 =	smul.u32 $0xC80, s3  }
0x14c: {  	p0 =	seq.s32 s1, $0xF;
	s26 =	rddreg [dreg:$0x1];
	[tilespmem:s0+$0x13280] =	vst v1  }
0x14d: {  	s28 =	simm.s32 $0x13280;
	s14 =	smul.u32 @!p0 $0x680, s1;
	[tilespmem:s29+$0x13280] =	vst v0;
	s0 =	sadd.s32 s26, s25  }
0x14e: {  	[hbm4b:s0+s5] =	stream.linear.scatter [tilespmem:s28], [sflag:$0x6], $0x6400, $0x38;
	[tilespmem:$0x1C880] =	vst v63  }
0x14f: {  	s0 =	rddreg [dreg:$0x8]  }
0x150: {  	s0 =	sadd.s32 @!p0 s14, s0  }
0x151: {  	s0 =	sshrl.u32 @!p0 s0, $0x3  }
0x152: {  	s2 =	simm.s32 @!p0 $0x0;
	s0 =	sadd.s32 @!p0 s10, s0  }
0x153: {  	[tilespmem:s2], [sflag:$0x1] =	stream.linear.gather @!p0 [hbm4b:s0+s2], $0x1A0, $0x38;
	[tilespmem:$0x1C880] =	vst v63  }
0x154: {  	s2 =	simm.s32 $0x2  }
0x155: {  	_ =	swait.ge [sflag:s2], $0x1A0  }
0x156: {  	[sflag:s2] =	ssyncset.done $0x0  }
0x157: {  	s4 =	simm.s32 $0x4E0;
	s3 =	simm.s32 $0x6A80;
	[sflag:s2] =	ssyncadd.s32 $0xFFFFFE60  }
0x158: {  	[tilespmem:s3], [sflag:$0x4] =	stream.indirect.gather [hbm4b:s6+s18], $0x40, s4, s18, $0xb8;
	[tilespmem:$0x1C880] =	vst v63  }
0x159: {  	s7 =	simm.s32 $0x548;
	s5 =	simm.s32 $0x8380  }
0x15a: {  	[tilespmem:s5], [sflag:$0x4] =	stream.indirect.gather [hbm4b:s6+s18], $0x40, s7, s18, $0xb8;
	[tilespmem:$0x1C880] =	vst v63  }
0x15b: {  	s8 =	simm.s32 $0x9C80;
	s11 =	simm.s32 $0x5B0  }
0x15c: {  	[tilespmem:s8], [sflag:$0x4] =	stream.indirect.gather [hbm4b:s6+s18], $0x40, s11, s18, $0xb8;
	[tilespmem:$0x1C880] =	vst v63  }
0x15d: {  	s13 =	simm.s32 $0x618;
	s12 =	simm.s32 $0xB580;
	s15 =	simm.s32 $0x3  }
0x15e: {  	[tilespmem:s12], [sflag:$0x4] =	stream.indirect.gather [hbm4b:s6+s18], $0x40, s13, s18, $0xb8;
	[tilespmem:$0x1C880] =	vst v63  }
0x15f: {  	_ =	swait.ge [sflag:s15], $0x6400  }
0x160: {  	[sflag:s15] =	ssyncset.done $0x0  }
0x161: {  	s17 =	simm.s32 $0x5;
	[sflag:s15] =	ssyncadd.s32 $0xFFFF9C00  }
0x162: {  	_ =	swait.ge [sflag:s17], $0x6400  }
0x163: {  	[sflag:s17] =	ssyncset.done $0x0  }
0x164: {  	s23 =	simm.s32 $0x3270;
	[sflag:s17] =	ssyncadd.s32 $0xFFFF9C00  }
0x165: {  	v0 =	vld [tilespmem:s23+$0x16450]  }
0x166: {  	v1 =	vld [tilespmem:s23+$0xFFFFD450];
	_ =	sdelay $0x1  }
0x167: {  	s19 =	simm.s32 $0x0;
	v2 =	vld [tilespmem:s23+$0x16410]  }
0x168: {  	s0 =	sand.u32 $0xF000, s19;
	v3 =	vld [tilespmem:s23+$0xFFFFD410]  }
0x169: {  	s20 =	simm.s32 $0x40;
	s0 =	sshrl.u32 s0, $0x2  }
0x16a: {  	s21 =	sand.u32 $0x3C0, s20;
	s19 =	sadd.s32 $0xCE80, s0;
	v1 =	vadd.f32 v1, v0  }
0x16b: {  	s0 =	sadd.s32 s21, s19  }
0x16c: {  	s22 =	simm.s32 $0x0;
	[tilespmem:s0+$0x0] =	vst v1  }
0x16d: {  	s24 =	sand.u32 $0x380, s22;
	v1 =	vadd.f32 v3, v2;
	v3 =	vld [tilespmem:s23+$0x650]  }
0x16e: {  	s0 =	sadd.s32 s24, s19  }
0x16f: {  	[tilespmem:s0+$0x0] =	vst v1  }
0x170: {  	s25 =	simm.s32 $0xC900;
	v1 =	vld [tilespmem:s23+$0x610]  }
0x171: {  	s26 =	simm.s32 $0x3240;
	s0 =	sand.u32 $0x1F000, s25  }
0x172: {  	s2 =	sand.u32 $0x3C0, s26;
	s0 =	sshrl.u32 s0, $0x2;
	v0 =	vadd.f32 v3, v0  }
0x173: {  	s28 =	simm.s32 $0xC800;
	s0 =	sor.u32 s2, s0  }
0x174: {  	s3 =	sand.u32 $0x1F000, s28;
	s4 =	simm.s32 $0x3200;
	[tilespmem:s0+$0xCE80] =	vst v0  }
0x175: {  	s5 =	sshrl.u32 s3, $0x2;
	s7 =	sand.u32 $0x380, s4;
	v0 =	vadd.f32 v1, v2;
	v1 =	vld [tilespmem:s23+$0x16460]  }
0x176: {  	s0 =	sor.u32 s7, s5;
	v2 =	vld [tilespmem:s23+$0xFFFFD460]  }
0x177: {  	[tilespmem:s0+$0xCE80] =	vst v0  }
0x178: {  	v0 =	vld [tilespmem:s23+$0x16420]  }
0x179: {  	v3 =	vld [tilespmem:s23+$0xFFFFD420]  }
0x17a: {  	s31 =	simm.s32 $0xC9C0;
	s8 =	simm.s32 $0x50  }
0x17b: {  	s22 =	simm.s32 $0xC880;
	s26 =	simm.s32 $0x3270;
	s0 =	sand.u32 $0x3D0, s8;
	v2 =	vadd.f32 v2, v1  }
0x17c: {  	s21 =	simm.s32 $0x3220;
	s28 =	simm.s32 $0x3250;
	s0 =	sadd.s32 s0, s19  }
0x17d: {  	s4 =	simm.s32 $0x3210;
	s11 =	simm.s32 $0xC840;
	s12 =	simm.s32 $0x10;
	[tilespmem:s0+$0x0] =	vst v2  }
0x17e: {  	s3 =	sand.u32 $0x390, s12;
	s12 =	sand.u32 $0x3D0, s28;
	s17 =	simm.s32 $0x20;
	v2 =	vadd.f32 v3, v0;
	v3 =	vld [tilespmem:s23+$0x660]  }
0x17f: {  	s13 =	sadd.s32 s3, s19;
	s15 =	sand.u32 $0x390, s4;
	s20 =	sand.u32 $0x3A0, s17  }
0x180: {  	s17 =	simm.s32 $0xC8C0;
	s4 =	sadd.s32 s20, s19;
	s25 =	simm.s32 $0xC940;
	[tilespmem:s13+$0x0] =	vst v2  }
0x181: {  	s2 =	sand.u32 $0x1F000, s11;
	s7 =	sand.u32 $0x3A0, s21;
	s21 =	simm.s32 $0x32F0;
	v2 =	vld [tilespmem:s23+$0x620]  }
0x182: {  	s24 =	sand.u32 $0x1F000, s22;
	s2 =	sshrl.u32 s2, $0x2;
	s5 =	sand.u32 $0x1F000, s25;
	v4 =	vld [tilespmem:s21+$0x16450]  }
0x183: {  	s3 =	sor.u32 s15, s2;
	v5 =	vld [tilespmem:s21+$0xFFFFD450];
	s0 =	sshrl.u32 s24, $0x2;
	s13 =	sshrl.u32 s5, $0x2;
	v1 =	vadd.f32 v3, v1  }
0x184: {  	s15 =	simm.s32 $0x30;
	v6 =	vld [tilespmem:s21+$0xFFFFD410];
	s2 =	sor.u32 s7, s0;
	s0 =	sor.u32 s12, s13  }
0x185: {  	s22 =	simm.s32 $0x3230;
	s20 =	sand.u32 $0x3B0, s15;
	s24 =	simm.s32 $0x200;
	v3 =	vld [tilespmem:s21+$0x16410];
	[tilespmem:s0+$0xCE80] =	vst v1  }
0x186: {  	s15 =	simm.s32 $0xCA00;
	s25 =	sand.u32 $0x1F000, s17;
	s28 =	sand.u32 $0xF000, s24;
	v0 =	vadd.f32 v2, v0;
	v1 =	vld [tilespmem:s23+$0x16470]  }
0x187: {  	s8 =	sand.u32 $0x3B0, s22;
	s7 =	sshrl.u32 s28, $0x2;
	s5 =	simm.s32 $0xC0;
	v2 =	vld [tilespmem:s23+$0xFFFFD470]  }
0x188: {  	s12 =	sadd.s32 $0xCE80, s7;
	s7 =	sand.u32 $0x3C0, s5;
	s0 =	sshrl.u32 s25, $0x2;
	[tilespmem:s3+$0xCE80] =	vst v0;
	v0 =	vadd.f32 v5, v4  }
0x189: {  	s11 =	sor.u32 s8, s0;
	s8 =	simm.s32 $0x80;
	s3 =	sadd.s32 s7, s12;
	v5 =	vld [tilespmem:s23+$0x16430]  }
0x18a: {  	s17 =	simm.s32 $0xCA40;
	s24 =	simm.s32 $0xCB00;
	s0 =	sand.u32 $0x380, s8;
	v7 =	vld [tilespmem:s23+$0xFFFFD430];
	v6 =	vadd.f32 v6, v3;
	[tilespmem:s3+$0x0] =	vst v0  }
0x18b: {  	s13 =	sadd.s32 s20, s19;
	s20 =	simm.s32 $0x60;
	s0 =	sadd.s32 s0, s12;
	v0 =	vld [tilespmem:s21+$0x650]  }
0x18c: {  	s28 =	simm.s32 $0x3280;
	s5 =	simm.s32 $0x90;
	s22 =	sand.u32 $0x3E0, s20;
	[tilespmem:s0+$0x0] =	vst v6;
	v2 =	vadd.f32 v2, v1  }
0x18d: {  	s20 =	simm.s32 $0x2;
	s25 =	simm.s32 $0xCBC0;
	s8 =	sadd.s32 s22, s19;
	v6 =	vld [tilespmem:s21+$0x610]  }
0x18e: {  	s7 =	sand.u32 $0x1F000, s15;
	s15 =	sand.u32 $0x1F000, s24;
	s22 =	sand.u32 $0x390, s5;
	[tilespmem:s8+$0x0] =	vst v2  }
0x18f: {  	s24 =	simm.s32 $0x3290;
	s3 =	sand.u32 $0x1F000, s17;
	s17 =	simm.s32 $0x32C0;
	v2 =	vadd.f32 v7, v5;
	v7 =	vld [tilespmem:s23+$0x670]  }
0x190: {  	s5 =	simm.s32 $0x3260;
	s15 =	sshrl.u32 s15, $0x2;
	s17 =	sand.u32 $0x3C0, s17;
	v0 =	vadd.f32 v0, v4  }
0x191: {  	s7 =	sshrl.u32 s7, $0x2;
	s3 =	sshrl.u32 s3, $0x2;
	s17 =	sor.u32 s17, s15;
	[tilespmem:s4+$0x0] =	vst v2  }
0x192: {  	s0 =	simm.s32 $0x32F0;
	s8 =	sand.u32 $0x380, s28;
	s28 =	simm.s32 $0xC980;
	v4 =	vld [tilespmem:s23+$0x630];
	v3 =	vadd.f32 v6, v3;
	[tilespmem:s17+$0xCE80] =	vst v0  }
0x193: {  	s7 =	sor.u32 s8, s7;
	s8 =	sadd.s32 s22, s12;
	s4 =	sand.u32 $0x1F000, s28;
	v2 =	vld [tilespmem:s21+$0x16460]  }
0x194: {  	s22 =	simm.s32 $0x32A0;
	s4 =	sshrl.u32 s4, $0x2;
	s17 =	sand.u32 $0x3E0, s5;
	[tilespmem:s7+$0xCE80] =	vst v3;
	v0 =	vld [tilespmem:s21+$0xFFFFD460];
	v1 =	vadd.f32 v7, v1  }
0x195: {  	s15 =	sand.u32 $0x390, s24;
	s28 =	sand.u32 $0x3A0, s22;
	s4 =	sor.u32 s17, s4;
	v3 =	vld [tilespmem:s21+$0x16420]  }
0x196: {  	s22 =	simm.s32 $0xD0;
	s7 =	sor.u32 s15, s3;
	s15 =	simm.s32 $0xCA80;
	v6 =	vld [tilespmem:s21+$0xFFFFD420];
	[tilespmem:s4+$0xCE80] =	vst v1  }
0x197: {  	s5 =	simm.s32 $0xB0;
	s17 =	simm.s32 $0xA0;
	s3 =	sand.u32 $0x1F000, s15;
	v4 =	vadd.f32 v4, v5;
	v1 =	vld [tilespmem:s23+$0x16480]  }
0x198: {  	s24 =	sand.u32 $0x3A0, s17;
	s17 =	simm.s32 $0xCAC0;
	s3 =	sshrl.u32 s3, $0x2;
	v5 =	vld [tilespmem:s23+$0xFFFFD480]  }
0x199: {  	s30 =	sadd.s32 s24, s12;
	s24 =	simm.s32 $0x32B0;
	s15 =	sor.u32 s28, s3;
	[tilespmem:s2+$0xCE80] =	vst v4  }
0x19a: {  	s3 =	sand.u32 $0x3B0, s5;
	s4 =	sand.u32 $0x1F000, s17;
	s17 =	sand.u32 $0x3D0, s22;
	v7 =	vadd.f32 v0, v2;
	v0 =	vld [tilespmem:s23+$0x16440]  }
0x19b: {  	s28 =	simm.s32 $0x70;
	s4 =	sshrl.u32 s4, $0x2;
	s17 =	sadd.s32 s17, s12;
	v8 =	vadd.f32 v6, v3;
	v4 =	vld [tilespmem:s23+$0xFFFFD440]  }
0x19c: {  	s22 =	sand.u32 $0x3F0, s28;
	s2 =	sand.u32 $0x3B0, s24;
	s24 =	sadd.s32 s3, s12;
	[tilespmem:s17+$0x0] =	vst v7  }
0x19d: {  	s29 =	sor.u32 s2, s4;
	s2 =	simm.s32 $0xCDC0;
	v6 =	vld [tilespmem:s21+$0x660];
	[tilespmem:s8+$0x0] =	vst v8;
	s8 =	simm.s32 $0x32F0;
	v5 =	vadd.f32 v5, v1  }
.LBB2_7:
0x19e: {  	s28 =	sshra.s32 s2, $0x2;
	s3 =	sadd.s32 $0xFFFFFE40, s2;
	s17 =	sadd.s32 s22, s19  }
0x19f: {  	v7 =	vld [tilespmem:s21+$0x620];
	s19 =	smov.u32 s12;
	s4 =	smov.u32 s25;
	s25 =	smov.u32 s2  }
0x1a0: {  	s12 =	sadd.s32 $0xFFFFFE80, s2;
	s3 =	sand.u32 $0x1F000, s3;
	v8 =	vld [tilespmem:s28+$0x16450];
	s22 =	sadd.s32 $0xFFFFFF80, s4;
	v4 =	vadd.f32 v4, v0;
	[tilespmem:s17+$0x0] =	vst v5  }
0x1a1: {  	s17 =	sadd.s32 $0xFFFFFFE0, s0;
	s3 =	sshrl.u32 s3, $0x2;
	s22 =	sand.u32 $0x1F000, s22;
	v5 =	vld [tilespmem:s23+$0x680]  }
0x1a2: {  	s12 =	sand.u32 $0x1F000, s12;
	s17 =	sand.u32 $0x3D0, s17;
	v9 =	vld [tilespmem:s28+$0xFFFFD450];
	v2 =	vadd.f32 v6, v2;
	s22 =	sshrl.u32 s22, $0x2;
	[tilespmem:s13+$0x0] =	vst v4  }
0x1a3: {  	s0 =	sadd.s32 $0x80, s0;
	s13 =	sshrl.u32 s12, $0x2;
	v4 =	vld [tilespmem:s28+$0x16410];
	s12 =	sor.u32 s17, s22  }
0x1a4: {  	s20 =	sadd.s32 $0x2, s20;
	s17 =	sadd.s32 $0xFFFF3640, s2;
	s22 =	sand.u32 $0x3F0, s26;
	v6 =	vld [tilespmem:s28+$0xFFFFD410];
	v3 =	vadd.f32 v7, v3;
	[tilespmem:s12+$0xCE80] =	vst v2  }
0x1a5: {  	p1 =	slt.u32 s20, $0xC6;
	s12 =	sand.u32 $0xF000, s17;
	s17 =	sand.u32 $0x1F000, s31;
	v7 =	vld [tilespmem:s21+$0x16470]  }
0x1a6: {  	s26 =	sadd.s32 $0xFFFFCDD0, s0;
	s12 =	sshrl.u32 s12, $0x2;
	[tilespmem:s7+$0xCE80] =	vst v3;
	v2 =	vld [tilespmem:s21+$0xFFFFD470];
	v1 =	vadd.f32 v5, v1;
	s7 =	sshrl.u32 s17, $0x2  }
0x1a7: {  	s12 =	sadd.s32 $0xCE80, s12;
	s17 =	sand.u32 $0x3C0, s26;
	v3 =	vadd.f32 v9, v8;
	v5 =	vld [tilespmem:s21+$0x16430];
	s7 =	sor.u32 s22, s7  }
0x1a8: {  	s26 =	sadd.s32 $0xFFFFFF90, s0;
	s22 =	sadd.s32 $0xFFFFCD90, s0;
	s17 =	sadd.s32 s17, s12;
	v9 =	vld [tilespmem:s21+$0xFFFFD430];
	[tilespmem:s7+$0xCE80] =	vst v1  }
0x1a9: {  	s7 =	sand.u32 $0x380, s22;
	s22 =	sand.u32 $0x380, s26;
	s26 =	sadd.s32 $0xFFFFCDA0, s0;
	v1 =	vadd.f32 v6, v4;
	[tilespmem:s17+$0x0] =	vst v3;
	v3 =	vld [tilespmem:s23+$0x640]  }
0x1aa: {  	s7 =	sadd.s32 s7, s12;
	s3 =	sor.u32 s22, s3;
	s17 =	sadd.s32 $0xFFFFCDF0, s8;
	v6 =	vld [tilespmem:s28+$0x650]  }
0x1ab: {  	s22 =	sadd.s32 $0xFFFFFFA0, s0;
	s17 =	sand.u32 $0x3E0, s17;
	[tilespmem:s7+$0x0] =	vst v1;
	s7 =	sand.u32 $0x390, s26;
	v1 =	vadd.f32 v2, v7  }
0x1ac: {  	s17 =	sadd.s32 s17, s19;
	v2 =	vld [tilespmem:s28+$0x610];
	s31 =	sadd.s32 s7, s12;
	s7 =	sand.u32 $0x390, s22  }
0x1ad: {  	s22 =	sadd.s32 $0xFFFFFF40, s2;
	s7 =	sor.u32 s7, s13;
	s13 =	sadd.s32 $0xFFFFCDB0, s0;
	v9 =	vadd.f32 v9, v5;
	[tilespmem:s17+$0x0] =	vst v1  }
0x1ae: {  	s17 =	sadd.s32 $0xFFFFFFD0, s0;
	s22 =	sand.u32 $0x1F000, s22;
	s13 =	sand.u32 $0x3A0, s13;
	v1 =	vld [tilespmem:s21+$0x670];
	v0 =	vadd.f32 v3, v0  }
0x1af: {  	s17 =	sand.u32 $0x3C0, s17;
	s22 =	sshrl.u32 s22, $0x2;
	v3 =	vadd.f32 v6, v8;
	[tilespmem:s30+$0x0] =	vst v9;
	s30 =	sadd.s32 s13, s12  }
0x1b0: {  	s23 =	sadd.s32 $0xFFFFFEC0, s2;
	s13 =	sadd.s32 $0xFFFFFFB0, s0;
	s17 =	sor.u32 s17, s22;
	v6 =	vld [tilespmem:s21+$0x630];
	[tilespmem:s11+$0xCE80] =	vst v0  }
0x1b1: {  	s11 =	sand.u32 $0x3A0, s13;
	s13 =	sand.u32 $0x1F000, s23;
	v0 =	vadd.f32 v2, v4;
	[tilespmem:s17+$0xCE80] =	vst v3;
	s17 =	sadd.s32 $0xFFFFFFC0, s4  }
0x1b2: {  	s22 =	sadd.s32 $0xFFFFFFF0, s8;
	s13 =	sshrl.u32 s13, $0x2;
	v2 =	vld [tilespmem:s28+$0x16460];
	s17 =	sand.u32 $0x1F000, s17  }
0x1b3: {  	[tilespmem:s3+$0xCE80] =	vst v0;
	s3 =	sor.u32 s11, s13;
	v0 =	vld [tilespmem:s28+$0xFFFFD460];
	v1 =	vadd.f32 v1, v7;
	s11 =	sand.u32 $0x3E0, s22;
	s13 =	sshrl.u32 s17, $0x2  }
0x1b4: {  	s17 =	sadd.s32 $0xFFFFCDC0, s0;
	s22 =	sadd.s32 $0xFFFFFF00, s2;
	v3 =	vld [tilespmem:s28+$0x16420];
	s11 =	sor.u32 s11, s13  }
0x1b5: {  	s13 =	sand.u32 $0x3B0, s17;
	s17 =	sadd.s32 $0xFFFFFFC0, s0;
	s22 =	sand.u32 $0x1F000, s22;
	v7 =	vld [tilespmem:s28+$0xFFFFD420];
	v4 =	vadd.f32 v6, v5;
	[tilespmem:s11+$0xCE80] =	vst v1  }
0x1b6: {  	s11 =	sadd.s32 s13, s12;
	s13 =	sand.u32 $0x3B0, s17;
	s17 =	sshrl.u32 s22, $0x2;
	v1 =	vld [tilespmem:s21+$0x16480]  }
0x1b7: {  	s23 =	smov.u32 s21;
	s17 =	sor.u32 s13, s17;
	s13 =	sadd.s32 $0xFFFFCDE0, s0;
	[tilespmem:s15+$0xCE80] =	vst v4;
	v5 =	vld [tilespmem:s21+$0xFFFFD480]  }
.Ltmp2:
0x1b8: {  	s13 =	sand.u32 $0x3D0, s13;
	s21 =	smov.u32 s28;
	v6 =	vadd.f32 v0, v2;
	v0 =	vld [tilespmem:s23+$0x16440];
	(pc) =	sbr.rel @p1 .LBB2_7-.Ltmp2, $4  }
0x1b9: {  	s26 =	smov.u32 s8;
	s8 =	smov.u32 s0;
	s13 =	sadd.s32 s13, s12;
	v4 =	vld [tilespmem:s23+$0xFFFFD440]  }
0x1ba: {  	s15 =	smov.u32 s3;
	v7 =	vadd.f32 v7, v3;
	[tilespmem:s13+$0x0] =	vst v6;
	s13 =	smov.u32 s24;
	s24 =	smov.u32 s11  }
0x1bb: {  	s3 =	sadd.s32 $0xFFFFCE00, s26;
	s11 =	smov.u32 s29;
	s29 =	smov.u32 s17;
	v6 =	vld [tilespmem:s21+$0x660]  }
0x1bc: {  	s2 =	sadd.s32 $0x200, s2;
	s22 =	sand.u32 $0x3F0, s3;
	[tilespmem:s31+$0x0] =	vst v7;
	v5 =	vadd.f32 v5, v1;
	s31 =	smov.u32 s4  }
0x1bd: {  	v7 =	vld [tilespmem:s21+$0x620]  }
0x1be: {  	s2 =	sadd.s32 $0xFFFFFF80, s25  }
0x1bf: {  	s0 =	sadd.s32 $0xFFFFFFE0, s0;
	s2 =	sand.u32 $0x1F000, s2  }
0x1c0: {  	s0 =	sand.u32 $0x3D0, s0;
	s2 =	sshrl.u32 s2, $0x2;
	v2 =	vadd.f32 v6, v2  }
0x1c1: {  	s0 =	sor.u32 s0, s2  }
0x1c2: {  	v3 =	vadd.f32 v7, v3;
	[tilespmem:s0+$0xCE80] =	vst v2  }
0x1c3: {  	v2 =	vld [tilespmem:s21+$0x16470]  }
0x1c4: {  	[tilespmem:s7+$0xCE80] =	vst v3;
	v3 =	vld [tilespmem:s21+$0xFFFFD470]  }
0x1c5: {  	v6 =	vld [tilespmem:s21+$0x16430]  }
0x1c6: {  	v7 =	vld [tilespmem:s21+$0xFFFFD430];
	_ =	sdelay $0x1  }
0x1c7: {  	s2 =	sadd.s32 $0xFFFFCDF0, s8  }
0x1c8: {  	s0 =	sand.u32 $0x3E0, s2;
	v3 =	vadd.f32 v3, v2  }
0x1c9: {  	s0 =	sadd.s32 s0, s12  }
0x1ca: {  	v7 =	vadd.f32 v7, v6;
	[tilespmem:s0+$0x0] =	vst v3  }
0x1cb: {  	v3 =	vld [tilespmem:s21+$0x670]  }
0x1cc: {  	[tilespmem:s30+$0x0] =	vst v7  }
0x1cd: {  	v7 =	vld [tilespmem:s21+$0x630]  }
0x1ce: {  	s3 =	sadd.s32 $0xFFFFFFC0, s25  }
0x1cf: {  	s4 =	sadd.s32 $0xFFFFFFF0, s8;
	s0 =	sand.u32 $0x1F000, s3  }
0x1d0: {  	s2 =	sand.u32 $0x3E0, s4;
	s0 =	sshrl.u32 s0, $0x2;
	v2 =	vadd.f32 v3, v2  }
0x1d1: {  	s0 =	sor.u32 s2, s0  }
0x1d2: {  	v3 =	vadd.f32 v7, v6;
	[tilespmem:s0+$0xCE80] =	vst v2  }
0x1d3: {  	v2 =	vld [tilespmem:s21+$0x16480]  }
0x1d4: {  	[tilespmem:s15+$0xCE80] =	vst v3;
	v3 =	vld [tilespmem:s21+$0xFFFFD480]  }
0x1d5: {  	v6 =	vld [tilespmem:s21+$0x16440]  }
0x1d6: {  	v7 =	vld [tilespmem:s21+$0xFFFFD440]  }
0x1d7: {  	s5 =	sadd.s32 s22, s19  }
0x1d8: {  	[tilespmem:s5+$0x0] =	vst v5  }
0x1d9: {  	v4 =	vadd.f32 v4, v0;
	v5 =	vld [tilespmem:s23+$0x680];
	s7 =	sadd.s32 $0xFFFFCE00, s8  }
0x1da: {  	s15 =	sand.u32 $0x3F0, s7;
	v3 =	vadd.f32 v3, v2  }
0x1db: {  	[tilespmem:s13+$0x0] =	vst v4;
	s0 =	sadd.s32 s15, s12;
	v4 =	vadd.f32 v7, v6  }
0x1dc: {  	v7 =	vld [tilespmem:s23+$0x640];
	[tilespmem:s0+$0x0] =	vst v3  }
0x1dd: {  	s17 =	sand.u32 $0x1F000, s31;
	v3 =	vld [tilespmem:s21+$0x680];
	[tilespmem:s24+$0x0] =	vst v4  }
0x1de: {  	s19 =	sand.u32 $0x3F0, s26;
	v1 =	vadd.f32 v5, v1;
	s0 =	sshrl.u32 s17, $0x2;
	v4 =	vld [tilespmem:s21+$0x640]  }
0x1df: {  	s0 =	sor.u32 s19, s0  }
0x1e0: {  	[tilespmem:s0+$0xCE80] =	vst v1  }
0x1e1: {  	s20 =	sand.u32 $0x1F000, s25;
	s3 =	rddreg [dreg:$0x7];
	v0 =	vadd.f32 v7, v0  }
0x1e2: {  	s2 =	sshrl.u32 s20, $0x2;
	s21 =	sand.u32 $0x3F0, s8;
	s3 =	sadd.s32 s3, s9;
	v1 =	vadd.f32 v3, v2  }
0x1e3: {  	s0 =	sor.u32 s21, s2;
	s22 =	smul.u32 $0xC80, s3;
	[tilespmem:s11+$0xCE80] =	vst v0;
	v0 =	vadd.f32 v4, v6  }
0x1e4: {  	s23 =	rddreg [dreg:$0x1];
	[tilespmem:s0+$0xCE80] =	vst v1  }
0x1e5: {  	s30 =	simm.s32 $0x0;
	s24 =	simm.s32 $0xCE80;
	s0 =	sadd.s32 s23, s22;
	[tilespmem:s29+$0xCE80] =	vst v0  }
0x1e6: {  	[hbm4b:s0+s30] =	stream.linear.scatter [tilespmem:s24], [sflag:$0x5], $0x6400, $0x38;
	[tilespmem:$0x1C880] =	vst v63  }
0x1e7: {  	s0 =	rddreg [dreg:$0x9]  }
0x1e8: {  	s0 =	sadd.s32 @!p0 s14, s0  }
0x1e9: {  	s0 =	sshrl.u32 @!p0 s0, $0x3  }
0x1ea: {  	s2 =	simm.s32 @!p0 $0x0;
	s3 =	simm.s32 @!p0 $0x1A0;
	s0 =	sadd.s32 @!p0 s10, s0  }
0x1eb: {  	[tilespmem:s3], [sflag:$0x2] =	stream.linear.gather @!p0 [hbm4b:s0+s2], $0x1A0, $0x38;
	[tilespmem:$0x1C880] =	vst v63  }
0x1ec: {  	s0 =	simm.s32 @!p0 $0x1  }
0x1ed: {  	_ =	swait.ge @!p0 [sflag:s0], $0x1A0  }
0x1ee: {  	[sflag:s0] =	ssyncset.done @!p0 $0x0  }
0x1ef: {  	s3 =	simm.s32 @!p0 $0x680;
	[sflag:s0] =	ssyncadd.s32 @!p0 $0xFFFFFE60;
	s0 =	simm.s32 @!p0 $0x64  }
0x1f0: {  	[tilespmem:s3], [sflag:$0x3] =	stream.indirect.gather @!p0 [hbm4b:s6+s0], $0x40, s2, s0, $0xb8;
	[tilespmem:$0x1C880] =	vst v63  }
0x1f1: {  	s2 =	simm.s32 @!p0 $0x68;
	s3 =	simm.s32 @!p0 $0x1F80  }
0x1f2: {  	[tilespmem:s3], [sflag:$0x3] =	stream.indirect.gather @!p0 [hbm4b:s6+s0], $0x40, s2, s0, $0xb8;
	[tilespmem:$0x1C880] =	vst v63  }
0x1f3: {  	s2 =	simm.s32 @!p0 $0xD0;
	s3 =	simm.s32 @!p0 $0x3880  }
0x1f4: {  	[tilespmem:s3], [sflag:$0x3] =	stream.indirect.gather @!p0 [hbm4b:s6+s0], $0x40, s2, s0, $0xb8;
	[tilespmem:$0x1C880] =	vst v63  }
0x1f5: {  	s25 =	simm.s32 $0x4;
	s2 =	simm.s32 @!p0 $0x138;
	s3 =	simm.s32 @!p0 $0x5180  }
0x1f6: {  	[tilespmem:s3], [sflag:$0x3] =	stream.indirect.gather @!p0 [hbm4b:s6+s0], $0x40, s2, s0, $0xb8;
	[tilespmem:$0x1C880] =	vst v63  }
0x1f7: {  	_ =	swait.ge [sflag:s25], $0x6400  }
0x1f8: {  	[sflag:s25] =	ssyncset.done $0x0  }
0x1f9: {  	s26 =	simm.s32 $0x6;
	[sflag:s25] =	ssyncadd.s32 $0xFFFF9C00  }
0x1fa: {  	_ =	swait.ge [sflag:s26], $0x6400  }
0x1fb: {  	[sflag:s26] =	ssyncset.done $0x0  }
0x1fc: {  	s19 =	simm.s32 $0x3270;
	[sflag:s26] =	ssyncadd.s32 $0xFFFF9C00  }
0x1fd: {  	v0 =	vld [tilespmem:s19+$0x16450]  }
0x1fe: {  	v1 =	vld [tilespmem:s19+$0x3850]  }
0x1ff: {  	v2 =	vld [tilespmem:s19+$0x16410]  }
0x200: {  	s28 =	simm.s32 $0x0;
	v3 =	vld [tilespmem:s19+$0x3810]  }
0x201: {  	s0 =	sand.u32 $0xF000, s28  }
0x202: {  	s31 =	simm.s32 $0x40;
	s0 =	sshrl.u32 s0, $0x2  }
0x203: {  	s3 =	sand.u32 $0x3C0, s31;
	s9 =	sadd.s32 $0x13280, s0;
	v1 =	vadd.f32 v1, v0  }
0x204: {  	s4 =	simm.s32 $0x0;
	s0 =	sadd.s32 s3, s9  }
0x205: {  	s5 =	sand.u32 $0x380, s4;
	[tilespmem:s0+$0x0] =	vst v1;
	v1 =	vadd.f32 v3, v2  }
0x206: {  	s0 =	sadd.s32 s5, s9;
	v3 =	vld [tilespmem:s19+$0x6A50]  }
0x207: {  	[tilespmem:s0+$0x0] =	vst v1  }
0x208: {  	v1 =	vld [tilespmem:s19+$0x6A10]  }
0x209: {  	s7 =	simm.s32 $0xC900  }
0x20a: {  	s8 =	simm.s32 $0x3240;
	s0 =	sand.u32 $0x1F000, s7  }
0x20b: {  	s11 =	simm.s32 $0xC800;
	s2 =	sand.u32 $0x3C0, s8;
	s0 =	sshrl.u32 s0, $0x2;
	v0 =	vadd.f32 v3, v0  }
0x20c: {  	s13 =	simm.s32 $0x3200;
	s12 =	sand.u32 $0x1F000, s11;
	s0 =	sor.u32 s2, s0  }
0x20d: {  	s15 =	sand.u32 $0x380, s13;
	s14 =	sshrl.u32 s12, $0x2;
	[tilespmem:s0+$0x13280] =	vst v0;
	v0 =	vadd.f32 v1, v2  }
0x20e: {  	s0 =	sor.u32 s15, s14;
	v1 =	vld [tilespmem:s19+$0x16460]  }
0x20f: {  	v2 =	vld [tilespmem:s19+$0x3860];
	[tilespmem:s0+$0x13280] =	vst v0  }
0x210: {  	v0 =	vld [tilespmem:s19+$0x16420]  }
0x211: {  	v3 =	vld [tilespmem:s19+$0x3820];
	_ =	sdelay $0x1  }
0x212: {  	s4 =	simm.s32 $0x3210;
	s20 =	simm.s32 $0xC840;
	s17 =	simm.s32 $0x50  }
0x213: {  	s21 =	simm.s32 $0x10;
	s11 =	simm.s32 $0xC940;
	s0 =	sand.u32 $0x3D0, s17;
	v2 =	vadd.f32 v2, v1  }
0x214: {  	s23 =	simm.s32 $0x3270;
	s13 =	sand.u32 $0x1F000, s11;
	s0 =	sadd.s32 s0, s9  }
0x215: {  	s24 =	sand.u32 $0x390, s4;
	s12 =	simm.s32 $0x3250;
	s3 =	sand.u32 $0x390, s21;
	[tilespmem:s0+$0x0] =	vst v2;
	v2 =	vadd.f32 v3, v0  }
0x216: {  	s31 =	simm.s32 $0x3220;
	s25 =	simm.s32 $0x20;
	s22 =	sadd.s32 s3, s9;
	v3 =	vld [tilespmem:s19+$0x6A60]  }
0x217: {  	s21 =	simm.s32 $0xC8C0;
	s28 =	sand.u32 $0x3A0, s25;
	s25 =	simm.s32 $0x200;
	[tilespmem:s22+$0x0] =	vst v2  }
0x218: {  	s4 =	sadd.s32 s28, s9;
	s28 =	sand.u32 $0x1F000, s21;
	s14 =	simm.s32 $0x32F0;
	v2 =	vld [tilespmem:s19+$0x6A20]  }
0x219: {  	s21 =	simm.s32 $0xCBC0;
	s5 =	simm.s32 $0xC880;
	s2 =	sand.u32 $0x1F000, s20;
	v4 =	vld [tilespmem:s14+$0x16450]  }
0x21a: {  	s8 =	sand.u32 $0x1F000, s5;
	s7 =	sand.u32 $0x3A0, s31;
	s2 =	sshrl.u32 s2, $0x2;
	v5 =	vld [tilespmem:s14+$0x3850]  }
0x21b: {  	s15 =	sand.u32 $0x3D0, s12;
	v6 =	vld [tilespmem:s14+$0x3810];
	s17 =	sshrl.u32 s13, $0x2;
	s0 =	sshrl.u32 s8, $0x2;
	v1 =	vadd.f32 v3, v1  }
0x21c: {  	s3 =	sor.u32 s24, s2;
	s2 =	sor.u32 s7, s0;
	s0 =	sor.u32 s15, s17;
	v3 =	vld [tilespmem:s14+$0x16410]  }
0x21d: {  	s26 =	simm.s32 $0xC9C0;
	s5 =	simm.s32 $0xC0;
	s31 =	sand.u32 $0xF000, s25;
	[tilespmem:s0+$0x13280] =	vst v1;
	v0 =	vadd.f32 v2, v0  }
0x21e: {  	s20 =	simm.s32 $0x30;
	s24 =	simm.s32 $0x3230;
	s7 =	sshrl.u32 s31, $0x2;
	v1 =	vld [tilespmem:s19+$0x16470]  }
0x21f: {  	s8 =	sand.u32 $0x3B0, s24;
	s15 =	sand.u32 $0x3C0, s5;
	s12 =	sadd.s32 $0x13280, s7;
	v2 =	vld [tilespmem:s19+$0x3870];
	[tilespmem:s3+$0x13280] =	vst v0;
	v0 =	vadd.f32 v5, v4  }
0x220: {  	s17 =	simm.s32 $0x80;
	s0 =	sshrl.u32 s28, $0x2;
	s3 =	sadd.s32 s15, s12;
	v5 =	vld [tilespmem:s19+$0x16430]  }
0x221: {  	s24 =	simm.s32 $0x60;
	s11 =	sor.u32 s8, s0;
	s0 =	sand.u32 $0x380, s17;
	v7 =	vld [tilespmem:s19+$0x3830];
	v6 =	vadd.f32 v6, v3;
	[tilespmem:s3+$0x0] =	vst v0  }
0x222: {  	s25 =	sand.u32 $0x3E0, s24;
	s31 =	simm.s32 $0x3280;
	s0 =	sadd.s32 s0, s12;
	v0 =	vld [tilespmem:s14+$0x6A50]  }
0x223: {  	s5 =	simm.s32 $0x90;
	s24 =	simm.s32 $0xC980;
	s22 =	sand.u32 $0x3B0, s20;
	[tilespmem:s0+$0x0] =	vst v6  }
0x224: {  	s20 =	simm.s32 $0xCA00;
	s13 =	sadd.s32 s22, s9;
	s22 =	simm.s32 $0xCA40;
	v2 =	vadd.f32 v2, v1;
	v6 =	vld [tilespmem:s14+$0x6A10]  }
0x225: {  	s7 =	sand.u32 $0x1F000, s20;
	s28 =	simm.s32 $0xCB00;
	s8 =	sadd.s32 s25, s9  }
0x226: {  	s20 =	simm.s32 $0x2;
	s17 =	simm.s32 $0x32C0;
	s15 =	sand.u32 $0x1F000, s28;
	[tilespmem:s8+$0x0] =	vst v2;
	v2 =	vadd.f32 v7, v5  }
0x227: {  	s7 =	sshrl.u32 s7, $0x2;
	s17 =	sand.u32 $0x3C0, s17;
	s15 =	sshrl.u32 s15, $0x2;
	v7 =	vld [tilespmem:s19+$0x6A70];
	v0 =	vadd.f32 v0, v4  }
0x228: {  	s25 =	simm.s32 $0x3260;
	s28 =	simm.s32 $0xCA80;
	s15 =	sor.u32 s17, s15;
	[tilespmem:s4+$0x0] =	vst v2  }
0x229: {  	s3 =	sand.u32 $0x1F000, s22;
	s17 =	sand.u32 $0x390, s5;
	s8 =	sand.u32 $0x380, s31;
	v4 =	vld [tilespmem:s19+$0x6A30];
	v3 =	vadd.f32 v6, v3;
	[tilespmem:s15+$0x13280] =	vst v0  }
0x22a: {  	s22 =	simm.s32 $0x3290;
	s5 =	simm.s32 $0x32A0;
	s7 =	sor.u32 s8, s7;
	v2 =	vld [tilespmem:s14+$0x16460]  }
0x22b: {  	s3 =	sshrl.u32 s3, $0x2;
	s0 =	simm.s32 $0x32F0;
	s4 =	sand.u32 $0x1F000, s24;
	[tilespmem:s7+$0x13280] =	vst v3;
	v0 =	vld [tilespmem:s14+$0x3860]  }
0x22c: {  	s8 =	sadd.s32 s17, s12;
	s17 =	sand.u32 $0x3E0, s25;
	s4 =	sshrl.u32 s4, $0x2;
	v1 =	vadd.f32 v7, v1;
	v3 =	vld [tilespmem:s14+$0x16420]  }
0x22d: {  	s31 =	simm.s32 $0xA0;
	s25 =	simm.s32 $0xD0;
	s4 =	sor.u32 s17, s4;
	v6 =	vld [tilespmem:s14+$0x3820]  }
0x22e: {  	s24 =	simm.s32 $0xCAC0;
	s15 =	sand.u32 $0x390, s22;
	s17 =	sand.u32 $0x3A0, s5;
	[tilespmem:s4+$0x13280] =	vst v1  }
0x22f: {  	s22 =	simm.s32 $0xB0;
	s7 =	sor.u32 s15, s3;
	s3 =	sand.u32 $0x1F000, s28;
	v4 =	vadd.f32 v4, v5;
	v1 =	vld [tilespmem:s19+$0x16480]  }
0x230: {  	s15 =	sand.u32 $0x3A0, s31;
	s28 =	simm.s32 $0x32B0;
	s3 =	sshrl.u32 s3, $0x2;
	v5 =	vld [tilespmem:s19+$0x3880]  }
0x231: {  	s29 =	sadd.s32 s15, s12;
	s15 =	sor.u32 s17, s3;
	s17 =	sand.u32 $0x3D0, s25;
	[tilespmem:s2+$0x13280] =	vst v4;
	v7 =	vadd.f32 v0, v2  }
0x232: {  	s31 =	simm.s32 $0x70;
	s4 =	sand.u32 $0x1F000, s24;
	s17 =	sadd.s32 s17, s12;
	v0 =	vld [tilespmem:s19+$0x16440];
	v8 =	vadd.f32 v6, v3  }
0x233: {  	s3 =	sand.u32 $0x3B0, s22;
	s4 =	sshrl.u32 s4, $0x2;
	s2 =	sand.u32 $0x3B0, s28;
	v4 =	vld [tilespmem:s19+$0x3840];
	[tilespmem:s17+$0x0] =	vst v7  }
0x234: {  	s22 =	sand.u32 $0x3F0, s31;
	s24 =	sadd.s32 s3, s12;
	s25 =	sor.u32 s2, s4;
	[tilespmem:s8+$0x0] =	vst v8  }
0x235: {  	s2 =	simm.s32 $0xCDC0;
	v6 =	vld [tilespmem:s14+$0x6A60];
	s8 =	simm.s32 $0x32F0;
	v5 =	vadd.f32 v5, v1;
	s5 =	rddreg [dreg:$0x3]  }
.LBB2_9:
0x236: {  	s28 =	sshra.s32 s2, $0x2;
	s3 =	sadd.s32 $0xFFFFFE40, s2;
	s17 =	sadd.s32 s22, s9  }
0x237: {  	v7 =	vld [tilespmem:s14+$0x6A20];
	s9 =	smov.u32 s12;
	s4 =	smov.u32 s21;
	s21 =	smov.u32 s2  }
0x238: {  	s12 =	sadd.s32 $0xFFFFFE80, s2;
	s3 =	sand.u32 $0x1F000, s3;
	v8 =	vld [tilespmem:s28+$0x16450];
	s22 =	sadd.s32 $0xFFFFFF80, s4;
	v4 =	vadd.f32 v4, v0;
	[tilespmem:s17+$0x0] =	vst v5  }
0x239: {  	s17 =	sadd.s32 $0xFFFFFFE0, s0;
	s3 =	sshrl.u32 s3, $0x2;
	s22 =	sand.u32 $0x1F000, s22;
	v5 =	vld [tilespmem:s19+$0x6A80]  }
0x23a: {  	s12 =	sand.u32 $0x1F000, s12;
	s17 =	sand.u32 $0x3D0, s17;
	v9 =	vld [tilespmem:s28+$0x3850];
	v2 =	vadd.f32 v6, v2;
	s22 =	sshrl.u32 s22, $0x2;
	[tilespmem:s13+$0x0] =	vst v4  }
0x23b: {  	s0 =	sadd.s32 $0x80, s0;
	s13 =	sshrl.u32 s12, $0x2;
	v4 =	vld [tilespmem:s28+$0x16410];
	s12 =	sor.u32 s17, s22  }
0x23c: {  	s20 =	sadd.s32 $0x2, s20;
	s17 =	sadd.s32 $0xFFFF3640, s2;
	s22 =	sand.u32 $0x3F0, s23;
	v6 =	vld [tilespmem:s28+$0x3810];
	v3 =	vadd.f32 v7, v3;
	[tilespmem:s12+$0x13280] =	vst v2  }
0x23d: {  	p0 =	slt.u32 s20, $0xC6;
	s12 =	sand.u32 $0xF000, s17;
	s17 =	sand.u32 $0x1F000, s26;
	v7 =	vld [tilespmem:s14+$0x16470]  }
0x23e: {  	s23 =	sadd.s32 $0xFFFFCDD0, s0;
	s12 =	sshrl.u32 s12, $0x2;
	[tilespmem:s7+$0x13280] =	vst v3;
	v2 =	vld [tilespmem:s14+$0x3870];
	v1 =	vadd.f32 v5, v1;
	s7 =	sshrl.u32 s17, $0x2  }
0x23f: {  	s12 =	sadd.s32 $0x13280, s12;
	s17 =	sand.u32 $0x3C0, s23;
	v3 =	vadd.f32 v9, v8;
	v5 =	vld [tilespmem:s14+$0x16430];
	s7 =	sor.u32 s22, s7  }
0x240: {  	s23 =	sadd.s32 $0xFFFFFF90, s0;
	s22 =	sadd.s32 $0xFFFFCD90, s0;
	s17 =	sadd.s32 s17, s12;
	v9 =	vld [tilespmem:s14+$0x3830];
	[tilespmem:s7+$0x13280] =	vst v1  }
0x241: {  	s7 =	sand.u32 $0x380, s22;
	s22 =	sand.u32 $0x380, s23;
	s23 =	sadd.s32 $0xFFFFCDA0, s0;
	v1 =	vadd.f32 v6, v4;
	[tilespmem:s17+$0x0] =	vst v3;
	v3 =	vld [tilespmem:s19+$0x6A40]  }
0x242: {  	s7 =	sadd.s32 s7, s12;
	s3 =	sor.u32 s22, s3;
	s17 =	sadd.s32 $0xFFFFCDF0, s8;
	v6 =	vld [tilespmem:s28+$0x6A50]  }
0x243: {  	s19 =	sadd.s32 $0xFFFFFFA0, s0;
	s17 =	sand.u32 $0x3E0, s17;
	[tilespmem:s7+$0x0] =	vst v1;
	s7 =	sand.u32 $0x390, s23;
	v1 =	vadd.f32 v2, v7  }
0x244: {  	s17 =	sadd.s32 s17, s9;
	v2 =	vld [tilespmem:s28+$0x6A10];
	s26 =	sadd.s32 s7, s12;
	s7 =	sand.u32 $0x390, s19  }
0x245: {  	s19 =	sadd.s32 $0xFFFFFF40, s2;
	s7 =	sor.u32 s7, s13;
	s13 =	sadd.s32 $0xFFFFCDB0, s0;
	v9 =	vadd.f32 v9, v5;
	[tilespmem:s17+$0x0] =	vst v1  }
0x246: {  	s17 =	sadd.s32 $0xFFFFFFD0, s0;
	s19 =	sand.u32 $0x1F000, s19;
	s13 =	sand.u32 $0x3A0, s13;
	v1 =	vld [tilespmem:s14+$0x6A70];
	v0 =	vadd.f32 v3, v0  }
0x247: {  	s17 =	sand.u32 $0x3C0, s17;
	s19 =	sshrl.u32 s19, $0x2;
	v3 =	vadd.f32 v6, v8;
	[tilespmem:s29+$0x0] =	vst v9;
	s29 =	sadd.s32 s13, s12  }
0x248: {  	s22 =	sadd.s32 $0xFFFFFEC0, s2;
	s13 =	sadd.s32 $0xFFFFFFB0, s0;
	s17 =	sor.u32 s17, s19;
	v6 =	vld [tilespmem:s14+$0x6A30];
	[tilespmem:s11+$0x13280] =	vst v0  }
0x249: {  	s11 =	sand.u32 $0x3A0, s13;
	s13 =	sand.u32 $0x1F000, s22;
	v0 =	vadd.f32 v2, v4;
	[tilespmem:s17+$0x13280] =	vst v3;
	s17 =	sadd.s32 $0xFFFFFFC0, s4  }
0x24a: {  	s19 =	sadd.s32 $0xFFFFFFF0, s8;
	s13 =	sshrl.u32 s13, $0x2;
	v2 =	vld [tilespmem:s28+$0x16460];
	s17 =	sand.u32 $0x1F000, s17  }
0x24b: {  	[tilespmem:s3+$0x13280] =	vst v0;
	s3 =	sor.u32 s11, s13;
	v0 =	vld [tilespmem:s28+$0x3860];
	v1 =	vadd.f32 v1, v7;
	s11 =	sand.u32 $0x3E0, s19;
	s13 =	sshrl.u32 s17, $0x2  }
0x24c: {  	s17 =	sadd.s32 $0xFFFFCDC0, s0;
	s19 =	sadd.s32 $0xFFFFFF00, s2;
	v3 =	vld [tilespmem:s28+$0x16420];
	s11 =	sor.u32 s11, s13  }
0x24d: {  	s13 =	sand.u32 $0x3B0, s17;
	s17 =	sadd.s32 $0xFFFFFFC0, s0;
	s19 =	sand.u32 $0x1F000, s19;
	v7 =	vld [tilespmem:s28+$0x3820];
	v4 =	vadd.f32 v6, v5;
	[tilespmem:s11+$0x13280] =	vst v1  }
0x24e: {  	s11 =	sadd.s32 s13, s12;
	s13 =	sand.u32 $0x3B0, s17;
	s17 =	sshrl.u32 s19, $0x2;
	v1 =	vld [tilespmem:s14+$0x16480]  }
0x24f: {  	s19 =	smov.u32 s14;
	s17 =	sor.u32 s13, s17;
	s13 =	sadd.s32 $0xFFFFCDE0, s0;
	[tilespmem:s15+$0x13280] =	vst v4;
	v5 =	vld [tilespmem:s14+$0x3880]  }
.Ltmp3:
0x250: {  	s13 =	sand.u32 $0x3D0, s13;
	s14 =	smov.u32 s28;
	v6 =	vadd.f32 v0, v2;
	v0 =	vld [tilespmem:s19+$0x16440];
	(pc) =	sbr.rel @p0 .LBB2_9-.Ltmp3, $4  }
0x251: {  	s23 =	smov.u32 s8;
	s8 =	smov.u32 s0;
	s13 =	sadd.s32 s13, s12;
	v4 =	vld [tilespmem:s19+$0x3840]  }
0x252: {  	s15 =	smov.u32 s3;
	v7 =	vadd.f32 v7, v3;
	[tilespmem:s13+$0x0] =	vst v6;
	s13 =	smov.u32 s24;
	s24 =	smov.u32 s11  }
0x253: {  	s3 =	sadd.s32 $0xFFFFCE00, s23;
	s11 =	smov.u32 s25;
	s25 =	smov.u32 s17;
	v6 =	vld [tilespmem:s14+$0x6A60]  }
0x254: {  	s2 =	sadd.s32 $0x200, s2;
	s22 =	sand.u32 $0x3F0, s3;
	[tilespmem:s26+$0x0] =	vst v7;
	v5 =	vadd.f32 v5, v1;
	s26 =	smov.u32 s4  }
0x255: {  	v7 =	vld [tilespmem:s14+$0x6A20]  }
0x256: {  	s2 =	sadd.s32 $0xFFFFFF80, s21  }
0x257: {  	s0 =	sadd.s32 $0xFFFFFFE0, s0;
	s2 =	sand.u32 $0x1F000, s2  }
0x258: {  	s0 =	sand.u32 $0x3D0, s0;
	s2 =	sshrl.u32 s2, $0x2;
	v2 =	vadd.f32 v6, v2  }
0x259: {  	s0 =	sor.u32 s0, s2  }
0x25a: {  	v3 =	vadd.f32 v7, v3;
	[tilespmem:s0+$0x13280] =	vst v2  }
0x25b: {  	v2 =	vld [tilespmem:s14+$0x16470]  }
0x25c: {  	v52 =	vld [tilespmem:s14+$0x3870];
	[tilespmem:s7+$0x13280] =	vst v3  }
0x25d: {  	v53 =	vld [tilespmem:s14+$0x16430]  }
0x25e: {  	v54 =	vld [tilespmem:s14+$0x3830];
	_ =	sdelay $0x1  }
0x25f: {  	s3 =	sadd.s32 $0xFFFFCDF0, s8  }
0x260: {  	s0 =	sand.u32 $0x3E0, s3;
	v3 =	vadd.f32 v52, v2  }
0x261: {  	s0 =	sadd.s32 s0, s12  }
0x262: {  	v7 =	vadd.f32 v54, v53;
	[tilespmem:s0+$0x0] =	vst v3  }
0x263: {  	v3 =	vld [tilespmem:s14+$0x6A70]  }
0x264: {  	[tilespmem:s29+$0x0] =	vst v7  }
0x265: {  	v7 =	vld [tilespmem:s14+$0x6A30]  }
0x266: {  	s4 =	sadd.s32 $0xFFFFFFC0, s21  }
0x267: {  	s7 =	sadd.s32 $0xFFFFFFF0, s8;
	s0 =	sand.u32 $0x1F000, s4  }
0x268: {  	s2 =	sand.u32 $0x3E0, s7;
	s0 =	sshrl.u32 s0, $0x2;
	v2 =	vadd.f32 v3, v2  }
0x269: {  	s0 =	sor.u32 s2, s0  }
0x26a: {  	v55 =	vadd.f32 v7, v53;
	[tilespmem:s0+$0x13280] =	vst v2  }
0x26b: {  	v2 =	vld [tilespmem:s14+$0x16480]  }
0x26c: {  	v56 =	vld [tilespmem:s14+$0x3880];
	[tilespmem:s15+$0x13280] =	vst v55  }
0x26d: {  	v57 =	vld [tilespmem:s14+$0x16440]  }
0x26e: {  	v58 =	vld [tilespmem:s14+$0x3840]  }
0x26f: {  	s15 =	sadd.s32 s22, s9  }
0x270: {  	[tilespmem:s15+$0x0] =	vst v5  }
0x271: {  	s17 =	sadd.s32 $0xFFFFCE00, s8;
	v4 =	vadd.f32 v4, v0;
	v5 =	vld [tilespmem:s19+$0x6A80]  }
0x272: {  	s20 =	sand.u32 $0x3F0, s17;
	v3 =	vadd.f32 v56, v2  }
0x273: {  	[tilespmem:s13+$0x0] =	vst v4;
	s0 =	sadd.s32 s20, s12;
	v59 =	vadd.f32 v58, v57  }
0x274: {  	v60 =	vld [tilespmem:s19+$0x6A40];
	[tilespmem:s0+$0x0] =	vst v3  }
0x275: {  	s22 =	sand.u32 $0x1F000, s26;
	v3 =	vld [tilespmem:s14+$0x6A80];
	[tilespmem:s24+$0x0] =	vst v59  }
0x276: {  	s23 =	sand.u32 $0x3F0, s23;
	s0 =	sshrl.u32 s22, $0x2;
	v1 =	vadd.f32 v5, v1;
	v4 =	vld [tilespmem:s14+$0x6A40]  }
0x277: {  	s1 =	sadd.s32 $0x1, s1;
	s0 =	sor.u32 s23, s0  }
0x278: {  	p0 =	sne.s32 s1, $0x10;
	[tilespmem:s0+$0x13280] =	vst v1  }
0x279: {  	v61 =	vadd.f32 v60, v0;
	s26 =	sand.u32 $0x3F0, s8;
	s24 =	sand.u32 $0x1F000, s21;
	s3 =	rddreg [dreg:$0x7]  }
.Ltmp4:
0x27a: {  	s2 =	sshrl.u32 s24, $0x2;
	s3 =	sadd.s32 s3, s16;
	v62 =	vadd.f32 v3, v2;
	(pc) =	sbr.rel @p0 .LBB2_2-.Ltmp4, $4  }
0x27b: {  	[tilespmem:s11+$0x13280] =	vst v61;
	s0 =	sor.u32 s26, s2;
	s28 =	smul.u32 $0xC80, s3;
	v63 =	vadd.f32 v4, v57  }
0x27c: {  	s29 =	rddreg [dreg:$0x1];
	[tilespmem:s0+$0x13280] =	vst v62  }
0x27d: {  	s31 =	simm.s32 $0x13280;
	s0 =	sadd.s32 s29, s28;
	[tilespmem:s25+$0x13280] =	vst v63  }
0x27e: {  	[hbm4b:s0+s30] =	stream.linear.scatter [tilespmem:s31], [sflag:$0x6], $0x6400, $0x38;
	[tilespmem:$0x1C880] =	vst v63  }
0x27f: {  	s0 =	simm.s32 $0x5  }
0x280: {  	_ =	swait.ge [sflag:s0], $0x6400  }
0x281: {  	[sflag:s0] =	ssyncset.done $0x0  }
0x282: {  	s1 =	simm.s32 $0x6;
	[sflag:s0] =	ssyncadd.s32 $0xFFFF9C00  }
0x283: {  	_ =	swait.ge [sflag:s1], $0x6400  }
0x284: {  	s2 =	rddreg [dreg:$0xb]  }
0x285: {  	s31 =	rddreg [dreg:$0xa];
	s2 =	sadd.s32 $0x1, s2  }
0x286: {  	p0 =	sne.s32 s2, s31  }
.Ltmp5:
0x287: {  	_ = 	snop;
	(pc) =	sbr.rel @p0 .LBB2_1-.Ltmp5, $3  }
0x288: {  	_ =	sdelay $0x1  }
0x289: {  	[sflag:s1] =	ssyncset.done $0x0  }
0x28a: {  	[sflag:s1] =	ssyncadd.s32 $0xFFFF9C00  }
0x28b: {  	_ =	sfence.sel $0x180000  }
0x28c: {  	[bflag:$0x0] =	sbarrier.arrive $0xFFFF  }
0x28d: {  	_ =	strace $0x90000047  }
0x28e: {  	s0 =	stileid.u32;
	[bflag:$0x2] =	sbarrier.arrive $0xFFFF  }
0x28f: {  	p0 =	sne.s32 s0, $0x0;
	s0 =	rddreg [dreg:$0x2]  }
0x290: {  	s0 =	sadd.s32 @!p0 $0x100000, s0  }
0x291: {  	[sflag:s0] =	ssyncadd.tile.s32 @!p0 $0x1;
	_ =	shalt  }
.Lfunc_end2:
_tile_overlayer_lowered:
.L_overlay_start_2:
0x292: {  	(tag) =	ssettag $0x2  }
0x293: {  	s0 =	rddreg [dreg:$0x0];
	s2 =	stileid.u32  }
0x294: {  	s1 =	rddreg [dreg:$0x1];
	p0 =	sne.s32 s2, $0x0  }
0x295: {  	s3 =	rddreg [dreg:$0x2];
	[bflag:$0x3] =	sbarrier.arrive $0xFFFF;
	s2 =	simm.s32 @!p0 $0x1C07  }
0x296: {  	[timem:s3], [sflag:s2] =	dma.local @!p0 [hbm:s0], s1  }
0x297: {  	s0 =	simm.s32 @!p0 $0x7  }
0x298: {  	_ =	swait.ge @!p0 [sflag:s0], s1  }
0x299: {  	s1 =	ssub.s32 @!p0 $0x0, s1;
	[sflag:s0] =	ssyncset.done @!p0 $0x0  }
0x29a: {  	[sflag:s0] =	ssyncadd.s32 @!p0 s1  }
0x29b: {  	[bflag:$0x3] =	sbarrier.arrive $0xFFFF  }
0x29c: {  	_ =	shalt  }

// kernel: sparse-core-data-format-call.cloned.1.call-start
scs
called_computation_lowered:
.L_overlay_start_0:
0x0: {  	s2 =	sld [smem:$0x3FD9]  }
0x1: {  	s3 =	sld [smem:$0x3FFE];
	_ =	sdelay $0x1  }
0x2: {  	s1 =	srdreg.scid  }
0x3: {  	s0 =	sand.u32 $0x1, s1  }
0x4: {  	s18 =	sshll.u32 s0, $0xA;
	s2 =	sadd.s32 s3, s2  }
0x5: {  	s2 =	sadd.s32 s2, s18  }
0x6: {  	[smem:$0x3FC5] =	sst s2  }
0x7: {  	_ = 	snop  }
0x8: {  	s2 =	sld [smem:$0x3FD0];
	(tm) =	ssettm $0x1  }
0x9: {  	s19 =	sld [smem:$0x3FFB];
	_ =	sdelay $0x3  }
0xa: {  	_ =	strace s19  }
0xb: {  	s3 =	sld [smem:$0x3FFC];
	_ =	sdelay $0x3  }
0xc: {  	_ =	strace s3  }
0xd: {  	s3 =	sld [smem:$0x3FFD];
	_ =	sdelay $0x3  }
0xe: {  	_ =	strace s3  }
0xf: {  	_ =	strace $0x8FFFFFFF  }
0x10: {  	s20 =	sld [smem:$0x3FDB];
	_ =	sdelay $0x1  }
0x11: {  	s4 =	simm.s32 $_scs_section_size  }
0x12: {  	s5 =	simm.s32 $_size__tile_overlayer_lowered;
	s6 =	simm.s32 $_tile_overlayer_lowered  }
0x13: {  	s23 =	simm.s32 $0x1BFF;
	s22 =	sshll.u32 s6, $0x1;
	s3 =	sadd.s32 s4, s20  }
0x14: {  	s7 =	simm.s32 $0x0;
	s21 =	sshll.u32 s5, $0x1;
	s5 =	sadd.s32 s22, s3  }
0x15: {  	[timem:s7], [sflag:s23] =	dma.local [hbm:s5], s21  }
0x16: {  	_ =	swait.ge [sflag:s23], s21  }
0x17: {  	s4 =	ssub.s32 $0x0, s21;
	[sflag:s23] =	ssyncset.done $0x0  }
0x18: {  	[sflag:s23] =	ssyncadd.s32 s4;
	_ =	sdelay $0x1  }
0x19: {  	s24 =	simm.s32 $0x1B8B  }
0x1a: {  	_ =	swait.ge [sflag:s24], $0x1  }
0x1b: {  	[sflag:s24] =	ssyncset.done $0x0  }
0x1c: {  	s26 =	simm.s32 $0x1B8E;
	s25 =	sld [smem:$0x3FFE];
	[sflag:s24] =	ssyncadd.s32 $0xFFFFFFFF  }
0x1d: {  	s27 =	simm.s32 $execute0_lowered;
	[smem:$0x3FD2] =	sst s26  }
0x1e: {  	s5 =	sshll.u32 s27, $0x1;
	_ =	strace $0x80000049;
	[dreg:$0x1] =	wrdreg $0xFFFFFFFF  }
0x1f: {  	s28 =	simm.s32 $_size_execute0_lowered;
	s3 =	sadd.s32 s3, s5;
	[dreg:$0x0] =	wrdreg $0x0  }
0x20: {  	s5 =	sshll.u32 s28, $0x1;
	[dreg:$0x2] =	wrdreg s3  }
0x21: {  	[dreg:$0x3] =	wrdreg s5  }
0x22: {  	[dreg:$0x4] =	wrdreg $0xC0  }
0x23: {  	_ =	task [dreg:s7], $0x5FFFF  }
0x24: {  	[dreg:$0x1] =	wrdreg $0xFFFFFFFF  }
0x25: {  	[dreg:$0x0] =	wrdreg $0x60  }
0x26: {  	[dreg:$0x2] =	wrdreg s25  }
0x27: {  	[dreg:$0x3] =	wrdreg s2  }
0x28: {  	[dreg:$0x4] =	wrdreg $0x9  }
0x29: {  	_ =	task.clear_ibuf [dreg:s7], $0x5FFFF;
	_ =	strace $0x90000049  }
0x2a: {  	s29 =	simm.s32 $0x9;
	_ =	strace $0x8000004B  }
0x2b: {  	_ =	swait.ge [sflag:s29], $0x1  }
0x2c: {  	[sflag:s29] =	ssyncadd.s32 $0xFFFFFFFF  }
0x2d: {  	_ =	strace $0x9000004B  }
0x2e: {  	_ =	sfence  }
0x2f: {  	s30 =	sld [smem:$0x0];
	_ =	sdelay $0x2  }
0x30: {  	s31 =	sshll.u32 s1, $0xD;
	s1 =	sshrl.u32 s1, $0x2  }
0x31: {  	s3 =	sand.u32 $0x4000, s31;
	s1 =	sadd.s32 s1, s30  }
0x32: {  	s0 =	sor.u32 s3, s0;
	s1 =	sshll.u32 s1, $0x11  }
0x33: {  	s0 =	sor.u32 s1, s0  }
0x34: {  	s0 =	sadd.s32 $0x8F2B, s0  }
0x35: {  	[sflag:s0] =	ssyncadd.remote.s32 $0x1  }
0x36: {  	_ =	sfence.sel $0xFFFF  }
0x37: {  	[dreg:$0x0] =	wrdreg $0xFFFFFFFF;
	(pc) =	sbr.abs _section_cstart, $3  }
0x38: {  	[dreg:$0x1] =	wrdreg $0xFFFFFFFF  }
0x39: {  	_ =	task.clear_ibuf [dreg:s7], $0x2FFFF;
	_ =	strace $0x9FFFFFFF  }
0x3a: {  	(tm) =	ssettm $0x7FFFFFFF  }
0x3b: {  	_ =	shalt  }
tec
execute0_lowered:
.L_overlay_start_1:
0x0: {  	(tag) =	ssettag $0x1  }
0x1: {  	s0 =	srdreg.scid  }
0x2: {  	s1 =	sshll.u32 s0, $0x4  }
0x3: {  	s0 =	stileid.u32;
	s1 =	sand.u32 $0x10, s1  }
0x4: {  	s1 =	sor.u32 s0, s1  }
0x5: {  	s6 =	rddreg [dreg:$0x0];
	s4 =	simm.s32 $0x1;
	s2 =	sshll.u32 s1, $0x7  }
0x6: {  	s7 =	simm.s32 $0x2;
	s12 =	simm.s32 $0x0;
	s1 =	ssub.s32 $0x1000, s2  }
0x7: {  	s8 =	simm.s32 $0x8000;
	s13 =	simm.s32 $0x0;
	s3 =	sand.u32 $0xF80, s1  }
0x8: {  	s9 =	simm.s32 $0x0;
	s5 =	sshrl.u32 s1, $0xC;
	p0 =	sne.s32 s3, $0x0  }
.Ltmp0:
0x9: {  	s1 =	rddreg [dreg:$0x2];
	s4 =	simm.s32 @!p0 $0x0;
	(pc) =	sbr.rel .LBB1_1-.Ltmp0, $4  }
0xa: {  	s11 =	simm.s32 $0x0;
	s3 =	rddreg [dreg:$0x1];
	s5 =	sadd.s32 s4, s5  }
0xb: {  	_ =	strace $0x8000004A;
	s4 =	simm.s32 $0x1;
	s5 =	smul.u32 $0xC8, s5  }
0xc: {  	s6 =	sadd.s32 $0xC00, s6;
	s10 =	smov.u32 s2;
	[sflag:s4] =	ssyncpa.u1 $0x0  }
0xd: {  	p0 =	por $0x0, $0x0;
	[sflag:s7] =	ssyncpa.u1 $0x0;
	s7 =	sor.u32 $0x1, s5  }
.LBB1_4:
0xe: {  	s16 =	sshll.u32 s13, $0x3;
	s17 =	sand.u32 $0x78, s13  }
0xf: {  	s30 =	sand.u32 $0x7E00, s13;
	s12 =	sshll.u32 s12, $0xF;
	s16 =	sand.u32 $0xC00, s16  }
0x10: {  	[tilespmem:s15+$0x810 ss:$0x81] =	vst.msk $0xffff, v2;
	s31 =	sand.u32 $0x7, s13;
	s16 =	sor.u32 s17, s16;
	s17 =	sadd.s32 s3, s30  }
0x11: {  	[tilespmem:s15+$0x1020 ss:$0x81] =	vst.msk $0xffff, v0;
	s13 =	sshll.u32 s31, $0x12;
	s12 =	sadd.s32 s12, s17;
	s16 =	sshrl.u32 s16, $0x3  }
0x12: {  	[tilespmem:s15+$0x0 ss:$0x81] =	vst.msk $0xffff, v1;
	s13 =	sor.u32 $0x400, s13;
	s12 =	sadd.s32 s16, s12  }
0x13: {  	[hbm4b:s12+s13] =	stream.strided.scatter [tilespmem:s14], [sflag:$0x2], $0x2000, s8, s13, $0x20;
	[tilespmem:$0x8080] =	vst v63  }
.LBB1_5:
0x14: {  	s14 =	sadd.s32 $0x1, s9  }
0x15: {  	s12 =	sadd.s32 $0x1000, s10;
	s16 =	smov.u32 s10;
	p2 =	sgt.s32 s14, $0xC7  }
0x16: {  	s16 =	smov.u32 @p2 s12  }
0x17: {  	s14 =	simm.s32 @p2 $0x0;
	p2 =	sgt.s32 s16, $0xFFF  }
0x18: {  	s16 =	smov.u32 @p2 s2;
	p2 =	sne.s32 s11, s7  }
.Ltmp1:
0x19: {  	p1 =	slt.u32 s11, $0x2;
	(pc) =	sbr.rel @!p2 .LBB1_6-.Ltmp1, $4  }
0x1a: {  	s15 =	simm.s32 @!p1 $0x2  }
0x1b: {  	s13 =	smov.u32 s10;
	p0 =	por !p0, !p0;
	_ =	swait.ge @!p1 [sflag:s15], $0x2000  }
0x1c: {  	s12 =	smov.u32 s9;
	[sflag:s15] =	ssyncset.done @!p1 $0x0;
	s9 =	smov.u32 s14  }
0x1d: {  	s11 =	sadd.s32 $0x1, s11;
	[sflag:s15] =	ssyncadd.s32 @!p1 $0xFFFFE000;
	s10 =	smov.u32 s16  }
.LBB1_1:
0x1e: {  	p1 =	sge.u32 s11, s5  }
0x1f: {  	s14 =	sand.u32 @!p1 $0x1FFFFFF, s9  }
0x20: {  	s15 =	smulhi.u32 @!p1 $0x147AE15, s14;
	_ =	sdelay $0x1  }
0x21: {  	s15 =	smul.u32 @!p1 $0xC8, s15  }
0x22: {  	s16 =	sxor.u32 @!p1 $0xFFFFFFFF, s11;
	s17 =	smul.u32 @!p1 $0xC80, s10  }
0x23: {  	s31 =	sadd.s32 $0xFFFFFFFF, s11;
	s16 =	sshll.u32 @!p1 s16, $0xD;
	s14 =	ssub.s32 @!p1 s14, s15  }
0x24: {  	s15 =	sand.u32 @!p1 $0x2000, s16;
	s16 =	sadd.s32 @!p1 s6, s17;
	s14 =	sshll.u32 @!p1 s14, $0x4  }
0x25: {  	s17 =	simm.s32 @!p1 $0x6400;
	s14 =	sadd.s32 @!p1 s14, s16;
	s16 =	simm.s32 @!p1 $0x40  }
0x26: {  	[tilespmem:s15], [sflag:$0x1] =	stream.strided.gather @!p1 [hbm4b:s14+s16], $0x2000, s17, s16, $0x38;
	[tilespmem:$0x8080] =	vst v63  }
0x27: {  	p1 =	sge.u32 s31, s5  }
.Ltmp2:
0x28: {  	_ = 	snop;
	(pc) =	sbr.rel @p1 .LBB1_5-.Ltmp2, $1  }
0x29: {  	_ =	sdelay $0x3  }
0x2a: {  	s14 =	simm.s32 $0x1  }
0x2b: {  	_ =	swait.ge [sflag:s4], $0x2000;
	s14 =	simm.s32 @!p0 $0x0  }
0x2c: {  	[sflag:s4] =	ssyncset.done $0x0;
	s15 =	sshll.u32 s14, $0xD  }
0x2d: {  	[sflag:s4] =	ssyncadd.s32 $0xFFFFE000;
	s18 =	sor.u32 $0x20, s15  }
0x2e: {  	s14 =	smul.u32 $0x8100, s14;
	v3 =	vld [tilespmem:s18+$0x10]  }
0x2f: {  	s30 =	sand.u32 $0x1, s11;
	v2 =	vld [tilespmem:s18+$0xFFFFFFF0]  }
0x30: {  	s15 =	smul.u32 $0x8100, s30;
	s14 =	sshrl.u32 s14, $0x2;
	v0 =	vld [tilespmem:s18+$0x0]  }
0x31: {  	v1 =	vld [tilespmem:s18+$0xFFFFFFE0];
	s16 =	sor.u32 $0x4000, s14  }
0x32: {  	s31 =	sshrl.u32 s15, $0x2;
	s15 =	sadd.s32 $0x0, s16  }
0x33: {  	s17 =	simm.s32 $0x4;
	s18 =	sadd.s32 $0x40, s18;
	s14 =	sor.u32 $0x4000, s31;
	[tilespmem:s15+$0x1830 ss:$0x81] =	vst.msk $0xffff, v3  }
.LBB1_3:
0x34: {  	v3 =	vld [tilespmem:s18+$0x10];
	p1 =	sne.s32 s17, $0x1FC;
	[tilespmem:s15+$0x810 ss:$0x81] =	vst.msk $0xffff, v2;
	s19 =	smov.u32 s17;
	s17 =	sadd.s32 $0x4, s17  }
.Ltmp3:
0x35: {  	v2 =	vld [tilespmem:s18+$0xFFFFFFF0];
	[tilespmem:s15+$0x1020 ss:$0x81] =	vst.msk $0xffff, v0;
	(pc) =	sbr.rel @p1 .LBB1_3-.Ltmp3, $4  }
0x36: {  	v0 =	vld [tilespmem:s18+$0x0];
	[tilespmem:s15+$0x0 ss:$0x81] =	vst.msk $0xffff, v1  }
0x37: {  	s15 =	sshra.s32 s19, $0x2;
	v1 =	vld [tilespmem:s18+$0xFFFFFFE0]  }
0x38: {  	s15 =	sadd.s32 s15, s16  }
0x39: {  	s18 =	sadd.s32 $0x40, s18;
	[tilespmem:s15+$0x1830 ss:$0x81] =	vst.msk $0xffff, v3  }
.Ltmp4:
0x3a: {  	_ = 	snop;
	(pc) =	sbr.rel .LBB1_4-.Ltmp4, $1  }
0x3b: {  	_ =	sdelay $0x3  }
.LBB1_6:
0x3c: {  	_ =	sfence.sel $0x180000  }
0x3d: {  	s2 =	simm.s32 $0x1;
	[bflag:$0x0] =	sbarrier.arrive $0xFFFF  }
0x3e: {  	s31 =	simm.s32 $0x2;
	[sflag:s2] =	ssyncpa.u1 $0x1  }
0x3f: {  	[sflag:s31] =	ssyncpa.u1 $0x1  }
0x40: {  	p0 =	sne.s32 s0, $0x0;
	_ =	strace $0x9000004A  }
0x41: {  	s0 =	sadd.s32 @!p0 $0x100000, s1;
	[bflag:$0x2] =	sbarrier.arrive $0xFFFF  }
0x42: {  	[sflag:s0] =	ssyncadd.tile.s32 @!p0 $0x1;
	_ =	shalt  }
.Lfunc_end1:
_tile_overlayer_lowered:
.L_overlay_start_2:
0x43: {  	(tag) =	ssettag $0x2  }
0x44: {  	s0 =	rddreg [dreg:$0x0];
	s2 =	stileid.u32  }
0x45: {  	s1 =	rddreg [dreg:$0x1];
	p0 =	sne.s32 s2, $0x0  }
0x46: {  	s3 =	rddreg [dreg:$0x2];
	[bflag:$0x3] =	sbarrier.arrive $0xFFFF;
	s2 =	simm.s32 @!p0 $0x1C01  }
0x47: {  	[timem:s3], [sflag:s2] =	dma.local @!p0 [hbm:s0], s1  }
0x48: {  	s0 =	simm.s32 @!p0 $0x1  }
0x49: {  	_ =	swait.ge @!p0 [sflag:s0], s1  }
0x4a: {  	s1 =	ssub.s32 @!p0 $0x0, s1;
	[sflag:s0] =	ssyncset.done @!p0 $0x0  }
0x4b: {  	[sflag:s0] =	ssyncadd.s32 @!p0 s1  }
0x4c: {  	[bflag:$0x3] =	sbarrier.arrive $0xFFFF  }
0x4d: {  	_ =	shalt  }

</sc_bundles>
